<compile_context>
chip_gen: v7x
topology: tpu7x:2x2x1
jax: 0.10.2.dev20260603
libtpu: 0.0.44.dev20260713+nightly
codegen_flags: <defaults>
</compile_context>

<pallas_src>
import functools

import jax
import jax.numpy as jnp
from jax import lax
from jax.experimental import pallas as pl
from jax.experimental.pallas import tpu as pltpu
from jax.experimental.pallas import tpu_sc as plsc

N = 10000
NROW = 10112
FL = NROW // 8
NDEG = 12288
D = 16
DF = 128
NCLS = 40
E = 320000
NBLK = 80
EPW = NBLK * 128
EPAD = 32 * EPW
ROWS_PT = NROW // 16
FL_PT = FL // 16
WIN = NDEG // 32

_mesh = plsc.VectorSubcoreMesh(core_axis_name="c", subcore_axis_name="s")


@functools.partial(
    pl.kernel,
    mesh=_mesh,
    compiler_params=pltpu.CompilerParams(
        needs_layout_passes=False, use_tc_tiling_on_sc=False
    ),
    out_type=jax.ShapeDtypeStruct((NDEG * 16,), jnp.float32),
    scratch_types=[
        pltpu.VMEM((NBLK, 128), jnp.int32),
        pltpu.VMEM((NDEG,), jnp.float32),
        pltpu.VMEM_SHARED((16, NDEG), jnp.float32),
        pltpu.VMEM((16, WIN), jnp.float32),
        pltpu.VMEM((WIN * 16,), jnp.float32),
    ],
)
def _deg_dis(eIp, zdeg, dis_out, dvec, hist, allhist, red, outv):
    c = lax.axis_index("c")
    s = lax.axis_index("s")
    pltpu.sync_copy(zdeg, hist)
    ones = jnp.full((16,), 1.0, dtype=jnp.float32)
    for half in range(2):
        pltpu.sync_copy(eIp.at[1, 2 * s + half], dvec)

        def hloop(j, carry):
            for k in range(8):
                idx16 = dvec[j, pl.ds(k * 16, 16)]
                plsc.addupdate_scatter(hist, [idx16], ones)
            return carry

        lax.fori_loop(0, NBLK, hloop, 0)
    pltpu.sync_copy(hist, allhist.at[s])
    plsc.subcore_barrier()
    w = c * 16 + s

    def rloop(k, carry):
        v = red[0, pl.ds(k * 16, 16)]
        for t in range(1, 16):
            v = v + red[t, pl.ds(k * 16, 16)]
        d = v + 1.0
        i = plsc.bitcast(d, jnp.int32)
        i = 0x5F3759DF - lax.shift_right_logical(i, 1)
        y = plsc.bitcast(i, jnp.float32)
        for _ in range(3):
            y = y * (1.5 - 0.5 * d * y * y)
        for i16 in range(16):
            outv[pl.ds((k * 16 + i16) * 16, 16)] = jnp.broadcast_to(
                y[i16], (16,)
            )
        return carry

    pltpu.sync_copy(allhist.at[:, pl.ds(w * WIN, WIN)], red)
    lax.fori_loop(0, WIN // 16, rloop, 0)
    pltpu.sync_copy(outv, dis_out.at[pl.ds(w * WIN * 16, WIN * 16)])


@functools.partial(
    pl.kernel,
    mesh=_mesh,
    compiler_params=pltpu.CompilerParams(use_tc_tiling_on_sc=False),
    out_type=jax.ShapeDtypeStruct((2, NROW, D), jnp.float32),
    scratch_types=[
        pltpu.VMEM((NBLK, 128), jnp.int32),
        pltpu.VMEM((NBLK, 128), jnp.int32),
        pltpu.VMEM((8, 128, D), jnp.float32),
        pltpu.VMEM((FL_PT, 128), jnp.float32),
        pltpu.VMEM((FL_PT, 128), jnp.float32),
        pltpu.VMEM((ROWS_PT, D), jnp.float32),
        pltpu.VMEM_SHARED((NROW, D), jnp.float32),
        pltpu.VMEM_SHARED((NROW, D), jnp.float32),
        [pltpu.SemaphoreType.DMA] * 8,
        [pltpu.SemaphoreType.DMA] * 8,
    ],
)
def _prop(eIp, hf, d16, zrows, out, sidx, didx, rows, hbuf, dbuf, sbuf,
          acc, gs, gsem, ssem):
    c = lax.axis_index("c")
    s = lax.axis_index("s")
    wid = s * 2 + c
    pltpu.sync_copy(zrows, acc.at[pl.ds(s * ROWS_PT, ROWS_PT)])
    pltpu.sync_copy(hf.at[pl.ds(s * FL_PT, FL_PT)], hbuf)
    pltpu.sync_copy(d16.at[pl.ds(s * FL_PT, FL_PT)], dbuf)

    def scale(j, carry):
        for k in range(8):
            sbuf[j * 8 + k, :] = (
                hbuf[j, pl.ds(k * 16, 16)] * dbuf[j, pl.ds(k * 16, 16)]
            )
        return carry

    lax.fori_loop(0, FL_PT, scale, 0)
    pltpu.sync_copy(sbuf, gs.at[pl.ds(s * ROWS_PT, ROWS_PT)])
    pltpu.sync_copy(eIp.at[0, wid], sidx)
    pltpu.sync_copy(eIp.at[1, wid], didx)
    plsc.subcore_barrier()
    for b in range(4):
        pltpu.async_copy(gs.at[sidx.at[b]], rows.at[b], gsem[b])

    def octet(it, carry):
        i = it * 8
        for b in range(8):
            j = i + b
            pltpu.make_async_copy(gs.at[sidx.at[j]], rows.at[b], gsem[b]).wait()
            pltpu.async_copy(rows.at[b], acc.at[didx.at[j]], ssem[b], add=True)
            j4 = j + 4
            b4 = (b + 4) % 8

            @pl.when(j4 < NBLK)
            def _ahead():
                @pl.when(j4 >= 8)
                def _drain():
                    pltpu.make_async_copy(
                        rows.at[b4], acc.at[didx.at[j4 - 8]], ssem[b4]
                    ).wait()

                pltpu.async_copy(gs.at[sidx.at[j4]], rows.at[b4], gsem[b4])

        return carry

    lax.fori_loop(0, NBLK // 8, octet, 0)
    for b in range(8):
        pltpu.make_async_copy(
            rows.at[b], acc.at[didx.at[NBLK - 8 + b]], ssem[b]
        ).wait()
    plsc.subcore_barrier()
    pltpu.sync_copy(
        acc.at[pl.ds(s * ROWS_PT, ROWS_PT)],
        out.at[c, pl.ds(s * ROWS_PT, ROWS_PT)],
    )


def _mm1_body(x_ref, w_ref, o_ref):
    h = jnp.dot(x_ref[...], w_ref[...], preferred_element_type=jnp.float32)
    o_ref[pl.ds(0, N), :] = h


def _mid_body(p_ref, h_ref, d_ref, b_ref, o_ref):
    d16 = d_ref[...]
    su = d16 * (p_ref[0] + p_ref[1] + d16 * h_ref[...])
    o_ref[...] = jnp.maximum(su + b_ref[...], 0.0)


def _final_body(p_ref, h_ref, d_ref, w_ref, b_ref, o_ref):
    d16 = d_ref[...]
    ah = d16 * (p_ref[0] + p_ref[1] + d16 * h_ref[...])
    o_ref[...] = (
        jnp.dot(ah, w_ref[...], preferred_element_type=jnp.float32)
        + b_ref[...]
    )


_mm1 = pl.pallas_call(
    _mm1_body, out_shape=jax.ShapeDtypeStruct((NROW, D), jnp.float32)
)
_mid = pl.pallas_call(
    _mid_body, out_shape=jax.ShapeDtypeStruct((FL, 128), jnp.float32)
)
_final = pl.pallas_call(
    _final_body, out_shape=jax.ShapeDtypeStruct((FL, 8 * NCLS), jnp.float32)
)


def kernel(x, edge_index, W1, b1, W2, b2):
    npad = EPAD - E
    padblk = jnp.stack(
        [
            jnp.zeros((npad,), jnp.int32),
            N + (jnp.arange(npad, dtype=jnp.int32) % 16),
        ]
    )
    eIp = jnp.concatenate(
        [edge_index.astype(jnp.int32), padblk], axis=1
    ).reshape(2, 32, NBLK, 128)
    zdeg = jnp.zeros((NDEG,), jnp.float32)
    zrows = jnp.zeros((ROWS_PT, D), jnp.float32)
    b1f = jnp.tile(b1, 8).reshape(1, 128)
    w2b = jax.scipy.linalg.block_diag(*([W2] * 8))
    b2t = jnp.tile(b2, 8).reshape(1, 8 * NCLS)

    dis16 = _deg_dis(eIp, zdeg)[: NROW * 16].reshape(FL, 128)
    h1 = _mm1(x, W1).reshape(FL, 128)
    p1 = _prop(eIp, h1, dis16, zrows).reshape(2, FL, 128)
    h2 = _mid(p1, h1, dis16, b1f)
    p2 = _prop(eIp, h2, dis16, zrows).reshape(2, FL, 128)
    out = _final(p2, h2, dis16, w2b, b2t)
    return out.reshape(NROW, NCLS)[:N]

# --- scband reference (transcript-rebuilt; emitter-appended) ---
"""Pipeline reference for scband-gnn-52295521796842 (READ-ONLY COPY).

The authoritative reference and input builder live on the scoring server;
editing this copy changes nothing except your own understanding.
"""

import jax, jax.numpy as jnp
import numpy as np

N_NODES = 10000
N_EDGES = 320000
D_FEAT = 128
D_HID = 16
N_CLASS = 40


def gcn_conv(x, edge_index, W, b, n_nodes):
    # linear transform first (smaller message dim when out < in)
    h = x @ W
    src = edge_index[0]
    dst = edge_index[1]
    # add self loops
    loop = jnp.arange(n_nodes, dtype=src.dtype)
    src = jnp.concatenate([src, loop])
    dst = jnp.concatenate([dst, loop])
    # symmetric normalization: D^{-1/2} A_hat D^{-1/2}
    deg = jnp.zeros((n_nodes,), dtype=h.dtype).at[dst].add(1.0)
    deg_inv_sqrt = jnp.where(deg > 0, jax.lax.rsqrt(deg), 0.0)
    norm = deg_inv_sqrt[src] * deg_inv_sqrt[dst]
    # gather + weighted message + scatter-add
    msg = h[src] * norm[:, None]
    out = jax.ops.segment_sum(msg, dst, num_segments=n_nodes)
    return out + b


def setup_inputs(seed: int = 0) -> dict:
    key = jax.random.key(seed)
    k1, k2, k3, k4, k5 = jax.random.split(key, 5)
    x = jax.random.normal(k1, (N_NODES, D_FEAT), dtype=jnp.float32)
    edge_index = jax.random.randint(k2, (2, N_EDGES), 0, N_NODES, dtype=jnp.int64)
    W1 = jax.random.normal(k3, (D_FEAT, D_HID), dtype=jnp.float32) * (1.0 / np.sqrt(D_FEAT))
    b1 = jnp.zeros((D_HID,), dtype=jnp.float32)
    W2 = jax.random.normal(k4, (D_HID, N_CLASS), dtype=jnp.float32) * (1.0 / np.sqrt(D_HID))
    b2 = jnp.zeros((N_CLASS,), dtype=jnp.float32)
    return {"x": x, "edge_index": edge_index, "W1": W1, "b1": b1, "W2": W2, "b2": b2}


def reference(x, edge_index, W1, b1, W2, b2):
    n = x.shape[0]
    h = gcn_conv(x, edge_index, W1, b1, n)
    h = jax.nn.relu(h)
    # dropout(p=0.5) is identity in eval / deterministic mode
    out = gcn_conv(h, edge_index, W2, b2, n)
    return out

if __name__ == "__main__":
    import jax
    _d = setup_inputs()
    print(jax.jit(kernel)(*tuple(_d.values())))

</pallas_src>

<mosaic_0001>
#map = affine_map<(d0, d1) -> (0, 0, 0, 0)>
#map1 = affine_map<(d0, d1) -> (0, 0)>
#map2 = affine_map<(d0, d1) -> (0, 0, 0)>
module attributes {stable_mosaic.version = 14 : i64} {
  func.func @_prop(%arg0: i32, %arg1: i32, %arg2: memref<2x32x80x128xi32, #tpu.memory_space<hbm>>, %arg3: memref<1264x128xf32, #tpu.memory_space<hbm>>, %arg4: memref<1264x128xf32, #tpu.memory_space<hbm>>, %arg5: memref<632x16xf32, #tpu.memory_space<hbm>>, %arg6: memref<2x10112x16xf32, #tpu.memory_space<hbm>>, %arg7: memref<80x128xi32, #tpu.memory_space<vmem>>, %arg8: memref<80x128xi32, #tpu.memory_space<vmem>>, %arg9: memref<8x128x16xf32, #tpu.memory_space<vmem>>, %arg10: memref<79x128xf32, #tpu.memory_space<vmem>>, %arg11: memref<79x128xf32, #tpu.memory_space<vmem>>, %arg12: memref<632x16xf32, #tpu.memory_space<vmem>>, %arg13: memref<10112x16xf32, #tpu.memory_space<vmem_shared>>, %arg14: memref<10112x16xf32, #tpu.memory_space<vmem_shared>>, %arg15: memref<!tpu.dma_semaphore, #tpu.memory_space<semaphore_mem>>, %arg16: memref<!tpu.dma_semaphore, #tpu.memory_space<semaphore_mem>>, %arg17: memref<!tpu.dma_semaphore, #tpu.memory_space<semaphore_mem>>, %arg18: memref<!tpu.dma_semaphore, #tpu.memory_space<semaphore_mem>>, %arg19: memref<!tpu.dma_semaphore, #tpu.memory_space<semaphore_mem>>, %arg20: memref<!tpu.dma_semaphore, #tpu.memory_space<semaphore_mem>>, %arg21: memref<!tpu.dma_semaphore, #tpu.memory_space<semaphore_mem>>, %arg22: memref<!tpu.dma_semaphore, #tpu.memory_space<semaphore_mem>>, %arg23: memref<!tpu.dma_semaphore, #tpu.memory_space<semaphore_mem>>, %arg24: memref<!tpu.dma_semaphore, #tpu.memory_space<semaphore_mem>>, %arg25: memref<!tpu.dma_semaphore, #tpu.memory_space<semaphore_mem>>, %arg26: memref<!tpu.dma_semaphore, #tpu.memory_space<semaphore_mem>>, %arg27: memref<!tpu.dma_semaphore, #tpu.memory_space<semaphore_mem>>, %arg28: memref<!tpu.dma_semaphore, #tpu.memory_space<semaphore_mem>>, %arg29: memref<!tpu.dma_semaphore, #tpu.memory_space<semaphore_mem>>, %arg30: memref<!tpu.dma_semaphore, #tpu.memory_space<semaphore_mem>>) attributes {dimension_semantics = [#tpu.dimension_semantics<core_parallel>, #tpu.dimension_semantics<subcore_parallel>], iteration_bounds = array<i64: 2, 16>, scalar_prefetch = 0 : i64, scratch_operands = 24 : i64, tpu.core_type = #tpu.core_type<sc_vector_subcore>, window_params = [{transform_indices = #map}, {transform_indices = #map1}, {transform_indices = #map1}, {transform_indices = #map1}, {transform_indices = #map2}]} {
    %mul3A = arith.constant 2 : i32
    %mul3A_0 = arith.muli %arg1, %mul3A : i32
    %add3A = arith.addi %mul3A_0, %arg0 : i32
    %mul3A_1 = arith.constant 632 : i32
    %mul3A_2 = arith.muli %arg1, %mul3A_1 : i32
    "tpu.region"() ({
      %run_scoped3A_168 = tpu.sem_alloc : memref<!tpu.dma_semaphore, #tpu.memory_space<semaphore_mem>>
      %dma_start3A_169 = arith.constant 0 : i32
      %dma_start3A_170 = tpu.memref_slice %arg13[%mul3A_2, %dma_start3A_169] : memref<10112x16xf32, #tpu.memory_space<vmem_shared>> -> memref<632x16xf32, #tpu.memory_space<vmem_shared>>
      tpu.enqueue_dma source(%arg5 : memref<632x16xf32, #tpu.memory_space<hbm>>) target(%dma_start3A_170 : memref<632x16xf32, #tpu.memory_space<vmem_shared>>) target_semaphore(%run_scoped3A_168 : memref<!tpu.dma_semaphore, #tpu.memory_space<semaphore_mem>>)
      %dma_wait3A_171 = arith.constant 0 : i32
      %dma_wait3A_172 = tpu.memref_slice %arg13[%mul3A_2, %dma_wait3A_171] : memref<10112x16xf32, #tpu.memory_space<vmem_shared>> -> memref<632x16xf32, #tpu.memory_space<vmem_shared>>
      tpu.wait_dma2 semaphore(%run_scoped3A_168 : memref<!tpu.dma_semaphore, #tpu.memory_space<semaphore_mem>>) src(%arg5 : memref<632x16xf32, #tpu.memory_space<hbm>>) dst(%dma_wait3A_172 : memref<632x16xf32, #tpu.memory_space<vmem_shared>>)
      tpu.yield
    }) : () -> ()
    %mul3A_3 = arith.constant 79 : i32
    %mul3A_4 = arith.muli %arg1, %mul3A_3 : i32
    "tpu.region"() ({
      %run_scoped3A_168 = tpu.sem_alloc : memref<!tpu.dma_semaphore, #tpu.memory_space<semaphore_mem>>
      %dma_start3A_169 = arith.constant 0 : i32
      %dma_start3A_170 = tpu.memref_slice %arg3[%mul3A_4, %dma_start3A_169] : memref<1264x128xf32, #tpu.memory_space<hbm>> -> memref<79x128xf32, #tpu.memory_space<hbm>>
      %dma_start3A_171 = arith.constant 0 : i32
      %dma_start3A_172 = tpu.memref_slice %arg3[%mul3A_4, %dma_start3A_171] : memref<1264x128xf32, #tpu.memory_space<hbm>> -> memref<79x128xf32, #tpu.memory_space<hbm>>
      tpu.enqueue_dma source(%dma_start3A_172 : memref<79x128xf32, #tpu.memory_space<hbm>>) target(%arg10 : memref<79x128xf32, #tpu.memory_space<vmem>>) target_semaphore(%run_scoped3A_168 : memref<!tpu.dma_semaphore, #tpu.memory_space<semaphore_mem>>)
      %dma_wait3A_173 = arith.constant 0 : i32
      %dma_wait3A_174 = tpu.memref_slice %arg3[%mul3A_4, %dma_wait3A_173] : memref<1264x128xf32, #tpu.memory_space<hbm>> -> memref<79x128xf32, #tpu.memory_space<hbm>>
      %dma_wait3A_175 = arith.constant 0 : i32
      %dma_wait3A_176 = tpu.memref_slice %arg3[%mul3A_4, %dma_wait3A_175] : memref<1264x128xf32, #tpu.memory_space<hbm>> -> memref<79x128xf32, #tpu.memory_space<hbm>>
      tpu.wait_dma2 semaphore(%run_scoped3A_168 : memref<!tpu.dma_semaphore, #tpu.memory_space<semaphore_mem>>) src(%dma_wait3A_176 : memref<79x128xf32, #tpu.memory_space<hbm>>) dst(%arg10 : memref<79x128xf32, #tpu.memory_space<vmem>>)
      tpu.yield
    }) : () -> ()
    %mul3A_5 = arith.constant 79 : i32
    %mul3A_6 = arith.muli %arg1, %mul3A_5 : i32
    "tpu.region"() ({
      %run_scoped3A_168 = tpu.sem_alloc : memref<!tpu.dma_semaphore, #tpu.memory_space<semaphore_mem>>
      %dma_start3A_169 = arith.constant 0 : i32
      %dma_start3A_170 = tpu.memref_slice %arg4[%mul3A_6, %dma_start3A_169] : memref<1264x128xf32, #tpu.memory_space<hbm>> -> memref<79x128xf32, #tpu.memory_space<hbm>>
      %dma_start3A_171 = arith.constant 0 : i32
      %dma_start3A_172 = tpu.memref_slice %arg4[%mul3A_6, %dma_start3A_171] : memref<1264x128xf32, #tpu.memory_space<hbm>> -> memref<79x128xf32, #tpu.memory_space<hbm>>
      tpu.enqueue_dma source(%dma_start3A_172 : memref<79x128xf32, #tpu.memory_space<hbm>>) target(%arg11 : memref<79x128xf32, #tpu.memory_space<vmem>>) target_semaphore(%run_scoped3A_168 : memref<!tpu.dma_semaphore, #tpu.memory_space<semaphore_mem>>)
      %dma_wait3A_173 = arith.constant 0 : i32
      %dma_wait3A_174 = tpu.memref_slice %arg4[%mul3A_6, %dma_wait3A_173] : memref<1264x128xf32, #tpu.memory_space<hbm>> -> memref<79x128xf32, #tpu.memory_space<hbm>>
      %dma_wait3A_175 = arith.constant 0 : i32
      %dma_wait3A_176 = tpu.memref_slice %arg4[%mul3A_6, %dma_wait3A_175] : memref<1264x128xf32, #tpu.memory_space<hbm>> -> memref<79x128xf32, #tpu.memory_space<hbm>>
      tpu.wait_dma2 semaphore(%run_scoped3A_168 : memref<!tpu.dma_semaphore, #tpu.memory_space<semaphore_mem>>) src(%dma_wait3A_176 : memref<79x128xf32, #tpu.memory_space<hbm>>) dst(%arg11 : memref<79x128xf32, #tpu.memory_space<vmem>>)
      tpu.yield
    }) : () -> ()
    %scan3A = arith.constant 0 : i32
    %scan3A_7 = arith.constant 0 : i32
    %scan3A_8 = arith.constant 79 : i32
    %scan3A_9 = arith.addi %scan3A_7, %scan3A_8 : i32
    %scan3A_10 = arith.constant 1 : i32
    scf.for %scan3A_168 = %scan3A_7 to %scan3A_9 step %scan3A_10  : i32 {
      %get3A = arith.index_cast %scan3A_168 : i32 to index
      %get3A_169 = arith.constant 0 : index
      %get3A_170 = tpu.vector_load %arg10[%get3A, %get3A_169] {strides = array<i32>} : memref<79x128xf32, #tpu.memory_space<vmem>>, vector<1x16xf32>,
      %get3A_171 = vector.shape_cast %get3A_170 : vector<1x16xf32> to vector<16xf32>
      %get3A_172 = arith.index_cast %scan3A_168 : i32 to index
      %get3A_173 = arith.constant 0 : index
      %get3A_174 = tpu.vector_load %arg11[%get3A_172, %get3A_173] {strides = array<i32>} : memref<79x128xf32, #tpu.memory_space<vmem>>, vector<1x16xf32>,
      %get3A_175 = vector.shape_cast %get3A_174 : vector<1x16xf32> to vector<16xf32>
      %mul3A_176 = arith.mulf %get3A_171, %get3A_175 : vector<16xf32>
      %mul3A_177 = arith.constant 8 : i32
      %mul3A_178 = arith.muli %scan3A_168, %mul3A_177 : i32
      %add3A_179 = arith.constant 0 : i32
      %add3A_180 = arith.addi %mul3A_178, %add3A_179 : i32
      %swap3A = arith.index_cast %add3A_180 : i32 to index
      %swap3A_181 = arith.constant 0 : index
      %swap3A_182 = tpu.vector_load %arg12[%swap3A, %swap3A_181] {strides = array<i32>} : memref<632x16xf32, #tpu.memory_space<vmem>>, vector<1x16xf32>,
      %swap3A_183 = vector.shape_cast %swap3A_182 : vector<1x16xf32> to vector<16xf32>
      %swap3A_184 = vector.shape_cast %mul3A_176 : vector<16xf32> to vector<1x16xf32>
      tpu.vector_store %arg12[%swap3A, %swap3A_181], %swap3A_184 {strides = array<i32>} : memref<632x16xf32, #tpu.memory_space<vmem>>, vector<1x16xf32>,
      %get3A_185 = arith.index_cast %scan3A_168 : i32 to index
      %get3A_186 = arith.constant 16 : index
      %get3A_187 = tpu.vector_load %arg10[%get3A_185, %get3A_186] {strides = array<i32>} : memref<79x128xf32, #tpu.memory_space<vmem>>, vector<1x16xf32>,
      %get3A_188 = vector.shape_cast %get3A_187 : vector<1x16xf32> to vector<16xf32>
      %get3A_189 = arith.index_cast %scan3A_168 : i32 to index
      %get3A_190 = arith.constant 16 : index
      %get3A_191 = tpu.vector_load %arg11[%get3A_189, %get3A_190] {strides = array<i32>} : memref<79x128xf32, #tpu.memory_space<vmem>>, vector<1x16xf32>,
      %get3A_192 = vector.shape_cast %get3A_191 : vector<1x16xf32> to vector<16xf32>
      %mul3A_193 = arith.mulf %get3A_188, %get3A_192 : vector<16xf32>
      %mul3A_194 = arith.constant 8 : i32
      %mul3A_195 = arith.muli %scan3A_168, %mul3A_194 : i32
      %add3A_196 = arith.constant 1 : i32
      %add3A_197 = arith.addi %mul3A_195, %add3A_196 : i32
      %swap3A_198 = arith.index_cast %add3A_197 : i32 to index
      %swap3A_199 = arith.constant 0 : index
      %swap3A_200 = tpu.vector_load %arg12[%swap3A_198, %swap3A_199] {strides = array<i32>} : memref<632x16xf32, #tpu.memory_space<vmem>>, vector<1x16xf32>,
      %swap3A_201 = vector.shape_cast %swap3A_200 : vector<1x16xf32> to vector<16xf32>
      %swap3A_202 = vector.shape_cast %mul3A_193 : vector<16xf32> to vector<1x16xf32>
      tpu.vector_store %arg12[%swap3A_198, %swap3A_199], %swap3A_202 {strides = array<i32>} : memref<632x16xf32, #tpu.memory_space<vmem>>, vector<1x16xf32>,
      %get3A_203 = arith.index_cast %scan3A_168 : i32 to index
      %get3A_204 = arith.constant 32 : index
      %get3A_205 = tpu.vector_load %arg10[%get3A_203, %get3A_204] {strides = array<i32>} : memref<79x128xf32, #tpu.memory_space<vmem>>, vector<1x16xf32>,
      %get3A_206 = vector.shape_cast %get3A_205 : vector<1x16xf32> to vector<16xf32>
      %get3A_207 = arith.index_cast %scan3A_168 : i32 to index
      %get3A_208 = arith.constant 32 : index
      %get3A_209 = tpu.vector_load %arg11[%get3A_207, %get3A_208] {strides = array<i32>} : memref<79x128xf32, #tpu.memory_space<vmem>>, vector<1x16xf32>,
      %get3A_210 = vector.shape_cast %get3A_209 : vector<1x16xf32> to vector<16xf32>
      %mul3A_211 = arith.mulf %get3A_206, %get3A_210 : vector<16xf32>
      %mul3A_212 = arith.constant 8 : i32
      %mul3A_213 = arith.muli %scan3A_168, %mul3A_212 : i32
      %add3A_214 = arith.constant 2 : i32
      %add3A_215 = arith.addi %mul3A_213, %add3A_214 : i32
      %swap3A_216 = arith.index_cast %add3A_215 : i32 to index
      %swap3A_217 = arith.constant 0 : index
      %swap3A_218 = tpu.vector_load %arg12[%swap3A_216, %swap3A_217] {strides = array<i32>} : memref<632x16xf32, #tpu.memory_space<vmem>>, vector<1x16xf32>,
      %swap3A_219 = vector.shape_cast %swap3A_218 : vector<1x16xf32> to vector<16xf32>
      %swap3A_220 = vector.shape_cast %mul3A_211 : vector<16xf32> to vector<1x16xf32>
      tpu.vector_store %arg12[%swap3A_216, %swap3A_217], %swap3A_220 {strides = array<i32>} : memref<632x16xf32, #tpu.memory_space<vmem>>, vector<1x16xf32>,
      %get3A_221 = arith.index_cast %scan3A_168 : i32 to index
      %get3A_222 = arith.constant 48 : index
      %get3A_223 = tpu.vector_load %arg10[%get3A_221, %get3A_222] {strides = array<i32>} : memref<79x128xf32, #tpu.memory_space<vmem>>, vector<1x16xf32>,
      %get3A_224 = vector.shape_cast %get3A_223 : vector<1x16xf32> to vector<16xf32>
      %get3A_225 = arith.index_cast %scan3A_168 : i32 to index
      %get3A_226 = arith.constant 48 : index
      %get3A_227 = tpu.vector_load %arg11[%get3A_225, %get3A_226] {strides = array<i32>} : memref<79x128xf32, #tpu.memory_space<vmem>>, vector<1x16xf32>,
      %get3A_228 = vector.shape_cast %get3A_227 : vector<1x16xf32> to vector<16xf32>
      %mul3A_229 = arith.mulf %get3A_224, %get3A_228 : vector<16xf32>
      %mul3A_230 = arith.constant 8 : i32
      %mul3A_231 = arith.muli %scan3A_168, %mul3A_230 : i32
      %add3A_232 = arith.constant 3 : i32
      %add3A_233 = arith.addi %mul3A_231, %add3A_232 : i32
      %swap3A_234 = arith.index_cast %add3A_233 : i32 to index
      %swap3A_235 = arith.constant 0 : index
      %swap3A_236 = tpu.vector_load %arg12[%swap3A_234, %swap3A_235] {strides = array<i32>} : memref<632x16xf32, #tpu.memory_space<vmem>>, vector<1x16xf32>,
      %swap3A_237 = vector.shape_cast %swap3A_236 : vector<1x16xf32> to vector<16xf32>
      %swap3A_238 = vector.shape_cast %mul3A_229 : vector<16xf32> to vector<1x16xf32>
      tpu.vector_store %arg12[%swap3A_234, %swap3A_235], %swap3A_238 {strides = array<i32>} : memref<632x16xf32, #tpu.memory_space<vmem>>, vector<1x16xf32>,
      %get3A_239 = arith.index_cast %scan3A_168 : i32 to index
      %get3A_240 = arith.constant 64 : index
      %get3A_241 = tpu.vector_load %arg10[%get3A_239, %get3A_240] {strides = array<i32>} : memref<79x128xf32, #tpu.memory_space<vmem>>, vector<1x16xf32>,
      %get3A_242 = vector.shape_cast %get3A_241 : vector<1x16xf32> to vector<16xf32>
      %get3A_243 = arith.index_cast %scan3A_168 : i32 to index
      %get3A_244 = arith.constant 64 : index
      %get3A_245 = tpu.vector_load %arg11[%get3A_243, %get3A_244] {strides = array<i32>} : memref<79x128xf32, #tpu.memory_space<vmem>>, vector<1x16xf32>,
      %get3A_246 = vector.shape_cast %get3A_245 : vector<1x16xf32> to vector<16xf32>
      %mul3A_247 = arith.mulf %get3A_242, %get3A_246 : vector<16xf32>
      %mul3A_248 = arith.constant 8 : i32
      %mul3A_249 = arith.muli %scan3A_168, %mul3A_248 : i32
      %add3A_250 = arith.constant 4 : i32
      %add3A_251 = arith.addi %mul3A_249, %add3A_250 : i32
      %swap3A_252 = arith.index_cast %add3A_251 : i32 to index
      %swap3A_253 = arith.constant 0 : index
      %swap3A_254 = tpu.vector_load %arg12[%swap3A_252, %swap3A_253] {strides = array<i32>} : memref<632x16xf32, #tpu.memory_space<vmem>>, vector<1x16xf32>,
      %swap3A_255 = vector.shape_cast %swap3A_254 : vector<1x16xf32> to vector<16xf32>
      %swap3A_256 = vector.shape_cast %mul3A_247 : vector<16xf32> to vector<1x16xf32>
      tpu.vector_store %arg12[%swap3A_252, %swap3A_253], %swap3A_256 {strides = array<i32>} : memref<632x16xf32, #tpu.memory_space<vmem>>, vector<1x16xf32>,
      %get3A_257 = arith.index_cast %scan3A_168 : i32 to index
      %get3A_258 = arith.constant 80 : index
      %get3A_259 = tpu.vector_load %arg10[%get3A_257, %get3A_258] {strides = array<i32>} : memref<79x128xf32, #tpu.memory_space<vmem>>, vector<1x16xf32>,
      %get3A_260 = vector.shape_cast %get3A_259 : vector<1x16xf32> to vector<16xf32>
      %get3A_261 = arith.index_cast %scan3A_168 : i32 to index
      %get3A_262 = arith.constant 80 : index
      %get3A_263 = tpu.vector_load %arg11[%get3A_261, %get3A_262] {strides = array<i32>} : memref<79x128xf32, #tpu.memory_space<vmem>>, vector<1x16xf32>,
      %get3A_264 = vector.shape_cast %get3A_263 : vector<1x16xf32> to vector<16xf32>
      %mul3A_265 = arith.mulf %get3A_260, %get3A_264 : vector<16xf32>
      %mul3A_266 = arith.constant 8 : i32
      %mul3A_267 = arith.muli %scan3A_168, %mul3A_266 : i32
      %add3A_268 = arith.constant 5 : i32
      %add3A_269 = arith.addi %mul3A_267, %add3A_268 : i32
      %swap3A_270 = arith.index_cast %add3A_269 : i32 to index
      %swap3A_271 = arith.constant 0 : index
      %swap3A_272 = tpu.vector_load %arg12[%swap3A_270, %swap3A_271] {strides = array<i32>} : memref<632x16xf32, #tpu.memory_space<vmem>>, vector<1x16xf32>,
      %swap3A_273 = vector.shape_cast %swap3A_272 : vector<1x16xf32> to vector<16xf32>
      %swap3A_274 = vector.shape_cast %mul3A_265 : vector<16xf32> to vector<1x16xf32>
      tpu.vector_store %arg12[%swap3A_270, %swap3A_271], %swap3A_274 {strides = array<i32>} : memref<632x16xf32, #tpu.memory_space<vmem>>, vector<1x16xf32>,
      %get3A_275 = arith.index_cast %scan3A_168 : i32 to index
      %get3A_276 = arith.constant 96 : index
      %get3A_277 = tpu.vector_load %arg10[%get3A_275, %get3A_276] {strides = array<i32>} : memref<79x128xf32, #tpu.memory_space<vmem>>, vector<1x16xf32>,
      %get3A_278 = vector.shape_cast %get3A_277 : vector<1x16xf32> to vector<16xf32>
      %get3A_279 = arith.index_cast %scan3A_168 : i32 to index
      %get3A_280 = arith.constant 96 : index
      %get3A_281 = tpu.vector_load %arg11[%get3A_279, %get3A_280] {strides = array<i32>} : memref<79x128xf32, #tpu.memory_space<vmem>>, vector<1x16xf32>,
      %get3A_282 = vector.shape_cast %get3A_281 : vector<1x16xf32> to vector<16xf32>
      %mul3A_283 = arith.mulf %get3A_278, %get3A_282 : vector<16xf32>
      %mul3A_284 = arith.constant 8 : i32
      %mul3A_285 = arith.muli %scan3A_168, %mul3A_284 : i32
      %add3A_286 = arith.constant 6 : i32
      %add3A_287 = arith.addi %mul3A_285, %add3A_286 : i32
      %swap3A_288 = arith.index_cast %add3A_287 : i32 to index
      %swap3A_289 = arith.constant 0 : index
      %swap3A_290 = tpu.vector_load %arg12[%swap3A_288, %swap3A_289] {strides = array<i32>} : memref<632x16xf32, #tpu.memory_space<vmem>>, vector<1x16xf32>,
      %swap3A_291 = vector.shape_cast %swap3A_290 : vector<1x16xf32> to vector<16xf32>
      %swap3A_292 = vector.shape_cast %mul3A_283 : vector<16xf32> to vector<1x16xf32>
      tpu.vector_store %arg12[%swap3A_288, %swap3A_289], %swap3A_292 {strides = array<i32>} : memref<632x16xf32, #tpu.memory_space<vmem>>, vector<1x16xf32>,
      %get3A_293 = arith.index_cast %scan3A_168 : i32 to index
      %get3A_294 = arith.constant 112 : index
      %get3A_295 = tpu.vector_load %arg10[%get3A_293, %get3A_294] {strides = array<i32>} : memref<79x128xf32, #tpu.memory_space<vmem>>, vector<1x16xf32>,
      %get3A_296 = vector.shape_cast %get3A_295 : vector<1x16xf32> to vector<16xf32>
      %get3A_297 = arith.index_cast %scan3A_168 : i32 to index
      %get3A_298 = arith.constant 112 : index
      %get3A_299 = tpu.vector_load %arg11[%get3A_297, %get3A_298] {strides = array<i32>} : memref<79x128xf32, #tpu.memory_space<vmem>>, vector<1x16xf32>,
      %get3A_300 = vector.shape_cast %get3A_299 : vector<1x16xf32> to vector<16xf32>
      %mul3A_301 = arith.mulf %get3A_296, %get3A_300 : vector<16xf32>
      %mul3A_302 = arith.constant 8 : i32
      %mul3A_303 = arith.muli %scan3A_168, %mul3A_302 : i32
      %add3A_304 = arith.constant 7 : i32
      %add3A_305 = arith.addi %mul3A_303, %add3A_304 : i32
      %swap3A_306 = arith.index_cast %add3A_305 : i32 to index
      %swap3A_307 = arith.constant 0 : index
      %swap3A_308 = tpu.vector_load %arg12[%swap3A_306, %swap3A_307] {strides = array<i32>} : memref<632x16xf32, #tpu.memory_space<vmem>>, vector<1x16xf32>,
      %swap3A_309 = vector.shape_cast %swap3A_308 : vector<1x16xf32> to vector<16xf32>
      %swap3A_310 = vector.shape_cast %mul3A_301 : vector<16xf32> to vector<1x16xf32>
      tpu.vector_store %arg12[%swap3A_306, %swap3A_307], %swap3A_310 {strides = array<i32>} : memref<632x16xf32, #tpu.memory_space<vmem>>, vector<1x16xf32>,
    }
    %scan3A_11 = arith.constant 79 : i32
    %mul3A_12 = arith.constant 632 : i32
    %mul3A_13 = arith.muli %arg1, %mul3A_12 : i32
    "tpu.region"() ({
      %run_scoped3A_168 = tpu.sem_alloc : memref<!tpu.dma_semaphore, #tpu.memory_space<semaphore_mem>>
      %dma_start3A_169 = arith.constant 0 : i32
      %dma_start3A_170 = tpu.memref_slice %arg14[%mul3A_13, %dma_start3A_169] : memref<10112x16xf32, #tpu.memory_space<vmem_shared>> -> memref<632x16xf32, #tpu.memory_space<vmem_shared>>
      %dma_start3A_171 = arith.constant 0 : i32
      %dma_start3A_172 = tpu.memref_slice %arg14[%mul3A_13, %dma_start3A_171] : memref<10112x16xf32, #tpu.memory_space<vmem_shared>> -> memref<632x16xf32, #tpu.memory_space<vmem_shared>>
      tpu.enqueue_dma source(%arg12 : memref<632x16xf32, #tpu.memory_space<vmem>>) target(%dma_start3A_172 : memref<632x16xf32, #tpu.memory_space<vmem_shared>>) target_semaphore(%run_scoped3A_168 : memref<!tpu.dma_semaphore, #tpu.memory_space<semaphore_mem>>)
      %dma_wait3A_173 = arith.constant 0 : i32
      %dma_wait3A_174 = tpu.memref_slice %arg14[%mul3A_13, %dma_wait3A_173] : memref<10112x16xf32, #tpu.memory_space<vmem_shared>> -> memref<632x16xf32, #tpu.memory_space<vmem_shared>>
      %dma_wait3A_175 = arith.constant 0 : i32
      %dma_wait3A_176 = tpu.memref_slice %arg14[%mul3A_13, %dma_wait3A_175] : memref<10112x16xf32, #tpu.memory_space<vmem_shared>> -> memref<632x16xf32, #tpu.memory_space<vmem_shared>>
      tpu.wait_dma2 semaphore(%run_scoped3A_168 : memref<!tpu.dma_semaphore, #tpu.memory_space<semaphore_mem>>) src(%arg12 : memref<632x16xf32, #tpu.memory_space<vmem>>) dst(%dma_wait3A_176 : memref<632x16xf32, #tpu.memory_space<vmem_shared>>)
      tpu.yield
    }) : () -> ()
    %run_scoped3A = arith.constant 0 : i32
    "tpu.region"() ({
      %run_scoped3A_168 = tpu.sem_alloc : memref<!tpu.dma_semaphore, #tpu.memory_space<semaphore_mem>>
      %dma_start3A_169 = arith.constant 0 : i32
      %dma_start3A_170 = arith.constant 0 : i32
      %dma_start3A_171 = tpu.memref_slice %arg2[%run_scoped3A, %add3A, %dma_start3A_169, %dma_start3A_170] : memref<2x32x80x128xi32, #tpu.memory_space<hbm>> -> memref<1x1x80x128xi32, #tpu.memory_space<hbm>>
      %dma_start3A_172 = tpu.memref_squeeze %dma_start3A_171 : memref<1x1x80x128xi32, #tpu.memory_space<hbm>> -> memref<80x128xi32, #tpu.memory_space<hbm>>
      %dma_start3A_173 = arith.constant 0 : i32
      %dma_start3A_174 = arith.constant 0 : i32
      %dma_start3A_175 = tpu.memref_slice %arg2[%run_scoped3A, %add3A, %dma_start3A_173, %dma_start3A_174] : memref<2x32x80x128xi32, #tpu.memory_space<hbm>> -> memref<1x1x80x128xi32, #tpu.memory_space<hbm>>
      %dma_start3A_176 = tpu.memref_squeeze %dma_start3A_175 : memref<1x1x80x128xi32, #tpu.memory_space<hbm>> -> memref<80x128xi32, #tpu.memory_space<hbm>>
      tpu.enqueue_dma source(%dma_start3A_176 : memref<80x128xi32, #tpu.memory_space<hbm>>) target(%arg7 : memref<80x128xi32, #tpu.memory_space<vmem>>) target_semaphore(%run_scoped3A_168 : memref<!tpu.dma_semaphore, #tpu.memory_space<semaphore_mem>>)
      %dma_wait3A_177 = arith.constant 0 : i32
      %dma_wait3A_178 = arith.constant 0 : i32
      %dma_wait3A_179 = tpu.memref_slice %arg2[%run_scoped3A, %add3A, %dma_wait3A_177, %dma_wait3A_178] : memref<2x32x80x128xi32, #tpu.memory_space<hbm>> -> memref<1x1x80x128xi32, #tpu.memory_space<hbm>>
      %dma_wait3A_180 = tpu.memref_squeeze %dma_wait3A_179 : memref<1x1x80x128xi32, #tpu.memory_space<hbm>> -> memref<80x128xi32, #tpu.memory_space<hbm>>
      %dma_wait3A_181 = arith.constant 0 : i32
      %dma_wait3A_182 = arith.constant 0 : i32
      %dma_wait3A_183 = tpu.memref_slice %arg2[%run_scoped3A, %add3A, %dma_wait3A_181, %dma_wait3A_182] : memref<2x32x80x128xi32, #tpu.memory_space<hbm>> -> memref<1x1x80x128xi32, #tpu.memory_space<hbm>>
      %dma_wait3A_184 = tpu.memref_squeeze %dma_wait3A_183 : memref<1x1x80x128xi32, #tpu.memory_space<hbm>> -> memref<80x128xi32, #tpu.memory_space<hbm>>
      tpu.wait_dma2 semaphore(%run_scoped3A_168 : memref<!tpu.dma_semaphore, #tpu.memory_space<semaphore_mem>>) src(%dma_wait3A_184 : memref<80x128xi32, #tpu.memory_space<hbm>>) dst(%arg7 : memref<80x128xi32, #tpu.memory_space<vmem>>)
      tpu.yield
    }) : () -> ()
    %run_scoped3A_14 = arith.constant 1 : i32
    "tpu.region"() ({
      %run_scoped3A_168 = tpu.sem_alloc : memref<!tpu.dma_semaphore, #tpu.memory_space<semaphore_mem>>
      %dma_start3A_169 = arith.constant 0 : i32
      %dma_start3A_170 = arith.constant 0 : i32
      %dma_start3A_171 = tpu.memref_slice %arg2[%run_scoped3A_14, %add3A, %dma_start3A_169, %dma_start3A_170] : memref<2x32x80x128xi32, #tpu.memory_space<hbm>> -> memref<1x1x80x128xi32, #tpu.memory_space<hbm>>
      %dma_start3A_172 = tpu.memref_squeeze %dma_start3A_171 : memref<1x1x80x128xi32, #tpu.memory_space<hbm>> -> memref<80x128xi32, #tpu.memory_space<hbm>>
      %dma_start3A_173 = arith.constant 0 : i32
      %dma_start3A_174 = arith.constant 0 : i32
      %dma_start3A_175 = tpu.memref_slice %arg2[%run_scoped3A_14, %add3A, %dma_start3A_173, %dma_start3A_174] : memref<2x32x80x128xi32, #tpu.memory_space<hbm>> -> memref<1x1x80x128xi32, #tpu.memory_space<hbm>>
      %dma_start3A_176 = tpu.memref_squeeze %dma_start3A_175 : memref<1x1x80x128xi32, #tpu.memory_space<hbm>> -> memref<80x128xi32, #tpu.memory_space<hbm>>
      tpu.enqueue_dma source(%dma_start3A_176 : memref<80x128xi32, #tpu.memory_space<hbm>>) target(%arg8 : memref<80x128xi32, #tpu.memory_space<vmem>>) target_semaphore(%run_scoped3A_168 : memref<!tpu.dma_semaphore, #tpu.memory_space<semaphore_mem>>)
      %dma_wait3A_177 = arith.constant 0 : i32
      %dma_wait3A_178 = arith.constant 0 : i32
      %dma_wait3A_179 = tpu.memref_slice %arg2[%run_scoped3A_14, %add3A, %dma_wait3A_177, %dma_wait3A_178] : memref<2x32x80x128xi32, #tpu.memory_space<hbm>> -> memref<1x1x80x128xi32, #tpu.memory_space<hbm>>
      %dma_wait3A_180 = tpu.memref_squeeze %dma_wait3A_179 : memref<1x1x80x128xi32, #tpu.memory_space<hbm>> -> memref<80x128xi32, #tpu.memory_space<hbm>>
      %dma_wait3A_181 = arith.constant 0 : i32
      %dma_wait3A_182 = arith.constant 0 : i32
      %dma_wait3A_183 = tpu.memref_slice %arg2[%run_scoped3A_14, %add3A, %dma_wait3A_181, %dma_wait3A_182] : memref<2x32x80x128xi32, #tpu.memory_space<hbm>> -> memref<1x1x80x128xi32, #tpu.memory_space<hbm>>
      %dma_wait3A_184 = tpu.memref_squeeze %dma_wait3A_183 : memref<1x1x80x128xi32, #tpu.memory_space<hbm>> -> memref<80x128xi32, #tpu.memory_space<hbm>>
      tpu.wait_dma2 semaphore(%run_scoped3A_168 : memref<!tpu.dma_semaphore, #tpu.memory_space<semaphore_mem>>) src(%dma_wait3A_184 : memref<80x128xi32, #tpu.memory_space<hbm>>) dst(%arg8 : memref<80x128xi32, #tpu.memory_space<vmem>>)
      tpu.yield
    }) : () -> ()
    %barrier3A = arith.constant 0 : index
    tpu.barrier barrier_id(%barrier3A)
    %dma_start3A = arith.constant 0 : i32
    %dma_start3A_15 = arith.constant 0 : i32
    %dma_start3A_16 = arith.constant 0 : i32
    %dma_start3A_17 = arith.constant 0 : i32
    %dma_start3A_18 = tpu.memref_slice %arg9[%dma_start3A_15, %dma_start3A_16, %dma_start3A_17] : memref<8x128x16xf32, #tpu.memory_space<vmem>> -> memref<1x128x16xf32, #tpu.memory_space<vmem>>
    %dma_start3A_19 = tpu.memref_squeeze %dma_start3A_18 : memref<1x128x16xf32, #tpu.memory_space<vmem>> -> memref<128x16xf32, #tpu.memory_space<vmem>>
    %dma_start3A_20 = arith.constant 0 : i32
    %dma_start3A_21 = tpu.memref_slice %arg7[%dma_start3A, %dma_start3A_20] : memref<80x128xi32, #tpu.memory_space<vmem>> -> memref<1x128xi32, #tpu.memory_space<vmem>>
    %dma_start3A_22 = tpu.memref_squeeze %dma_start3A_21 : memref<1x128xi32, #tpu.memory_space<vmem>> -> memref<128xi32, #tpu.memory_space<vmem>>
    %dma_start3A_23 = arith.constant 0 : i32
    %dma_start3A_24 = arith.constant 0 : i32
    %dma_start3A_25 = tpu.memref_slice %arg14[%dma_start3A_23, %dma_start3A_24] : memref<10112x16xf32, #tpu.memory_space<vmem_shared>> -> memref<10112x16xf32, #tpu.memory_space<vmem_shared>>
    tpu.enqueue_indirect_dma source(%dma_start3A_25 : memref<10112x16xf32, #tpu.memory_space<vmem_shared>>) target(%dma_start3A_19 : memref<128x16xf32, #tpu.memory_space<vmem>>) offsets(%dma_start3A_22 : memref<128xi32, #tpu.memory_space<vmem>>) semaphore(%arg15 : memref<!tpu.dma_semaphore, #tpu.memory_space<semaphore_mem>>)
    %dma_start3A_26 = arith.constant 1 : i32
    %dma_start3A_27 = arith.constant 1 : i32
    %dma_start3A_28 = arith.constant 0 : i32
    %dma_start3A_29 = arith.constant 0 : i32
    %dma_start3A_30 = tpu.memref_slice %arg9[%dma_start3A_27, %dma_start3A_28, %dma_start3A_29] : memref<8x128x16xf32, #tpu.memory_space<vmem>> -> memref<1x128x16xf32, #tpu.memory_space<vmem>>
    %dma_start3A_31 = tpu.memref_squeeze %dma_start3A_30 : memref<1x128x16xf32, #tpu.memory_space<vmem>> -> memref<128x16xf32, #tpu.memory_space<vmem>>
    %dma_start3A_32 = arith.constant 0 : i32
    %dma_start3A_33 = tpu.memref_slice %arg7[%dma_start3A_26, %dma_start3A_32] : memref<80x128xi32, #tpu.memory_space<vmem>> -> memref<1x128xi32, #tpu.memory_space<vmem>>
    %dma_start3A_34 = tpu.memref_squeeze %dma_start3A_33 : memref<1x128xi32, #tpu.memory_space<vmem>> -> memref<128xi32, #tpu.memory_space<vmem>>
    %dma_start3A_35 = arith.constant 0 : i32
    %dma_start3A_36 = arith.constant 0 : i32
    %dma_start3A_37 = tpu.memref_slice %arg14[%dma_start3A_35, %dma_start3A_36] : memref<10112x16xf32, #tpu.memory_space<vmem_shared>> -> memref<10112x16xf32, #tpu.memory_space<vmem_shared>>
    tpu.enqueue_indirect_dma source(%dma_start3A_37 : memref<10112x16xf32, #tpu.memory_space<vmem_shared>>) target(%dma_start3A_31 : memref<128x16xf32, #tpu.memory_space<vmem>>) offsets(%dma_start3A_34 : memref<128xi32, #tpu.memory_space<vmem>>) semaphore(%arg16 : memref<!tpu.dma_semaphore, #tpu.memory_space<semaphore_mem>>)
    %dma_start3A_38 = arith.constant 2 : i32
    %dma_start3A_39 = arith.constant 2 : i32
    %dma_start3A_40 = arith.constant 0 : i32
    %dma_start3A_41 = arith.constant 0 : i32
    %dma_start3A_42 = tpu.memref_slice %arg9[%dma_start3A_39, %dma_start3A_40, %dma_start3A_41] : memref<8x128x16xf32, #tpu.memory_space<vmem>> -> memref<1x128x16xf32, #tpu.memory_space<vmem>>
    %dma_start3A_43 = tpu.memref_squeeze %dma_start3A_42 : memref<1x128x16xf32, #tpu.memory_space<vmem>> -> memref<128x16xf32, #tpu.memory_space<vmem>>
    %dma_start3A_44 = arith.constant 0 : i32
    %dma_start3A_45 = tpu.memref_slice %arg7[%dma_start3A_38, %dma_start3A_44] : memref<80x128xi32, #tpu.memory_space<vmem>> -> memref<1x128xi32, #tpu.memory_space<vmem>>
    %dma_start3A_46 = tpu.memref_squeeze %dma_start3A_45 : memref<1x128xi32, #tpu.memory_space<vmem>> -> memref<128xi32, #tpu.memory_space<vmem>>
    %dma_start3A_47 = arith.constant 0 : i32
    %dma_start3A_48 = arith.constant 0 : i32
    %dma_start3A_49 = tpu.memref_slice %arg14[%dma_start3A_47, %dma_start3A_48] : memref<10112x16xf32, #tpu.memory_space<vmem_shared>> -> memref<10112x16xf32, #tpu.memory_space<vmem_shared>>
    tpu.enqueue_indirect_dma source(%dma_start3A_49 : memref<10112x16xf32, #tpu.memory_space<vmem_shared>>) target(%dma_start3A_43 : memref<128x16xf32, #tpu.memory_space<vmem>>) offsets(%dma_start3A_46 : memref<128xi32, #tpu.memory_space<vmem>>) semaphore(%arg17 : memref<!tpu.dma_semaphore, #tpu.memory_space<semaphore_mem>>)
    %dma_start3A_50 = arith.constant 3 : i32
    %dma_start3A_51 = arith.constant 3 : i32
    %dma_start3A_52 = arith.constant 0 : i32
    %dma_start3A_53 = arith.constant 0 : i32
    %dma_start3A_54 = tpu.memref_slice %arg9[%dma_start3A_51, %dma_start3A_52, %dma_start3A_53] : memref<8x128x16xf32, #tpu.memory_space<vmem>> -> memref<1x128x16xf32, #tpu.memory_space<vmem>>
    %dma_start3A_55 = tpu.memref_squeeze %dma_start3A_54 : memref<1x128x16xf32, #tpu.memory_space<vmem>> -> memref<128x16xf32, #tpu.memory_space<vmem>>
    %dma_start3A_56 = arith.constant 0 : i32
    %dma_start3A_57 = tpu.memref_slice %arg7[%dma_start3A_50, %dma_start3A_56] : memref<80x128xi32, #tpu.memory_space<vmem>> -> memref<1x128xi32, #tpu.memory_space<vmem>>
    %dma_start3A_58 = tpu.memref_squeeze %dma_start3A_57 : memref<1x128xi32, #tpu.memory_space<vmem>> -> memref<128xi32, #tpu.memory_space<vmem>>
    %dma_start3A_59 = arith.constant 0 : i32
    %dma_start3A_60 = arith.constant 0 : i32
    %dma_start3A_61 = tpu.memref_slice %arg14[%dma_start3A_59, %dma_start3A_60] : memref<10112x16xf32, #tpu.memory_space<vmem_shared>> -> memref<10112x16xf32, #tpu.memory_space<vmem_shared>>
    tpu.enqueue_indirect_dma source(%dma_start3A_61 : memref<10112x16xf32, #tpu.memory_space<vmem_shared>>) target(%dma_start3A_55 : memref<128x16xf32, #tpu.memory_space<vmem>>) offsets(%dma_start3A_58 : memref<128xi32, #tpu.memory_space<vmem>>) semaphore(%arg18 : memref<!tpu.dma_semaphore, #tpu.memory_space<semaphore_mem>>)
    %scan3A_62 = arith.constant 0 : i32
    %scan3A_63 = arith.constant 0 : i32
    %scan3A_64 = arith.constant 10 : i32
    %scan3A_65 = arith.addi %scan3A_63, %scan3A_64 : i32
    %scan3A_66 = arith.constant 1 : i32
    scf.for %scan3A_168 = %scan3A_63 to %scan3A_65 step %scan3A_66  : i32 {
      %mul3A_169 = arith.constant 8 : i32
      %mul3A_170 = arith.muli %scan3A_168, %mul3A_169 : i32
      %add3A_171 = arith.constant 0 : i32
      %add3A_172 = arith.addi %mul3A_170, %add3A_171 : i32
      %dma_wait3A_173 = arith.constant 0 : i32
      %dma_wait3A_174 = arith.constant 0 : i32
      %dma_wait3A_175 = arith.constant 0 : i32
      %dma_wait3A_176 = tpu.memref_slice %arg9[%dma_wait3A_173, %dma_wait3A_174, %dma_wait3A_175] : memref<8x128x16xf32, #tpu.memory_space<vmem>> -> memref<1x128x16xf32, #tpu.memory_space<vmem>>
      %dma_wait3A_177 = tpu.memref_squeeze %dma_wait3A_176 : memref<1x128x16xf32, #tpu.memory_space<vmem>> -> memref<128x16xf32, #tpu.memory_space<vmem>>
      %dma_wait3A_178 = arith.constant 0 : i32
      %dma_wait3A_179 = tpu.memref_slice %arg7[%add3A_172, %dma_wait3A_178] : memref<80x128xi32, #tpu.memory_space<vmem>> -> memref<1x128xi32, #tpu.memory_space<vmem>>
      %dma_wait3A_180 = tpu.memref_squeeze %dma_wait3A_179 : memref<1x128xi32, #tpu.memory_space<vmem>> -> memref<128xi32, #tpu.memory_space<vmem>>
      %dma_wait3A_181 = arith.constant 0 : i32
      %dma_wait3A_182 = arith.constant 0 : i32
      %dma_wait3A_183 = tpu.memref_slice %arg14[%dma_wait3A_181, %dma_wait3A_182] : memref<10112x16xf32, #tpu.memory_space<vmem_shared>> -> memref<10112x16xf32, #tpu.memory_space<vmem_shared>>
      tpu.wait_indirect_dma semaphore(%arg15 : memref<!tpu.dma_semaphore, #tpu.memory_space<semaphore_mem>>) src(%dma_wait3A_183 : memref<10112x16xf32, #tpu.memory_space<vmem_shared>>) dst(%dma_wait3A_177 : memref<128x16xf32, #tpu.memory_space<vmem>>)
      %dma_start3A_184 = arith.constant 0 : i32
      %dma_start3A_185 = arith.constant 0 : i32
      %dma_start3A_186 = arith.constant 0 : i32
      %dma_start3A_187 = tpu.memref_slice %arg9[%dma_start3A_184, %dma_start3A_185, %dma_start3A_186] : memref<8x128x16xf32, #tpu.memory_space<vmem>> -> memref<1x128x16xf32, #tpu.memory_space<vmem>>
      %dma_start3A_188 = tpu.memref_squeeze %dma_start3A_187 : memref<1x128x16xf32, #tpu.memory_space<vmem>> -> memref<128x16xf32, #tpu.memory_space<vmem>>
      %dma_start3A_189 = arith.constant 0 : i32
      %dma_start3A_190 = tpu.memref_slice %arg8[%add3A_172, %dma_start3A_189] : memref<80x128xi32, #tpu.memory_space<vmem>> -> memref<1x128xi32, #tpu.memory_space<vmem>>
      %dma_start3A_191 = tpu.memref_squeeze %dma_start3A_190 : memref<1x128xi32, #tpu.memory_space<vmem>> -> memref<128xi32, #tpu.memory_space<vmem>>
      %dma_start3A_192 = arith.constant 0 : i32
      %dma_start3A_193 = arith.constant 0 : i32
      %dma_start3A_194 = tpu.memref_slice %arg13[%dma_start3A_192, %dma_start3A_193] : memref<10112x16xf32, #tpu.memory_space<vmem_shared>> -> memref<10112x16xf32, #tpu.memory_space<vmem_shared>>
      tpu.enqueue_indirect_dma source(%dma_start3A_188 : memref<128x16xf32, #tpu.memory_space<vmem>>) target(%dma_start3A_194 : memref<10112x16xf32, #tpu.memory_space<vmem_shared>>) offsets(%dma_start3A_191 : memref<128xi32, #tpu.memory_space<vmem>>) semaphore(%arg23 : memref<!tpu.dma_semaphore, #tpu.memory_space<semaphore_mem>>) {add = true}
      %add3A_195 = arith.constant 4 : i32
      %add3A_196 = arith.addi %add3A_172, %add3A_195 : i32
      %lt3A = arith.constant 80 : i32
      %lt3A_197 = arith.cmpi slt, %add3A_196, %lt3A : i32
      %convert_element_type3A = arith.extui %lt3A_197 : i1 to i32
      %cond3A = arith.constant 0 : i32
      %cond3A_198 = arith.cmpi ne, %convert_element_type3A, %cond3A : i32
      scf.if %cond3A_198 {
        %ge3A = arith.constant 8 : i32
        %ge3A_416 = arith.cmpi sge, %add3A_196, %ge3A : i32
        %convert_element_type3A_417 = arith.extui %ge3A_416 : i1 to i32
        %cond3A_418 = arith.constant 0 : i32
        %cond3A_419 = arith.cmpi ne, %convert_element_type3A_417, %cond3A_418 : i32
        scf.if %cond3A_419 {
          %sub3A = arith.constant 8 : i32
          %sub3A_431 = arith.subi %add3A_196, %sub3A : i32
          %dma_wait3A_432 = arith.constant 4 : i32
          %dma_wait3A_433 = arith.constant 0 : i32
          %dma_wait3A_434 = arith.constant 0 : i32
          %dma_wait3A_435 = tpu.memref_slice %arg9[%dma_wait3A_432, %dma_wait3A_433, %dma_wait3A_434] : memref<8x128x16xf32, #tpu.memory_space<vmem>> -> memref<1x128x16xf32, #tpu.memory_space<vmem>>
          %dma_wait3A_436 = tpu.memref_squeeze %dma_wait3A_435 : memref<1x128x16xf32, #tpu.memory_space<vmem>> -> memref<128x16xf32, #tpu.memory_space<vmem>>
          %dma_wait3A_437 = arith.constant 0 : i32
          %dma_wait3A_438 = tpu.memref_slice %arg8[%sub3A_431, %dma_wait3A_437] : memref<80x128xi32, #tpu.memory_space<vmem>> -> memref<1x128xi32, #tpu.memory_space<vmem>>
          %dma_wait3A_439 = tpu.memref_squeeze %dma_wait3A_438 : memref<1x128xi32, #tpu.memory_space<vmem>> -> memref<128xi32, #tpu.memory_space<vmem>>
          %dma_wait3A_440 = arith.constant 0 : i32
          %dma_wait3A_441 = arith.constant 0 : i32
          %dma_wait3A_442 = tpu.memref_slice %arg13[%dma_wait3A_440, %dma_wait3A_441] : memref<10112x16xf32, #tpu.memory_space<vmem_shared>> -> memref<10112x16xf32, #tpu.memory_space<vmem_shared>>
          tpu.wait_indirect_dma semaphore(%arg27 : memref<!tpu.dma_semaphore, #tpu.memory_space<semaphore_mem>>) src(%dma_wait3A_436 : memref<128x16xf32, #tpu.memory_space<vmem>>) dst(%dma_wait3A_442 : memref<10112x16xf32, #tpu.memory_space<vmem_shared>>)
        } else {
        }
        %dma_start3A_420 = arith.constant 4 : i32
        %dma_start3A_421 = arith.constant 0 : i32
        %dma_start3A_422 = arith.constant 0 : i32
        %dma_start3A_423 = tpu.memref_slice %arg9[%dma_start3A_420, %dma_start3A_421, %dma_start3A_422] : memref<8x128x16xf32, #tpu.memory_space<vmem>> -> memref<1x128x16xf32, #tpu.memory_space<vmem>>
        %dma_start3A_424 = tpu.memref_squeeze %dma_start3A_423 : memref<1x128x16xf32, #tpu.memory_space<vmem>> -> memref<128x16xf32, #tpu.memory_space<vmem>>
        %dma_start3A_425 = arith.constant 0 : i32
        %dma_start3A_426 = tpu.memref_slice %arg7[%add3A_196, %dma_start3A_425] : memref<80x128xi32, #tpu.memory_space<vmem>> -> memref<1x128xi32, #tpu.memory_space<vmem>>
        %dma_start3A_427 = tpu.memref_squeeze %dma_start3A_426 : memref<1x128xi32, #tpu.memory_space<vmem>> -> memref<128xi32, #tpu.memory_space<vmem>>
        %dma_start3A_428 = arith.constant 0 : i32
        %dma_start3A_429 = arith.constant 0 : i32
        %dma_start3A_430 = tpu.memref_slice %arg14[%dma_start3A_428, %dma_start3A_429] : memref<10112x16xf32, #tpu.memory_space<vmem_shared>> -> memref<10112x16xf32, #tpu.memory_space<vmem_shared>>
        tpu.enqueue_indirect_dma source(%dma_start3A_430 : memref<10112x16xf32, #tpu.memory_space<vmem_shared>>) target(%dma_start3A_424 : memref<128x16xf32, #tpu.memory_space<vmem>>) offsets(%dma_start3A_427 : memref<128xi32, #tpu.memory_space<vmem>>) semaphore(%arg19 : memref<!tpu.dma_semaphore, #tpu.memory_space<semaphore_mem>>)
      } else {
      }
      %add3A_199 = arith.constant 1 : i32
      %add3A_200 = arith.addi %mul3A_170, %add3A_199 : i32
      %dma_wait3A_201 = arith.constant 1 : i32
      %dma_wait3A_202 = arith.constant 0 : i32
      %dma_wait3A_203 = arith.constant 0 : i32
      %dma_wait3A_204 = tpu.memref_slice %arg9[%dma_wait3A_201, %dma_wait3A_202, %dma_wait3A_203] : memref<8x128x16xf32, #tpu.memory_space<vmem>> -> memref<1x128x16xf32, #tpu.memory_space<vmem>>
      %dma_wait3A_205 = tpu.memref_squeeze %dma_wait3A_204 : memref<1x128x16xf32, #tpu.memory_space<vmem>> -> memref<128x16xf32, #tpu.memory_space<vmem>>
      %dma_wait3A_206 = arith.constant 0 : i32
      %dma_wait3A_207 = tpu.memref_slice %arg7[%add3A_200, %dma_wait3A_206] : memref<80x128xi32, #tpu.memory_space<vmem>> -> memref<1x128xi32, #tpu.memory_space<vmem>>
      %dma_wait3A_208 = tpu.memref_squeeze %dma_wait3A_207 : memref<1x128xi32, #tpu.memory_space<vmem>> -> memref<128xi32, #tpu.memory_space<vmem>>
      %dma_wait3A_209 = arith.constant 0 : i32
      %dma_wait3A_210 = arith.constant 0 : i32
      %dma_wait3A_211 = tpu.memref_slice %arg14[%dma_wait3A_209, %dma_wait3A_210] : memref<10112x16xf32, #tpu.memory_space<vmem_shared>> -> memref<10112x16xf32, #tpu.memory_space<vmem_shared>>
      tpu.wait_indirect_dma semaphore(%arg16 : memref<!tpu.dma_semaphore, #tpu.memory_space<semaphore_mem>>) src(%dma_wait3A_211 : memref<10112x16xf32, #tpu.memory_space<vmem_shared>>) dst(%dma_wait3A_205 : memref<128x16xf32, #tpu.memory_space<vmem>>)
      %dma_start3A_212 = arith.constant 1 : i32
      %dma_start3A_213 = arith.constant 0 : i32
      %dma_start3A_214 = arith.constant 0 : i32
      %dma_start3A_215 = tpu.memref_slice %arg9[%dma_start3A_212, %dma_start3A_213, %dma_start3A_214] : memref<8x128x16xf32, #tpu.memory_space<vmem>> -> memref<1x128x16xf32, #tpu.memory_space<vmem>>
      %dma_start3A_216 = tpu.memref_squeeze %dma_start3A_215 : memref<1x128x16xf32, #tpu.memory_space<vmem>> -> memref<128x16xf32, #tpu.memory_space<vmem>>
      %dma_start3A_217 = arith.constant 0 : i32
      %dma_start3A_218 = tpu.memref_slice %arg8[%add3A_200, %dma_start3A_217] : memref<80x128xi32, #tpu.memory_space<vmem>> -> memref<1x128xi32, #tpu.memory_space<vmem>>
      %dma_start3A_219 = tpu.memref_squeeze %dma_start3A_218 : memref<1x128xi32, #tpu.memory_space<vmem>> -> memref<128xi32, #tpu.memory_space<vmem>>
      %dma_start3A_220 = arith.constant 0 : i32
      %dma_start3A_221 = arith.constant 0 : i32
      %dma_start3A_222 = tpu.memref_slice %arg13[%dma_start3A_220, %dma_start3A_221] : memref<10112x16xf32, #tpu.memory_space<vmem_shared>> -> memref<10112x16xf32, #tpu.memory_space<vmem_shared>>
      tpu.enqueue_indirect_dma source(%dma_start3A_216 : memref<128x16xf32, #tpu.memory_space<vmem>>) target(%dma_start3A_222 : memref<10112x16xf32, #tpu.memory_space<vmem_shared>>) offsets(%dma_start3A_219 : memref<128xi32, #tpu.memory_space<vmem>>) semaphore(%arg24 : memref<!tpu.dma_semaphore, #tpu.memory_space<semaphore_mem>>) {add = true}
      %add3A_223 = arith.constant 4 : i32
      %add3A_224 = arith.addi %add3A_200, %add3A_223 : i32
      %lt3A_225 = arith.constant 80 : i32
      %lt3A_226 = arith.cmpi slt, %add3A_224, %lt3A_225 : i32
      %convert_element_type3A_227 = arith.extui %lt3A_226 : i1 to i32
      %cond3A_228 = arith.constant 0 : i32
      %cond3A_229 = arith.cmpi ne, %convert_element_type3A_227, %cond3A_228 : i32
      scf.if %cond3A_229 {
        %ge3A = arith.constant 8 : i32
        %ge3A_416 = arith.cmpi sge, %add3A_224, %ge3A : i32
        %convert_element_type3A_417 = arith.extui %ge3A_416 : i1 to i32
        %cond3A_418 = arith.constant 0 : i32
        %cond3A_419 = arith.cmpi ne, %convert_element_type3A_417, %cond3A_418 : i32
        scf.if %cond3A_419 {
          %sub3A = arith.constant 8 : i32
          %sub3A_431 = arith.subi %add3A_224, %sub3A : i32
          %dma_wait3A_432 = arith.constant 5 : i32
          %dma_wait3A_433 = arith.constant 0 : i32
          %dma_wait3A_434 = arith.constant 0 : i32
          %dma_wait3A_435 = tpu.memref_slice %arg9[%dma_wait3A_432, %dma_wait3A_433, %dma_wait3A_434] : memref<8x128x16xf32, #tpu.memory_space<vmem>> -> memref<1x128x16xf32, #tpu.memory_space<vmem>>
          %dma_wait3A_436 = tpu.memref_squeeze %dma_wait3A_435 : memref<1x128x16xf32, #tpu.memory_space<vmem>> -> memref<128x16xf32, #tpu.memory_space<vmem>>
          %dma_wait3A_437 = arith.constant 0 : i32
          %dma_wait3A_438 = tpu.memref_slice %arg8[%sub3A_431, %dma_wait3A_437] : memref<80x128xi32, #tpu.memory_space<vmem>> -> memref<1x128xi32, #tpu.memory_space<vmem>>
          %dma_wait3A_439 = tpu.memref_squeeze %dma_wait3A_438 : memref<1x128xi32, #tpu.memory_space<vmem>> -> memref<128xi32, #tpu.memory_space<vmem>>
          %dma_wait3A_440 = arith.constant 0 : i32
          %dma_wait3A_441 = arith.constant 0 : i32
          %dma_wait3A_442 = tpu.memref_slice %arg13[%dma_wait3A_440, %dma_wait3A_441] : memref<10112x16xf32, #tpu.memory_space<vmem_shared>> -> memref<10112x16xf32, #tpu.memory_space<vmem_shared>>
          tpu.wait_indirect_dma semaphore(%arg28 : memref<!tpu.dma_semaphore, #tpu.memory_space<semaphore_mem>>) src(%dma_wait3A_436 : memref<128x16xf32, #tpu.memory_space<vmem>>) dst(%dma_wait3A_442 : memref<10112x16xf32, #tpu.memory_space<vmem_shared>>)
        } else {
        }
        %dma_start3A_420 = arith.constant 5 : i32
        %dma_start3A_421 = arith.constant 0 : i32
        %dma_start3A_422 = arith.constant 0 : i32
        %dma_start3A_423 = tpu.memref_slice %arg9[%dma_start3A_420, %dma_start3A_421, %dma_start3A_422] : memref<8x128x16xf32, #tpu.memory_space<vmem>> -> memref<1x128x16xf32, #tpu.memory_space<vmem>>
        %dma_start3A_424 = tpu.memref_squeeze %dma_start3A_423 : memref<1x128x16xf32, #tpu.memory_space<vmem>> -> memref<128x16xf32, #tpu.memory_space<vmem>>
        %dma_start3A_425 = arith.constant 0 : i32
        %dma_start3A_426 = tpu.memref_slice %arg7[%add3A_224, %dma_start3A_425] : memref<80x128xi32, #tpu.memory_space<vmem>> -> memref<1x128xi32, #tpu.memory_space<vmem>>
        %dma_start3A_427 = tpu.memref_squeeze %dma_start3A_426 : memref<1x128xi32, #tpu.memory_space<vmem>> -> memref<128xi32, #tpu.memory_space<vmem>>
        %dma_start3A_428 = arith.constant 0 : i32
        %dma_start3A_429 = arith.constant 0 : i32
        %dma_start3A_430 = tpu.memref_slice %arg14[%dma_start3A_428, %dma_start3A_429] : memref<10112x16xf32, #tpu.memory_space<vmem_shared>> -> memref<10112x16xf32, #tpu.memory_space<vmem_shared>>
        tpu.enqueue_indirect_dma source(%dma_start3A_430 : memref<10112x16xf32, #tpu.memory_space<vmem_shared>>) target(%dma_start3A_424 : memref<128x16xf32, #tpu.memory_space<vmem>>) offsets(%dma_start3A_427 : memref<128xi32, #tpu.memory_space<vmem>>) semaphore(%arg20 : memref<!tpu.dma_semaphore, #tpu.memory_space<semaphore_mem>>)
      } else {
      }
      %add3A_230 = arith.constant 2 : i32
      %add3A_231 = arith.addi %mul3A_170, %add3A_230 : i32
      %dma_wait3A_232 = arith.constant 2 : i32
      %dma_wait3A_233 = arith.constant 0 : i32
      %dma_wait3A_234 = arith.constant 0 : i32
      %dma_wait3A_235 = tpu.memref_slice %arg9[%dma_wait3A_232, %dma_wait3A_233, %dma_wait3A_234] : memref<8x128x16xf32, #tpu.memory_space<vmem>> -> memref<1x128x16xf32, #tpu.memory_space<vmem>>
      %dma_wait3A_236 = tpu.memref_squeeze %dma_wait3A_235 : memref<1x128x16xf32, #tpu.memory_space<vmem>> -> memref<128x16xf32, #tpu.memory_space<vmem>>
      %dma_wait3A_237 = arith.constant 0 : i32
      %dma_wait3A_238 = tpu.memref_slice %arg7[%add3A_231, %dma_wait3A_237] : memref<80x128xi32, #tpu.memory_space<vmem>> -> memref<1x128xi32, #tpu.memory_space<vmem>>
      %dma_wait3A_239 = tpu.memref_squeeze %dma_wait3A_238 : memref<1x128xi32, #tpu.memory_space<vmem>> -> memref<128xi32, #tpu.memory_space<vmem>>
      %dma_wait3A_240 = arith.constant 0 : i32
      %dma_wait3A_241 = arith.constant 0 : i32
      %dma_wait3A_242 = tpu.memref_slice %arg14[%dma_wait3A_240, %dma_wait3A_241] : memref<10112x16xf32, #tpu.memory_space<vmem_shared>> -> memref<10112x16xf32, #tpu.memory_space<vmem_shared>>
      tpu.wait_indirect_dma semaphore(%arg17 : memref<!tpu.dma_semaphore, #tpu.memory_space<semaphore_mem>>) src(%dma_wait3A_242 : memref<10112x16xf32, #tpu.memory_space<vmem_shared>>) dst(%dma_wait3A_236 : memref<128x16xf32, #tpu.memory_space<vmem>>)
      %dma_start3A_243 = arith.constant 2 : i32
      %dma_start3A_244 = arith.constant 0 : i32
      %dma_start3A_245 = arith.constant 0 : i32
      %dma_start3A_246 = tpu.memref_slice %arg9[%dma_start3A_243, %dma_start3A_244, %dma_start3A_245] : memref<8x128x16xf32, #tpu.memory_space<vmem>> -> memref<1x128x16xf32, #tpu.memory_space<vmem>>
      %dma_start3A_247 = tpu.memref_squeeze %dma_start3A_246 : memref<1x128x16xf32, #tpu.memory_space<vmem>> -> memref<128x16xf32, #tpu.memory_space<vmem>>
      %dma_start3A_248 = arith.constant 0 : i32
      %dma_start3A_249 = tpu.memref_slice %arg8[%add3A_231, %dma_start3A_248] : memref<80x128xi32, #tpu.memory_space<vmem>> -> memref<1x128xi32, #tpu.memory_space<vmem>>
      %dma_start3A_250 = tpu.memref_squeeze %dma_start3A_249 : memref<1x128xi32, #tpu.memory_space<vmem>> -> memref<128xi32, #tpu.memory_space<vmem>>
      %dma_start3A_251 = arith.constant 0 : i32
      %dma_start3A_252 = arith.constant 0 : i32
      %dma_start3A_253 = tpu.memref_slice %arg13[%dma_start3A_251, %dma_start3A_252] : memref<10112x16xf32, #tpu.memory_space<vmem_shared>> -> memref<10112x16xf32, #tpu.memory_space<vmem_shared>>
      tpu.enqueue_indirect_dma source(%dma_start3A_247 : memref<128x16xf32, #tpu.memory_space<vmem>>) target(%dma_start3A_253 : memref<10112x16xf32, #tpu.memory_space<vmem_shared>>) offsets(%dma_start3A_250 : memref<128xi32, #tpu.memory_space<vmem>>) semaphore(%arg25 : memref<!tpu.dma_semaphore, #tpu.memory_space<semaphore_mem>>) {add = true}
      %add3A_254 = arith.constant 4 : i32
      %add3A_255 = arith.addi %add3A_231, %add3A_254 : i32
      %lt3A_256 = arith.constant 80 : i32
      %lt3A_257 = arith.cmpi slt, %add3A_255, %lt3A_256 : i32
      %convert_element_type3A_258 = arith.extui %lt3A_257 : i1 to i32
      %cond3A_259 = arith.constant 0 : i32
      %cond3A_260 = arith.cmpi ne, %convert_element_type3A_258, %cond3A_259 : i32
      scf.if %cond3A_260 {
        %ge3A = arith.constant 8 : i32
        %ge3A_416 = arith.cmpi sge, %add3A_255, %ge3A : i32
        %convert_element_type3A_417 = arith.extui %ge3A_416 : i1 to i32
        %cond3A_418 = arith.constant 0 : i32
        %cond3A_419 = arith.cmpi ne, %convert_element_type3A_417, %cond3A_418 : i32
        scf.if %cond3A_419 {
          %sub3A = arith.constant 8 : i32
          %sub3A_431 = arith.subi %add3A_255, %sub3A : i32
          %dma_wait3A_432 = arith.constant 6 : i32
          %dma_wait3A_433 = arith.constant 0 : i32
          %dma_wait3A_434 = arith.constant 0 : i32
          %dma_wait3A_435 = tpu.memref_slice %arg9[%dma_wait3A_432, %dma_wait3A_433, %dma_wait3A_434] : memref<8x128x16xf32, #tpu.memory_space<vmem>> -> memref<1x128x16xf32, #tpu.memory_space<vmem>>
          %dma_wait3A_436 = tpu.memref_squeeze %dma_wait3A_435 : memref<1x128x16xf32, #tpu.memory_space<vmem>> -> memref<128x16xf32, #tpu.memory_space<vmem>>
          %dma_wait3A_437 = arith.constant 0 : i32
          %dma_wait3A_438 = tpu.memref_slice %arg8[%sub3A_431, %dma_wait3A_437] : memref<80x128xi32, #tpu.memory_space<vmem>> -> memref<1x128xi32, #tpu.memory_space<vmem>>
          %dma_wait3A_439 = tpu.memref_squeeze %dma_wait3A_438 : memref<1x128xi32, #tpu.memory_space<vmem>> -> memref<128xi32, #tpu.memory_space<vmem>>
          %dma_wait3A_440 = arith.constant 0 : i32
          %dma_wait3A_441 = arith.constant 0 : i32
          %dma_wait3A_442 = tpu.memref_slice %arg13[%dma_wait3A_440, %dma_wait3A_441] : memref<10112x16xf32, #tpu.memory_space<vmem_shared>> -> memref<10112x16xf32, #tpu.memory_space<vmem_shared>>
          tpu.wait_indirect_dma semaphore(%arg29 : memref<!tpu.dma_semaphore, #tpu.memory_space<semaphore_mem>>) src(%dma_wait3A_436 : memref<128x16xf32, #tpu.memory_space<vmem>>) dst(%dma_wait3A_442 : memref<10112x16xf32, #tpu.memory_space<vmem_shared>>)
        } else {
        }
        %dma_start3A_420 = arith.constant 6 : i32
        %dma_start3A_421 = arith.constant 0 : i32
        %dma_start3A_422 = arith.constant 0 : i32
        %dma_start3A_423 = tpu.memref_slice %arg9[%dma_start3A_420, %dma_start3A_421, %dma_start3A_422] : memref<8x128x16xf32, #tpu.memory_space<vmem>> -> memref<1x128x16xf32, #tpu.memory_space<vmem>>
        %dma_start3A_424 = tpu.memref_squeeze %dma_start3A_423 : memref<1x128x16xf32, #tpu.memory_space<vmem>> -> memref<128x16xf32, #tpu.memory_space<vmem>>
        %dma_start3A_425 = arith.constant 0 : i32
        %dma_start3A_426 = tpu.memref_slice %arg7[%add3A_255, %dma_start3A_425] : memref<80x128xi32, #tpu.memory_space<vmem>> -> memref<1x128xi32, #tpu.memory_space<vmem>>
        %dma_start3A_427 = tpu.memref_squeeze %dma_start3A_426 : memref<1x128xi32, #tpu.memory_space<vmem>> -> memref<128xi32, #tpu.memory_space<vmem>>
        %dma_start3A_428 = arith.constant 0 : i32
        %dma_start3A_429 = arith.constant 0 : i32
        %dma_start3A_430 = tpu.memref_slice %arg14[%dma_start3A_428, %dma_start3A_429] : memref<10112x16xf32, #tpu.memory_space<vmem_shared>> -> memref<10112x16xf32, #tpu.memory_space<vmem_shared>>
        tpu.enqueue_indirect_dma source(%dma_start3A_430 : memref<10112x16xf32, #tpu.memory_space<vmem_shared>>) target(%dma_start3A_424 : memref<128x16xf32, #tpu.memory_space<vmem>>) offsets(%dma_start3A_427 : memref<128xi32, #tpu.memory_space<vmem>>) semaphore(%arg21 : memref<!tpu.dma_semaphore, #tpu.memory_space<semaphore_mem>>)
      } else {
      }
      %add3A_261 = arith.constant 3 : i32
      %add3A_262 = arith.addi %mul3A_170, %add3A_261 : i32
      %dma_wait3A_263 = arith.constant 3 : i32
      %dma_wait3A_264 = arith.constant 0 : i32
      %dma_wait3A_265 = arith.constant 0 : i32
      %dma_wait3A_266 = tpu.memref_slice %arg9[%dma_wait3A_263, %dma_wait3A_264, %dma_wait3A_265] : memref<8x128x16xf32, #tpu.memory_space<vmem>> -> memref<1x128x16xf32, #tpu.memory_space<vmem>>
      %dma_wait3A_267 = tpu.memref_squeeze %dma_wait3A_266 : memref<1x128x16xf32, #tpu.memory_space<vmem>> -> memref<128x16xf32, #tpu.memory_space<vmem>>
      %dma_wait3A_268 = arith.constant 0 : i32
      %dma_wait3A_269 = tpu.memref_slice %arg7[%add3A_262, %dma_wait3A_268] : memref<80x128xi32, #tpu.memory_space<vmem>> -> memref<1x128xi32, #tpu.memory_space<vmem>>
      %dma_wait3A_270 = tpu.memref_squeeze %dma_wait3A_269 : memref<1x128xi32, #tpu.memory_space<vmem>> -> memref<128xi32, #tpu.memory_space<vmem>>
      %dma_wait3A_271 = arith.constant 0 : i32
      %dma_wait3A_272 = arith.constant 0 : i32
      %dma_wait3A_273 = tpu.memref_slice %arg14[%dma_wait3A_271, %dma_wait3A_272] : memref<10112x16xf32, #tpu.memory_space<vmem_shared>> -> memref<10112x16xf32, #tpu.memory_space<vmem_shared>>
      tpu.wait_indirect_dma semaphore(%arg18 : memref<!tpu.dma_semaphore, #tpu.memory_space<semaphore_mem>>) src(%dma_wait3A_273 : memref<10112x16xf32, #tpu.memory_space<vmem_shared>>) dst(%dma_wait3A_267 : memref<128x16xf32, #tpu.memory_space<vmem>>)
      %dma_start3A_274 = arith.constant 3 : i32
      %dma_start3A_275 = arith.constant 0 : i32
      %dma_start3A_276 = arith.constant 0 : i32
      %dma_start3A_277 = tpu.memref_slice %arg9[%dma_start3A_274, %dma_start3A_275, %dma_start3A_276] : memref<8x128x16xf32, #tpu.memory_space<vmem>> -> memref<1x128x16xf32, #tpu.memory_space<vmem>>
      %dma_start3A_278 = tpu.memref_squeeze %dma_start3A_277 : memref<1x128x16xf32, #tpu.memory_space<vmem>> -> memref<128x16xf32, #tpu.memory_space<vmem>>
      %dma_start3A_279 = arith.constant 0 : i32
      %dma_start3A_280 = tpu.memref_slice %arg8[%add3A_262, %dma_start3A_279] : memref<80x128xi32, #tpu.memory_space<vmem>> -> memref<1x128xi32, #tpu.memory_space<vmem>>
      %dma_start3A_281 = tpu.memref_squeeze %dma_start3A_280 : memref<1x128xi32, #tpu.memory_space<vmem>> -> memref<128xi32, #tpu.memory_space<vmem>>
      %dma_start3A_282 = arith.constant 0 : i32
      %dma_start3A_283 = arith.constant 0 : i32
      %dma_start3A_284 = tpu.memref_slice %arg13[%dma_start3A_282, %dma_start3A_283] : memref<10112x16xf32, #tpu.memory_space<vmem_shared>> -> memref<10112x16xf32, #tpu.memory_space<vmem_shared>>
      tpu.enqueue_indirect_dma source(%dma_start3A_278 : memref<128x16xf32, #tpu.memory_space<vmem>>) target(%dma_start3A_284 : memref<10112x16xf32, #tpu.memory_space<vmem_shared>>) offsets(%dma_start3A_281 : memref<128xi32, #tpu.memory_space<vmem>>) semaphore(%arg26 : memref<!tpu.dma_semaphore, #tpu.memory_space<semaphore_mem>>) {add = true}
      %add3A_285 = arith.constant 4 : i32
      %add3A_286 = arith.addi %add3A_262, %add3A_285 : i32
      %lt3A_287 = arith.constant 80 : i32
      %lt3A_288 = arith.cmpi slt, %add3A_286, %lt3A_287 : i32
      %convert_element_type3A_289 = arith.extui %lt3A_288 : i1 to i32
      %cond3A_290 = arith.constant 0 : i32
      %cond3A_291 = arith.cmpi ne, %convert_element_type3A_289, %cond3A_290 : i32
      scf.if %cond3A_291 {
        %ge3A = arith.constant 8 : i32
        %ge3A_416 = arith.cmpi sge, %add3A_286, %ge3A : i32
        %convert_element_type3A_417 = arith.extui %ge3A_416 : i1 to i32
        %cond3A_418 = arith.constant 0 : i32
        %cond3A_419 = arith.cmpi ne, %convert_element_type3A_417, %cond3A_418 : i32
        scf.if %cond3A_419 {
          %sub3A = arith.constant 8 : i32
          %sub3A_431 = arith.subi %add3A_286, %sub3A : i32
          %dma_wait3A_432 = arith.constant 7 : i32
          %dma_wait3A_433 = arith.constant 0 : i32
          %dma_wait3A_434 = arith.constant 0 : i32
          %dma_wait3A_435 = tpu.memref_slice %arg9[%dma_wait3A_432, %dma_wait3A_433, %dma_wait3A_434] : memref<8x128x16xf32, #tpu.memory_space<vmem>> -> memref<1x128x16xf32, #tpu.memory_space<vmem>>
          %dma_wait3A_436 = tpu.memref_squeeze %dma_wait3A_435 : memref<1x128x16xf32, #tpu.memory_space<vmem>> -> memref<128x16xf32, #tpu.memory_space<vmem>>
          %dma_wait3A_437 = arith.constant 0 : i32
          %dma_wait3A_438 = tpu.memref_slice %arg8[%sub3A_431, %dma_wait3A_437] : memref<80x128xi32, #tpu.memory_space<vmem>> -> memref<1x128xi32, #tpu.memory_space<vmem>>
          %dma_wait3A_439 = tpu.memref_squeeze %dma_wait3A_438 : memref<1x128xi32, #tpu.memory_space<vmem>> -> memref<128xi32, #tpu.memory_space<vmem>>
          %dma_wait3A_440 = arith.constant 0 : i32
          %dma_wait3A_441 = arith.constant 0 : i32
          %dma_wait3A_442 = tpu.memref_slice %arg13[%dma_wait3A_440, %dma_wait3A_441] : memref<10112x16xf32, #tpu.memory_space<vmem_shared>> -> memref<10112x16xf32, #tpu.memory_space<vmem_shared>>
          tpu.wait_indirect_dma semaphore(%arg30 : memref<!tpu.dma_semaphore, #tpu.memory_space<semaphore_mem>>) src(%dma_wait3A_436 : memref<128x16xf32, #tpu.memory_space<vmem>>) dst(%dma_wait3A_442 : memref<10112x16xf32, #tpu.memory_space<vmem_shared>>)
        } else {
        }
        %dma_start3A_420 = arith.constant 7 : i32
        %dma_start3A_421 = arith.constant 0 : i32
        %dma_start3A_422 = arith.constant 0 : i32
        %dma_start3A_423 = tpu.memref_slice %arg9[%dma_start3A_420, %dma_start3A_421, %dma_start3A_422] : memref<8x128x16xf32, #tpu.memory_space<vmem>> -> memref<1x128x16xf32, #tpu.memory_space<vmem>>
        %dma_start3A_424 = tpu.memref_squeeze %dma_start3A_423 : memref<1x128x16xf32, #tpu.memory_space<vmem>> -> memref<128x16xf32, #tpu.memory_space<vmem>>
        %dma_start3A_425 = arith.constant 0 : i32
        %dma_start3A_426 = tpu.memref_slice %arg7[%add3A_286, %dma_start3A_425] : memref<80x128xi32, #tpu.memory_space<vmem>> -> memref<1x128xi32, #tpu.memory_space<vmem>>
        %dma_start3A_427 = tpu.memref_squeeze %dma_start3A_426 : memref<1x128xi32, #tpu.memory_space<vmem>> -> memref<128xi32, #tpu.memory_space<vmem>>
        %dma_start3A_428 = arith.constant 0 : i32
        %dma_start3A_429 = arith.constant 0 : i32
        %dma_start3A_430 = tpu.memref_slice %arg14[%dma_start3A_428, %dma_start3A_429] : memref<10112x16xf32, #tpu.memory_space<vmem_shared>> -> memref<10112x16xf32, #tpu.memory_space<vmem_shared>>
        tpu.enqueue_indirect_dma source(%dma_start3A_430 : memref<10112x16xf32, #tpu.memory_space<vmem_shared>>) target(%dma_start3A_424 : memref<128x16xf32, #tpu.memory_space<vmem>>) offsets(%dma_start3A_427 : memref<128xi32, #tpu.memory_space<vmem>>) semaphore(%arg22 : memref<!tpu.dma_semaphore, #tpu.memory_space<semaphore_mem>>)
      } else {
      }
      %add3A_292 = arith.constant 4 : i32
      %add3A_293 = arith.addi %mul3A_170, %add3A_292 : i32
      %dma_wait3A_294 = arith.constant 4 : i32
      %dma_wait3A_295 = arith.constant 0 : i32
      %dma_wait3A_296 = arith.constant 0 : i32
      %dma_wait3A_297 = tpu.memref_slice %arg9[%dma_wait3A_294, %dma_wait3A_295, %dma_wait3A_296] : memref<8x128x16xf32, #tpu.memory_space<vmem>> -> memref<1x128x16xf32, #tpu.memory_space<vmem>>
      %dma_wait3A_298 = tpu.memref_squeeze %dma_wait3A_297 : memref<1x128x16xf32, #tpu.memory_space<vmem>> -> memref<128x16xf32, #tpu.memory_space<vmem>>
      %dma_wait3A_299 = arith.constant 0 : i32
      %dma_wait3A_300 = tpu.memref_slice %arg7[%add3A_293, %dma_wait3A_299] : memref<80x128xi32, #tpu.memory_space<vmem>> -> memref<1x128xi32, #tpu.memory_space<vmem>>
      %dma_wait3A_301 = tpu.memref_squeeze %dma_wait3A_300 : memref<1x128xi32, #tpu.memory_space<vmem>> -> memref<128xi32, #tpu.memory_space<vmem>>
      %dma_wait3A_302 = arith.constant 0 : i32
      %dma_wait3A_303 = arith.constant 0 : i32
      %dma_wait3A_304 = tpu.memref_slice %arg14[%dma_wait3A_302, %dma_wait3A_303] : memref<10112x16xf32, #tpu.memory_space<vmem_shared>> -> memref<10112x16xf32, #tpu.memory_space<vmem_shared>>
      tpu.wait_indirect_dma semaphore(%arg19 : memref<!tpu.dma_semaphore, #tpu.memory_space<semaphore_mem>>) src(%dma_wait3A_304 : memref<10112x16xf32, #tpu.memory_space<vmem_shared>>) dst(%dma_wait3A_298 : memref<128x16xf32, #tpu.memory_space<vmem>>)
      %dma_start3A_305 = arith.constant 4 : i32
      %dma_start3A_306 = arith.constant 0 : i32
      %dma_start3A_307 = arith.constant 0 : i32
      %dma_start3A_308 = tpu.memref_slice %arg9[%dma_start3A_305, %dma_start3A_306, %dma_start3A_307] : memref<8x128x16xf32, #tpu.memory_space<vmem>> -> memref<1x128x16xf32, #tpu.memory_space<vmem>>
      %dma_start3A_309 = tpu.memref_squeeze %dma_start3A_308 : memref<1x128x16xf32, #tpu.memory_space<vmem>> -> memref<128x16xf32, #tpu.memory_space<vmem>>
      %dma_start3A_310 = arith.constant 0 : i32
      %dma_start3A_311 = tpu.memref_slice %arg8[%add3A_293, %dma_start3A_310] : memref<80x128xi32, #tpu.memory_space<vmem>> -> memref<1x128xi32, #tpu.memory_space<vmem>>
      %dma_start3A_312 = tpu.memref_squeeze %dma_start3A_311 : memref<1x128xi32, #tpu.memory_space<vmem>> -> memref<128xi32, #tpu.memory_space<vmem>>
      %dma_start3A_313 = arith.constant 0 : i32
      %dma_start3A_314 = arith.constant 0 : i32
      %dma_start3A_315 = tpu.memref_slice %arg13[%dma_start3A_313, %dma_start3A_314] : memref<10112x16xf32, #tpu.memory_space<vmem_shared>> -> memref<10112x16xf32, #tpu.memory_space<vmem_shared>>
      tpu.enqueue_indirect_dma source(%dma_start3A_309 : memref<128x16xf32, #tpu.memory_space<vmem>>) target(%dma_start3A_315 : memref<10112x16xf32, #tpu.memory_space<vmem_shared>>) offsets(%dma_start3A_312 : memref<128xi32, #tpu.memory_space<vmem>>) semaphore(%arg27 : memref<!tpu.dma_semaphore, #tpu.memory_space<semaphore_mem>>) {add = true}
      %add3A_316 = arith.constant 4 : i32
      %add3A_317 = arith.addi %add3A_293, %add3A_316 : i32
      %lt3A_318 = arith.constant 80 : i32
      %lt3A_319 = arith.cmpi slt, %add3A_317, %lt3A_318 : i32
      %convert_element_type3A_320 = arith.extui %lt3A_319 : i1 to i32
      %cond3A_321 = arith.constant 0 : i32
      %cond3A_322 = arith.cmpi ne, %convert_element_type3A_320, %cond3A_321 : i32
      scf.if %cond3A_322 {
        %ge3A = arith.constant 8 : i32
        %ge3A_416 = arith.cmpi sge, %add3A_317, %ge3A : i32
        %convert_element_type3A_417 = arith.extui %ge3A_416 : i1 to i32
        %cond3A_418 = arith.constant 0 : i32
        %cond3A_419 = arith.cmpi ne, %convert_element_type3A_417, %cond3A_418 : i32
        scf.if %cond3A_419 {
          %sub3A = arith.constant 8 : i32
          %sub3A_431 = arith.subi %add3A_317, %sub3A : i32
          %dma_wait3A_432 = arith.constant 0 : i32
          %dma_wait3A_433 = arith.constant 0 : i32
          %dma_wait3A_434 = arith.constant 0 : i32
          %dma_wait3A_435 = tpu.memref_slice %arg9[%dma_wait3A_432, %dma_wait3A_433, %dma_wait3A_434] : memref<8x128x16xf32, #tpu.memory_space<vmem>> -> memref<1x128x16xf32, #tpu.memory_space<vmem>>
          %dma_wait3A_436 = tpu.memref_squeeze %dma_wait3A_435 : memref<1x128x16xf32, #tpu.memory_space<vmem>> -> memref<128x16xf32, #tpu.memory_space<vmem>>
          %dma_wait3A_437 = arith.constant 0 : i32
          %dma_wait3A_438 = tpu.memref_slice %arg8[%sub3A_431, %dma_wait3A_437] : memref<80x128xi32, #tpu.memory_space<vmem>> -> memref<1x128xi32, #tpu.memory_space<vmem>>
          %dma_wait3A_439 = tpu.memref_squeeze %dma_wait3A_438 : memref<1x128xi32, #tpu.memory_space<vmem>> -> memref<128xi32, #tpu.memory_space<vmem>>
          %dma_wait3A_440 = arith.constant 0 : i32
          %dma_wait3A_441 = arith.constant 0 : i32
          %dma_wait3A_442 = tpu.memref_slice %arg13[%dma_wait3A_440, %dma_wait3A_441] : memref<10112x16xf32, #tpu.memory_space<vmem_shared>> -> memref<10112x16xf32, #tpu.memory_space<vmem_shared>>
          tpu.wait_indirect_dma semaphore(%arg23 : memref<!tpu.dma_semaphore, #tpu.memory_space<semaphore_mem>>) src(%dma_wait3A_436 : memref<128x16xf32, #tpu.memory_space<vmem>>) dst(%dma_wait3A_442 : memref<10112x16xf32, #tpu.memory_space<vmem_shared>>)
        } else {
        }
        %dma_start3A_420 = arith.constant 0 : i32
        %dma_start3A_421 = arith.constant 0 : i32
        %dma_start3A_422 = arith.constant 0 : i32
        %dma_start3A_423 = tpu.memref_slice %arg9[%dma_start3A_420, %dma_start3A_421, %dma_start3A_422] : memref<8x128x16xf32, #tpu.memory_space<vmem>> -> memref<1x128x16xf32, #tpu.memory_space<vmem>>
        %dma_start3A_424 = tpu.memref_squeeze %dma_start3A_423 : memref<1x128x16xf32, #tpu.memory_space<vmem>> -> memref<128x16xf32, #tpu.memory_space<vmem>>
        %dma_start3A_425 = arith.constant 0 : i32
        %dma_start3A_426 = tpu.memref_slice %arg7[%add3A_317, %dma_start3A_425] : memref<80x128xi32, #tpu.memory_space<vmem>> -> memref<1x128xi32, #tpu.memory_space<vmem>>
        %dma_start3A_427 = tpu.memref_squeeze %dma_start3A_426 : memref<1x128xi32, #tpu.memory_space<vmem>> -> memref<128xi32, #tpu.memory_space<vmem>>
        %dma_start3A_428 = arith.constant 0 : i32
        %dma_start3A_429 = arith.constant 0 : i32
        %dma_start3A_430 = tpu.memref_slice %arg14[%dma_start3A_428, %dma_start3A_429] : memref<10112x16xf32, #tpu.memory_space<vmem_shared>> -> memref<10112x16xf32, #tpu.memory_space<vmem_shared>>
        tpu.enqueue_indirect_dma source(%dma_start3A_430 : memref<10112x16xf32, #tpu.memory_space<vmem_shared>>) target(%dma_start3A_424 : memref<128x16xf32, #tpu.memory_space<vmem>>) offsets(%dma_start3A_427 : memref<128xi32, #tpu.memory_space<vmem>>) semaphore(%arg15 : memref<!tpu.dma_semaphore, #tpu.memory_space<semaphore_mem>>)
      } else {
      }
      %add3A_323 = arith.constant 5 : i32
      %add3A_324 = arith.addi %mul3A_170, %add3A_323 : i32
      %dma_wait3A_325 = arith.constant 5 : i32
      %dma_wait3A_326 = arith.constant 0 : i32
      %dma_wait3A_327 = arith.constant 0 : i32
      %dma_wait3A_328 = tpu.memref_slice %arg9[%dma_wait3A_325, %dma_wait3A_326, %dma_wait3A_327] : memref<8x128x16xf32, #tpu.memory_space<vmem>> -> memref<1x128x16xf32, #tpu.memory_space<vmem>>
      %dma_wait3A_329 = tpu.memref_squeeze %dma_wait3A_328 : memref<1x128x16xf32, #tpu.memory_space<vmem>> -> memref<128x16xf32, #tpu.memory_space<vmem>>
      %dma_wait3A_330 = arith.constant 0 : i32
      %dma_wait3A_331 = tpu.memref_slice %arg7[%add3A_324, %dma_wait3A_330] : memref<80x128xi32, #tpu.memory_space<vmem>> -> memref<1x128xi32, #tpu.memory_space<vmem>>
      %dma_wait3A_332 = tpu.memref_squeeze %dma_wait3A_331 : memref<1x128xi32, #tpu.memory_space<vmem>> -> memref<128xi32, #tpu.memory_space<vmem>>
      %dma_wait3A_333 = arith.constant 0 : i32
      %dma_wait3A_334 = arith.constant 0 : i32
      %dma_wait3A_335 = tpu.memref_slice %arg14[%dma_wait3A_333, %dma_wait3A_334] : memref<10112x16xf32, #tpu.memory_space<vmem_shared>> -> memref<10112x16xf32, #tpu.memory_space<vmem_shared>>
      tpu.wait_indirect_dma semaphore(%arg20 : memref<!tpu.dma_semaphore, #tpu.memory_space<semaphore_mem>>) src(%dma_wait3A_335 : memref<10112x16xf32, #tpu.memory_space<vmem_shared>>) dst(%dma_wait3A_329 : memref<128x16xf32, #tpu.memory_space<vmem>>)
      %dma_start3A_336 = arith.constant 5 : i32
      %dma_start3A_337 = arith.constant 0 : i32
      %dma_start3A_338 = arith.constant 0 : i32
      %dma_start3A_339 = tpu.memref_slice %arg9[%dma_start3A_336, %dma_start3A_337, %dma_start3A_338] : memref<8x128x16xf32, #tpu.memory_space<vmem>> -> memref<1x128x16xf32, #tpu.memory_space<vmem>>
      %dma_start3A_340 = tpu.memref_squeeze %dma_start3A_339 : memref<1x128x16xf32, #tpu.memory_space<vmem>> -> memref<128x16xf32, #tpu.memory_space<vmem>>
      %dma_start3A_341 = arith.constant 0 : i32
      %dma_start3A_342 = tpu.memref_slice %arg8[%add3A_324, %dma_start3A_341] : memref<80x128xi32, #tpu.memory_space<vmem>> -> memref<1x128xi32, #tpu.memory_space<vmem>>
      %dma_start3A_343 = tpu.memref_squeeze %dma_start3A_342 : memref<1x128xi32, #tpu.memory_space<vmem>> -> memref<128xi32, #tpu.memory_space<vmem>>
      %dma_start3A_344 = arith.constant 0 : i32
      %dma_start3A_345 = arith.constant 0 : i32
      %dma_start3A_346 = tpu.memref_slice %arg13[%dma_start3A_344, %dma_start3A_345] : memref<10112x16xf32, #tpu.memory_space<vmem_shared>> -> memref<10112x16xf32, #tpu.memory_space<vmem_shared>>
      tpu.enqueue_indirect_dma source(%dma_start3A_340 : memref<128x16xf32, #tpu.memory_space<vmem>>) target(%dma_start3A_346 : memref<10112x16xf32, #tpu.memory_space<vmem_shared>>) offsets(%dma_start3A_343 : memref<128xi32, #tpu.memory_space<vmem>>) semaphore(%arg28 : memref<!tpu.dma_semaphore, #tpu.memory_space<semaphore_mem>>) {add = true}
      %add3A_347 = arith.constant 4 : i32
      %add3A_348 = arith.addi %add3A_324, %add3A_347 : i32
      %lt3A_349 = arith.constant 80 : i32
      %lt3A_350 = arith.cmpi slt, %add3A_348, %lt3A_349 : i32
      %convert_element_type3A_351 = arith.extui %lt3A_350 : i1 to i32
      %cond3A_352 = arith.constant 0 : i32
      %cond3A_353 = arith.cmpi ne, %convert_element_type3A_351, %cond3A_352 : i32
      scf.if %cond3A_353 {
        %ge3A = arith.constant 8 : i32
        %ge3A_416 = arith.cmpi sge, %add3A_348, %ge3A : i32
        %convert_element_type3A_417 = arith.extui %ge3A_416 : i1 to i32
        %cond3A_418 = arith.constant 0 : i32
        %cond3A_419 = arith.cmpi ne, %convert_element_type3A_417, %cond3A_418 : i32
        scf.if %cond3A_419 {
          %sub3A = arith.constant 8 : i32
          %sub3A_431 = arith.subi %add3A_348, %sub3A : i32
          %dma_wait3A_432 = arith.constant 1 : i32
          %dma_wait3A_433 = arith.constant 0 : i32
          %dma_wait3A_434 = arith.constant 0 : i32
          %dma_wait3A_435 = tpu.memref_slice %arg9[%dma_wait3A_432, %dma_wait3A_433, %dma_wait3A_434] : memref<8x128x16xf32, #tpu.memory_space<vmem>> -> memref<1x128x16xf32, #tpu.memory_space<vmem>>
          %dma_wait3A_436 = tpu.memref_squeeze %dma_wait3A_435 : memref<1x128x16xf32, #tpu.memory_space<vmem>> -> memref<128x16xf32, #tpu.memory_space<vmem>>
          %dma_wait3A_437 = arith.constant 0 : i32
          %dma_wait3A_438 = tpu.memref_slice %arg8[%sub3A_431, %dma_wait3A_437] : memref<80x128xi32, #tpu.memory_space<vmem>> -> memref<1x128xi32, #tpu.memory_space<vmem>>
          %dma_wait3A_439 = tpu.memref_squeeze %dma_wait3A_438 : memref<1x128xi32, #tpu.memory_space<vmem>> -> memref<128xi32, #tpu.memory_space<vmem>>
          %dma_wait3A_440 = arith.constant 0 : i32
          %dma_wait3A_441 = arith.constant 0 : i32
          %dma_wait3A_442 = tpu.memref_slice %arg13[%dma_wait3A_440, %dma_wait3A_441] : memref<10112x16xf32, #tpu.memory_space<vmem_shared>> -> memref<10112x16xf32, #tpu.memory_space<vmem_shared>>
          tpu.wait_indirect_dma semaphore(%arg24 : memref<!tpu.dma_semaphore, #tpu.memory_space<semaphore_mem>>) src(%dma_wait3A_436 : memref<128x16xf32, #tpu.memory_space<vmem>>) dst(%dma_wait3A_442 : memref<10112x16xf32, #tpu.memory_space<vmem_shared>>)
        } else {
        }
        %dma_start3A_420 = arith.constant 1 : i32
        %dma_start3A_421 = arith.constant 0 : i32
        %dma_start3A_422 = arith.constant 0 : i32
        %dma_start3A_423 = tpu.memref_slice %arg9[%dma_start3A_420, %dma_start3A_421, %dma_start3A_422] : memref<8x128x16xf32, #tpu.memory_space<vmem>> -> memref<1x128x16xf32, #tpu.memory_space<vmem>>
        %dma_start3A_424 = tpu.memref_squeeze %dma_start3A_423 : memref<1x128x16xf32, #tpu.memory_space<vmem>> -> memref<128x16xf32, #tpu.memory_space<vmem>>
        %dma_start3A_425 = arith.constant 0 : i32
        %dma_start3A_426 = tpu.memref_slice %arg7[%add3A_348, %dma_start3A_425] : memref<80x128xi32, #tpu.memory_space<vmem>> -> memref<1x128xi32, #tpu.memory_space<vmem>>
        %dma_start3A_427 = tpu.memref_squeeze %dma_start3A_426 : memref<1x128xi32, #tpu.memory_space<vmem>> -> memref<128xi32, #tpu.memory_space<vmem>>
        %dma_start3A_428 = arith.constant 0 : i32
        %dma_start3A_429 = arith.constant 0 : i32
        %dma_start3A_430 = tpu.memref_slice %arg14[%dma_start3A_428, %dma_start3A_429] : memref<10112x16xf32, #tpu.memory_space<vmem_shared>> -> memref<10112x16xf32, #tpu.memory_space<vmem_shared>>
        tpu.enqueue_indirect_dma source(%dma_start3A_430 : memref<10112x16xf32, #tpu.memory_space<vmem_shared>>) target(%dma_start3A_424 : memref<128x16xf32, #tpu.memory_space<vmem>>) offsets(%dma_start3A_427 : memref<128xi32, #tpu.memory_space<vmem>>) semaphore(%arg16 : memref<!tpu.dma_semaphore, #tpu.memory_space<semaphore_mem>>)
      } else {
      }
      %add3A_354 = arith.constant 6 : i32
      %add3A_355 = arith.addi %mul3A_170, %add3A_354 : i32
      %dma_wait3A_356 = arith.constant 6 : i32
      %dma_wait3A_357 = arith.constant 0 : i32
      %dma_wait3A_358 = arith.constant 0 : i32
      %dma_wait3A_359 = tpu.memref_slice %arg9[%dma_wait3A_356, %dma_wait3A_357, %dma_wait3A_358] : memref<8x128x16xf32, #tpu.memory_space<vmem>> -> memref<1x128x16xf32, #tpu.memory_space<vmem>>
      %dma_wait3A_360 = tpu.memref_squeeze %dma_wait3A_359 : memref<1x128x16xf32, #tpu.memory_space<vmem>> -> memref<128x16xf32, #tpu.memory_space<vmem>>
      %dma_wait3A_361 = arith.constant 0 : i32
      %dma_wait3A_362 = tpu.memref_slice %arg7[%add3A_355, %dma_wait3A_361] : memref<80x128xi32, #tpu.memory_space<vmem>> -> memref<1x128xi32, #tpu.memory_space<vmem>>
      %dma_wait3A_363 = tpu.memref_squeeze %dma_wait3A_362 : memref<1x128xi32, #tpu.memory_space<vmem>> -> memref<128xi32, #tpu.memory_space<vmem>>
      %dma_wait3A_364 = arith.constant 0 : i32
      %dma_wait3A_365 = arith.constant 0 : i32
      %dma_wait3A_366 = tpu.memref_slice %arg14[%dma_wait3A_364, %dma_wait3A_365] : memref<10112x16xf32, #tpu.memory_space<vmem_shared>> -> memref<10112x16xf32, #tpu.memory_space<vmem_shared>>
      tpu.wait_indirect_dma semaphore(%arg21 : memref<!tpu.dma_semaphore, #tpu.memory_space<semaphore_mem>>) src(%dma_wait3A_366 : memref<10112x16xf32, #tpu.memory_space<vmem_shared>>) dst(%dma_wait3A_360 : memref<128x16xf32, #tpu.memory_space<vmem>>)
      %dma_start3A_367 = arith.constant 6 : i32
      %dma_start3A_368 = arith.constant 0 : i32
      %dma_start3A_369 = arith.constant 0 : i32
      %dma_start3A_370 = tpu.memref_slice %arg9[%dma_start3A_367, %dma_start3A_368, %dma_start3A_369] : memref<8x128x16xf32, #tpu.memory_space<vmem>> -> memref<1x128x16xf32, #tpu.memory_space<vmem>>
      %dma_start3A_371 = tpu.memref_squeeze %dma_start3A_370 : memref<1x128x16xf32, #tpu.memory_space<vmem>> -> memref<128x16xf32, #tpu.memory_space<vmem>>
      %dma_start3A_372 = arith.constant 0 : i32
      %dma_start3A_373 = tpu.memref_slice %arg8[%add3A_355, %dma_start3A_372] : memref<80x128xi32, #tpu.memory_space<vmem>> -> memref<1x128xi32, #tpu.memory_space<vmem>>
      %dma_start3A_374 = tpu.memref_squeeze %dma_start3A_373 : memref<1x128xi32, #tpu.memory_space<vmem>> -> memref<128xi32, #tpu.memory_space<vmem>>
      %dma_start3A_375 = arith.constant 0 : i32
      %dma_start3A_376 = arith.constant 0 : i32
      %dma_start3A_377 = tpu.memref_slice %arg13[%dma_start3A_375, %dma_start3A_376] : memref<10112x16xf32, #tpu.memory_space<vmem_shared>> -> memref<10112x16xf32, #tpu.memory_space<vmem_shared>>
      tpu.enqueue_indirect_dma source(%dma_start3A_371 : memref<128x16xf32, #tpu.memory_space<vmem>>) target(%dma_start3A_377 : memref<10112x16xf32, #tpu.memory_space<vmem_shared>>) offsets(%dma_start3A_374 : memref<128xi32, #tpu.memory_space<vmem>>) semaphore(%arg29 : memref<!tpu.dma_semaphore, #tpu.memory_space<semaphore_mem>>) {add = true}
      %add3A_378 = arith.constant 4 : i32
      %add3A_379 = arith.addi %add3A_355, %add3A_378 : i32
      %lt3A_380 = arith.constant 80 : i32
      %lt3A_381 = arith.cmpi slt, %add3A_379, %lt3A_380 : i32
      %convert_element_type3A_382 = arith.extui %lt3A_381 : i1 to i32
      %cond3A_383 = arith.constant 0 : i32
      %cond3A_384 = arith.cmpi ne, %convert_element_type3A_382, %cond3A_383 : i32
      scf.if %cond3A_384 {
        %ge3A = arith.constant 8 : i32
        %ge3A_416 = arith.cmpi sge, %add3A_379, %ge3A : i32
        %convert_element_type3A_417 = arith.extui %ge3A_416 : i1 to i32
        %cond3A_418 = arith.constant 0 : i32
        %cond3A_419 = arith.cmpi ne, %convert_element_type3A_417, %cond3A_418 : i32
        scf.if %cond3A_419 {
          %sub3A = arith.constant 8 : i32
          %sub3A_431 = arith.subi %add3A_379, %sub3A : i32
          %dma_wait3A_432 = arith.constant 2 : i32
          %dma_wait3A_433 = arith.constant 0 : i32
          %dma_wait3A_434 = arith.constant 0 : i32
          %dma_wait3A_435 = tpu.memref_slice %arg9[%dma_wait3A_432, %dma_wait3A_433, %dma_wait3A_434] : memref<8x128x16xf32, #tpu.memory_space<vmem>> -> memref<1x128x16xf32, #tpu.memory_space<vmem>>
          %dma_wait3A_436 = tpu.memref_squeeze %dma_wait3A_435 : memref<1x128x16xf32, #tpu.memory_space<vmem>> -> memref<128x16xf32, #tpu.memory_space<vmem>>
          %dma_wait3A_437 = arith.constant 0 : i32
          %dma_wait3A_438 = tpu.memref_slice %arg8[%sub3A_431, %dma_wait3A_437] : memref<80x128xi32, #tpu.memory_space<vmem>> -> memref<1x128xi32, #tpu.memory_space<vmem>>
          %dma_wait3A_439 = tpu.memref_squeeze %dma_wait3A_438 : memref<1x128xi32, #tpu.memory_space<vmem>> -> memref<128xi32, #tpu.memory_space<vmem>>
          %dma_wait3A_440 = arith.constant 0 : i32
          %dma_wait3A_441 = arith.constant 0 : i32
          %dma_wait3A_442 = tpu.memref_slice %arg13[%dma_wait3A_440, %dma_wait3A_441] : memref<10112x16xf32, #tpu.memory_space<vmem_shared>> -> memref<10112x16xf32, #tpu.memory_space<vmem_shared>>
          tpu.wait_indirect_dma semaphore(%arg25 : memref<!tpu.dma_semaphore, #tpu.memory_space<semaphore_mem>>) src(%dma_wait3A_436 : memref<128x16xf32, #tpu.memory_space<vmem>>) dst(%dma_wait3A_442 : memref<10112x16xf32, #tpu.memory_space<vmem_shared>>)
        } else {
        }
        %dma_start3A_420 = arith.constant 2 : i32
        %dma_start3A_421 = arith.constant 0 : i32
        %dma_start3A_422 = arith.constant 0 : i32
        %dma_start3A_423 = tpu.memref_slice %arg9[%dma_start3A_420, %dma_start3A_421, %dma_start3A_422] : memref<8x128x16xf32, #tpu.memory_space<vmem>> -> memref<1x128x16xf32, #tpu.memory_space<vmem>>
        %dma_start3A_424 = tpu.memref_squeeze %dma_start3A_423 : memref<1x128x16xf32, #tpu.memory_space<vmem>> -> memref<128x16xf32, #tpu.memory_space<vmem>>
        %dma_start3A_425 = arith.constant 0 : i32
        %dma_start3A_426 = tpu.memref_slice %arg7[%add3A_379, %dma_start3A_425] : memref<80x128xi32, #tpu.memory_space<vmem>> -> memref<1x128xi32, #tpu.memory_space<vmem>>
        %dma_start3A_427 = tpu.memref_squeeze %dma_start3A_426 : memref<1x128xi32, #tpu.memory_space<vmem>> -> memref<128xi32, #tpu.memory_space<vmem>>
        %dma_start3A_428 = arith.constant 0 : i32
        %dma_start3A_429 = arith.constant 0 : i32
        %dma_start3A_430 = tpu.memref_slice %arg14[%dma_start3A_428, %dma_start3A_429] : memref<10112x16xf32, #tpu.memory_space<vmem_shared>> -> memref<10112x16xf32, #tpu.memory_space<vmem_shared>>
        tpu.enqueue_indirect_dma source(%dma_start3A_430 : memref<10112x16xf32, #tpu.memory_space<vmem_shared>>) target(%dma_start3A_424 : memref<128x16xf32, #tpu.memory_space<vmem>>) offsets(%dma_start3A_427 : memref<128xi32, #tpu.memory_space<vmem>>) semaphore(%arg17 : memref<!tpu.dma_semaphore, #tpu.memory_space<semaphore_mem>>)
      } else {
      }
      %add3A_385 = arith.constant 7 : i32
      %add3A_386 = arith.addi %mul3A_170, %add3A_385 : i32
      %dma_wait3A_387 = arith.constant 7 : i32
      %dma_wait3A_388 = arith.constant 0 : i32
      %dma_wait3A_389 = arith.constant 0 : i32
      %dma_wait3A_390 = tpu.memref_slice %arg9[%dma_wait3A_387, %dma_wait3A_388, %dma_wait3A_389] : memref<8x128x16xf32, #tpu.memory_space<vmem>> -> memref<1x128x16xf32, #tpu.memory_space<vmem>>
      %dma_wait3A_391 = tpu.memref_squeeze %dma_wait3A_390 : memref<1x128x16xf32, #tpu.memory_space<vmem>> -> memref<128x16xf32, #tpu.memory_space<vmem>>
      %dma_wait3A_392 = arith.constant 0 : i32
      %dma_wait3A_393 = tpu.memref_slice %arg7[%add3A_386, %dma_wait3A_392] : memref<80x128xi32, #tpu.memory_space<vmem>> -> memref<1x128xi32, #tpu.memory_space<vmem>>
      %dma_wait3A_394 = tpu.memref_squeeze %dma_wait3A_393 : memref<1x128xi32, #tpu.memory_space<vmem>> -> memref<128xi32, #tpu.memory_space<vmem>>
      %dma_wait3A_395 = arith.constant 0 : i32
      %dma_wait3A_396 = arith.constant 0 : i32
      %dma_wait3A_397 = tpu.memref_slice %arg14[%dma_wait3A_395, %dma_wait3A_396] : memref<10112x16xf32, #tpu.memory_space<vmem_shared>> -> memref<10112x16xf32, #tpu.memory_space<vmem_shared>>
      tpu.wait_indirect_dma semaphore(%arg22 : memref<!tpu.dma_semaphore, #tpu.memory_space<semaphore_mem>>) src(%dma_wait3A_397 : memref<10112x16xf32, #tpu.memory_space<vmem_shared>>) dst(%dma_wait3A_391 : memref<128x16xf32, #tpu.memory_space<vmem>>)
      %dma_start3A_398 = arith.constant 7 : i32
      %dma_start3A_399 = arith.constant 0 : i32
      %dma_start3A_400 = arith.constant 0 : i32
      %dma_start3A_401 = tpu.memref_slice %arg9[%dma_start3A_398, %dma_start3A_399, %dma_start3A_400] : memref<8x128x16xf32, #tpu.memory_space<vmem>> -> memref<1x128x16xf32, #tpu.memory_space<vmem>>
      %dma_start3A_402 = tpu.memref_squeeze %dma_start3A_401 : memref<1x128x16xf32, #tpu.memory_space<vmem>> -> memref<128x16xf32, #tpu.memory_space<vmem>>
      %dma_start3A_403 = arith.constant 0 : i32
      %dma_start3A_404 = tpu.memref_slice %arg8[%add3A_386, %dma_start3A_403] : memref<80x128xi32, #tpu.memory_space<vmem>> -> memref<1x128xi32, #tpu.memory_space<vmem>>
      %dma_start3A_405 = tpu.memref_squeeze %dma_start3A_404 : memref<1x128xi32, #tpu.memory_space<vmem>> -> memref<128xi32, #tpu.memory_space<vmem>>
      %dma_start3A_406 = arith.constant 0 : i32
      %dma_start3A_407 = arith.constant 0 : i32
      %dma_start3A_408 = tpu.memref_slice %arg13[%dma_start3A_406, %dma_start3A_407] : memref<10112x16xf32, #tpu.memory_space<vmem_shared>> -> memref<10112x16xf32, #tpu.memory_space<vmem_shared>>
      tpu.enqueue_indirect_dma source(%dma_start3A_402 : memref<128x16xf32, #tpu.memory_space<vmem>>) target(%dma_start3A_408 : memref<10112x16xf32, #tpu.memory_space<vmem_shared>>) offsets(%dma_start3A_405 : memref<128xi32, #tpu.memory_space<vmem>>) semaphore(%arg30 : memref<!tpu.dma_semaphore, #tpu.memory_space<semaphore_mem>>) {add = true}
      %add3A_409 = arith.constant 4 : i32
      %add3A_410 = arith.addi %add3A_386, %add3A_409 : i32
      %lt3A_411 = arith.constant 80 : i32
      %lt3A_412 = arith.cmpi slt, %add3A_410, %lt3A_411 : i32
      %convert_element_type3A_413 = arith.extui %lt3A_412 : i1 to i32
      %cond3A_414 = arith.constant 0 : i32
      %cond3A_415 = arith.cmpi ne, %convert_element_type3A_413, %cond3A_414 : i32
      scf.if %cond3A_415 {
        %ge3A = arith.constant 8 : i32
        %ge3A_416 = arith.cmpi sge, %add3A_410, %ge3A : i32
        %convert_element_type3A_417 = arith.extui %ge3A_416 : i1 to i32
        %cond3A_418 = arith.constant 0 : i32
        %cond3A_419 = arith.cmpi ne, %convert_element_type3A_417, %cond3A_418 : i32
        scf.if %cond3A_419 {
          %sub3A = arith.constant 8 : i32
          %sub3A_431 = arith.subi %add3A_410, %sub3A : i32
          %dma_wait3A_432 = arith.constant 3 : i32
          %dma_wait3A_433 = arith.constant 0 : i32
          %dma_wait3A_434 = arith.constant 0 : i32
          %dma_wait3A_435 = tpu.memref_slice %arg9[%dma_wait3A_432, %dma_wait3A_433, %dma_wait3A_434] : memref<8x128x16xf32, #tpu.memory_space<vmem>> -> memref<1x128x16xf32, #tpu.memory_space<vmem>>
          %dma_wait3A_436 = tpu.memref_squeeze %dma_wait3A_435 : memref<1x128x16xf32, #tpu.memory_space<vmem>> -> memref<128x16xf32, #tpu.memory_space<vmem>>
          %dma_wait3A_437 = arith.constant 0 : i32
          %dma_wait3A_438 = tpu.memref_slice %arg8[%sub3A_431, %dma_wait3A_437] : memref<80x128xi32, #tpu.memory_space<vmem>> -> memref<1x128xi32, #tpu.memory_space<vmem>>
          %dma_wait3A_439 = tpu.memref_squeeze %dma_wait3A_438 : memref<1x128xi32, #tpu.memory_space<vmem>> -> memref<128xi32, #tpu.memory_space<vmem>>
          %dma_wait3A_440 = arith.constant 0 : i32
          %dma_wait3A_441 = arith.constant 0 : i32
          %dma_wait3A_442 = tpu.memref_slice %arg13[%dma_wait3A_440, %dma_wait3A_441] : memref<10112x16xf32, #tpu.memory_space<vmem_shared>> -> memref<10112x16xf32, #tpu.memory_space<vmem_shared>>
          tpu.wait_indirect_dma semaphore(%arg26 : memref<!tpu.dma_semaphore, #tpu.memory_space<semaphore_mem>>) src(%dma_wait3A_436 : memref<128x16xf32, #tpu.memory_space<vmem>>) dst(%dma_wait3A_442 : memref<10112x16xf32, #tpu.memory_space<vmem_shared>>)
        } else {
        }
        %dma_start3A_420 = arith.constant 3 : i32
        %dma_start3A_421 = arith.constant 0 : i32
        %dma_start3A_422 = arith.constant 0 : i32
        %dma_start3A_423 = tpu.memref_slice %arg9[%dma_start3A_420, %dma_start3A_421, %dma_start3A_422] : memref<8x128x16xf32, #tpu.memory_space<vmem>> -> memref<1x128x16xf32, #tpu.memory_space<vmem>>
        %dma_start3A_424 = tpu.memref_squeeze %dma_start3A_423 : memref<1x128x16xf32, #tpu.memory_space<vmem>> -> memref<128x16xf32, #tpu.memory_space<vmem>>
        %dma_start3A_425 = arith.constant 0 : i32
        %dma_start3A_426 = tpu.memref_slice %arg7[%add3A_410, %dma_start3A_425] : memref<80x128xi32, #tpu.memory_space<vmem>> -> memref<1x128xi32, #tpu.memory_space<vmem>>
        %dma_start3A_427 = tpu.memref_squeeze %dma_start3A_426 : memref<1x128xi32, #tpu.memory_space<vmem>> -> memref<128xi32, #tpu.memory_space<vmem>>
        %dma_start3A_428 = arith.constant 0 : i32
        %dma_start3A_429 = arith.constant 0 : i32
        %dma_start3A_430 = tpu.memref_slice %arg14[%dma_start3A_428, %dma_start3A_429] : memref<10112x16xf32, #tpu.memory_space<vmem_shared>> -> memref<10112x16xf32, #tpu.memory_space<vmem_shared>>
        tpu.enqueue_indirect_dma source(%dma_start3A_430 : memref<10112x16xf32, #tpu.memory_space<vmem_shared>>) target(%dma_start3A_424 : memref<128x16xf32, #tpu.memory_space<vmem>>) offsets(%dma_start3A_427 : memref<128xi32, #tpu.memory_space<vmem>>) semaphore(%arg18 : memref<!tpu.dma_semaphore, #tpu.memory_space<semaphore_mem>>)
      } else {
      }
    }
    %scan3A_67 = arith.constant 10 : i32
    %dma_wait3A = arith.constant 0 : i32
    %dma_wait3A_68 = arith.constant 72 : i32
    %dma_wait3A_69 = arith.constant 0 : i32
    %dma_wait3A_70 = arith.constant 0 : i32
    %dma_wait3A_71 = tpu.memref_slice %arg9[%dma_wait3A, %dma_wait3A_69, %dma_wait3A_70] : memref<8x128x16xf32, #tpu.memory_space<vmem>> -> memref<1x128x16xf32, #tpu.memory_space<vmem>>
    %dma_wait3A_72 = tpu.memref_squeeze %dma_wait3A_71 : memref<1x128x16xf32, #tpu.memory_space<vmem>> -> memref<128x16xf32, #tpu.memory_space<vmem>>
    %dma_wait3A_73 = arith.constant 0 : i32
    %dma_wait3A_74 = tpu.memref_slice %arg8[%dma_wait3A_68, %dma_wait3A_73] : memref<80x128xi32, #tpu.memory_space<vmem>> -> memref<1x128xi32, #tpu.memory_space<vmem>>
    %dma_wait3A_75 = tpu.memref_squeeze %dma_wait3A_74 : memref<1x128xi32, #tpu.memory_space<vmem>> -> memref<128xi32, #tpu.memory_space<vmem>>
    %dma_wait3A_76 = arith.constant 0 : i32
    %dma_wait3A_77 = arith.constant 0 : i32
    %dma_wait3A_78 = tpu.memref_slice %arg13[%dma_wait3A_76, %dma_wait3A_77] : memref<10112x16xf32, #tpu.memory_space<vmem_shared>> -> memref<10112x16xf32, #tpu.memory_space<vmem_shared>>
    tpu.wait_indirect_dma semaphore(%arg23 : memref<!tpu.dma_semaphore, #tpu.memory_space<semaphore_mem>>) src(%dma_wait3A_72 : memref<128x16xf32, #tpu.memory_space<vmem>>) dst(%dma_wait3A_78 : memref<10112x16xf32, #tpu.memory_space<vmem_shared>>)
    %dma_wait3A_79 = arith.constant 1 : i32
    %dma_wait3A_80 = arith.constant 73 : i32
    %dma_wait3A_81 = arith.constant 0 : i32
    %dma_wait3A_82 = arith.constant 0 : i32
    %dma_wait3A_83 = tpu.memref_slice %arg9[%dma_wait3A_79, %dma_wait3A_81, %dma_wait3A_82] : memref<8x128x16xf32, #tpu.memory_space<vmem>> -> memref<1x128x16xf32, #tpu.memory_space<vmem>>
    %dma_wait3A_84 = tpu.memref_squeeze %dma_wait3A_83 : memref<1x128x16xf32, #tpu.memory_space<vmem>> -> memref<128x16xf32, #tpu.memory_space<vmem>>
    %dma_wait3A_85 = arith.constant 0 : i32
    %dma_wait3A_86 = tpu.memref_slice %arg8[%dma_wait3A_80, %dma_wait3A_85] : memref<80x128xi32, #tpu.memory_space<vmem>> -> memref<1x128xi32, #tpu.memory_space<vmem>>
    %dma_wait3A_87 = tpu.memref_squeeze %dma_wait3A_86 : memref<1x128xi32, #tpu.memory_space<vmem>> -> memref<128xi32, #tpu.memory_space<vmem>>
    %dma_wait3A_88 = arith.constant 0 : i32
    %dma_wait3A_89 = arith.constant 0 : i32
    %dma_wait3A_90 = tpu.memref_slice %arg13[%dma_wait3A_88, %dma_wait3A_89] : memref<10112x16xf32, #tpu.memory_space<vmem_shared>> -> memref<10112x16xf32, #tpu.memory_space<vmem_shared>>
    tpu.wait_indirect_dma semaphore(%arg24 : memref<!tpu.dma_semaphore, #tpu.memory_space<semaphore_mem>>) src(%dma_wait3A_84 : memref<128x16xf32, #tpu.memory_space<vmem>>) dst(%dma_wait3A_90 : memref<10112x16xf32, #tpu.memory_space<vmem_shared>>)
    %dma_wait3A_91 = arith.constant 2 : i32
    %dma_wait3A_92 = arith.constant 74 : i32
    %dma_wait3A_93 = arith.constant 0 : i32
    %dma_wait3A_94 = arith.constant 0 : i32
    %dma_wait3A_95 = tpu.memref_slice %arg9[%dma_wait3A_91, %dma_wait3A_93, %dma_wait3A_94] : memref<8x128x16xf32, #tpu.memory_space<vmem>> -> memref<1x128x16xf32, #tpu.memory_space<vmem>>
    %dma_wait3A_96 = tpu.memref_squeeze %dma_wait3A_95 : memref<1x128x16xf32, #tpu.memory_space<vmem>> -> memref<128x16xf32, #tpu.memory_space<vmem>>
    %dma_wait3A_97 = arith.constant 0 : i32
    %dma_wait3A_98 = tpu.memref_slice %arg8[%dma_wait3A_92, %dma_wait3A_97] : memref<80x128xi32, #tpu.memory_space<vmem>> -> memref<1x128xi32, #tpu.memory_space<vmem>>
    %dma_wait3A_99 = tpu.memref_squeeze %dma_wait3A_98 : memref<1x128xi32, #tpu.memory_space<vmem>> -> memref<128xi32, #tpu.memory_space<vmem>>
    %dma_wait3A_100 = arith.constant 0 : i32
    %dma_wait3A_101 = arith.constant 0 : i32
    %dma_wait3A_102 = tpu.memref_slice %arg13[%dma_wait3A_100, %dma_wait3A_101] : memref<10112x16xf32, #tpu.memory_space<vmem_shared>> -> memref<10112x16xf32, #tpu.memory_space<vmem_shared>>
    tpu.wait_indirect_dma semaphore(%arg25 : memref<!tpu.dma_semaphore, #tpu.memory_space<semaphore_mem>>) src(%dma_wait3A_96 : memref<128x16xf32, #tpu.memory_space<vmem>>) dst(%dma_wait3A_102 : memref<10112x16xf32, #tpu.memory_space<vmem_shared>>)
    %dma_wait3A_103 = arith.constant 3 : i32
    %dma_wait3A_104 = arith.constant 75 : i32
    %dma_wait3A_105 = arith.constant 0 : i32
    %dma_wait3A_106 = arith.constant 0 : i32
    %dma_wait3A_107 = tpu.memref_slice %arg9[%dma_wait3A_103, %dma_wait3A_105, %dma_wait3A_106] : memref<8x128x16xf32, #tpu.memory_space<vmem>> -> memref<1x128x16xf32, #tpu.memory_space<vmem>>
    %dma_wait3A_108 = tpu.memref_squeeze %dma_wait3A_107 : memref<1x128x16xf32, #tpu.memory_space<vmem>> -> memref<128x16xf32, #tpu.memory_space<vmem>>
    %dma_wait3A_109 = arith.constant 0 : i32
    %dma_wait3A_110 = tpu.memref_slice %arg8[%dma_wait3A_104, %dma_wait3A_109] : memref<80x128xi32, #tpu.memory_space<vmem>> -> memref<1x128xi32, #tpu.memory_space<vmem>>
    %dma_wait3A_111 = tpu.memref_squeeze %dma_wait3A_110 : memref<1x128xi32, #tpu.memory_space<vmem>> -> memref<128xi32, #tpu.memory_space<vmem>>
    %dma_wait3A_112 = arith.constant 0 : i32
    %dma_wait3A_113 = arith.constant 0 : i32
    %dma_wait3A_114 = tpu.memref_slice %arg13[%dma_wait3A_112, %dma_wait3A_113] : memref<10112x16xf32, #tpu.memory_space<vmem_shared>> -> memref<10112x16xf32, #tpu.memory_space<vmem_shared>>
    tpu.wait_indirect_dma semaphore(%arg26 : memref<!tpu.dma_semaphore, #tpu.memory_space<semaphore_mem>>) src(%dma_wait3A_108 : memref<128x16xf32, #tpu.memory_space<vmem>>) dst(%dma_wait3A_114 : memref<10112x16xf32, #tpu.memory_space<vmem_shared>>)
    %dma_wait3A_115 = arith.constant 4 : i32
    %dma_wait3A_116 = arith.constant 76 : i32
    %dma_wait3A_117 = arith.constant 0 : i32
    %dma_wait3A_118 = arith.constant 0 : i32
    %dma_wait3A_119 = tpu.memref_slice %arg9[%dma_wait3A_115, %dma_wait3A_117, %dma_wait3A_118] : memref<8x128x16xf32, #tpu.memory_space<vmem>> -> memref<1x128x16xf32, #tpu.memory_space<vmem>>
    %dma_wait3A_120 = tpu.memref_squeeze %dma_wait3A_119 : memref<1x128x16xf32, #tpu.memory_space<vmem>> -> memref<128x16xf32, #tpu.memory_space<vmem>>
    %dma_wait3A_121 = arith.constant 0 : i32
    %dma_wait3A_122 = tpu.memref_slice %arg8[%dma_wait3A_116, %dma_wait3A_121] : memref<80x128xi32, #tpu.memory_space<vmem>> -> memref<1x128xi32, #tpu.memory_space<vmem>>
    %dma_wait3A_123 = tpu.memref_squeeze %dma_wait3A_122 : memref<1x128xi32, #tpu.memory_space<vmem>> -> memref<128xi32, #tpu.memory_space<vmem>>
    %dma_wait3A_124 = arith.constant 0 : i32
    %dma_wait3A_125 = arith.constant 0 : i32
    %dma_wait3A_126 = tpu.memref_slice %arg13[%dma_wait3A_124, %dma_wait3A_125] : memref<10112x16xf32, #tpu.memory_space<vmem_shared>> -> memref<10112x16xf32, #tpu.memory_space<vmem_shared>>
    tpu.wait_indirect_dma semaphore(%arg27 : memref<!tpu.dma_semaphore, #tpu.memory_space<semaphore_mem>>) src(%dma_wait3A_120 : memref<128x16xf32, #tpu.memory_space<vmem>>) dst(%dma_wait3A_126 : memref<10112x16xf32, #tpu.memory_space<vmem_shared>>)
    %dma_wait3A_127 = arith.constant 5 : i32
    %dma_wait3A_128 = arith.constant 77 : i32
    %dma_wait3A_129 = arith.constant 0 : i32
    %dma_wait3A_130 = arith.constant 0 : i32
    %dma_wait3A_131 = tpu.memref_slice %arg9[%dma_wait3A_127, %dma_wait3A_129, %dma_wait3A_130] : memref<8x128x16xf32, #tpu.memory_space<vmem>> -> memref<1x128x16xf32, #tpu.memory_space<vmem>>
    %dma_wait3A_132 = tpu.memref_squeeze %dma_wait3A_131 : memref<1x128x16xf32, #tpu.memory_space<vmem>> -> memref<128x16xf32, #tpu.memory_space<vmem>>
    %dma_wait3A_133 = arith.constant 0 : i32
    %dma_wait3A_134 = tpu.memref_slice %arg8[%dma_wait3A_128, %dma_wait3A_133] : memref<80x128xi32, #tpu.memory_space<vmem>> -> memref<1x128xi32, #tpu.memory_space<vmem>>
    %dma_wait3A_135 = tpu.memref_squeeze %dma_wait3A_134 : memref<1x128xi32, #tpu.memory_space<vmem>> -> memref<128xi32, #tpu.memory_space<vmem>>
    %dma_wait3A_136 = arith.constant 0 : i32
    %dma_wait3A_137 = arith.constant 0 : i32
    %dma_wait3A_138 = tpu.memref_slice %arg13[%dma_wait3A_136, %dma_wait3A_137] : memref<10112x16xf32, #tpu.memory_space<vmem_shared>> -> memref<10112x16xf32, #tpu.memory_space<vmem_shared>>
    tpu.wait_indirect_dma semaphore(%arg28 : memref<!tpu.dma_semaphore, #tpu.memory_space<semaphore_mem>>) src(%dma_wait3A_132 : memref<128x16xf32, #tpu.memory_space<vmem>>) dst(%dma_wait3A_138 : memref<10112x16xf32, #tpu.memory_space<vmem_shared>>)
    %dma_wait3A_139 = arith.constant 6 : i32
    %dma_wait3A_140 = arith.constant 78 : i32
    %dma_wait3A_141 = arith.constant 0 : i32
    %dma_wait3A_142 = arith.constant 0 : i32
    %dma_wait3A_143 = tpu.memref_slice %arg9[%dma_wait3A_139, %dma_wait3A_141, %dma_wait3A_142] : memref<8x128x16xf32, #tpu.memory_space<vmem>> -> memref<1x128x16xf32, #tpu.memory_space<vmem>>
    %dma_wait3A_144 = tpu.memref_squeeze %dma_wait3A_143 : memref<1x128x16xf32, #tpu.memory_space<vmem>> -> memref<128x16xf32, #tpu.memory_space<vmem>>
    %dma_wait3A_145 = arith.constant 0 : i32
    %dma_wait3A_146 = tpu.memref_slice %arg8[%dma_wait3A_140, %dma_wait3A_145] : memref<80x128xi32, #tpu.memory_space<vmem>> -> memref<1x128xi32, #tpu.memory_space<vmem>>
    %dma_wait3A_147 = tpu.memref_squeeze %dma_wait3A_146 : memref<1x128xi32, #tpu.memory_space<vmem>> -> memref<128xi32, #tpu.memory_space<vmem>>
    %dma_wait3A_148 = arith.constant 0 : i32
    %dma_wait3A_149 = arith.constant 0 : i32
    %dma_wait3A_150 = tpu.memref_slice %arg13[%dma_wait3A_148, %dma_wait3A_149] : memref<10112x16xf32, #tpu.memory_space<vmem_shared>> -> memref<10112x16xf32, #tpu.memory_space<vmem_shared>>
    tpu.wait_indirect_dma semaphore(%arg29 : memref<!tpu.dma_semaphore, #tpu.memory_space<semaphore_mem>>) src(%dma_wait3A_144 : memref<128x16xf32, #tpu.memory_space<vmem>>) dst(%dma_wait3A_150 : memref<10112x16xf32, #tpu.memory_space<vmem_shared>>)
    %dma_wait3A_151 = arith.constant 7 : i32
    %dma_wait3A_152 = arith.constant 79 : i32
    %dma_wait3A_153 = arith.constant 0 : i32
    %dma_wait3A_154 = arith.constant 0 : i32
    %dma_wait3A_155 = tpu.memref_slice %arg9[%dma_wait3A_151, %dma_wait3A_153, %dma_wait3A_154] : memref<8x128x16xf32, #tpu.memory_space<vmem>> -> memref<1x128x16xf32, #tpu.memory_space<vmem>>
    %dma_wait3A_156 = tpu.memref_squeeze %dma_wait3A_155 : memref<1x128x16xf32, #tpu.memory_space<vmem>> -> memref<128x16xf32, #tpu.memory_space<vmem>>
    %dma_wait3A_157 = arith.constant 0 : i32
    %dma_wait3A_158 = tpu.memref_slice %arg8[%dma_wait3A_152, %dma_wait3A_157] : memref<80x128xi32, #tpu.memory_space<vmem>> -> memref<1x128xi32, #tpu.memory_space<vmem>>
    %dma_wait3A_159 = tpu.memref_squeeze %dma_wait3A_158 : memref<1x128xi32, #tpu.memory_space<vmem>> -> memref<128xi32, #tpu.memory_space<vmem>>
    %dma_wait3A_160 = arith.constant 0 : i32
    %dma_wait3A_161 = arith.constant 0 : i32
    %dma_wait3A_162 = tpu.memref_slice %arg13[%dma_wait3A_160, %dma_wait3A_161] : memref<10112x16xf32, #tpu.memory_space<vmem_shared>> -> memref<10112x16xf32, #tpu.memory_space<vmem_shared>>
    tpu.wait_indirect_dma semaphore(%arg30 : memref<!tpu.dma_semaphore, #tpu.memory_space<semaphore_mem>>) src(%dma_wait3A_156 : memref<128x16xf32, #tpu.memory_space<vmem>>) dst(%dma_wait3A_162 : memref<10112x16xf32, #tpu.memory_space<vmem_shared>>)
    %barrier3A_163 = arith.constant 0 : index
    tpu.barrier barrier_id(%barrier3A_163)
    %mul3A_164 = arith.constant 632 : i32
    %mul3A_165 = arith.muli %arg1, %mul3A_164 : i32
    %mul3A_166 = arith.constant 632 : i32
    %mul3A_167 = arith.muli %arg1, %mul3A_166 : i32
    "tpu.region"() ({
      %run_scoped3A_168 = tpu.sem_alloc : memref<!tpu.dma_semaphore, #tpu.memory_space<semaphore_mem>>
      %dma_start3A_169 = arith.constant 0 : i32
      %dma_start3A_170 = tpu.memref_slice %arg6[%arg0, %mul3A_167, %dma_start3A_169] : memref<2x10112x16xf32, #tpu.memory_space<hbm>> -> memref<1x632x16xf32, #tpu.memory_space<hbm>>
      %dma_start3A_171 = tpu.memref_squeeze %dma_start3A_170 : memref<1x632x16xf32, #tpu.memory_space<hbm>> -> memref<632x16xf32, #tpu.memory_space<hbm>>
      %dma_start3A_172 = arith.constant 0 : i32
      %dma_start3A_173 = tpu.memref_slice %arg13[%mul3A_165, %dma_start3A_172] : memref<10112x16xf32, #tpu.memory_space<vmem_shared>> -> memref<632x16xf32, #tpu.memory_space<vmem_shared>>
      tpu.enqueue_dma source(%dma_start3A_173 : memref<632x16xf32, #tpu.memory_space<vmem_shared>>) target(%dma_start3A_171 : memref<632x16xf32, #tpu.memory_space<hbm>>) target_semaphore(%run_scoped3A_168 : memref<!tpu.dma_semaphore, #tpu.memory_space<semaphore_mem>>)
      %dma_wait3A_174 = arith.constant 0 : i32
      %dma_wait3A_175 = tpu.memref_slice %arg6[%arg0, %mul3A_167, %dma_wait3A_174] : memref<2x10112x16xf32, #tpu.memory_space<hbm>> -> memref<1x632x16xf32, #tpu.memory_space<hbm>>
      %dma_wait3A_176 = tpu.memref_squeeze %dma_wait3A_175 : memref<1x632x16xf32, #tpu.memory_space<hbm>> -> memref<632x16xf32, #tpu.memory_space<hbm>>
      %dma_wait3A_177 = arith.constant 0 : i32
      %dma_wait3A_178 = tpu.memref_slice %arg13[%mul3A_165, %dma_wait3A_177] : memref<10112x16xf32, #tpu.memory_space<vmem_shared>> -> memref<632x16xf32, #tpu.memory_space<vmem_shared>>
      tpu.wait_dma2 semaphore(%run_scoped3A_168 : memref<!tpu.dma_semaphore, #tpu.memory_space<semaphore_mem>>) src(%dma_wait3A_178 : memref<632x16xf32, #tpu.memory_space<vmem_shared>>) dst(%dma_wait3A_176 : memref<632x16xf32, #tpu.memory_space<hbm>>)
      tpu.yield
    }) : () -> ()
    return
  }
}

#map = affine_map<(d0, d1) -> (0, 0, 0, 0)>
#map1 = affine_map<(d0, d1) -> (0)>
module attributes {stable_mosaic.version = 14 : i64} {
  func.func @_deg_dis(%arg0: i32, %arg1: i32, %arg2: memref<2x32x80x128xi32, #tpu.memory_space<hbm>>, %arg3: memref<12288xf32, #tpu.memory_space<hbm>>, %arg4: memref<196608xf32, #tpu.memory_space<hbm>>, %arg5: memref<80x128xi32, #tpu.memory_space<vmem>>, %arg6: memref<12288xf32, #tpu.memory_space<vmem>>, %arg7: memref<16x12288xf32, #tpu.memory_space<vmem_shared>>, %arg8: memref<16x384xf32, #tpu.memory_space<vmem>>, %arg9: memref<6144xf32, #tpu.memory_space<vmem>>) attributes {dimension_semantics = [#tpu.dimension_semantics<core_parallel>, #tpu.dimension_semantics<subcore_parallel>], iteration_bounds = array<i64: 2, 16>, scalar_prefetch = 0 : i64, scratch_operands = 5 : i64, tpu.core_type = #tpu.core_type<sc_vector_subcore>, window_params = [{transform_indices = #map}, {transform_indices = #map1}, {transform_indices = #map1}]} {
    "tpu.region"() ({
      %run_scoped3A_34 = tpu.sem_alloc : memref<!tpu.dma_semaphore, #tpu.memory_space<semaphore_mem>>
      tpu.enqueue_dma source(%arg3 : memref<12288xf32, #tpu.memory_space<hbm>>) target(%arg6 : memref<12288xf32, #tpu.memory_space<vmem>>) target_semaphore(%run_scoped3A_34 : memref<!tpu.dma_semaphore, #tpu.memory_space<semaphore_mem>>)
      tpu.wait_dma2 semaphore(%run_scoped3A_34 : memref<!tpu.dma_semaphore, #tpu.memory_space<semaphore_mem>>) src(%arg3 : memref<12288xf32, #tpu.memory_space<hbm>>) dst(%arg6 : memref<12288xf32, #tpu.memory_space<vmem>>)
      tpu.yield
    }) : () -> ()
    %broadcast_in_dim3A = arith.constant 1.000000e+00 : f32
    %broadcast_in_dim3A_0 = vector.broadcast %broadcast_in_dim3A : f32 to vector<16xf32>
    %mul3A = arith.constant 2 : i32
    %mul3A_1 = arith.muli %mul3A, %arg1 : i32
    %add3A = arith.constant 0 : i32
    %add3A_2 = arith.addi %mul3A_1, %add3A : i32
    %run_scoped3A = arith.constant 1 : i32
    "tpu.region"() ({
      %run_scoped3A_34 = tpu.sem_alloc : memref<!tpu.dma_semaphore, #tpu.memory_space<semaphore_mem>>
      %dma_start3A = arith.constant 0 : i32
      %dma_start3A_35 = arith.constant 0 : i32
      %dma_start3A_36 = tpu.memref_slice %arg2[%run_scoped3A, %add3A_2, %dma_start3A, %dma_start3A_35] : memref<2x32x80x128xi32, #tpu.memory_space<hbm>> -> memref<1x1x80x128xi32, #tpu.memory_space<hbm>>
      %dma_start3A_37 = tpu.memref_squeeze %dma_start3A_36 : memref<1x1x80x128xi32, #tpu.memory_space<hbm>> -> memref<80x128xi32, #tpu.memory_space<hbm>>
      %dma_start3A_38 = arith.constant 0 : i32
      %dma_start3A_39 = arith.constant 0 : i32
      %dma_start3A_40 = tpu.memref_slice %arg2[%run_scoped3A, %add3A_2, %dma_start3A_38, %dma_start3A_39] : memref<2x32x80x128xi32, #tpu.memory_space<hbm>> -> memref<1x1x80x128xi32, #tpu.memory_space<hbm>>
      %dma_start3A_41 = tpu.memref_squeeze %dma_start3A_40 : memref<1x1x80x128xi32, #tpu.memory_space<hbm>> -> memref<80x128xi32, #tpu.memory_space<hbm>>
      tpu.enqueue_dma source(%dma_start3A_41 : memref<80x128xi32, #tpu.memory_space<hbm>>) target(%arg5 : memref<80x128xi32, #tpu.memory_space<vmem>>) target_semaphore(%run_scoped3A_34 : memref<!tpu.dma_semaphore, #tpu.memory_space<semaphore_mem>>)
      %dma_wait3A = arith.constant 0 : i32
      %dma_wait3A_42 = arith.constant 0 : i32
      %dma_wait3A_43 = tpu.memref_slice %arg2[%run_scoped3A, %add3A_2, %dma_wait3A, %dma_wait3A_42] : memref<2x32x80x128xi32, #tpu.memory_space<hbm>> -> memref<1x1x80x128xi32, #tpu.memory_space<hbm>>
      %dma_wait3A_44 = tpu.memref_squeeze %dma_wait3A_43 : memref<1x1x80x128xi32, #tpu.memory_space<hbm>> -> memref<80x128xi32, #tpu.memory_space<hbm>>
      %dma_wait3A_45 = arith.constant 0 : i32
      %dma_wait3A_46 = arith.constant 0 : i32
      %dma_wait3A_47 = tpu.memref_slice %arg2[%run_scoped3A, %add3A_2, %dma_wait3A_45, %dma_wait3A_46] : memref<2x32x80x128xi32, #tpu.memory_space<hbm>> -> memref<1x1x80x128xi32, #tpu.memory_space<hbm>>
      %dma_wait3A_48 = tpu.memref_squeeze %dma_wait3A_47 : memref<1x1x80x128xi32, #tpu.memory_space<hbm>> -> memref<80x128xi32, #tpu.memory_space<hbm>>
      tpu.wait_dma2 semaphore(%run_scoped3A_34 : memref<!tpu.dma_semaphore, #tpu.memory_space<semaphore_mem>>) src(%dma_wait3A_48 : memref<80x128xi32, #tpu.memory_space<hbm>>) dst(%arg5 : memref<80x128xi32, #tpu.memory_space<vmem>>)
      tpu.yield
    }) : () -> ()
    %scan3A = arith.constant 0 : i32
    %scan3A_3 = arith.constant 0 : i32
    %scan3A_4 = arith.constant 80 : i32
    %scan3A_5 = arith.addi %scan3A_3, %scan3A_4 : i32
    %scan3A_6 = arith.constant 1 : i32
    scf.for %scan3A_34 = %scan3A_3 to %scan3A_5 step %scan3A_6  : i32 {
      %get3A = arith.index_cast %scan3A_34 : i32 to index
      %get3A_35 = arith.constant 0 : index
      %get3A_36 = tpu.vector_load %arg5[%get3A, %get3A_35] {strides = array<i32>} : memref<80x128xi32, #tpu.memory_space<vmem>>, vector<16xi32>,
      tpu.vector_store_idx %arg6[%get3A_36], %broadcast_in_dim3A_0 {add = true} : memref<12288xf32, #tpu.memory_space<vmem>>[vector<16xi32>], vector<16xf32>,
      %get3A_37 = arith.index_cast %scan3A_34 : i32 to index
      %get3A_38 = arith.constant 16 : index
      %get3A_39 = tpu.vector_load %arg5[%get3A_37, %get3A_38] {strides = array<i32>} : memref<80x128xi32, #tpu.memory_space<vmem>>, vector<16xi32>,
      tpu.vector_store_idx %arg6[%get3A_39], %broadcast_in_dim3A_0 {add = true} : memref<12288xf32, #tpu.memory_space<vmem>>[vector<16xi32>], vector<16xf32>,
      %get3A_40 = arith.index_cast %scan3A_34 : i32 to index
      %get3A_41 = arith.constant 32 : index
      %get3A_42 = tpu.vector_load %arg5[%get3A_40, %get3A_41] {strides = array<i32>} : memref<80x128xi32, #tpu.memory_space<vmem>>, vector<16xi32>,
      tpu.vector_store_idx %arg6[%get3A_42], %broadcast_in_dim3A_0 {add = true} : memref<12288xf32, #tpu.memory_space<vmem>>[vector<16xi32>], vector<16xf32>,
      %get3A_43 = arith.index_cast %scan3A_34 : i32 to index
      %get3A_44 = arith.constant 48 : index
      %get3A_45 = tpu.vector_load %arg5[%get3A_43, %get3A_44] {strides = array<i32>} : memref<80x128xi32, #tpu.memory_space<vmem>>, vector<16xi32>,
      tpu.vector_store_idx %arg6[%get3A_45], %broadcast_in_dim3A_0 {add = true} : memref<12288xf32, #tpu.memory_space<vmem>>[vector<16xi32>], vector<16xf32>,
      %get3A_46 = arith.index_cast %scan3A_34 : i32 to index
      %get3A_47 = arith.constant 64 : index
      %get3A_48 = tpu.vector_load %arg5[%get3A_46, %get3A_47] {strides = array<i32>} : memref<80x128xi32, #tpu.memory_space<vmem>>, vector<16xi32>,
      tpu.vector_store_idx %arg6[%get3A_48], %broadcast_in_dim3A_0 {add = true} : memref<12288xf32, #tpu.memory_space<vmem>>[vector<16xi32>], vector<16xf32>,
      %get3A_49 = arith.index_cast %scan3A_34 : i32 to index
      %get3A_50 = arith.constant 80 : index
      %get3A_51 = tpu.vector_load %arg5[%get3A_49, %get3A_50] {strides = array<i32>} : memref<80x128xi32, #tpu.memory_space<vmem>>, vector<16xi32>,
      tpu.vector_store_idx %arg6[%get3A_51], %broadcast_in_dim3A_0 {add = true} : memref<12288xf32, #tpu.memory_space<vmem>>[vector<16xi32>], vector<16xf32>,
      %get3A_52 = arith.index_cast %scan3A_34 : i32 to index
      %get3A_53 = arith.constant 96 : index
      %get3A_54 = tpu.vector_load %arg5[%get3A_52, %get3A_53] {strides = array<i32>} : memref<80x128xi32, #tpu.memory_space<vmem>>, vector<16xi32>,
      tpu.vector_store_idx %arg6[%get3A_54], %broadcast_in_dim3A_0 {add = true} : memref<12288xf32, #tpu.memory_space<vmem>>[vector<16xi32>], vector<16xf32>,
      %get3A_55 = arith.index_cast %scan3A_34 : i32 to index
      %get3A_56 = arith.constant 112 : index
      %get3A_57 = tpu.vector_load %arg5[%get3A_55, %get3A_56] {strides = array<i32>} : memref<80x128xi32, #tpu.memory_space<vmem>>, vector<16xi32>,
      tpu.vector_store_idx %arg6[%get3A_57], %broadcast_in_dim3A_0 {add = true} : memref<12288xf32, #tpu.memory_space<vmem>>[vector<16xi32>], vector<16xf32>,
    }
    %scan3A_7 = arith.constant 80 : i32
    %mul3A_8 = arith.constant 2 : i32
    %mul3A_9 = arith.muli %mul3A_8, %arg1 : i32
    %add3A_10 = arith.constant 1 : i32
    %add3A_11 = arith.addi %mul3A_9, %add3A_10 : i32
    %run_scoped3A_12 = arith.constant 1 : i32
    "tpu.region"() ({
      %run_scoped3A_34 = tpu.sem_alloc : memref<!tpu.dma_semaphore, #tpu.memory_space<semaphore_mem>>
      %dma_start3A = arith.constant 0 : i32
      %dma_start3A_35 = arith.constant 0 : i32
      %dma_start3A_36 = tpu.memref_slice %arg2[%run_scoped3A_12, %add3A_11, %dma_start3A, %dma_start3A_35] : memref<2x32x80x128xi32, #tpu.memory_space<hbm>> -> memref<1x1x80x128xi32, #tpu.memory_space<hbm>>
      %dma_start3A_37 = tpu.memref_squeeze %dma_start3A_36 : memref<1x1x80x128xi32, #tpu.memory_space<hbm>> -> memref<80x128xi32, #tpu.memory_space<hbm>>
      %dma_start3A_38 = arith.constant 0 : i32
      %dma_start3A_39 = arith.constant 0 : i32
      %dma_start3A_40 = tpu.memref_slice %arg2[%run_scoped3A_12, %add3A_11, %dma_start3A_38, %dma_start3A_39] : memref<2x32x80x128xi32, #tpu.memory_space<hbm>> -> memref<1x1x80x128xi32, #tpu.memory_space<hbm>>
      %dma_start3A_41 = tpu.memref_squeeze %dma_start3A_40 : memref<1x1x80x128xi32, #tpu.memory_space<hbm>> -> memref<80x128xi32, #tpu.memory_space<hbm>>
      tpu.enqueue_dma source(%dma_start3A_41 : memref<80x128xi32, #tpu.memory_space<hbm>>) target(%arg5 : memref<80x128xi32, #tpu.memory_space<vmem>>) target_semaphore(%run_scoped3A_34 : memref<!tpu.dma_semaphore, #tpu.memory_space<semaphore_mem>>)
      %dma_wait3A = arith.constant 0 : i32
      %dma_wait3A_42 = arith.constant 0 : i32
      %dma_wait3A_43 = tpu.memref_slice %arg2[%run_scoped3A_12, %add3A_11, %dma_wait3A, %dma_wait3A_42] : memref<2x32x80x128xi32, #tpu.memory_space<hbm>> -> memref<1x1x80x128xi32, #tpu.memory_space<hbm>>
      %dma_wait3A_44 = tpu.memref_squeeze %dma_wait3A_43 : memref<1x1x80x128xi32, #tpu.memory_space<hbm>> -> memref<80x128xi32, #tpu.memory_space<hbm>>
      %dma_wait3A_45 = arith.constant 0 : i32
      %dma_wait3A_46 = arith.constant 0 : i32
      %dma_wait3A_47 = tpu.memref_slice %arg2[%run_scoped3A_12, %add3A_11, %dma_wait3A_45, %dma_wait3A_46] : memref<2x32x80x128xi32, #tpu.memory_space<hbm>> -> memref<1x1x80x128xi32, #tpu.memory_space<hbm>>
      %dma_wait3A_48 = tpu.memref_squeeze %dma_wait3A_47 : memref<1x1x80x128xi32, #tpu.memory_space<hbm>> -> memref<80x128xi32, #tpu.memory_space<hbm>>
      tpu.wait_dma2 semaphore(%run_scoped3A_34 : memref<!tpu.dma_semaphore, #tpu.memory_space<semaphore_mem>>) src(%dma_wait3A_48 : memref<80x128xi32, #tpu.memory_space<hbm>>) dst(%arg5 : memref<80x128xi32, #tpu.memory_space<vmem>>)
      tpu.yield
    }) : () -> ()
    %scan3A_13 = arith.constant 0 : i32
    %scan3A_14 = arith.constant 0 : i32
    %scan3A_15 = arith.constant 80 : i32
    %scan3A_16 = arith.addi %scan3A_14, %scan3A_15 : i32
    %scan3A_17 = arith.constant 1 : i32
    scf.for %scan3A_34 = %scan3A_14 to %scan3A_16 step %scan3A_17  : i32 {
      %get3A = arith.index_cast %scan3A_34 : i32 to index
      %get3A_35 = arith.constant 0 : index
      %get3A_36 = tpu.vector_load %arg5[%get3A, %get3A_35] {strides = array<i32>} : memref<80x128xi32, #tpu.memory_space<vmem>>, vector<16xi32>,
      tpu.vector_store_idx %arg6[%get3A_36], %broadcast_in_dim3A_0 {add = true} : memref<12288xf32, #tpu.memory_space<vmem>>[vector<16xi32>], vector<16xf32>,
      %get3A_37 = arith.index_cast %scan3A_34 : i32 to index
      %get3A_38 = arith.constant 16 : index
      %get3A_39 = tpu.vector_load %arg5[%get3A_37, %get3A_38] {strides = array<i32>} : memref<80x128xi32, #tpu.memory_space<vmem>>, vector<16xi32>,
      tpu.vector_store_idx %arg6[%get3A_39], %broadcast_in_dim3A_0 {add = true} : memref<12288xf32, #tpu.memory_space<vmem>>[vector<16xi32>], vector<16xf32>,
      %get3A_40 = arith.index_cast %scan3A_34 : i32 to index
      %get3A_41 = arith.constant 32 : index
      %get3A_42 = tpu.vector_load %arg5[%get3A_40, %get3A_41] {strides = array<i32>} : memref<80x128xi32, #tpu.memory_space<vmem>>, vector<16xi32>,
      tpu.vector_store_idx %arg6[%get3A_42], %broadcast_in_dim3A_0 {add = true} : memref<12288xf32, #tpu.memory_space<vmem>>[vector<16xi32>], vector<16xf32>,
      %get3A_43 = arith.index_cast %scan3A_34 : i32 to index
      %get3A_44 = arith.constant 48 : index
      %get3A_45 = tpu.vector_load %arg5[%get3A_43, %get3A_44] {strides = array<i32>} : memref<80x128xi32, #tpu.memory_space<vmem>>, vector<16xi32>,
      tpu.vector_store_idx %arg6[%get3A_45], %broadcast_in_dim3A_0 {add = true} : memref<12288xf32, #tpu.memory_space<vmem>>[vector<16xi32>], vector<16xf32>,
      %get3A_46 = arith.index_cast %scan3A_34 : i32 to index
      %get3A_47 = arith.constant 64 : index
      %get3A_48 = tpu.vector_load %arg5[%get3A_46, %get3A_47] {strides = array<i32>} : memref<80x128xi32, #tpu.memory_space<vmem>>, vector<16xi32>,
      tpu.vector_store_idx %arg6[%get3A_48], %broadcast_in_dim3A_0 {add = true} : memref<12288xf32, #tpu.memory_space<vmem>>[vector<16xi32>], vector<16xf32>,
      %get3A_49 = arith.index_cast %scan3A_34 : i32 to index
      %get3A_50 = arith.constant 80 : index
      %get3A_51 = tpu.vector_load %arg5[%get3A_49, %get3A_50] {strides = array<i32>} : memref<80x128xi32, #tpu.memory_space<vmem>>, vector<16xi32>,
      tpu.vector_store_idx %arg6[%get3A_51], %broadcast_in_dim3A_0 {add = true} : memref<12288xf32, #tpu.memory_space<vmem>>[vector<16xi32>], vector<16xf32>,
      %get3A_52 = arith.index_cast %scan3A_34 : i32 to index
      %get3A_53 = arith.constant 96 : index
      %get3A_54 = tpu.vector_load %arg5[%get3A_52, %get3A_53] {strides = array<i32>} : memref<80x128xi32, #tpu.memory_space<vmem>>, vector<16xi32>,
      tpu.vector_store_idx %arg6[%get3A_54], %broadcast_in_dim3A_0 {add = true} : memref<12288xf32, #tpu.memory_space<vmem>>[vector<16xi32>], vector<16xf32>,
      %get3A_55 = arith.index_cast %scan3A_34 : i32 to index
      %get3A_56 = arith.constant 112 : index
      %get3A_57 = tpu.vector_load %arg5[%get3A_55, %get3A_56] {strides = array<i32>} : memref<80x128xi32, #tpu.memory_space<vmem>>, vector<16xi32>,
      tpu.vector_store_idx %arg6[%get3A_57], %broadcast_in_dim3A_0 {add = true} : memref<12288xf32, #tpu.memory_space<vmem>>[vector<16xi32>], vector<16xf32>,
    }
    %scan3A_18 = arith.constant 80 : i32
    "tpu.region"() ({
      %run_scoped3A_34 = tpu.sem_alloc : memref<!tpu.dma_semaphore, #tpu.memory_space<semaphore_mem>>
      %dma_start3A = arith.constant 0 : i32
      %dma_start3A_35 = tpu.memref_slice %arg7[%arg1, %dma_start3A] : memref<16x12288xf32, #tpu.memory_space<vmem_shared>> -> memref<1x12288xf32, #tpu.memory_space<vmem_shared>>
      %dma_start3A_36 = tpu.memref_squeeze %dma_start3A_35 : memref<1x12288xf32, #tpu.memory_space<vmem_shared>> -> memref<12288xf32, #tpu.memory_space<vmem_shared>>
      %dma_start3A_37 = arith.constant 0 : i32
      %dma_start3A_38 = tpu.memref_slice %arg7[%arg1, %dma_start3A_37] : memref<16x12288xf32, #tpu.memory_space<vmem_shared>> -> memref<1x12288xf32, #tpu.memory_space<vmem_shared>>
      %dma_start3A_39 = tpu.memref_squeeze %dma_start3A_38 : memref<1x12288xf32, #tpu.memory_space<vmem_shared>> -> memref<12288xf32, #tpu.memory_space<vmem_shared>>
      tpu.enqueue_dma source(%arg6 : memref<12288xf32, #tpu.memory_space<vmem>>) target(%dma_start3A_39 : memref<12288xf32, #tpu.memory_space<vmem_shared>>) target_semaphore(%run_scoped3A_34 : memref<!tpu.dma_semaphore, #tpu.memory_space<semaphore_mem>>)
      %dma_wait3A = arith.constant 0 : i32
      %dma_wait3A_40 = tpu.memref_slice %arg7[%arg1, %dma_wait3A] : memref<16x12288xf32, #tpu.memory_space<vmem_shared>> -> memref<1x12288xf32, #tpu.memory_space<vmem_shared>>
      %dma_wait3A_41 = tpu.memref_squeeze %dma_wait3A_40 : memref<1x12288xf32, #tpu.memory_space<vmem_shared>> -> memref<12288xf32, #tpu.memory_space<vmem_shared>>
      %dma_wait3A_42 = arith.constant 0 : i32
      %dma_wait3A_43 = tpu.memref_slice %arg7[%arg1, %dma_wait3A_42] : memref<16x12288xf32, #tpu.memory_space<vmem_shared>> -> memref<1x12288xf32, #tpu.memory_space<vmem_shared>>
      %dma_wait3A_44 = tpu.memref_squeeze %dma_wait3A_43 : memref<1x12288xf32, #tpu.memory_space<vmem_shared>> -> memref<12288xf32, #tpu.memory_space<vmem_shared>>
      tpu.wait_dma2 semaphore(%run_scoped3A_34 : memref<!tpu.dma_semaphore, #tpu.memory_space<semaphore_mem>>) src(%arg6 : memref<12288xf32, #tpu.memory_space<vmem>>) dst(%dma_wait3A_44 : memref<12288xf32, #tpu.memory_space<vmem_shared>>)
      tpu.yield
    }) : () -> ()
    %barrier3A = arith.constant 0 : index
    tpu.barrier barrier_id(%barrier3A)
    %mul3A_19 = arith.constant 16 : i32
    %mul3A_20 = arith.muli %arg0, %mul3A_19 : i32
    %add3A_21 = arith.addi %mul3A_20, %arg1 : i32
    %mul3A_22 = arith.constant 384 : i32
    %mul3A_23 = arith.muli %add3A_21, %mul3A_22 : i32
    "tpu.region"() ({
      %run_scoped3A_34 = tpu.sem_alloc : memref<!tpu.dma_semaphore, #tpu.memory_space<semaphore_mem>>
      %dma_start3A = arith.constant 0 : i32
      %dma_start3A_35 = tpu.memref_slice %arg7[%dma_start3A, %mul3A_23] : memref<16x12288xf32, #tpu.memory_space<vmem_shared>> -> memref<16x384xf32, #tpu.memory_space<vmem_shared>>
      %dma_start3A_36 = arith.constant 0 : i32
      %dma_start3A_37 = tpu.memref_slice %arg7[%dma_start3A_36, %mul3A_23] : memref<16x12288xf32, #tpu.memory_space<vmem_shared>> -> memref<16x384xf32, #tpu.memory_space<vmem_shared>>
      tpu.enqueue_dma source(%dma_start3A_37 : memref<16x384xf32, #tpu.memory_space<vmem_shared>>) target(%arg8 : memref<16x384xf32, #tpu.memory_space<vmem>>) target_semaphore(%run_scoped3A_34 : memref<!tpu.dma_semaphore, #tpu.memory_space<semaphore_mem>>)
      %dma_wait3A = arith.constant 0 : i32
      %dma_wait3A_38 = tpu.memref_slice %arg7[%dma_wait3A, %mul3A_23] : memref<16x12288xf32, #tpu.memory_space<vmem_shared>> -> memref<16x384xf32, #tpu.memory_space<vmem_shared>>
      %dma_wait3A_39 = arith.constant 0 : i32
      %dma_wait3A_40 = tpu.memref_slice %arg7[%dma_wait3A_39, %mul3A_23] : memref<16x12288xf32, #tpu.memory_space<vmem_shared>> -> memref<16x384xf32, #tpu.memory_space<vmem_shared>>
      tpu.wait_dma2 semaphore(%run_scoped3A_34 : memref<!tpu.dma_semaphore, #tpu.memory_space<semaphore_mem>>) src(%dma_wait3A_40 : memref<16x384xf32, #tpu.memory_space<vmem_shared>>) dst(%arg8 : memref<16x384xf32, #tpu.memory_space<vmem>>)
      tpu.yield
    }) : () -> ()
    %scan3A_24 = arith.constant 0 : i32
    %scan3A_25 = arith.constant 0 : i32
    %scan3A_26 = arith.constant 24 : i32
    %scan3A_27 = arith.addi %scan3A_25, %scan3A_26 : i32
    %scan3A_28 = arith.constant 1 : i32
    scf.for %scan3A_34 = %scan3A_25 to %scan3A_27 step %scan3A_28  : i32 {
      %mul3A_35 = arith.constant 16 : i32
      %mul3A_36 = arith.muli %scan3A_34, %mul3A_35 : i32
      %get3A = arith.constant 0 : i32
      %get3A_37 = arith.index_cast %get3A : i32 to index
      %get3A_38 = arith.index_cast %mul3A_36 : i32 to index
      %get3A_39 = tpu.vector_load %arg8[%get3A_37, %get3A_38] {strides = array<i32>} : memref<16x384xf32, #tpu.memory_space<vmem>>, vector<16xf32>,
      %mul3A_40 = arith.constant 16 : i32
      %mul3A_41 = arith.muli %scan3A_34, %mul3A_40 : i32
      %get3A_42 = arith.constant 1 : i32
      %get3A_43 = arith.index_cast %get3A_42 : i32 to index
      %get3A_44 = arith.index_cast %mul3A_41 : i32 to index
      %get3A_45 = tpu.vector_load %arg8[%get3A_43, %get3A_44] {strides = array<i32>} : memref<16x384xf32, #tpu.memory_space<vmem>>, vector<16xf32>,
      %add3A_46 = arith.addf %get3A_39, %get3A_45 : vector<16xf32>
      %mul3A_47 = arith.constant 16 : i32
      %mul3A_48 = arith.muli %scan3A_34, %mul3A_47 : i32
      %get3A_49 = arith.constant 2 : i32
      %get3A_50 = arith.index_cast %get3A_49 : i32 to index
      %get3A_51 = arith.index_cast %mul3A_48 : i32 to index
      %get3A_52 = tpu.vector_load %arg8[%get3A_50, %get3A_51] {strides = array<i32>} : memref<16x384xf32, #tpu.memory_space<vmem>>, vector<16xf32>,
      %add3A_53 = arith.addf %add3A_46, %get3A_52 : vector<16xf32>
      %mul3A_54 = arith.constant 16 : i32
      %mul3A_55 = arith.muli %scan3A_34, %mul3A_54 : i32
      %get3A_56 = arith.constant 3 : i32
      %get3A_57 = arith.index_cast %get3A_56 : i32 to index
      %get3A_58 = arith.index_cast %mul3A_55 : i32 to index
      %get3A_59 = tpu.vector_load %arg8[%get3A_57, %get3A_58] {strides = array<i32>} : memref<16x384xf32, #tpu.memory_space<vmem>>, vector<16xf32>,
      %add3A_60 = arith.addf %add3A_53, %get3A_59 : vector<16xf32>
      %mul3A_61 = arith.constant 16 : i32
      %mul3A_62 = arith.muli %scan3A_34, %mul3A_61 : i32
      %get3A_63 = arith.constant 4 : i32
      %get3A_64 = arith.index_cast %get3A_63 : i32 to index
      %get3A_65 = arith.index_cast %mul3A_62 : i32 to index
      %get3A_66 = tpu.vector_load %arg8[%get3A_64, %get3A_65] {strides = array<i32>} : memref<16x384xf32, #tpu.memory_space<vmem>>, vector<16xf32>,
      %add3A_67 = arith.addf %add3A_60, %get3A_66 : vector<16xf32>
      %mul3A_68 = arith.constant 16 : i32
      %mul3A_69 = arith.muli %scan3A_34, %mul3A_68 : i32
      %get3A_70 = arith.constant 5 : i32
      %get3A_71 = arith.index_cast %get3A_70 : i32 to index
      %get3A_72 = arith.index_cast %mul3A_69 : i32 to index
      %get3A_73 = tpu.vector_load %arg8[%get3A_71, %get3A_72] {strides = array<i32>} : memref<16x384xf32, #tpu.memory_space<vmem>>, vector<16xf32>,
      %add3A_74 = arith.addf %add3A_67, %get3A_73 : vector<16xf32>
      %mul3A_75 = arith.constant 16 : i32
      %mul3A_76 = arith.muli %scan3A_34, %mul3A_75 : i32
      %get3A_77 = arith.constant 6 : i32
      %get3A_78 = arith.index_cast %get3A_77 : i32 to index
      %get3A_79 = arith.index_cast %mul3A_76 : i32 to index
      %get3A_80 = tpu.vector_load %arg8[%get3A_78, %get3A_79] {strides = array<i32>} : memref<16x384xf32, #tpu.memory_space<vmem>>, vector<16xf32>,
      %add3A_81 = arith.addf %add3A_74, %get3A_80 : vector<16xf32>
      %mul3A_82 = arith.constant 16 : i32
      %mul3A_83 = arith.muli %scan3A_34, %mul3A_82 : i32
      %get3A_84 = arith.constant 7 : i32
      %get3A_85 = arith.index_cast %get3A_84 : i32 to index
      %get3A_86 = arith.index_cast %mul3A_83 : i32 to index
      %get3A_87 = tpu.vector_load %arg8[%get3A_85, %get3A_86] {strides = array<i32>} : memref<16x384xf32, #tpu.memory_space<vmem>>, vector<16xf32>,
      %add3A_88 = arith.addf %add3A_81, %get3A_87 : vector<16xf32>
      %mul3A_89 = arith.constant 16 : i32
      %mul3A_90 = arith.muli %scan3A_34, %mul3A_89 : i32
      %get3A_91 = arith.constant 8 : i32
      %get3A_92 = arith.index_cast %get3A_91 : i32 to index
      %get3A_93 = arith.index_cast %mul3A_90 : i32 to index
      %get3A_94 = tpu.vector_load %arg8[%get3A_92, %get3A_93] {strides = array<i32>} : memref<16x384xf32, #tpu.memory_space<vmem>>, vector<16xf32>,
      %add3A_95 = arith.addf %add3A_88, %get3A_94 : vector<16xf32>
      %mul3A_96 = arith.constant 16 : i32
      %mul3A_97 = arith.muli %scan3A_34, %mul3A_96 : i32
      %get3A_98 = arith.constant 9 : i32
      %get3A_99 = arith.index_cast %get3A_98 : i32 to index
      %get3A_100 = arith.index_cast %mul3A_97 : i32 to index
      %get3A_101 = tpu.vector_load %arg8[%get3A_99, %get3A_100] {strides = array<i32>} : memref<16x384xf32, #tpu.memory_space<vmem>>, vector<16xf32>,
      %add3A_102 = arith.addf %add3A_95, %get3A_101 : vector<16xf32>
      %mul3A_103 = arith.constant 16 : i32
      %mul3A_104 = arith.muli %scan3A_34, %mul3A_103 : i32
      %get3A_105 = arith.constant 10 : i32
      %get3A_106 = arith.index_cast %get3A_105 : i32 to index
      %get3A_107 = arith.index_cast %mul3A_104 : i32 to index
      %get3A_108 = tpu.vector_load %arg8[%get3A_106, %get3A_107] {strides = array<i32>} : memref<16x384xf32, #tpu.memory_space<vmem>>, vector<16xf32>,
      %add3A_109 = arith.addf %add3A_102, %get3A_108 : vector<16xf32>
      %mul3A_110 = arith.constant 16 : i32
      %mul3A_111 = arith.muli %scan3A_34, %mul3A_110 : i32
      %get3A_112 = arith.constant 11 : i32
      %get3A_113 = arith.index_cast %get3A_112 : i32 to index
      %get3A_114 = arith.index_cast %mul3A_111 : i32 to index
      %get3A_115 = tpu.vector_load %arg8[%get3A_113, %get3A_114] {strides = array<i32>} : memref<16x384xf32, #tpu.memory_space<vmem>>, vector<16xf32>,
      %add3A_116 = arith.addf %add3A_109, %get3A_115 : vector<16xf32>
      %mul3A_117 = arith.constant 16 : i32
      %mul3A_118 = arith.muli %scan3A_34, %mul3A_117 : i32
      %get3A_119 = arith.constant 12 : i32
      %get3A_120 = arith.index_cast %get3A_119 : i32 to index
      %get3A_121 = arith.index_cast %mul3A_118 : i32 to index
      %get3A_122 = tpu.vector_load %arg8[%get3A_120, %get3A_121] {strides = array<i32>} : memref<16x384xf32, #tpu.memory_space<vmem>>, vector<16xf32>,
      %add3A_123 = arith.addf %add3A_116, %get3A_122 : vector<16xf32>
      %mul3A_124 = arith.constant 16 : i32
      %mul3A_125 = arith.muli %scan3A_34, %mul3A_124 : i32
      %get3A_126 = arith.constant 13 : i32
      %get3A_127 = arith.index_cast %get3A_126 : i32 to index
      %get3A_128 = arith.index_cast %mul3A_125 : i32 to index
      %get3A_129 = tpu.vector_load %arg8[%get3A_127, %get3A_128] {strides = array<i32>} : memref<16x384xf32, #tpu.memory_space<vmem>>, vector<16xf32>,
      %add3A_130 = arith.addf %add3A_123, %get3A_129 : vector<16xf32>
      %mul3A_131 = arith.constant 16 : i32
      %mul3A_132 = arith.muli %scan3A_34, %mul3A_131 : i32
      %get3A_133 = arith.constant 14 : i32
      %get3A_134 = arith.index_cast %get3A_133 : i32 to index
      %get3A_135 = arith.index_cast %mul3A_132 : i32 to index
      %get3A_136 = tpu.vector_load %arg8[%get3A_134, %get3A_135] {strides = array<i32>} : memref<16x384xf32, #tpu.memory_space<vmem>>, vector<16xf32>,
      %add3A_137 = arith.addf %add3A_130, %get3A_136 : vector<16xf32>
      %mul3A_138 = arith.constant 16 : i32
      %mul3A_139 = arith.muli %scan3A_34, %mul3A_138 : i32
      %get3A_140 = arith.constant 15 : i32
      %get3A_141 = arith.index_cast %get3A_140 : i32 to index
      %get3A_142 = arith.index_cast %mul3A_139 : i32 to index
      %get3A_143 = tpu.vector_load %arg8[%get3A_141, %get3A_142] {strides = array<i32>} : memref<16x384xf32, #tpu.memory_space<vmem>>, vector<16xf32>,
      %add3A_144 = arith.addf %add3A_137, %get3A_143 : vector<16xf32>
      %add3A_145 = arith.constant 1.000000e+00 : f32
      %add3A_146 = vector.broadcast %add3A_145 : f32 to vector<16xf32>
      %add3A_147 = arith.addf %add3A_144, %add3A_146 : vector<16xf32>
      %bitcast3A = vector.bitcast %add3A_147 : vector<16xf32> to vector<16xi32>
      %shift_right_logical3A = arith.constant 1 : i32
      %shift_right_logical3A_148 = vector.broadcast %shift_right_logical3A : i32 to vector<16xi32>
      %shift_right_logical3A_149 = arith.shrui %bitcast3A, %shift_right_logical3A_148 : vector<16xi32>
      %sub3A = arith.constant 1597463007 : i32
      %sub3A_150 = vector.broadcast %sub3A : i32 to vector<16xi32>
      %sub3A_151 = arith.subi %sub3A_150, %shift_right_logical3A_149 : vector<16xi32>
      %bitcast3A_152 = vector.bitcast %sub3A_151 : vector<16xi32> to vector<16xf32>
      %mul3A_153 = arith.constant 5.000000e-01 : f32
      %mul3A_154 = vector.broadcast %mul3A_153 : f32 to vector<16xf32>
      %mul3A_155 = arith.mulf %mul3A_154, %add3A_147 : vector<16xf32>
      %mul3A_156 = arith.mulf %mul3A_155, %bitcast3A_152 : vector<16xf32>
      %mul3A_157 = arith.mulf %mul3A_156, %bitcast3A_152 : vector<16xf32>
      %sub3A_158 = arith.constant 1.500000e+00 : f32
      %sub3A_159 = vector.broadcast %sub3A_158 : f32 to vector<16xf32>
      %sub3A_160 = arith.subf %sub3A_159, %mul3A_157 : vector<16xf32>
      %mul3A_161 = arith.mulf %bitcast3A_152, %sub3A_160 : vector<16xf32>
      %mul3A_162 = arith.constant 5.000000e-01 : f32
      %mul3A_163 = vector.broadcast %mul3A_162 : f32 to vector<16xf32>
      %mul3A_164 = arith.mulf %mul3A_163, %add3A_147 : vector<16xf32>
      %mul3A_165 = arith.mulf %mul3A_164, %mul3A_161 : vector<16xf32>
      %mul3A_166 = arith.mulf %mul3A_165, %mul3A_161 : vector<16xf32>
      %sub3A_167 = arith.constant 1.500000e+00 : f32
      %sub3A_168 = vector.broadcast %sub3A_167 : f32 to vector<16xf32>
      %sub3A_169 = arith.subf %sub3A_168, %mul3A_166 : vector<16xf32>
      %mul3A_170 = arith.mulf %mul3A_161, %sub3A_169 : vector<16xf32>
      %mul3A_171 = arith.constant 5.000000e-01 : f32
      %mul3A_172 = vector.broadcast %mul3A_171 : f32 to vector<16xf32>
      %mul3A_173 = arith.mulf %mul3A_172, %add3A_147 : vector<16xf32>
      %mul3A_174 = arith.mulf %mul3A_173, %mul3A_170 : vector<16xf32>
      %mul3A_175 = arith.mulf %mul3A_174, %mul3A_170 : vector<16xf32>
      %sub3A_176 = arith.constant 1.500000e+00 : f32
      %sub3A_177 = vector.broadcast %sub3A_176 : f32 to vector<16xf32>
      %sub3A_178 = arith.subf %sub3A_177, %mul3A_175 : vector<16xf32>
      %mul3A_179 = arith.mulf %mul3A_170, %sub3A_178 : vector<16xf32>
      %slice3A = vector.extract_strided_slice %mul3A_179 {offsets = [0], sizes = [1], strides = [1]} : vector<16xf32> to vector<1xf32>
      %squeeze3A = vector.extract %slice3A[0] : f32 from vector<1xf32>
      %broadcast_in_dim3A_180 = vector.broadcast %squeeze3A : f32 to vector<16xf32>
      %mul3A_181 = arith.constant 16 : i32
      %mul3A_182 = arith.muli %scan3A_34, %mul3A_181 : i32
      %add3A_183 = arith.constant 0 : i32
      %add3A_184 = arith.addi %mul3A_182, %add3A_183 : i32
      %mul3A_185 = arith.constant 16 : i32
      %mul3A_186 = arith.muli %add3A_184, %mul3A_185 : i32
      %swap3A = arith.index_cast %mul3A_186 : i32 to index
      %swap3A_187 = tpu.vector_load %arg9[%swap3A] {strides = array<i32>} : memref<6144xf32, #tpu.memory_space<vmem>>, vector<16xf32>,
      tpu.vector_store %arg9[%swap3A], %broadcast_in_dim3A_180 {strides = array<i32>} : memref<6144xf32, #tpu.memory_space<vmem>>, vector<16xf32>,
      %slice3A_188 = vector.extract_strided_slice %mul3A_179 {offsets = [1], sizes = [1], strides = [1]} : vector<16xf32> to vector<1xf32>
      %squeeze3A_189 = vector.extract %slice3A_188[0] : f32 from vector<1xf32>
      %broadcast_in_dim3A_190 = vector.broadcast %squeeze3A_189 : f32 to vector<16xf32>
      %mul3A_191 = arith.constant 16 : i32
      %mul3A_192 = arith.muli %scan3A_34, %mul3A_191 : i32
      %add3A_193 = arith.constant 1 : i32
      %add3A_194 = arith.addi %mul3A_192, %add3A_193 : i32
      %mul3A_195 = arith.constant 16 : i32
      %mul3A_196 = arith.muli %add3A_194, %mul3A_195 : i32
      %swap3A_197 = arith.index_cast %mul3A_196 : i32 to index
      %swap3A_198 = tpu.vector_load %arg9[%swap3A_197] {strides = array<i32>} : memref<6144xf32, #tpu.memory_space<vmem>>, vector<16xf32>,
      tpu.vector_store %arg9[%swap3A_197], %broadcast_in_dim3A_190 {strides = array<i32>} : memref<6144xf32, #tpu.memory_space<vmem>>, vector<16xf32>,
      %slice3A_199 = vector.extract_strided_slice %mul3A_179 {offsets = [2], sizes = [1], strides = [1]} : vector<16xf32> to vector<1xf32>
      %squeeze3A_200 = vector.extract %slice3A_199[0] : f32 from vector<1xf32>
      %broadcast_in_dim3A_201 = vector.broadcast %squeeze3A_200 : f32 to vector<16xf32>
      %mul3A_202 = arith.constant 16 : i32
      %mul3A_203 = arith.muli %scan3A_34, %mul3A_202 : i32
      %add3A_204 = arith.constant 2 : i32
      %add3A_205 = arith.addi %mul3A_203, %add3A_204 : i32
      %mul3A_206 = arith.constant 16 : i32
      %mul3A_207 = arith.muli %add3A_205, %mul3A_206 : i32
      %swap3A_208 = arith.index_cast %mul3A_207 : i32 to index
      %swap3A_209 = tpu.vector_load %arg9[%swap3A_208] {strides = array<i32>} : memref<6144xf32, #tpu.memory_space<vmem>>, vector<16xf32>,
      tpu.vector_store %arg9[%swap3A_208], %broadcast_in_dim3A_201 {strides = array<i32>} : memref<6144xf32, #tpu.memory_space<vmem>>, vector<16xf32>,
      %slice3A_210 = vector.extract_strided_slice %mul3A_179 {offsets = [3], sizes = [1], strides = [1]} : vector<16xf32> to vector<1xf32>
      %squeeze3A_211 = vector.extract %slice3A_210[0] : f32 from vector<1xf32>
      %broadcast_in_dim3A_212 = vector.broadcast %squeeze3A_211 : f32 to vector<16xf32>
      %mul3A_213 = arith.constant 16 : i32
      %mul3A_214 = arith.muli %scan3A_34, %mul3A_213 : i32
      %add3A_215 = arith.constant 3 : i32
      %add3A_216 = arith.addi %mul3A_214, %add3A_215 : i32
      %mul3A_217 = arith.constant 16 : i32
      %mul3A_218 = arith.muli %add3A_216, %mul3A_217 : i32
      %swap3A_219 = arith.index_cast %mul3A_218 : i32 to index
      %swap3A_220 = tpu.vector_load %arg9[%swap3A_219] {strides = array<i32>} : memref<6144xf32, #tpu.memory_space<vmem>>, vector<16xf32>,
      tpu.vector_store %arg9[%swap3A_219], %broadcast_in_dim3A_212 {strides = array<i32>} : memref<6144xf32, #tpu.memory_space<vmem>>, vector<16xf32>,
      %slice3A_221 = vector.extract_strided_slice %mul3A_179 {offsets = [4], sizes = [1], strides = [1]} : vector<16xf32> to vector<1xf32>
      %squeeze3A_222 = vector.extract %slice3A_221[0] : f32 from vector<1xf32>
      %broadcast_in_dim3A_223 = vector.broadcast %squeeze3A_222 : f32 to vector<16xf32>
      %mul3A_224 = arith.constant 16 : i32
      %mul3A_225 = arith.muli %scan3A_34, %mul3A_224 : i32
      %add3A_226 = arith.constant 4 : i32
      %add3A_227 = arith.addi %mul3A_225, %add3A_226 : i32
      %mul3A_228 = arith.constant 16 : i32
      %mul3A_229 = arith.muli %add3A_227, %mul3A_228 : i32
      %swap3A_230 = arith.index_cast %mul3A_229 : i32 to index
      %swap3A_231 = tpu.vector_load %arg9[%swap3A_230] {strides = array<i32>} : memref<6144xf32, #tpu.memory_space<vmem>>, vector<16xf32>,
      tpu.vector_store %arg9[%swap3A_230], %broadcast_in_dim3A_223 {strides = array<i32>} : memref<6144xf32, #tpu.memory_space<vmem>>, vector<16xf32>,
      %slice3A_232 = vector.extract_strided_slice %mul3A_179 {offsets = [5], sizes = [1], strides = [1]} : vector<16xf32> to vector<1xf32>
      %squeeze3A_233 = vector.extract %slice3A_232[0] : f32 from vector<1xf32>
      %broadcast_in_dim3A_234 = vector.broadcast %squeeze3A_233 : f32 to vector<16xf32>
      %mul3A_235 = arith.constant 16 : i32
      %mul3A_236 = arith.muli %scan3A_34, %mul3A_235 : i32
      %add3A_237 = arith.constant 5 : i32
      %add3A_238 = arith.addi %mul3A_236, %add3A_237 : i32
      %mul3A_239 = arith.constant 16 : i32
      %mul3A_240 = arith.muli %add3A_238, %mul3A_239 : i32
      %swap3A_241 = arith.index_cast %mul3A_240 : i32 to index
      %swap3A_242 = tpu.vector_load %arg9[%swap3A_241] {strides = array<i32>} : memref<6144xf32, #tpu.memory_space<vmem>>, vector<16xf32>,
      tpu.vector_store %arg9[%swap3A_241], %broadcast_in_dim3A_234 {strides = array<i32>} : memref<6144xf32, #tpu.memory_space<vmem>>, vector<16xf32>,
      %slice3A_243 = vector.extract_strided_slice %mul3A_179 {offsets = [6], sizes = [1], strides = [1]} : vector<16xf32> to vector<1xf32>
      %squeeze3A_244 = vector.extract %slice3A_243[0] : f32 from vector<1xf32>
      %broadcast_in_dim3A_245 = vector.broadcast %squeeze3A_244 : f32 to vector<16xf32>
      %mul3A_246 = arith.constant 16 : i32
      %mul3A_247 = arith.muli %scan3A_34, %mul3A_246 : i32
      %add3A_248 = arith.constant 6 : i32
      %add3A_249 = arith.addi %mul3A_247, %add3A_248 : i32
      %mul3A_250 = arith.constant 16 : i32
      %mul3A_251 = arith.muli %add3A_249, %mul3A_250 : i32
      %swap3A_252 = arith.index_cast %mul3A_251 : i32 to index
      %swap3A_253 = tpu.vector_load %arg9[%swap3A_252] {strides = array<i32>} : memref<6144xf32, #tpu.memory_space<vmem>>, vector<16xf32>,
      tpu.vector_store %arg9[%swap3A_252], %broadcast_in_dim3A_245 {strides = array<i32>} : memref<6144xf32, #tpu.memory_space<vmem>>, vector<16xf32>,
      %slice3A_254 = vector.extract_strided_slice %mul3A_179 {offsets = [7], sizes = [1], strides = [1]} : vector<16xf32> to vector<1xf32>
      %squeeze3A_255 = vector.extract %slice3A_254[0] : f32 from vector<1xf32>
      %broadcast_in_dim3A_256 = vector.broadcast %squeeze3A_255 : f32 to vector<16xf32>
      %mul3A_257 = arith.constant 16 : i32
      %mul3A_258 = arith.muli %scan3A_34, %mul3A_257 : i32
      %add3A_259 = arith.constant 7 : i32
      %add3A_260 = arith.addi %mul3A_258, %add3A_259 : i32
      %mul3A_261 = arith.constant 16 : i32
      %mul3A_262 = arith.muli %add3A_260, %mul3A_261 : i32
      %swap3A_263 = arith.index_cast %mul3A_262 : i32 to index
      %swap3A_264 = tpu.vector_load %arg9[%swap3A_263] {strides = array<i32>} : memref<6144xf32, #tpu.memory_space<vmem>>, vector<16xf32>,
      tpu.vector_store %arg9[%swap3A_263], %broadcast_in_dim3A_256 {strides = array<i32>} : memref<6144xf32, #tpu.memory_space<vmem>>, vector<16xf32>,
      %slice3A_265 = vector.extract_strided_slice %mul3A_179 {offsets = [8], sizes = [1], strides = [1]} : vector<16xf32> to vector<1xf32>
      %squeeze3A_266 = vector.extract %slice3A_265[0] : f32 from vector<1xf32>
      %broadcast_in_dim3A_267 = vector.broadcast %squeeze3A_266 : f32 to vector<16xf32>
      %mul3A_268 = arith.constant 16 : i32
      %mul3A_269 = arith.muli %scan3A_34, %mul3A_268 : i32
      %add3A_270 = arith.constant 8 : i32
      %add3A_271 = arith.addi %mul3A_269, %add3A_270 : i32
      %mul3A_272 = arith.constant 16 : i32
      %mul3A_273 = arith.muli %add3A_271, %mul3A_272 : i32
      %swap3A_274 = arith.index_cast %mul3A_273 : i32 to index
      %swap3A_275 = tpu.vector_load %arg9[%swap3A_274] {strides = array<i32>} : memref<6144xf32, #tpu.memory_space<vmem>>, vector<16xf32>,
      tpu.vector_store %arg9[%swap3A_274], %broadcast_in_dim3A_267 {strides = array<i32>} : memref<6144xf32, #tpu.memory_space<vmem>>, vector<16xf32>,
      %slice3A_276 = vector.extract_strided_slice %mul3A_179 {offsets = [9], sizes = [1], strides = [1]} : vector<16xf32> to vector<1xf32>
      %squeeze3A_277 = vector.extract %slice3A_276[0] : f32 from vector<1xf32>
      %broadcast_in_dim3A_278 = vector.broadcast %squeeze3A_277 : f32 to vector<16xf32>
      %mul3A_279 = arith.constant 16 : i32
      %mul3A_280 = arith.muli %scan3A_34, %mul3A_279 : i32
      %add3A_281 = arith.constant 9 : i32
      %add3A_282 = arith.addi %mul3A_280, %add3A_281 : i32
      %mul3A_283 = arith.constant 16 : i32
      %mul3A_284 = arith.muli %add3A_282, %mul3A_283 : i32
      %swap3A_285 = arith.index_cast %mul3A_284 : i32 to index
      %swap3A_286 = tpu.vector_load %arg9[%swap3A_285] {strides = array<i32>} : memref<6144xf32, #tpu.memory_space<vmem>>, vector<16xf32>,
      tpu.vector_store %arg9[%swap3A_285], %broadcast_in_dim3A_278 {strides = array<i32>} : memref<6144xf32, #tpu.memory_space<vmem>>, vector<16xf32>,
      %slice3A_287 = vector.extract_strided_slice %mul3A_179 {offsets = [10], sizes = [1], strides = [1]} : vector<16xf32> to vector<1xf32>
      %squeeze3A_288 = vector.extract %slice3A_287[0] : f32 from vector<1xf32>
      %broadcast_in_dim3A_289 = vector.broadcast %squeeze3A_288 : f32 to vector<16xf32>
      %mul3A_290 = arith.constant 16 : i32
      %mul3A_291 = arith.muli %scan3A_34, %mul3A_290 : i32
      %add3A_292 = arith.constant 10 : i32
      %add3A_293 = arith.addi %mul3A_291, %add3A_292 : i32
      %mul3A_294 = arith.constant 16 : i32
      %mul3A_295 = arith.muli %add3A_293, %mul3A_294 : i32
      %swap3A_296 = arith.index_cast %mul3A_295 : i32 to index
      %swap3A_297 = tpu.vector_load %arg9[%swap3A_296] {strides = array<i32>} : memref<6144xf32, #tpu.memory_space<vmem>>, vector<16xf32>,
      tpu.vector_store %arg9[%swap3A_296], %broadcast_in_dim3A_289 {strides = array<i32>} : memref<6144xf32, #tpu.memory_space<vmem>>, vector<16xf32>,
      %slice3A_298 = vector.extract_strided_slice %mul3A_179 {offsets = [11], sizes = [1], strides = [1]} : vector<16xf32> to vector<1xf32>
      %squeeze3A_299 = vector.extract %slice3A_298[0] : f32 from vector<1xf32>
      %broadcast_in_dim3A_300 = vector.broadcast %squeeze3A_299 : f32 to vector<16xf32>
      %mul3A_301 = arith.constant 16 : i32
      %mul3A_302 = arith.muli %scan3A_34, %mul3A_301 : i32
      %add3A_303 = arith.constant 11 : i32
      %add3A_304 = arith.addi %mul3A_302, %add3A_303 : i32
      %mul3A_305 = arith.constant 16 : i32
      %mul3A_306 = arith.muli %add3A_304, %mul3A_305 : i32
      %swap3A_307 = arith.index_cast %mul3A_306 : i32 to index
      %swap3A_308 = tpu.vector_load %arg9[%swap3A_307] {strides = array<i32>} : memref<6144xf32, #tpu.memory_space<vmem>>, vector<16xf32>,
      tpu.vector_store %arg9[%swap3A_307], %broadcast_in_dim3A_300 {strides = array<i32>} : memref<6144xf32, #tpu.memory_space<vmem>>, vector<16xf32>,
      %slice3A_309 = vector.extract_strided_slice %mul3A_179 {offsets = [12], sizes = [1], strides = [1]} : vector<16xf32> to vector<1xf32>
      %squeeze3A_310 = vector.extract %slice3A_309[0] : f32 from vector<1xf32>
      %broadcast_in_dim3A_311 = vector.broadcast %squeeze3A_310 : f32 to vector<16xf32>
      %mul3A_312 = arith.constant 16 : i32
      %mul3A_313 = arith.muli %scan3A_34, %mul3A_312 : i32
      %add3A_314 = arith.constant 12 : i32
      %add3A_315 = arith.addi %mul3A_313, %add3A_314 : i32
      %mul3A_316 = arith.constant 16 : i32
      %mul3A_317 = arith.muli %add3A_315, %mul3A_316 : i32
      %swap3A_318 = arith.index_cast %mul3A_317 : i32 to index
      %swap3A_319 = tpu.vector_load %arg9[%swap3A_318] {strides = array<i32>} : memref<6144xf32, #tpu.memory_space<vmem>>, vector<16xf32>,
      tpu.vector_store %arg9[%swap3A_318], %broadcast_in_dim3A_311 {strides = array<i32>} : memref<6144xf32, #tpu.memory_space<vmem>>, vector<16xf32>,
      %slice3A_320 = vector.extract_strided_slice %mul3A_179 {offsets = [13], sizes = [1], strides = [1]} : vector<16xf32> to vector<1xf32>
      %squeeze3A_321 = vector.extract %slice3A_320[0] : f32 from vector<1xf32>
      %broadcast_in_dim3A_322 = vector.broadcast %squeeze3A_321 : f32 to vector<16xf32>
      %mul3A_323 = arith.constant 16 : i32
      %mul3A_324 = arith.muli %scan3A_34, %mul3A_323 : i32
      %add3A_325 = arith.constant 13 : i32
      %add3A_326 = arith.addi %mul3A_324, %add3A_325 : i32
      %mul3A_327 = arith.constant 16 : i32
      %mul3A_328 = arith.muli %add3A_326, %mul3A_327 : i32
      %swap3A_329 = arith.index_cast %mul3A_328 : i32 to index
      %swap3A_330 = tpu.vector_load %arg9[%swap3A_329] {strides = array<i32>} : memref<6144xf32, #tpu.memory_space<vmem>>, vector<16xf32>,
      tpu.vector_store %arg9[%swap3A_329], %broadcast_in_dim3A_322 {strides = array<i32>} : memref<6144xf32, #tpu.memory_space<vmem>>, vector<16xf32>,
      %slice3A_331 = vector.extract_strided_slice %mul3A_179 {offsets = [14], sizes = [1], strides = [1]} : vector<16xf32> to vector<1xf32>
      %squeeze3A_332 = vector.extract %slice3A_331[0] : f32 from vector<1xf32>
      %broadcast_in_dim3A_333 = vector.broadcast %squeeze3A_332 : f32 to vector<16xf32>
      %mul3A_334 = arith.constant 16 : i32
      %mul3A_335 = arith.muli %scan3A_34, %mul3A_334 : i32
      %add3A_336 = arith.constant 14 : i32
      %add3A_337 = arith.addi %mul3A_335, %add3A_336 : i32
      %mul3A_338 = arith.constant 16 : i32
      %mul3A_339 = arith.muli %add3A_337, %mul3A_338 : i32
      %swap3A_340 = arith.index_cast %mul3A_339 : i32 to index
      %swap3A_341 = tpu.vector_load %arg9[%swap3A_340] {strides = array<i32>} : memref<6144xf32, #tpu.memory_space<vmem>>, vector<16xf32>,
      tpu.vector_store %arg9[%swap3A_340], %broadcast_in_dim3A_333 {strides = array<i32>} : memref<6144xf32, #tpu.memory_space<vmem>>, vector<16xf32>,
      %slice3A_342 = vector.extract_strided_slice %mul3A_179 {offsets = [15], sizes = [1], strides = [1]} : vector<16xf32> to vector<1xf32>
      %squeeze3A_343 = vector.extract %slice3A_342[0] : f32 from vector<1xf32>
      %broadcast_in_dim3A_344 = vector.broadcast %squeeze3A_343 : f32 to vector<16xf32>
      %mul3A_345 = arith.constant 16 : i32
      %mul3A_346 = arith.muli %scan3A_34, %mul3A_345 : i32
      %add3A_347 = arith.constant 15 : i32
      %add3A_348 = arith.addi %mul3A_346, %add3A_347 : i32
      %mul3A_349 = arith.constant 16 : i32
      %mul3A_350 = arith.muli %add3A_348, %mul3A_349 : i32
      %swap3A_351 = arith.index_cast %mul3A_350 : i32 to index
      %swap3A_352 = tpu.vector_load %arg9[%swap3A_351] {strides = array<i32>} : memref<6144xf32, #tpu.memory_space<vmem>>, vector<16xf32>,
      tpu.vector_store %arg9[%swap3A_351], %broadcast_in_dim3A_344 {strides = array<i32>} : memref<6144xf32, #tpu.memory_space<vmem>>, vector<16xf32>,
    }
    %scan3A_29 = arith.constant 24 : i32
    %mul3A_30 = arith.constant 384 : i32
    %mul3A_31 = arith.muli %add3A_21, %mul3A_30 : i32
    %mul3A_32 = arith.constant 16 : i32
    %mul3A_33 = arith.muli %mul3A_31, %mul3A_32 : i32
    "tpu.region"() ({
      %run_scoped3A_34 = tpu.sem_alloc : memref<!tpu.dma_semaphore, #tpu.memory_space<semaphore_mem>>
      %dma_start3A = tpu.memref_slice %arg4[%mul3A_33] : memref<196608xf32, #tpu.memory_space<hbm>> -> memref<6144xf32, #tpu.memory_space<hbm>>
      %dma_start3A_35 = tpu.memref_slice %arg4[%mul3A_33] : memref<196608xf32, #tpu.memory_space<hbm>> -> memref<6144xf32, #tpu.memory_space<hbm>>
      tpu.enqueue_dma source(%arg9 : memref<6144xf32, #tpu.memory_space<vmem>>) target(%dma_start3A_35 : memref<6144xf32, #tpu.memory_space<hbm>>) target_semaphore(%run_scoped3A_34 : memref<!tpu.dma_semaphore, #tpu.memory_space<semaphore_mem>>)
      %dma_wait3A = tpu.memref_slice %arg4[%mul3A_33] : memref<196608xf32, #tpu.memory_space<hbm>> -> memref<6144xf32, #tpu.memory_space<hbm>>
      %dma_wait3A_36 = tpu.memref_slice %arg4[%mul3A_33] : memref<196608xf32, #tpu.memory_space<hbm>> -> memref<6144xf32, #tpu.memory_space<hbm>>
      tpu.wait_dma2 semaphore(%run_scoped3A_34 : memref<!tpu.dma_semaphore, #tpu.memory_space<semaphore_mem>>) src(%arg9 : memref<6144xf32, #tpu.memory_space<vmem>>) dst(%dma_wait3A_36 : memref<6144xf32, #tpu.memory_space<hbm>>)
      tpu.yield
    }) : () -> ()
    return
  }
}

#map = affine_map<(d0, d1) -> (0, 0, 0, 0)>
#map1 = affine_map<(d0, d1) -> (0, 0)>
#map2 = affine_map<(d0, d1) -> (0, 0, 0)>
module attributes {stable_mosaic.version = 14 : i64} {
  func.func @_prop(%arg0: i32, %arg1: i32, %arg2: memref<2x32x80x128xi32, #tpu.memory_space<hbm>>, %arg3: memref<1264x128xf32, #tpu.memory_space<hbm>>, %arg4: memref<1264x128xf32, #tpu.memory_space<hbm>>, %arg5: memref<632x16xf32, #tpu.memory_space<hbm>>, %arg6: memref<2x10112x16xf32, #tpu.memory_space<hbm>>, %arg7: memref<80x128xi32, #tpu.memory_space<vmem>>, %arg8: memref<80x128xi32, #tpu.memory_space<vmem>>, %arg9: memref<8x128x16xf32, #tpu.memory_space<vmem>>, %arg10: memref<79x128xf32, #tpu.memory_space<vmem>>, %arg11: memref<79x128xf32, #tpu.memory_space<vmem>>, %arg12: memref<632x16xf32, #tpu.memory_space<vmem>>, %arg13: memref<10112x16xf32, #tpu.memory_space<vmem_shared>>, %arg14: memref<10112x16xf32, #tpu.memory_space<vmem_shared>>, %arg15: memref<!tpu.dma_semaphore, #tpu.memory_space<semaphore_mem>>, %arg16: memref<!tpu.dma_semaphore, #tpu.memory_space<semaphore_mem>>, %arg17: memref<!tpu.dma_semaphore, #tpu.memory_space<semaphore_mem>>, %arg18: memref<!tpu.dma_semaphore, #tpu.memory_space<semaphore_mem>>, %arg19: memref<!tpu.dma_semaphore, #tpu.memory_space<semaphore_mem>>, %arg20: memref<!tpu.dma_semaphore, #tpu.memory_space<semaphore_mem>>, %arg21: memref<!tpu.dma_semaphore, #tpu.memory_space<semaphore_mem>>, %arg22: memref<!tpu.dma_semaphore, #tpu.memory_space<semaphore_mem>>, %arg23: memref<!tpu.dma_semaphore, #tpu.memory_space<semaphore_mem>>, %arg24: memref<!tpu.dma_semaphore, #tpu.memory_space<semaphore_mem>>, %arg25: memref<!tpu.dma_semaphore, #tpu.memory_space<semaphore_mem>>, %arg26: memref<!tpu.dma_semaphore, #tpu.memory_space<semaphore_mem>>, %arg27: memref<!tpu.dma_semaphore, #tpu.memory_space<semaphore_mem>>, %arg28: memref<!tpu.dma_semaphore, #tpu.memory_space<semaphore_mem>>, %arg29: memref<!tpu.dma_semaphore, #tpu.memory_space<semaphore_mem>>, %arg30: memref<!tpu.dma_semaphore, #tpu.memory_space<semaphore_mem>>) attributes {dimension_semantics = [#tpu.dimension_semantics<core_parallel>, #tpu.dimension_semantics<subcore_parallel>], iteration_bounds = array<i64: 2, 16>, scalar_prefetch = 0 : i64, scratch_operands = 24 : i64, tpu.core_type = #tpu.core_type<sc_vector_subcore>, window_params = [{transform_indices = #map}, {transform_indices = #map1}, {transform_indices = #map1}, {transform_indices = #map1}, {transform_indices = #map2}]} {
    %mul3A = arith.constant 2 : i32
    %mul3A_0 = arith.muli %arg1, %mul3A : i32
    %add3A = arith.addi %mul3A_0, %arg0 : i32
    %mul3A_1 = arith.constant 632 : i32
    %mul3A_2 = arith.muli %arg1, %mul3A_1 : i32
    "tpu.region"() ({
      %run_scoped3A_168 = tpu.sem_alloc : memref<!tpu.dma_semaphore, #tpu.memory_space<semaphore_mem>>
      %dma_start3A_169 = arith.constant 0 : i32
      %dma_start3A_170 = tpu.memref_slice %arg13[%mul3A_2, %dma_start3A_169] : memref<10112x16xf32, #tpu.memory_space<vmem_shared>> -> memref<632x16xf32, #tpu.memory_space<vmem_shared>>
      tpu.enqueue_dma source(%arg5 : memref<632x16xf32, #tpu.memory_space<hbm>>) target(%dma_start3A_170 : memref<632x16xf32, #tpu.memory_space<vmem_shared>>) target_semaphore(%run_scoped3A_168 : memref<!tpu.dma_semaphore, #tpu.memory_space<semaphore_mem>>)
      %dma_wait3A_171 = arith.constant 0 : i32
      %dma_wait3A_172 = tpu.memref_slice %arg13[%mul3A_2, %dma_wait3A_171] : memref<10112x16xf32, #tpu.memory_space<vmem_shared>> -> memref<632x16xf32, #tpu.memory_space<vmem_shared>>
      tpu.wait_dma2 semaphore(%run_scoped3A_168 : memref<!tpu.dma_semaphore, #tpu.memory_space<semaphore_mem>>) src(%arg5 : memref<632x16xf32, #tpu.memory_space<hbm>>) dst(%dma_wait3A_172 : memref<632x16xf32, #tpu.memory_space<vmem_shared>>)
      tpu.yield
    }) : () -> ()
    %mul3A_3 = arith.constant 79 : i32
    %mul3A_4 = arith.muli %arg1, %mul3A_3 : i32
    "tpu.region"() ({
      %run_scoped3A_168 = tpu.sem_alloc : memref<!tpu.dma_semaphore, #tpu.memory_space<semaphore_mem>>
      %dma_start3A_169 = arith.constant 0 : i32
      %dma_start3A_170 = tpu.memref_slice %arg3[%mul3A_4, %dma_start3A_169] : memref<1264x128xf32, #tpu.memory_space<hbm>> -> memref<79x128xf32, #tpu.memory_space<hbm>>
      %dma_start3A_171 = arith.constant 0 : i32
      %dma_start3A_172 = tpu.memref_slice %arg3[%mul3A_4, %dma_start3A_171] : memref<1264x128xf32, #tpu.memory_space<hbm>> -> memref<79x128xf32, #tpu.memory_space<hbm>>
      tpu.enqueue_dma source(%dma_start3A_172 : memref<79x128xf32, #tpu.memory_space<hbm>>) target(%arg10 : memref<79x128xf32, #tpu.memory_space<vmem>>) target_semaphore(%run_scoped3A_168 : memref<!tpu.dma_semaphore, #tpu.memory_space<semaphore_mem>>)
      %dma_wait3A_173 = arith.constant 0 : i32
      %dma_wait3A_174 = tpu.memref_slice %arg3[%mul3A_4, %dma_wait3A_173] : memref<1264x128xf32, #tpu.memory_space<hbm>> -> memref<79x128xf32, #tpu.memory_space<hbm>>
      %dma_wait3A_175 = arith.constant 0 : i32
      %dma_wait3A_176 = tpu.memref_slice %arg3[%mul3A_4, %dma_wait3A_175] : memref<1264x128xf32, #tpu.memory_space<hbm>> -> memref<79x128xf32, #tpu.memory_space<hbm>>
      tpu.wait_dma2 semaphore(%run_scoped3A_168 : memref<!tpu.dma_semaphore, #tpu.memory_space<semaphore_mem>>) src(%dma_wait3A_176 : memref<79x128xf32, #tpu.memory_space<hbm>>) dst(%arg10 : memref<79x128xf32, #tpu.memory_space<vmem>>)
      tpu.yield
    }) : () -> ()
    %mul3A_5 = arith.constant 79 : i32
    %mul3A_6 = arith.muli %arg1, %mul3A_5 : i32
    "tpu.region"() ({
      %run_scoped3A_168 = tpu.sem_alloc : memref<!tpu.dma_semaphore, #tpu.memory_space<semaphore_mem>>
      %dma_start3A_169 = arith.constant 0 : i32
      %dma_start3A_170 = tpu.memref_slice %arg4[%mul3A_6, %dma_start3A_169] : memref<1264x128xf32, #tpu.memory_space<hbm>> -> memref<79x128xf32, #tpu.memory_space<hbm>>
      %dma_start3A_171 = arith.constant 0 : i32
      %dma_start3A_172 = tpu.memref_slice %arg4[%mul3A_6, %dma_start3A_171] : memref<1264x128xf32, #tpu.memory_space<hbm>> -> memref<79x128xf32, #tpu.memory_space<hbm>>
      tpu.enqueue_dma source(%dma_start3A_172 : memref<79x128xf32, #tpu.memory_space<hbm>>) target(%arg11 : memref<79x128xf32, #tpu.memory_space<vmem>>) target_semaphore(%run_scoped3A_168 : memref<!tpu.dma_semaphore, #tpu.memory_space<semaphore_mem>>)
      %dma_wait3A_173 = arith.constant 0 : i32
      %dma_wait3A_174 = tpu.memref_slice %arg4[%mul3A_6, %dma_wait3A_173] : memref<1264x128xf32, #tpu.memory_space<hbm>> -> memref<79x128xf32, #tpu.memory_space<hbm>>
      %dma_wait3A_175 = arith.constant 0 : i32
      %dma_wait3A_176 = tpu.memref_slice %arg4[%mul3A_6, %dma_wait3A_175] : memref<1264x128xf32, #tpu.memory_space<hbm>> -> memref<79x128xf32, #tpu.memory_space<hbm>>
      tpu.wait_dma2 semaphore(%run_scoped3A_168 : memref<!tpu.dma_semaphore, #tpu.memory_space<semaphore_mem>>) src(%dma_wait3A_176 : memref<79x128xf32, #tpu.memory_space<hbm>>) dst(%arg11 : memref<79x128xf32, #tpu.memory_space<vmem>>)
      tpu.yield
    }) : () -> ()
    %scan3A = arith.constant 0 : i32
    %scan3A_7 = arith.constant 0 : i32
    %scan3A_8 = arith.constant 79 : i32
    %scan3A_9 = arith.addi %scan3A_7, %scan3A_8 : i32
    %scan3A_10 = arith.constant 1 : i32
    scf.for %scan3A_168 = %scan3A_7 to %scan3A_9 step %scan3A_10  : i32 {
      %get3A = arith.index_cast %scan3A_168 : i32 to index
      %get3A_169 = arith.constant 0 : index
      %get3A_170 = tpu.vector_load %arg10[%get3A, %get3A_169] {strides = array<i32>} : memref<79x128xf32, #tpu.memory_space<vmem>>, vector<1x16xf32>,
      %get3A_171 = vector.shape_cast %get3A_170 : vector<1x16xf32> to vector<16xf32>
      %get3A_172 = arith.index_cast %scan3A_168 : i32 to index
      %get3A_173 = arith.constant 0 : index
      %get3A_174 = tpu.vector_load %arg11[%get3A_172, %get3A_173] {strides = array<i32>} : memref<79x128xf32, #tpu.memory_space<vmem>>, vector<1x16xf32>,
      %get3A_175 = vector.shape_cast %get3A_174 : vector<1x16xf32> to vector<16xf32>
      %mul3A_176 = arith.mulf %get3A_171, %get3A_175 : vector<16xf32>
      %mul3A_177 = arith.constant 8 : i32
      %mul3A_178 = arith.muli %scan3A_168, %mul3A_177 : i32
      %add3A_179 = arith.constant 0 : i32
      %add3A_180 = arith.addi %mul3A_178, %add3A_179 : i32
      %swap3A = arith.index_cast %add3A_180 : i32 to index
      %swap3A_181 = arith.constant 0 : index
      %swap3A_182 = tpu.vector_load %arg12[%swap3A, %swap3A_181] {strides = array<i32>} : memref<632x16xf32, #tpu.memory_space<vmem>>, vector<1x16xf32>,
      %swap3A_183 = vector.shape_cast %swap3A_182 : vector<1x16xf32> to vector<16xf32>
      %swap3A_184 = vector.shape_cast %mul3A_176 : vector<16xf32> to vector<1x16xf32>
      tpu.vector_store %arg12[%swap3A, %swap3A_181], %swap3A_184 {strides = array<i32>} : memref<632x16xf32, #tpu.memory_space<vmem>>, vector<1x16xf32>,
      %get3A_185 = arith.index_cast %scan3A_168 : i32 to index
      %get3A_186 = arith.constant 16 : index
      %get3A_187 = tpu.vector_load %arg10[%get3A_185, %get3A_186] {strides = array<i32>} : memref<79x128xf32, #tpu.memory_space<vmem>>, vector<1x16xf32>,
      %get3A_188 = vector.shape_cast %get3A_187 : vector<1x16xf32> to vector<16xf32>
      %get3A_189 = arith.index_cast %scan3A_168 : i32 to index
      %get3A_190 = arith.constant 16 : index
      %get3A_191 = tpu.vector_load %arg11[%get3A_189, %get3A_190] {strides = array<i32>} : memref<79x128xf32, #tpu.memory_space<vmem>>, vector<1x16xf32>,
      %get3A_192 = vector.shape_cast %get3A_191 : vector<1x16xf32> to vector<16xf32>
      %mul3A_193 = arith.mulf %get3A_188, %get3A_192 : vector<16xf32>
      %mul3A_194 = arith.constant 8 : i32
      %mul3A_195 = arith.muli %scan3A_168, %mul3A_194 : i32
      %add3A_196 = arith.constant 1 : i32
      %add3A_197 = arith.addi %mul3A_195, %add3A_196 : i32
      %swap3A_198 = arith.index_cast %add3A_197 : i32 to index
      %swap3A_199 = arith.constant 0 : index
      %swap3A_200 = tpu.vector_load %arg12[%swap3A_198, %swap3A_199] {strides = array<i32>} : memref<632x16xf32, #tpu.memory_space<vmem>>, vector<1x16xf32>,
      %swap3A_201 = vector.shape_cast %swap3A_200 : vector<1x16xf32> to vector<16xf32>
      %swap3A_202 = vector.shape_cast %mul3A_193 : vector<16xf32> to vector<1x16xf32>
      tpu.vector_store %arg12[%swap3A_198, %swap3A_199], %swap3A_202 {strides = array<i32>} : memref<632x16xf32, #tpu.memory_space<vmem>>, vector<1x16xf32>,
      %get3A_203 = arith.index_cast %scan3A_168 : i32 to index
      %get3A_204 = arith.constant 32 : index
      %get3A_205 = tpu.vector_load %arg10[%get3A_203, %get3A_204] {strides = array<i32>} : memref<79x128xf32, #tpu.memory_space<vmem>>, vector<1x16xf32>,
      %get3A_206 = vector.shape_cast %get3A_205 : vector<1x16xf32> to vector<16xf32>
      %get3A_207 = arith.index_cast %scan3A_168 : i32 to index
      %get3A_208 = arith.constant 32 : index
      %get3A_209 = tpu.vector_load %arg11[%get3A_207, %get3A_208] {strides = array<i32>} : memref<79x128xf32, #tpu.memory_space<vmem>>, vector<1x16xf32>,
      %get3A_210 = vector.shape_cast %get3A_209 : vector<1x16xf32> to vector<16xf32>
      %mul3A_211 = arith.mulf %get3A_206, %get3A_210 : vector<16xf32>
      %mul3A_212 = arith.constant 8 : i32
      %mul3A_213 = arith.muli %scan3A_168, %mul3A_212 : i32
      %add3A_214 = arith.constant 2 : i32
      %add3A_215 = arith.addi %mul3A_213, %add3A_214 : i32
      %swap3A_216 = arith.index_cast %add3A_215 : i32 to index
      %swap3A_217 = arith.constant 0 : index
      %swap3A_218 = tpu.vector_load %arg12[%swap3A_216, %swap3A_217] {strides = array<i32>} : memref<632x16xf32, #tpu.memory_space<vmem>>, vector<1x16xf32>,
      %swap3A_219 = vector.shape_cast %swap3A_218 : vector<1x16xf32> to vector<16xf32>
      %swap3A_220 = vector.shape_cast %mul3A_211 : vector<16xf32> to vector<1x16xf32>
      tpu.vector_store %arg12[%swap3A_216, %swap3A_217], %swap3A_220 {strides = array<i32>} : memref<632x16xf32, #tpu.memory_space<vmem>>, vector<1x16xf32>,
      %get3A_221 = arith.index_cast %scan3A_168 : i32 to index
      %get3A_222 = arith.constant 48 : index
      %get3A_223 = tpu.vector_load %arg10[%get3A_221, %get3A_222] {strides = array<i32>} : memref<79x128xf32, #tpu.memory_space<vmem>>, vector<1x16xf32>,
      %get3A_224 = vector.shape_cast %get3A_223 : vector<1x16xf32> to vector<16xf32>
      %get3A_225 = arith.index_cast %scan3A_168 : i32 to index
      %get3A_226 = arith.constant 48 : index
      %get3A_227 = tpu.vector_load %arg11[%get3A_225, %get3A_226] {strides = array<i32>} : memref<79x128xf32, #tpu.memory_space<vmem>>, vector<1x16xf32>,
      %get3A_228 = vector.shape_cast %get3A_227 : vector<1x16xf32> to vector<16xf32>
      %mul3A_229 = arith.mulf %get3A_224, %get3A_228 : vector<16xf32>
      %mul3A_230 = arith.constant 8 : i32
      %mul3A_231 = arith.muli %scan3A_168, %mul3A_230 : i32
      %add3A_232 = arith.constant 3 : i32
      %add3A_233 = arith.addi %mul3A_231, %add3A_232 : i32
      %swap3A_234 = arith.index_cast %add3A_233 : i32 to index
      %swap3A_235 = arith.constant 0 : index
      %swap3A_236 = tpu.vector_load %arg12[%swap3A_234, %swap3A_235] {strides = array<i32>} : memref<632x16xf32, #tpu.memory_space<vmem>>, vector<1x16xf32>,
      %swap3A_237 = vector.shape_cast %swap3A_236 : vector<1x16xf32> to vector<16xf32>
      %swap3A_238 = vector.shape_cast %mul3A_229 : vector<16xf32> to vector<1x16xf32>
      tpu.vector_store %arg12[%swap3A_234, %swap3A_235], %swap3A_238 {strides = array<i32>} : memref<632x16xf32, #tpu.memory_space<vmem>>, vector<1x16xf32>,
      %get3A_239 = arith.index_cast %scan3A_168 : i32 to index
      %get3A_240 = arith.constant 64 : index
      %get3A_241 = tpu.vector_load %arg10[%get3A_239, %get3A_240] {strides = array<i32>} : memref<79x128xf32, #tpu.memory_space<vmem>>, vector<1x16xf32>,
      %get3A_242 = vector.shape_cast %get3A_241 : vector<1x16xf32> to vector<16xf32>
      %get3A_243 = arith.index_cast %scan3A_168 : i32 to index
      %get3A_244 = arith.constant 64 : index
      %get3A_245 = tpu.vector_load %arg11[%get3A_243, %get3A_244] {strides = array<i32>} : memref<79x128xf32, #tpu.memory_space<vmem>>, vector<1x16xf32>,
      %get3A_246 = vector.shape_cast %get3A_245 : vector<1x16xf32> to vector<16xf32>
      %mul3A_247 = arith.mulf %get3A_242, %get3A_246 : vector<16xf32>
      %mul3A_248 = arith.constant 8 : i32
      %mul3A_249 = arith.muli %scan3A_168, %mul3A_248 : i32
      %add3A_250 = arith.constant 4 : i32
      %add3A_251 = arith.addi %mul3A_249, %add3A_250 : i32
      %swap3A_252 = arith.index_cast %add3A_251 : i32 to index
      %swap3A_253 = arith.constant 0 : index
      %swap3A_254 = tpu.vector_load %arg12[%swap3A_252, %swap3A_253] {strides = array<i32>} : memref<632x16xf32, #tpu.memory_space<vmem>>, vector<1x16xf32>,
      %swap3A_255 = vector.shape_cast %swap3A_254 : vector<1x16xf32> to vector<16xf32>
      %swap3A_256 = vector.shape_cast %mul3A_247 : vector<16xf32> to vector<1x16xf32>
      tpu.vector_store %arg12[%swap3A_252, %swap3A_253], %swap3A_256 {strides = array<i32>} : memref<632x16xf32, #tpu.memory_space<vmem>>, vector<1x16xf32>,
      %get3A_257 = arith.index_cast %scan3A_168 : i32 to index
      %get3A_258 = arith.constant 80 : index
      %get3A_259 = tpu.vector_load %arg10[%get3A_257, %get3A_258] {strides = array<i32>} : memref<79x128xf32, #tpu.memory_space<vmem>>, vector<1x16xf32>,
      %get3A_260 = vector.shape_cast %get3A_259 : vector<1x16xf32> to vector<16xf32>
      %get3A_261 = arith.index_cast %scan3A_168 : i32 to index
      %get3A_262 = arith.constant 80 : index
      %get3A_263 = tpu.vector_load %arg11[%get3A_261, %get3A_262] {strides = array<i32>} : memref<79x128xf32, #tpu.memory_space<vmem>>, vector<1x16xf32>,
      %get3A_264 = vector.shape_cast %get3A_263 : vector<1x16xf32> to vector<16xf32>
      %mul3A_265 = arith.mulf %get3A_260, %get3A_264 : vector<16xf32>
      %mul3A_266 = arith.constant 8 : i32
      %mul3A_267 = arith.muli %scan3A_168, %mul3A_266 : i32
      %add3A_268 = arith.constant 5 : i32
      %add3A_269 = arith.addi %mul3A_267, %add3A_268 : i32
      %swap3A_270 = arith.index_cast %add3A_269 : i32 to index
      %swap3A_271 = arith.constant 0 : index
      %swap3A_272 = tpu.vector_load %arg12[%swap3A_270, %swap3A_271] {strides = array<i32>} : memref<632x16xf32, #tpu.memory_space<vmem>>, vector<1x16xf32>,
      %swap3A_273 = vector.shape_cast %swap3A_272 : vector<1x16xf32> to vector<16xf32>
      %swap3A_274 = vector.shape_cast %mul3A_265 : vector<16xf32> to vector<1x16xf32>
      tpu.vector_store %arg12[%swap3A_270, %swap3A_271], %swap3A_274 {strides = array<i32>} : memref<632x16xf32, #tpu.memory_space<vmem>>, vector<1x16xf32>,
      %get3A_275 = arith.index_cast %scan3A_168 : i32 to index
      %get3A_276 = arith.constant 96 : index
      %get3A_277 = tpu.vector_load %arg10[%get3A_275, %get3A_276] {strides = array<i32>} : memref<79x128xf32, #tpu.memory_space<vmem>>, vector<1x16xf32>,
      %get3A_278 = vector.shape_cast %get3A_277 : vector<1x16xf32> to vector<16xf32>
      %get3A_279 = arith.index_cast %scan3A_168 : i32 to index
      %get3A_280 = arith.constant 96 : index
      %get3A_281 = tpu.vector_load %arg11[%get3A_279, %get3A_280] {strides = array<i32>} : memref<79x128xf32, #tpu.memory_space<vmem>>, vector<1x16xf32>,
      %get3A_282 = vector.shape_cast %get3A_281 : vector<1x16xf32> to vector<16xf32>
      %mul3A_283 = arith.mulf %get3A_278, %get3A_282 : vector<16xf32>
      %mul3A_284 = arith.constant 8 : i32
      %mul3A_285 = arith.muli %scan3A_168, %mul3A_284 : i32
      %add3A_286 = arith.constant 6 : i32
      %add3A_287 = arith.addi %mul3A_285, %add3A_286 : i32
      %swap3A_288 = arith.index_cast %add3A_287 : i32 to index
      %swap3A_289 = arith.constant 0 : index
      %swap3A_290 = tpu.vector_load %arg12[%swap3A_288, %swap3A_289] {strides = array<i32>} : memref<632x16xf32, #tpu.memory_space<vmem>>, vector<1x16xf32>,
      %swap3A_291 = vector.shape_cast %swap3A_290 : vector<1x16xf32> to vector<16xf32>
      %swap3A_292 = vector.shape_cast %mul3A_283 : vector<16xf32> to vector<1x16xf32>
      tpu.vector_store %arg12[%swap3A_288, %swap3A_289], %swap3A_292 {strides = array<i32>} : memref<632x16xf32, #tpu.memory_space<vmem>>, vector<1x16xf32>,
      %get3A_293 = arith.index_cast %scan3A_168 : i32 to index
      %get3A_294 = arith.constant 112 : index
      %get3A_295 = tpu.vector_load %arg10[%get3A_293, %get3A_294] {strides = array<i32>} : memref<79x128xf32, #tpu.memory_space<vmem>>, vector<1x16xf32>,
      %get3A_296 = vector.shape_cast %get3A_295 : vector<1x16xf32> to vector<16xf32>
      %get3A_297 = arith.index_cast %scan3A_168 : i32 to index
      %get3A_298 = arith.constant 112 : index
      %get3A_299 = tpu.vector_load %arg11[%get3A_297, %get3A_298] {strides = array<i32>} : memref<79x128xf32, #tpu.memory_space<vmem>>, vector<1x16xf32>,
      %get3A_300 = vector.shape_cast %get3A_299 : vector<1x16xf32> to vector<16xf32>
      %mul3A_301 = arith.mulf %get3A_296, %get3A_300 : vector<16xf32>
      %mul3A_302 = arith.constant 8 : i32
      %mul3A_303 = arith.muli %scan3A_168, %mul3A_302 : i32
      %add3A_304 = arith.constant 7 : i32
      %add3A_305 = arith.addi %mul3A_303, %add3A_304 : i32
      %swap3A_306 = arith.index_cast %add3A_305 : i32 to index
      %swap3A_307 = arith.constant 0 : index
      %swap3A_308 = tpu.vector_load %arg12[%swap3A_306, %swap3A_307] {strides = array<i32>} : memref<632x16xf32, #tpu.memory_space<vmem>>, vector<1x16xf32>,
      %swap3A_309 = vector.shape_cast %swap3A_308 : vector<1x16xf32> to vector<16xf32>
      %swap3A_310 = vector.shape_cast %mul3A_301 : vector<16xf32> to vector<1x16xf32>
      tpu.vector_store %arg12[%swap3A_306, %swap3A_307], %swap3A_310 {strides = array<i32>} : memref<632x16xf32, #tpu.memory_space<vmem>>, vector<1x16xf32>,
    }
    %scan3A_11 = arith.constant 79 : i32
    %mul3A_12 = arith.constant 632 : i32
    %mul3A_13 = arith.muli %arg1, %mul3A_12 : i32
    "tpu.region"() ({
      %run_scoped3A_168 = tpu.sem_alloc : memref<!tpu.dma_semaphore, #tpu.memory_space<semaphore_mem>>
      %dma_start3A_169 = arith.constant 0 : i32
      %dma_start3A_170 = tpu.memref_slice %arg14[%mul3A_13, %dma_start3A_169] : memref<10112x16xf32, #tpu.memory_space<vmem_shared>> -> memref<632x16xf32, #tpu.memory_space<vmem_shared>>
      %dma_start3A_171 = arith.constant 0 : i32
      %dma_start3A_172 = tpu.memref_slice %arg14[%mul3A_13, %dma_start3A_171] : memref<10112x16xf32, #tpu.memory_space<vmem_shared>> -> memref<632x16xf32, #tpu.memory_space<vmem_shared>>
      tpu.enqueue_dma source(%arg12 : memref<632x16xf32, #tpu.memory_space<vmem>>) target(%dma_start3A_172 : memref<632x16xf32, #tpu.memory_space<vmem_shared>>) target_semaphore(%run_scoped3A_168 : memref<!tpu.dma_semaphore, #tpu.memory_space<semaphore_mem>>)
      %dma_wait3A_173 = arith.constant 0 : i32
      %dma_wait3A_174 = tpu.memref_slice %arg14[%mul3A_13, %dma_wait3A_173] : memref<10112x16xf32, #tpu.memory_space<vmem_shared>> -> memref<632x16xf32, #tpu.memory_space<vmem_shared>>
      %dma_wait3A_175 = arith.constant 0 : i32
      %dma_wait3A_176 = tpu.memref_slice %arg14[%mul3A_13, %dma_wait3A_175] : memref<10112x16xf32, #tpu.memory_space<vmem_shared>> -> memref<632x16xf32, #tpu.memory_space<vmem_shared>>
      tpu.wait_dma2 semaphore(%run_scoped3A_168 : memref<!tpu.dma_semaphore, #tpu.memory_space<semaphore_mem>>) src(%arg12 : memref<632x16xf32, #tpu.memory_space<vmem>>) dst(%dma_wait3A_176 : memref<632x16xf32, #tpu.memory_space<vmem_shared>>)
      tpu.yield
    }) : () -> ()
    %run_scoped3A = arith.constant 0 : i32
    "tpu.region"() ({
      %run_scoped3A_168 = tpu.sem_alloc : memref<!tpu.dma_semaphore, #tpu.memory_space<semaphore_mem>>
      %dma_start3A_169 = arith.constant 0 : i32
      %dma_start3A_170 = arith.constant 0 : i32
      %dma_start3A_171 = tpu.memref_slice %arg2[%run_scoped3A, %add3A, %dma_start3A_169, %dma_start3A_170] : memref<2x32x80x128xi32, #tpu.memory_space<hbm>> -> memref<1x1x80x128xi32, #tpu.memory_space<hbm>>
      %dma_start3A_172 = tpu.memref_squeeze %dma_start3A_171 : memref<1x1x80x128xi32, #tpu.memory_space<hbm>> -> memref<80x128xi32, #tpu.memory_space<hbm>>
      %dma_start3A_173 = arith.constant 0 : i32
      %dma_start3A_174 = arith.constant 0 : i32
      %dma_start3A_175 = tpu.memref_slice %arg2[%run_scoped3A, %add3A, %dma_start3A_173, %dma_start3A_174] : memref<2x32x80x128xi32, #tpu.memory_space<hbm>> -> memref<1x1x80x128xi32, #tpu.memory_space<hbm>>
      %dma_start3A_176 = tpu.memref_squeeze %dma_start3A_175 : memref<1x1x80x128xi32, #tpu.memory_space<hbm>> -> memref<80x128xi32, #tpu.memory_space<hbm>>
      tpu.enqueue_dma source(%dma_start3A_176 : memref<80x128xi32, #tpu.memory_space<hbm>>) target(%arg7 : memref<80x128xi32, #tpu.memory_space<vmem>>) target_semaphore(%run_scoped3A_168 : memref<!tpu.dma_semaphore, #tpu.memory_space<semaphore_mem>>)
      %dma_wait3A_177 = arith.constant 0 : i32
      %dma_wait3A_178 = arith.constant 0 : i32
      %dma_wait3A_179 = tpu.memref_slice %arg2[%run_scoped3A, %add3A, %dma_wait3A_177, %dma_wait3A_178] : memref<2x32x80x128xi32, #tpu.memory_space<hbm>> -> memref<1x1x80x128xi32, #tpu.memory_space<hbm>>
      %dma_wait3A_180 = tpu.memref_squeeze %dma_wait3A_179 : memref<1x1x80x128xi32, #tpu.memory_space<hbm>> -> memref<80x128xi32, #tpu.memory_space<hbm>>
      %dma_wait3A_181 = arith.constant 0 : i32
      %dma_wait3A_182 = arith.constant 0 : i32
      %dma_wait3A_183 = tpu.memref_slice %arg2[%run_scoped3A, %add3A, %dma_wait3A_181, %dma_wait3A_182] : memref<2x32x80x128xi32, #tpu.memory_space<hbm>> -> memref<1x1x80x128xi32, #tpu.memory_space<hbm>>
      %dma_wait3A_184 = tpu.memref_squeeze %dma_wait3A_183 : memref<1x1x80x128xi32, #tpu.memory_space<hbm>> -> memref<80x128xi32, #tpu.memory_space<hbm>>
      tpu.wait_dma2 semaphore(%run_scoped3A_168 : memref<!tpu.dma_semaphore, #tpu.memory_space<semaphore_mem>>) src(%dma_wait3A_184 : memref<80x128xi32, #tpu.memory_space<hbm>>) dst(%arg7 : memref<80x128xi32, #tpu.memory_space<vmem>>)
      tpu.yield
    }) : () -> ()
    %run_scoped3A_14 = arith.constant 1 : i32
    "tpu.region"() ({
      %run_scoped3A_168 = tpu.sem_alloc : memref<!tpu.dma_semaphore, #tpu.memory_space<semaphore_mem>>
      %dma_start3A_169 = arith.constant 0 : i32
      %dma_start3A_170 = arith.constant 0 : i32
      %dma_start3A_171 = tpu.memref_slice %arg2[%run_scoped3A_14, %add3A, %dma_start3A_169, %dma_start3A_170] : memref<2x32x80x128xi32, #tpu.memory_space<hbm>> -> memref<1x1x80x128xi32, #tpu.memory_space<hbm>>
      %dma_start3A_172 = tpu.memref_squeeze %dma_start3A_171 : memref<1x1x80x128xi32, #tpu.memory_space<hbm>> -> memref<80x128xi32, #tpu.memory_space<hbm>>
      %dma_start3A_173 = arith.constant 0 : i32
      %dma_start3A_174 = arith.constant 0 : i32
      %dma_start3A_175 = tpu.memref_slice %arg2[%run_scoped3A_14, %add3A, %dma_start3A_173, %dma_start3A_174] : memref<2x32x80x128xi32, #tpu.memory_space<hbm>> -> memref<1x1x80x128xi32, #tpu.memory_space<hbm>>
      %dma_start3A_176 = tpu.memref_squeeze %dma_start3A_175 : memref<1x1x80x128xi32, #tpu.memory_space<hbm>> -> memref<80x128xi32, #tpu.memory_space<hbm>>
      tpu.enqueue_dma source(%dma_start3A_176 : memref<80x128xi32, #tpu.memory_space<hbm>>) target(%arg8 : memref<80x128xi32, #tpu.memory_space<vmem>>) target_semaphore(%run_scoped3A_168 : memref<!tpu.dma_semaphore, #tpu.memory_space<semaphore_mem>>)
      %dma_wait3A_177 = arith.constant 0 : i32
      %dma_wait3A_178 = arith.constant 0 : i32
      %dma_wait3A_179 = tpu.memref_slice %arg2[%run_scoped3A_14, %add3A, %dma_wait3A_177, %dma_wait3A_178] : memref<2x32x80x128xi32, #tpu.memory_space<hbm>> -> memref<1x1x80x128xi32, #tpu.memory_space<hbm>>
      %dma_wait3A_180 = tpu.memref_squeeze %dma_wait3A_179 : memref<1x1x80x128xi32, #tpu.memory_space<hbm>> -> memref<80x128xi32, #tpu.memory_space<hbm>>
      %dma_wait3A_181 = arith.constant 0 : i32
      %dma_wait3A_182 = arith.constant 0 : i32
      %dma_wait3A_183 = tpu.memref_slice %arg2[%run_scoped3A_14, %add3A, %dma_wait3A_181, %dma_wait3A_182] : memref<2x32x80x128xi32, #tpu.memory_space<hbm>> -> memref<1x1x80x128xi32, #tpu.memory_space<hbm>>
      %dma_wait3A_184 = tpu.memref_squeeze %dma_wait3A_183 : memref<1x1x80x128xi32, #tpu.memory_space<hbm>> -> memref<80x128xi32, #tpu.memory_space<hbm>>
      tpu.wait_dma2 semaphore(%run_scoped3A_168 : memref<!tpu.dma_semaphore, #tpu.memory_space<semaphore_mem>>) src(%dma_wait3A_184 : memref<80x128xi32, #tpu.memory_space<hbm>>) dst(%arg8 : memref<80x128xi32, #tpu.memory_space<vmem>>)
      tpu.yield
    }) : () -> ()
    %barrier3A = arith.constant 0 : index
    tpu.barrier barrier_id(%barrier3A)
    %dma_start3A = arith.constant 0 : i32
    %dma_start3A_15 = arith.constant 0 : i32
    %dma_start3A_16 = arith.constant 0 : i32
    %dma_start3A_17 = arith.constant 0 : i32
    %dma_start3A_18 = tpu.memref_slice %arg9[%dma_start3A_15, %dma_start3A_16, %dma_start3A_17] : memref<8x128x16xf32, #tpu.memory_space<vmem>> -> memref<1x128x16xf32, #tpu.memory_space<vmem>>
    %dma_start3A_19 = tpu.memref_squeeze %dma_start3A_18 : memref<1x128x16xf32, #tpu.memory_space<vmem>> -> memref<128x16xf32, #tpu.memory_space<vmem>>
    %dma_start3A_20 = arith.constant 0 : i32
    %dma_start3A_21 = tpu.memref_slice %arg7[%dma_start3A, %dma_start3A_20] : memref<80x128xi32, #tpu.memory_space<vmem>> -> memref<1x128xi32, #tpu.memory_space<vmem>>
    %dma_start3A_22 = tpu.memref_squeeze %dma_start3A_21 : memref<1x128xi32, #tpu.memory_space<vmem>> -> memref<128xi32, #tpu.memory_space<vmem>>
    %dma_start3A_23 = arith.constant 0 : i32
    %dma_start3A_24 = arith.constant 0 : i32
    %dma_start3A_25 = tpu.memref_slice %arg14[%dma_start3A_23, %dma_start3A_24] : memref<10112x16xf32, #tpu.memory_space<vmem_shared>> -> memref<10112x16xf32, #tpu.memory_space<vmem_shared>>
    tpu.enqueue_indirect_dma source(%dma_start3A_25 : memref<10112x16xf32, #tpu.memory_space<vmem_shared>>) target(%dma_start3A_19 : memref<128x16xf32, #tpu.memory_space<vmem>>) offsets(%dma_start3A_22 : memref<128xi32, #tpu.memory_space<vmem>>) semaphore(%arg15 : memref<!tpu.dma_semaphore, #tpu.memory_space<semaphore_mem>>)
    %dma_start3A_26 = arith.constant 1 : i32
    %dma_start3A_27 = arith.constant 1 : i32
    %dma_start3A_28 = arith.constant 0 : i32
    %dma_start3A_29 = arith.constant 0 : i32
    %dma_start3A_30 = tpu.memref_slice %arg9[%dma_start3A_27, %dma_start3A_28, %dma_start3A_29] : memref<8x128x16xf32, #tpu.memory_space<vmem>> -> memref<1x128x16xf32, #tpu.memory_space<vmem>>
    %dma_start3A_31 = tpu.memref_squeeze %dma_start3A_30 : memref<1x128x16xf32, #tpu.memory_space<vmem>> -> memref<128x16xf32, #tpu.memory_space<vmem>>
    %dma_start3A_32 = arith.constant 0 : i32
    %dma_start3A_33 = tpu.memref_slice %arg7[%dma_start3A_26, %dma_start3A_32] : memref<80x128xi32, #tpu.memory_space<vmem>> -> memref<1x128xi32, #tpu.memory_space<vmem>>
    %dma_start3A_34 = tpu.memref_squeeze %dma_start3A_33 : memref<1x128xi32, #tpu.memory_space<vmem>> -> memref<128xi32, #tpu.memory_space<vmem>>
    %dma_start3A_35 = arith.constant 0 : i32
    %dma_start3A_36 = arith.constant 0 : i32
    %dma_start3A_37 = tpu.memref_slice %arg14[%dma_start3A_35, %dma_start3A_36] : memref<10112x16xf32, #tpu.memory_space<vmem_shared>> -> memref<10112x16xf32, #tpu.memory_space<vmem_shared>>
    tpu.enqueue_indirect_dma source(%dma_start3A_37 : memref<10112x16xf32, #tpu.memory_space<vmem_shared>>) target(%dma_start3A_31 : memref<128x16xf32, #tpu.memory_space<vmem>>) offsets(%dma_start3A_34 : memref<128xi32, #tpu.memory_space<vmem>>) semaphore(%arg16 : memref<!tpu.dma_semaphore, #tpu.memory_space<semaphore_mem>>)
    %dma_start3A_38 = arith.constant 2 : i32
    %dma_start3A_39 = arith.constant 2 : i32
    %dma_start3A_40 = arith.constant 0 : i32
    %dma_start3A_41 = arith.constant 0 : i32
    %dma_start3A_42 = tpu.memref_slice %arg9[%dma_start3A_39, %dma_start3A_40, %dma_start3A_41] : memref<8x128x16xf32, #tpu.memory_space<vmem>> -> memref<1x128x16xf32, #tpu.memory_space<vmem>>
    %dma_start3A_43 = tpu.memref_squeeze %dma_start3A_42 : memref<1x128x16xf32, #tpu.memory_space<vmem>> -> memref<128x16xf32, #tpu.memory_space<vmem>>
    %dma_start3A_44 = arith.constant 0 : i32
    %dma_start3A_45 = tpu.memref_slice %arg7[%dma_start3A_38, %dma_start3A_44] : memref<80x128xi32, #tpu.memory_space<vmem>> -> memref<1x128xi32, #tpu.memory_space<vmem>>
    %dma_start3A_46 = tpu.memref_squeeze %dma_start3A_45 : memref<1x128xi32, #tpu.memory_space<vmem>> -> memref<128xi32, #tpu.memory_space<vmem>>
    %dma_start3A_47 = arith.constant 0 : i32
    %dma_start3A_48 = arith.constant 0 : i32
    %dma_start3A_49 = tpu.memref_slice %arg14[%dma_start3A_47, %dma_start3A_48] : memref<10112x16xf32, #tpu.memory_space<vmem_shared>> -> memref<10112x16xf32, #tpu.memory_space<vmem_shared>>
    tpu.enqueue_indirect_dma source(%dma_start3A_49 : memref<10112x16xf32, #tpu.memory_space<vmem_shared>>) target(%dma_start3A_43 : memref<128x16xf32, #tpu.memory_space<vmem>>) offsets(%dma_start3A_46 : memref<128xi32, #tpu.memory_space<vmem>>) semaphore(%arg17 : memref<!tpu.dma_semaphore, #tpu.memory_space<semaphore_mem>>)
    %dma_start3A_50 = arith.constant 3 : i32
    %dma_start3A_51 = arith.constant 3 : i32
    %dma_start3A_52 = arith.constant 0 : i32
    %dma_start3A_53 = arith.constant 0 : i32
    %dma_start3A_54 = tpu.memref_slice %arg9[%dma_start3A_51, %dma_start3A_52, %dma_start3A_53] : memref<8x128x16xf32, #tpu.memory_space<vmem>> -> memref<1x128x16xf32, #tpu.memory_space<vmem>>
    %dma_start3A_55 = tpu.memref_squeeze %dma_start3A_54 : memref<1x128x16xf32, #tpu.memory_space<vmem>> -> memref<128x16xf32, #tpu.memory_space<vmem>>
    %dma_start3A_56 = arith.constant 0 : i32
    %dma_start3A_57 = tpu.memref_slice %arg7[%dma_start3A_50, %dma_start3A_56] : memref<80x128xi32, #tpu.memory_space<vmem>> -> memref<1x128xi32, #tpu.memory_space<vmem>>
    %dma_start3A_58 = tpu.memref_squeeze %dma_start3A_57 : memref<1x128xi32, #tpu.memory_space<vmem>> -> memref<128xi32, #tpu.memory_space<vmem>>
    %dma_start3A_59 = arith.constant 0 : i32
    %dma_start3A_60 = arith.constant 0 : i32
    %dma_start3A_61 = tpu.memref_slice %arg14[%dma_start3A_59, %dma_start3A_60] : memref<10112x16xf32, #tpu.memory_space<vmem_shared>> -> memref<10112x16xf32, #tpu.memory_space<vmem_shared>>
    tpu.enqueue_indirect_dma source(%dma_start3A_61 : memref<10112x16xf32, #tpu.memory_space<vmem_shared>>) target(%dma_start3A_55 : memref<128x16xf32, #tpu.memory_space<vmem>>) offsets(%dma_start3A_58 : memref<128xi32, #tpu.memory_space<vmem>>) semaphore(%arg18 : memref<!tpu.dma_semaphore, #tpu.memory_space<semaphore_mem>>)
    %scan3A_62 = arith.constant 0 : i32
    %scan3A_63 = arith.constant 0 : i32
    %scan3A_64 = arith.constant 10 : i32
    %scan3A_65 = arith.addi %scan3A_63, %scan3A_64 : i32
    %scan3A_66 = arith.constant 1 : i32
    scf.for %scan3A_168 = %scan3A_63 to %scan3A_65 step %scan3A_66  : i32 {
      %mul3A_169 = arith.constant 8 : i32
      %mul3A_170 = arith.muli %scan3A_168, %mul3A_169 : i32
      %add3A_171 = arith.constant 0 : i32
      %add3A_172 = arith.addi %mul3A_170, %add3A_171 : i32
      %dma_wait3A_173 = arith.constant 0 : i32
      %dma_wait3A_174 = arith.constant 0 : i32
      %dma_wait3A_175 = arith.constant 0 : i32
      %dma_wait3A_176 = tpu.memref_slice %arg9[%dma_wait3A_173, %dma_wait3A_174, %dma_wait3A_175] : memref<8x128x16xf32, #tpu.memory_space<vmem>> -> memref<1x128x16xf32, #tpu.memory_space<vmem>>
      %dma_wait3A_177 = tpu.memref_squeeze %dma_wait3A_176 : memref<1x128x16xf32, #tpu.memory_space<vmem>> -> memref<128x16xf32, #tpu.memory_space<vmem>>
      %dma_wait3A_178 = arith.constant 0 : i32
      %dma_wait3A_179 = tpu.memref_slice %arg7[%add3A_172, %dma_wait3A_178] : memref<80x128xi32, #tpu.memory_space<vmem>> -> memref<1x128xi32, #tpu.memory_space<vmem>>
      %dma_wait3A_180 = tpu.memref_squeeze %dma_wait3A_179 : memref<1x128xi32, #tpu.memory_space<vmem>> -> memref<128xi32, #tpu.memory_space<vmem>>
      %dma_wait3A_181 = arith.constant 0 : i32
      %dma_wait3A_182 = arith.constant 0 : i32
      %dma_wait3A_183 = tpu.memref_slice %arg14[%dma_wait3A_181, %dma_wait3A_182] : memref<10112x16xf32, #tpu.memory_space<vmem_shared>> -> memref<10112x16xf32, #tpu.memory_space<vmem_shared>>
      tpu.wait_indirect_dma semaphore(%arg15 : memref<!tpu.dma_semaphore, #tpu.memory_space<semaphore_mem>>) src(%dma_wait3A_183 : memref<10112x16xf32, #tpu.memory_space<vmem_shared>>) dst(%dma_wait3A_177 : memref<128x16xf32, #tpu.memory_space<vmem>>)
      %dma_start3A_184 = arith.constant 0 : i32
      %dma_start3A_185 = arith.constant 0 : i32
      %dma_start3A_186 = arith.constant 0 : i32
      %dma_start3A_187 = tpu.memref_slice %arg9[%dma_start3A_184, %dma_start3A_185, %dma_start3A_186] : memref<8x128x16xf32, #tpu.memory_space<vmem>> -> memref<1x128x16xf32, #tpu.memory_space<vmem>>
      %dma_start3A_188 = tpu.memref_squeeze %dma_start3A_187 : memref<1x128x16xf32, #tpu.memory_space<vmem>> -> memref<128x16xf32, #tpu.memory_space<vmem>>
      %dma_start3A_189 = arith.constant 0 : i32
      %dma_start3A_190 = tpu.memref_slice %arg8[%add3A_172, %dma_start3A_189] : memref<80x128xi32, #tpu.memory_space<vmem>> -> memref<1x128xi32, #tpu.memory_space<vmem>>
      %dma_start3A_191 = tpu.memref_squeeze %dma_start3A_190 : memref<1x128xi32, #tpu.memory_space<vmem>> -> memref<128xi32, #tpu.memory_space<vmem>>
      %dma_start3A_192 = arith.constant 0 : i32
      %dma_start3A_193 = arith.constant 0 : i32
      %dma_start3A_194 = tpu.memref_slice %arg13[%dma_start3A_192, %dma_start3A_193] : memref<10112x16xf32, #tpu.memory_space<vmem_shared>> -> memref<10112x16xf32, #tpu.memory_space<vmem_shared>>
      tpu.enqueue_indirect_dma source(%dma_start3A_188 : memref<128x16xf32, #tpu.memory_space<vmem>>) target(%dma_start3A_194 : memref<10112x16xf32, #tpu.memory_space<vmem_shared>>) offsets(%dma_start3A_191 : memref<128xi32, #tpu.memory_space<vmem>>) semaphore(%arg23 : memref<!tpu.dma_semaphore, #tpu.memory_space<semaphore_mem>>) {add = true}
      %add3A_195 = arith.constant 4 : i32
      %add3A_196 = arith.addi %add3A_172, %add3A_195 : i32
      %lt3A = arith.constant 80 : i32
      %lt3A_197 = arith.cmpi slt, %add3A_196, %lt3A : i32
      %convert_element_type3A = arith.extui %lt3A_197 : i1 to i32
      %cond3A = arith.constant 0 : i32
      %cond3A_198 = arith.cmpi ne, %convert_element_type3A, %cond3A : i32
      scf.if %cond3A_198 {
        %ge3A = arith.constant 8 : i32
        %ge3A_416 = arith.cmpi sge, %add3A_196, %ge3A : i32
        %convert_element_type3A_417 = arith.extui %ge3A_416 : i1 to i32
        %cond3A_418 = arith.constant 0 : i32
        %cond3A_419 = arith.cmpi ne, %convert_element_type3A_417, %cond3A_418 : i32
        scf.if %cond3A_419 {
          %sub3A = arith.constant 8 : i32
          %sub3A_431 = arith.subi %add3A_196, %sub3A : i32
          %dma_wait3A_432 = arith.constant 4 : i32
          %dma_wait3A_433 = arith.constant 0 : i32
          %dma_wait3A_434 = arith.constant 0 : i32
          %dma_wait3A_435 = tpu.memref_slice %arg9[%dma_wait3A_432, %dma_wait3A_433, %dma_wait3A_434] : memref<8x128x16xf32, #tpu.memory_space<vmem>> -> memref<1x128x16xf32, #tpu.memory_space<vmem>>
          %dma_wait3A_436 = tpu.memref_squeeze %dma_wait3A_435 : memref<1x128x16xf32, #tpu.memory_space<vmem>> -> memref<128x16xf32, #tpu.memory_space<vmem>>
          %dma_wait3A_437 = arith.constant 0 : i32
          %dma_wait3A_438 = tpu.memref_slice %arg8[%sub3A_431, %dma_wait3A_437] : memref<80x128xi32, #tpu.memory_space<vmem>> -> memref<1x128xi32, #tpu.memory_space<vmem>>
          %dma_wait3A_439 = tpu.memref_squeeze %dma_wait3A_438 : memref<1x128xi32, #tpu.memory_space<vmem>> -> memref<128xi32, #tpu.memory_space<vmem>>
          %dma_wait3A_440 = arith.constant 0 : i32
          %dma_wait3A_441 = arith.constant 0 : i32
          %dma_wait3A_442 = tpu.memref_slice %arg13[%dma_wait3A_440, %dma_wait3A_441] : memref<10112x16xf32, #tpu.memory_space<vmem_shared>> -> memref<10112x16xf32, #tpu.memory_space<vmem_shared>>
          tpu.wait_indirect_dma semaphore(%arg27 : memref<!tpu.dma_semaphore, #tpu.memory_space<semaphore_mem>>) src(%dma_wait3A_436 : memref<128x16xf32, #tpu.memory_space<vmem>>) dst(%dma_wait3A_442 : memref<10112x16xf32, #tpu.memory_space<vmem_shared>>)
        } else {
        }
        %dma_start3A_420 = arith.constant 4 : i32
        %dma_start3A_421 = arith.constant 0 : i32
        %dma_start3A_422 = arith.constant 0 : i32
        %dma_start3A_423 = tpu.memref_slice %arg9[%dma_start3A_420, %dma_start3A_421, %dma_start3A_422] : memref<8x128x16xf32, #tpu.memory_space<vmem>> -> memref<1x128x16xf32, #tpu.memory_space<vmem>>
        %dma_start3A_424 = tpu.memref_squeeze %dma_start3A_423 : memref<1x128x16xf32, #tpu.memory_space<vmem>> -> memref<128x16xf32, #tpu.memory_space<vmem>>
        %dma_start3A_425 = arith.constant 0 : i32
        %dma_start3A_426 = tpu.memref_slice %arg7[%add3A_196, %dma_start3A_425] : memref<80x128xi32, #tpu.memory_space<vmem>> -> memref<1x128xi32, #tpu.memory_space<vmem>>
        %dma_start3A_427 = tpu.memref_squeeze %dma_start3A_426 : memref<1x128xi32, #tpu.memory_space<vmem>> -> memref<128xi32, #tpu.memory_space<vmem>>
        %dma_start3A_428 = arith.constant 0 : i32
        %dma_start3A_429 = arith.constant 0 : i32
        %dma_start3A_430 = tpu.memref_slice %arg14[%dma_start3A_428, %dma_start3A_429] : memref<10112x16xf32, #tpu.memory_space<vmem_shared>> -> memref<10112x16xf32, #tpu.memory_space<vmem_shared>>
        tpu.enqueue_indirect_dma source(%dma_start3A_430 : memref<10112x16xf32, #tpu.memory_space<vmem_shared>>) target(%dma_start3A_424 : memref<128x16xf32, #tpu.memory_space<vmem>>) offsets(%dma_start3A_427 : memref<128xi32, #tpu.memory_space<vmem>>) semaphore(%arg19 : memref<!tpu.dma_semaphore, #tpu.memory_space<semaphore_mem>>)
      } else {
      }
      %add3A_199 = arith.constant 1 : i32
      %add3A_200 = arith.addi %mul3A_170, %add3A_199 : i32
      %dma_wait3A_201 = arith.constant 1 : i32
      %dma_wait3A_202 = arith.constant 0 : i32
      %dma_wait3A_203 = arith.constant 0 : i32
      %dma_wait3A_204 = tpu.memref_slice %arg9[%dma_wait3A_201, %dma_wait3A_202, %dma_wait3A_203] : memref<8x128x16xf32, #tpu.memory_space<vmem>> -> memref<1x128x16xf32, #tpu.memory_space<vmem>>
      %dma_wait3A_205 = tpu.memref_squeeze %dma_wait3A_204 : memref<1x128x16xf32, #tpu.memory_space<vmem>> -> memref<128x16xf32, #tpu.memory_space<vmem>>
      %dma_wait3A_206 = arith.constant 0 : i32
      %dma_wait3A_207 = tpu.memref_slice %arg7[%add3A_200, %dma_wait3A_206] : memref<80x128xi32, #tpu.memory_space<vmem>> -> memref<1x128xi32, #tpu.memory_space<vmem>>
      %dma_wait3A_208 = tpu.memref_squeeze %dma_wait3A_207 : memref<1x128xi32, #tpu.memory_space<vmem>> -> memref<128xi32, #tpu.memory_space<vmem>>
      %dma_wait3A_209 = arith.constant 0 : i32
      %dma_wait3A_210 = arith.constant 0 : i32
      %dma_wait3A_211 = tpu.memref_slice %arg14[%dma_wait3A_209, %dma_wait3A_210] : memref<10112x16xf32, #tpu.memory_space<vmem_shared>> -> memref<10112x16xf32, #tpu.memory_space<vmem_shared>>
      tpu.wait_indirect_dma semaphore(%arg16 : memref<!tpu.dma_semaphore, #tpu.memory_space<semaphore_mem>>) src(%dma_wait3A_211 : memref<10112x16xf32, #tpu.memory_space<vmem_shared>>) dst(%dma_wait3A_205 : memref<128x16xf32, #tpu.memory_space<vmem>>)
      %dma_start3A_212 = arith.constant 1 : i32
      %dma_start3A_213 = arith.constant 0 : i32
      %dma_start3A_214 = arith.constant 0 : i32
      %dma_start3A_215 = tpu.memref_slice %arg9[%dma_start3A_212, %dma_start3A_213, %dma_start3A_214] : memref<8x128x16xf32, #tpu.memory_space<vmem>> -> memref<1x128x16xf32, #tpu.memory_space<vmem>>
      %dma_start3A_216 = tpu.memref_squeeze %dma_start3A_215 : memref<1x128x16xf32, #tpu.memory_space<vmem>> -> memref<128x16xf32, #tpu.memory_space<vmem>>
      %dma_start3A_217 = arith.constant 0 : i32
      %dma_start3A_218 = tpu.memref_slice %arg8[%add3A_200, %dma_start3A_217] : memref<80x128xi32, #tpu.memory_space<vmem>> -> memref<1x128xi32, #tpu.memory_space<vmem>>
      %dma_start3A_219 = tpu.memref_squeeze %dma_start3A_218 : memref<1x128xi32, #tpu.memory_space<vmem>> -> memref<128xi32, #tpu.memory_space<vmem>>
      %dma_start3A_220 = arith.constant 0 : i32
      %dma_start3A_221 = arith.constant 0 : i32
      %dma_start3A_222 = tpu.memref_slice %arg13[%dma_start3A_220, %dma_start3A_221] : memref<10112x16xf32, #tpu.memory_space<vmem_shared>> -> memref<10112x16xf32, #tpu.memory_space<vmem_shared>>
      tpu.enqueue_indirect_dma source(%dma_start3A_216 : memref<128x16xf32, #tpu.memory_space<vmem>>) target(%dma_start3A_222 : memref<10112x16xf32, #tpu.memory_space<vmem_shared>>) offsets(%dma_start3A_219 : memref<128xi32, #tpu.memory_space<vmem>>) semaphore(%arg24 : memref<!tpu.dma_semaphore, #tpu.memory_space<semaphore_mem>>) {add = true}
      %add3A_223 = arith.constant 4 : i32
      %add3A_224 = arith.addi %add3A_200, %add3A_223 : i32
      %lt3A_225 = arith.constant 80 : i32
      %lt3A_226 = arith.cmpi slt, %add3A_224, %lt3A_225 : i32
      %convert_element_type3A_227 = arith.extui %lt3A_226 : i1 to i32
      %cond3A_228 = arith.constant 0 : i32
      %cond3A_229 = arith.cmpi ne, %convert_element_type3A_227, %cond3A_228 : i32
      scf.if %cond3A_229 {
        %ge3A = arith.constant 8 : i32
        %ge3A_416 = arith.cmpi sge, %add3A_224, %ge3A : i32
        %convert_element_type3A_417 = arith.extui %ge3A_416 : i1 to i32
        %cond3A_418 = arith.constant 0 : i32
        %cond3A_419 = arith.cmpi ne, %convert_element_type3A_417, %cond3A_418 : i32
        scf.if %cond3A_419 {
          %sub3A = arith.constant 8 : i32
          %sub3A_431 = arith.subi %add3A_224, %sub3A : i32
          %dma_wait3A_432 = arith.constant 5 : i32
          %dma_wait3A_433 = arith.constant 0 : i32
          %dma_wait3A_434 = arith.constant 0 : i32
          %dma_wait3A_435 = tpu.memref_slice %arg9[%dma_wait3A_432, %dma_wait3A_433, %dma_wait3A_434] : memref<8x128x16xf32, #tpu.memory_space<vmem>> -> memref<1x128x16xf32, #tpu.memory_space<vmem>>
          %dma_wait3A_436 = tpu.memref_squeeze %dma_wait3A_435 : memref<1x128x16xf32, #tpu.memory_space<vmem>> -> memref<128x16xf32, #tpu.memory_space<vmem>>
          %dma_wait3A_437 = arith.constant 0 : i32
          %dma_wait3A_438 = tpu.memref_slice %arg8[%sub3A_431, %dma_wait3A_437] : memref<80x128xi32, #tpu.memory_space<vmem>> -> memref<1x128xi32, #tpu.memory_space<vmem>>
          %dma_wait3A_439 = tpu.memref_squeeze %dma_wait3A_438 : memref<1x128xi32, #tpu.memory_space<vmem>> -> memref<128xi32, #tpu.memory_space<vmem>>
          %dma_wait3A_440 = arith.constant 0 : i32
          %dma_wait3A_441 = arith.constant 0 : i32
          %dma_wait3A_442 = tpu.memref_slice %arg13[%dma_wait3A_440, %dma_wait3A_441] : memref<10112x16xf32, #tpu.memory_space<vmem_shared>> -> memref<10112x16xf32, #tpu.memory_space<vmem_shared>>
          tpu.wait_indirect_dma semaphore(%arg28 : memref<!tpu.dma_semaphore, #tpu.memory_space<semaphore_mem>>) src(%dma_wait3A_436 : memref<128x16xf32, #tpu.memory_space<vmem>>) dst(%dma_wait3A_442 : memref<10112x16xf32, #tpu.memory_space<vmem_shared>>)
        } else {
        }
        %dma_start3A_420 = arith.constant 5 : i32
        %dma_start3A_421 = arith.constant 0 : i32
        %dma_start3A_422 = arith.constant 0 : i32
        %dma_start3A_423 = tpu.memref_slice %arg9[%dma_start3A_420, %dma_start3A_421, %dma_start3A_422] : memref<8x128x16xf32, #tpu.memory_space<vmem>> -> memref<1x128x16xf32, #tpu.memory_space<vmem>>
        %dma_start3A_424 = tpu.memref_squeeze %dma_start3A_423 : memref<1x128x16xf32, #tpu.memory_space<vmem>> -> memref<128x16xf32, #tpu.memory_space<vmem>>
        %dma_start3A_425 = arith.constant 0 : i32
        %dma_start3A_426 = tpu.memref_slice %arg7[%add3A_224, %dma_start3A_425] : memref<80x128xi32, #tpu.memory_space<vmem>> -> memref<1x128xi32, #tpu.memory_space<vmem>>
        %dma_start3A_427 = tpu.memref_squeeze %dma_start3A_426 : memref<1x128xi32, #tpu.memory_space<vmem>> -> memref<128xi32, #tpu.memory_space<vmem>>
        %dma_start3A_428 = arith.constant 0 : i32
        %dma_start3A_429 = arith.constant 0 : i32
        %dma_start3A_430 = tpu.memref_slice %arg14[%dma_start3A_428, %dma_start3A_429] : memref<10112x16xf32, #tpu.memory_space<vmem_shared>> -> memref<10112x16xf32, #tpu.memory_space<vmem_shared>>
        tpu.enqueue_indirect_dma source(%dma_start3A_430 : memref<10112x16xf32, #tpu.memory_space<vmem_shared>>) target(%dma_start3A_424 : memref<128x16xf32, #tpu.memory_space<vmem>>) offsets(%dma_start3A_427 : memref<128xi32, #tpu.memory_space<vmem>>) semaphore(%arg20 : memref<!tpu.dma_semaphore, #tpu.memory_space<semaphore_mem>>)
      } else {
      }
      %add3A_230 = arith.constant 2 : i32
      %add3A_231 = arith.addi %mul3A_170, %add3A_230 : i32
      %dma_wait3A_232 = arith.constant 2 : i32
      %dma_wait3A_233 = arith.constant 0 : i32
      %dma_wait3A_234 = arith.constant 0 : i32
      %dma_wait3A_235 = tpu.memref_slice %arg9[%dma_wait3A_232, %dma_wait3A_233, %dma_wait3A_234] : memref<8x128x16xf32, #tpu.memory_space<vmem>> -> memref<1x128x16xf32, #tpu.memory_space<vmem>>
      %dma_wait3A_236 = tpu.memref_squeeze %dma_wait3A_235 : memref<1x128x16xf32, #tpu.memory_space<vmem>> -> memref<128x16xf32, #tpu.memory_space<vmem>>
      %dma_wait3A_237 = arith.constant 0 : i32
      %dma_wait3A_238 = tpu.memref_slice %arg7[%add3A_231, %dma_wait3A_237] : memref<80x128xi32, #tpu.memory_space<vmem>> -> memref<1x128xi32, #tpu.memory_space<vmem>>
      %dma_wait3A_239 = tpu.memref_squeeze %dma_wait3A_238 : memref<1x128xi32, #tpu.memory_space<vmem>> -> memref<128xi32, #tpu.memory_space<vmem>>
      %dma_wait3A_240 = arith.constant 0 : i32
      %dma_wait3A_241 = arith.constant 0 : i32
      %dma_wait3A_242 = tpu.memref_slice %arg14[%dma_wait3A_240, %dma_wait3A_241] : memref<10112x16xf32, #tpu.memory_space<vmem_shared>> -> memref<10112x16xf32, #tpu.memory_space<vmem_shared>>
      tpu.wait_indirect_dma semaphore(%arg17 : memref<!tpu.dma_semaphore, #tpu.memory_space<semaphore_mem>>) src(%dma_wait3A_242 : memref<10112x16xf32, #tpu.memory_space<vmem_shared>>) dst(%dma_wait3A_236 : memref<128x16xf32, #tpu.memory_space<vmem>>)
      %dma_start3A_243 = arith.constant 2 : i32
      %dma_start3A_244 = arith.constant 0 : i32
      %dma_start3A_245 = arith.constant 0 : i32
      %dma_start3A_246 = tpu.memref_slice %arg9[%dma_start3A_243, %dma_start3A_244, %dma_start3A_245] : memref<8x128x16xf32, #tpu.memory_space<vmem>> -> memref<1x128x16xf32, #tpu.memory_space<vmem>>
      %dma_start3A_247 = tpu.memref_squeeze %dma_start3A_246 : memref<1x128x16xf32, #tpu.memory_space<vmem>> -> memref<128x16xf32, #tpu.memory_space<vmem>>
      %dma_start3A_248 = arith.constant 0 : i32
      %dma_start3A_249 = tpu.memref_slice %arg8[%add3A_231, %dma_start3A_248] : memref<80x128xi32, #tpu.memory_space<vmem>> -> memref<1x128xi32, #tpu.memory_space<vmem>>
      %dma_start3A_250 = tpu.memref_squeeze %dma_start3A_249 : memref<1x128xi32, #tpu.memory_space<vmem>> -> memref<128xi32, #tpu.memory_space<vmem>>
      %dma_start3A_251 = arith.constant 0 : i32
      %dma_start3A_252 = arith.constant 0 : i32
      %dma_start3A_253 = tpu.memref_slice %arg13[%dma_start3A_251, %dma_start3A_252] : memref<10112x16xf32, #tpu.memory_space<vmem_shared>> -> memref<10112x16xf32, #tpu.memory_space<vmem_shared>>
      tpu.enqueue_indirect_dma source(%dma_start3A_247 : memref<128x16xf32, #tpu.memory_space<vmem>>) target(%dma_start3A_253 : memref<10112x16xf32, #tpu.memory_space<vmem_shared>>) offsets(%dma_start3A_250 : memref<128xi32, #tpu.memory_space<vmem>>) semaphore(%arg25 : memref<!tpu.dma_semaphore, #tpu.memory_space<semaphore_mem>>) {add = true}
      %add3A_254 = arith.constant 4 : i32
      %add3A_255 = arith.addi %add3A_231, %add3A_254 : i32
      %lt3A_256 = arith.constant 80 : i32
      %lt3A_257 = arith.cmpi slt, %add3A_255, %lt3A_256 : i32
      %convert_element_type3A_258 = arith.extui %lt3A_257 : i1 to i32
      %cond3A_259 = arith.constant 0 : i32
      %cond3A_260 = arith.cmpi ne, %convert_element_type3A_258, %cond3A_259 : i32
      scf.if %cond3A_260 {
        %ge3A = arith.constant 8 : i32
        %ge3A_416 = arith.cmpi sge, %add3A_255, %ge3A : i32
        %convert_element_type3A_417 = arith.extui %ge3A_416 : i1 to i32
        %cond3A_418 = arith.constant 0 : i32
        %cond3A_419 = arith.cmpi ne, %convert_element_type3A_417, %cond3A_418 : i32
        scf.if %cond3A_419 {
          %sub3A = arith.constant 8 : i32
          %sub3A_431 = arith.subi %add3A_255, %sub3A : i32
          %dma_wait3A_432 = arith.constant 6 : i32
          %dma_wait3A_433 = arith.constant 0 : i32
          %dma_wait3A_434 = arith.constant 0 : i32
          %dma_wait3A_435 = tpu.memref_slice %arg9[%dma_wait3A_432, %dma_wait3A_433, %dma_wait3A_434] : memref<8x128x16xf32, #tpu.memory_space<vmem>> -> memref<1x128x16xf32, #tpu.memory_space<vmem>>
          %dma_wait3A_436 = tpu.memref_squeeze %dma_wait3A_435 : memref<1x128x16xf32, #tpu.memory_space<vmem>> -> memref<128x16xf32, #tpu.memory_space<vmem>>
          %dma_wait3A_437 = arith.constant 0 : i32
          %dma_wait3A_438 = tpu.memref_slice %arg8[%sub3A_431, %dma_wait3A_437] : memref<80x128xi32, #tpu.memory_space<vmem>> -> memref<1x128xi32, #tpu.memory_space<vmem>>
          %dma_wait3A_439 = tpu.memref_squeeze %dma_wait3A_438 : memref<1x128xi32, #tpu.memory_space<vmem>> -> memref<128xi32, #tpu.memory_space<vmem>>
          %dma_wait3A_440 = arith.constant 0 : i32
          %dma_wait3A_441 = arith.constant 0 : i32
          %dma_wait3A_442 = tpu.memref_slice %arg13[%dma_wait3A_440, %dma_wait3A_441] : memref<10112x16xf32, #tpu.memory_space<vmem_shared>> -> memref<10112x16xf32, #tpu.memory_space<vmem_shared>>
          tpu.wait_indirect_dma semaphore(%arg29 : memref<!tpu.dma_semaphore, #tpu.memory_space<semaphore_mem>>) src(%dma_wait3A_436 : memref<128x16xf32, #tpu.memory_space<vmem>>) dst(%dma_wait3A_442 : memref<10112x16xf32, #tpu.memory_space<vmem_shared>>)
        } else {
        }
        %dma_start3A_420 = arith.constant 6 : i32
        %dma_start3A_421 = arith.constant 0 : i32
        %dma_start3A_422 = arith.constant 0 : i32
        %dma_start3A_423 = tpu.memref_slice %arg9[%dma_start3A_420, %dma_start3A_421, %dma_start3A_422] : memref<8x128x16xf32, #tpu.memory_space<vmem>> -> memref<1x128x16xf32, #tpu.memory_space<vmem>>
        %dma_start3A_424 = tpu.memref_squeeze %dma_start3A_423 : memref<1x128x16xf32, #tpu.memory_space<vmem>> -> memref<128x16xf32, #tpu.memory_space<vmem>>
        %dma_start3A_425 = arith.constant 0 : i32
        %dma_start3A_426 = tpu.memref_slice %arg7[%add3A_255, %dma_start3A_425] : memref<80x128xi32, #tpu.memory_space<vmem>> -> memref<1x128xi32, #tpu.memory_space<vmem>>
        %dma_start3A_427 = tpu.memref_squeeze %dma_start3A_426 : memref<1x128xi32, #tpu.memory_space<vmem>> -> memref<128xi32, #tpu.memory_space<vmem>>
        %dma_start3A_428 = arith.constant 0 : i32
        %dma_start3A_429 = arith.constant 0 : i32
        %dma_start3A_430 = tpu.memref_slice %arg14[%dma_start3A_428, %dma_start3A_429] : memref<10112x16xf32, #tpu.memory_space<vmem_shared>> -> memref<10112x16xf32, #tpu.memory_space<vmem_shared>>
        tpu.enqueue_indirect_dma source(%dma_start3A_430 : memref<10112x16xf32, #tpu.memory_space<vmem_shared>>) target(%dma_start3A_424 : memref<128x16xf32, #tpu.memory_space<vmem>>) offsets(%dma_start3A_427 : memref<128xi32, #tpu.memory_space<vmem>>) semaphore(%arg21 : memref<!tpu.dma_semaphore, #tpu.memory_space<semaphore_mem>>)
      } else {
      }
      %add3A_261 = arith.constant 3 : i32
      %add3A_262 = arith.addi %mul3A_170, %add3A_261 : i32
      %dma_wait3A_263 = arith.constant 3 : i32
      %dma_wait3A_264 = arith.constant 0 : i32
      %dma_wait3A_265 = arith.constant 0 : i32
      %dma_wait3A_266 = tpu.memref_slice %arg9[%dma_wait3A_263, %dma_wait3A_264, %dma_wait3A_265] : memref<8x128x16xf32, #tpu.memory_space<vmem>> -> memref<1x128x16xf32, #tpu.memory_space<vmem>>
      %dma_wait3A_267 = tpu.memref_squeeze %dma_wait3A_266 : memref<1x128x16xf32, #tpu.memory_space<vmem>> -> memref<128x16xf32, #tpu.memory_space<vmem>>
      %dma_wait3A_268 = arith.constant 0 : i32
      %dma_wait3A_269 = tpu.memref_slice %arg7[%add3A_262, %dma_wait3A_268] : memref<80x128xi32, #tpu.memory_space<vmem>> -> memref<1x128xi32, #tpu.memory_space<vmem>>
      %dma_wait3A_270 = tpu.memref_squeeze %dma_wait3A_269 : memref<1x128xi32, #tpu.memory_space<vmem>> -> memref<128xi32, #tpu.memory_space<vmem>>
      %dma_wait3A_271 = arith.constant 0 : i32
      %dma_wait3A_272 = arith.constant 0 : i32
      %dma_wait3A_273 = tpu.memref_slice %arg14[%dma_wait3A_271, %dma_wait3A_272] : memref<10112x16xf32, #tpu.memory_space<vmem_shared>> -> memref<10112x16xf32, #tpu.memory_space<vmem_shared>>
      tpu.wait_indirect_dma semaphore(%arg18 : memref<!tpu.dma_semaphore, #tpu.memory_space<semaphore_mem>>) src(%dma_wait3A_273 : memref<10112x16xf32, #tpu.memory_space<vmem_shared>>) dst(%dma_wait3A_267 : memref<128x16xf32, #tpu.memory_space<vmem>>)
      %dma_start3A_274 = arith.constant 3 : i32
      %dma_start3A_275 = arith.constant 0 : i32
      %dma_start3A_276 = arith.constant 0 : i32
      %dma_start3A_277 = tpu.memref_slice %arg9[%dma_start3A_274, %dma_start3A_275, %dma_start3A_276] : memref<8x128x16xf32, #tpu.memory_space<vmem>> -> memref<1x128x16xf32, #tpu.memory_space<vmem>>
      %dma_start3A_278 = tpu.memref_squeeze %dma_start3A_277 : memref<1x128x16xf32, #tpu.memory_space<vmem>> -> memref<128x16xf32, #tpu.memory_space<vmem>>
      %dma_start3A_279 = arith.constant 0 : i32
      %dma_start3A_280 = tpu.memref_slice %arg8[%add3A_262, %dma_start3A_279] : memref<80x128xi32, #tpu.memory_space<vmem>> -> memref<1x128xi32, #tpu.memory_space<vmem>>
      %dma_start3A_281 = tpu.memref_squeeze %dma_start3A_280 : memref<1x128xi32, #tpu.memory_space<vmem>> -> memref<128xi32, #tpu.memory_space<vmem>>
      %dma_start3A_282 = arith.constant 0 : i32
      %dma_start3A_283 = arith.constant 0 : i32
      %dma_start3A_284 = tpu.memref_slice %arg13[%dma_start3A_282, %dma_start3A_283] : memref<10112x16xf32, #tpu.memory_space<vmem_shared>> -> memref<10112x16xf32, #tpu.memory_space<vmem_shared>>
      tpu.enqueue_indirect_dma source(%dma_start3A_278 : memref<128x16xf32, #tpu.memory_space<vmem>>) target(%dma_start3A_284 : memref<10112x16xf32, #tpu.memory_space<vmem_shared>>) offsets(%dma_start3A_281 : memref<128xi32, #tpu.memory_space<vmem>>) semaphore(%arg26 : memref<!tpu.dma_semaphore, #tpu.memory_space<semaphore_mem>>) {add = true}
      %add3A_285 = arith.constant 4 : i32
      %add3A_286 = arith.addi %add3A_262, %add3A_285 : i32
      %lt3A_287 = arith.constant 80 : i32
      %lt3A_288 = arith.cmpi slt, %add3A_286, %lt3A_287 : i32
      %convert_element_type3A_289 = arith.extui %lt3A_288 : i1 to i32
      %cond3A_290 = arith.constant 0 : i32
      %cond3A_291 = arith.cmpi ne, %convert_element_type3A_289, %cond3A_290 : i32
      scf.if %cond3A_291 {
        %ge3A = arith.constant 8 : i32
        %ge3A_416 = arith.cmpi sge, %add3A_286, %ge3A : i32
        %convert_element_type3A_417 = arith.extui %ge3A_416 : i1 to i32
        %cond3A_418 = arith.constant 0 : i32
        %cond3A_419 = arith.cmpi ne, %convert_element_type3A_417, %cond3A_418 : i32
        scf.if %cond3A_419 {
          %sub3A = arith.constant 8 : i32
          %sub3A_431 = arith.subi %add3A_286, %sub3A : i32
          %dma_wait3A_432 = arith.constant 7 : i32
          %dma_wait3A_433 = arith.constant 0 : i32
          %dma_wait3A_434 = arith.constant 0 : i32
          %dma_wait3A_435 = tpu.memref_slice %arg9[%dma_wait3A_432, %dma_wait3A_433, %dma_wait3A_434] : memref<8x128x16xf32, #tpu.memory_space<vmem>> -> memref<1x128x16xf32, #tpu.memory_space<vmem>>
          %dma_wait3A_436 = tpu.memref_squeeze %dma_wait3A_435 : memref<1x128x16xf32, #tpu.memory_space<vmem>> -> memref<128x16xf32, #tpu.memory_space<vmem>>
          %dma_wait3A_437 = arith.constant 0 : i32
          %dma_wait3A_438 = tpu.memref_slice %arg8[%sub3A_431, %dma_wait3A_437] : memref<80x128xi32, #tpu.memory_space<vmem>> -> memref<1x128xi32, #tpu.memory_space<vmem>>
          %dma_wait3A_439 = tpu.memref_squeeze %dma_wait3A_438 : memref<1x128xi32, #tpu.memory_space<vmem>> -> memref<128xi32, #tpu.memory_space<vmem>>
          %dma_wait3A_440 = arith.constant 0 : i32
          %dma_wait3A_441 = arith.constant 0 : i32
          %dma_wait3A_442 = tpu.memref_slice %arg13[%dma_wait3A_440, %dma_wait3A_441] : memref<10112x16xf32, #tpu.memory_space<vmem_shared>> -> memref<10112x16xf32, #tpu.memory_space<vmem_shared>>
          tpu.wait_indirect_dma semaphore(%arg30 : memref<!tpu.dma_semaphore, #tpu.memory_space<semaphore_mem>>) src(%dma_wait3A_436 : memref<128x16xf32, #tpu.memory_space<vmem>>) dst(%dma_wait3A_442 : memref<10112x16xf32, #tpu.memory_space<vmem_shared>>)
        } else {
        }
        %dma_start3A_420 = arith.constant 7 : i32
        %dma_start3A_421 = arith.constant 0 : i32
        %dma_start3A_422 = arith.constant 0 : i32
        %dma_start3A_423 = tpu.memref_slice %arg9[%dma_start3A_420, %dma_start3A_421, %dma_start3A_422] : memref<8x128x16xf32, #tpu.memory_space<vmem>> -> memref<1x128x16xf32, #tpu.memory_space<vmem>>
        %dma_start3A_424 = tpu.memref_squeeze %dma_start3A_423 : memref<1x128x16xf32, #tpu.memory_space<vmem>> -> memref<128x16xf32, #tpu.memory_space<vmem>>
        %dma_start3A_425 = arith.constant 0 : i32
        %dma_start3A_426 = tpu.memref_slice %arg7[%add3A_286, %dma_start3A_425] : memref<80x128xi32, #tpu.memory_space<vmem>> -> memref<1x128xi32, #tpu.memory_space<vmem>>
        %dma_start3A_427 = tpu.memref_squeeze %dma_start3A_426 : memref<1x128xi32, #tpu.memory_space<vmem>> -> memref<128xi32, #tpu.memory_space<vmem>>
        %dma_start3A_428 = arith.constant 0 : i32
        %dma_start3A_429 = arith.constant 0 : i32
        %dma_start3A_430 = tpu.memref_slice %arg14[%dma_start3A_428, %dma_start3A_429] : memref<10112x16xf32, #tpu.memory_space<vmem_shared>> -> memref<10112x16xf32, #tpu.memory_space<vmem_shared>>
        tpu.enqueue_indirect_dma source(%dma_start3A_430 : memref<10112x16xf32, #tpu.memory_space<vmem_shared>>) target(%dma_start3A_424 : memref<128x16xf32, #tpu.memory_space<vmem>>) offsets(%dma_start3A_427 : memref<128xi32, #tpu.memory_space<vmem>>) semaphore(%arg22 : memref<!tpu.dma_semaphore, #tpu.memory_space<semaphore_mem>>)
      } else {
      }
      %add3A_292 = arith.constant 4 : i32
      %add3A_293 = arith.addi %mul3A_170, %add3A_292 : i32
      %dma_wait3A_294 = arith.constant 4 : i32
      %dma_wait3A_295 = arith.constant 0 : i32
      %dma_wait3A_296 = arith.constant 0 : i32
      %dma_wait3A_297 = tpu.memref_slice %arg9[%dma_wait3A_294, %dma_wait3A_295, %dma_wait3A_296] : memref<8x128x16xf32, #tpu.memory_space<vmem>> -> memref<1x128x16xf32, #tpu.memory_space<vmem>>
      %dma_wait3A_298 = tpu.memref_squeeze %dma_wait3A_297 : memref<1x128x16xf32, #tpu.memory_space<vmem>> -> memref<128x16xf32, #tpu.memory_space<vmem>>
      %dma_wait3A_299 = arith.constant 0 : i32
      %dma_wait3A_300 = tpu.memref_slice %arg7[%add3A_293, %dma_wait3A_299] : memref<80x128xi32, #tpu.memory_space<vmem>> -> memref<1x128xi32, #tpu.memory_space<vmem>>
      %dma_wait3A_301 = tpu.memref_squeeze %dma_wait3A_300 : memref<1x128xi32, #tpu.memory_space<vmem>> -> memref<128xi32, #tpu.memory_space<vmem>>
      %dma_wait3A_302 = arith.constant 0 : i32
      %dma_wait3A_303 = arith.constant 0 : i32
      %dma_wait3A_304 = tpu.memref_slice %arg14[%dma_wait3A_302, %dma_wait3A_303] : memref<10112x16xf32, #tpu.memory_space<vmem_shared>> -> memref<10112x16xf32, #tpu.memory_space<vmem_shared>>
      tpu.wait_indirect_dma semaphore(%arg19 : memref<!tpu.dma_semaphore, #tpu.memory_space<semaphore_mem>>) src(%dma_wait3A_304 : memref<10112x16xf32, #tpu.memory_space<vmem_shared>>) dst(%dma_wait3A_298 : memref<128x16xf32, #tpu.memory_space<vmem>>)
      %dma_start3A_305 = arith.constant 4 : i32
      %dma_start3A_306 = arith.constant 0 : i32
      %dma_start3A_307 = arith.constant 0 : i32
      %dma_start3A_308 = tpu.memref_slice %arg9[%dma_start3A_305, %dma_start3A_306, %dma_start3A_307] : memref<8x128x16xf32, #tpu.memory_space<vmem>> -> memref<1x128x16xf32, #tpu.memory_space<vmem>>
      %dma_start3A_309 = tpu.memref_squeeze %dma_start3A_308 : memref<1x128x16xf32, #tpu.memory_space<vmem>> -> memref<128x16xf32, #tpu.memory_space<vmem>>
      %dma_start3A_310 = arith.constant 0 : i32
      %dma_start3A_311 = tpu.memref_slice %arg8[%add3A_293, %dma_start3A_310] : memref<80x128xi32, #tpu.memory_space<vmem>> -> memref<1x128xi32, #tpu.memory_space<vmem>>
      %dma_start3A_312 = tpu.memref_squeeze %dma_start3A_311 : memref<1x128xi32, #tpu.memory_space<vmem>> -> memref<128xi32, #tpu.memory_space<vmem>>
      %dma_start3A_313 = arith.constant 0 : i32
      %dma_start3A_314 = arith.constant 0 : i32
      %dma_start3A_315 = tpu.memref_slice %arg13[%dma_start3A_313, %dma_start3A_314] : memref<10112x16xf32, #tpu.memory_space<vmem_shared>> -> memref<10112x16xf32, #tpu.memory_space<vmem_shared>>
      tpu.enqueue_indirect_dma source(%dma_start3A_309 : memref<128x16xf32, #tpu.memory_space<vmem>>) target(%dma_start3A_315 : memref<10112x16xf32, #tpu.memory_space<vmem_shared>>) offsets(%dma_start3A_312 : memref<128xi32, #tpu.memory_space<vmem>>) semaphore(%arg27 : memref<!tpu.dma_semaphore, #tpu.memory_space<semaphore_mem>>) {add = true}
      %add3A_316 = arith.constant 4 : i32
      %add3A_317 = arith.addi %add3A_293, %add3A_316 : i32
      %lt3A_318 = arith.constant 80 : i32
      %lt3A_319 = arith.cmpi slt, %add3A_317, %lt3A_318 : i32
      %convert_element_type3A_320 = arith.extui %lt3A_319 : i1 to i32
      %cond3A_321 = arith.constant 0 : i32
      %cond3A_322 = arith.cmpi ne, %convert_element_type3A_320, %cond3A_321 : i32
      scf.if %cond3A_322 {
        %ge3A = arith.constant 8 : i32
        %ge3A_416 = arith.cmpi sge, %add3A_317, %ge3A : i32
        %convert_element_type3A_417 = arith.extui %ge3A_416 : i1 to i32
        %cond3A_418 = arith.constant 0 : i32
        %cond3A_419 = arith.cmpi ne, %convert_element_type3A_417, %cond3A_418 : i32
        scf.if %cond3A_419 {
          %sub3A = arith.constant 8 : i32
          %sub3A_431 = arith.subi %add3A_317, %sub3A : i32
          %dma_wait3A_432 = arith.constant 0 : i32
          %dma_wait3A_433 = arith.constant 0 : i32
          %dma_wait3A_434 = arith.constant 0 : i32
          %dma_wait3A_435 = tpu.memref_slice %arg9[%dma_wait3A_432, %dma_wait3A_433, %dma_wait3A_434] : memref<8x128x16xf32, #tpu.memory_space<vmem>> -> memref<1x128x16xf32, #tpu.memory_space<vmem>>
          %dma_wait3A_436 = tpu.memref_squeeze %dma_wait3A_435 : memref<1x128x16xf32, #tpu.memory_space<vmem>> -> memref<128x16xf32, #tpu.memory_space<vmem>>
          %dma_wait3A_437 = arith.constant 0 : i32
          %dma_wait3A_438 = tpu.memref_slice %arg8[%sub3A_431, %dma_wait3A_437] : memref<80x128xi32, #tpu.memory_space<vmem>> -> memref<1x128xi32, #tpu.memory_space<vmem>>
          %dma_wait3A_439 = tpu.memref_squeeze %dma_wait3A_438 : memref<1x128xi32, #tpu.memory_space<vmem>> -> memref<128xi32, #tpu.memory_space<vmem>>
          %dma_wait3A_440 = arith.constant 0 : i32
          %dma_wait3A_441 = arith.constant 0 : i32
          %dma_wait3A_442 = tpu.memref_slice %arg13[%dma_wait3A_440, %dma_wait3A_441] : memref<10112x16xf32, #tpu.memory_space<vmem_shared>> -> memref<10112x16xf32, #tpu.memory_space<vmem_shared>>
          tpu.wait_indirect_dma semaphore(%arg23 : memref<!tpu.dma_semaphore, #tpu.memory_space<semaphore_mem>>) src(%dma_wait3A_436 : memref<128x16xf32, #tpu.memory_space<vmem>>) dst(%dma_wait3A_442 : memref<10112x16xf32, #tpu.memory_space<vmem_shared>>)
        } else {
        }
        %dma_start3A_420 = arith.constant 0 : i32
        %dma_start3A_421 = arith.constant 0 : i32
        %dma_start3A_422 = arith.constant 0 : i32
        %dma_start3A_423 = tpu.memref_slice %arg9[%dma_start3A_420, %dma_start3A_421, %dma_start3A_422] : memref<8x128x16xf32, #tpu.memory_space<vmem>> -> memref<1x128x16xf32, #tpu.memory_space<vmem>>
        %dma_start3A_424 = tpu.memref_squeeze %dma_start3A_423 : memref<1x128x16xf32, #tpu.memory_space<vmem>> -> memref<128x16xf32, #tpu.memory_space<vmem>>
        %dma_start3A_425 = arith.constant 0 : i32
        %dma_start3A_426 = tpu.memref_slice %arg7[%add3A_317, %dma_start3A_425] : memref<80x128xi32, #tpu.memory_space<vmem>> -> memref<1x128xi32, #tpu.memory_space<vmem>>
        %dma_start3A_427 = tpu.memref_squeeze %dma_start3A_426 : memref<1x128xi32, #tpu.memory_space<vmem>> -> memref<128xi32, #tpu.memory_space<vmem>>
        %dma_start3A_428 = arith.constant 0 : i32
        %dma_start3A_429 = arith.constant 0 : i32
        %dma_start3A_430 = tpu.memref_slice %arg14[%dma_start3A_428, %dma_start3A_429] : memref<10112x16xf32, #tpu.memory_space<vmem_shared>> -> memref<10112x16xf32, #tpu.memory_space<vmem_shared>>
        tpu.enqueue_indirect_dma source(%dma_start3A_430 : memref<10112x16xf32, #tpu.memory_space<vmem_shared>>) target(%dma_start3A_424 : memref<128x16xf32, #tpu.memory_space<vmem>>) offsets(%dma_start3A_427 : memref<128xi32, #tpu.memory_space<vmem>>) semaphore(%arg15 : memref<!tpu.dma_semaphore, #tpu.memory_space<semaphore_mem>>)
      } else {
      }
      %add3A_323 = arith.constant 5 : i32
      %add3A_324 = arith.addi %mul3A_170, %add3A_323 : i32
      %dma_wait3A_325 = arith.constant 5 : i32
      %dma_wait3A_326 = arith.constant 0 : i32
      %dma_wait3A_327 = arith.constant 0 : i32
      %dma_wait3A_328 = tpu.memref_slice %arg9[%dma_wait3A_325, %dma_wait3A_326, %dma_wait3A_327] : memref<8x128x16xf32, #tpu.memory_space<vmem>> -> memref<1x128x16xf32, #tpu.memory_space<vmem>>
      %dma_wait3A_329 = tpu.memref_squeeze %dma_wait3A_328 : memref<1x128x16xf32, #tpu.memory_space<vmem>> -> memref<128x16xf32, #tpu.memory_space<vmem>>
      %dma_wait3A_330 = arith.constant 0 : i32
      %dma_wait3A_331 = tpu.memref_slice %arg7[%add3A_324, %dma_wait3A_330] : memref<80x128xi32, #tpu.memory_space<vmem>> -> memref<1x128xi32, #tpu.memory_space<vmem>>
      %dma_wait3A_332 = tpu.memref_squeeze %dma_wait3A_331 : memref<1x128xi32, #tpu.memory_space<vmem>> -> memref<128xi32, #tpu.memory_space<vmem>>
      %dma_wait3A_333 = arith.constant 0 : i32
      %dma_wait3A_334 = arith.constant 0 : i32
      %dma_wait3A_335 = tpu.memref_slice %arg14[%dma_wait3A_333, %dma_wait3A_334] : memref<10112x16xf32, #tpu.memory_space<vmem_shared>> -> memref<10112x16xf32, #tpu.memory_space<vmem_shared>>
      tpu.wait_indirect_dma semaphore(%arg20 : memref<!tpu.dma_semaphore, #tpu.memory_space<semaphore_mem>>) src(%dma_wait3A_335 : memref<10112x16xf32, #tpu.memory_space<vmem_shared>>) dst(%dma_wait3A_329 : memref<128x16xf32, #tpu.memory_space<vmem>>)
      %dma_start3A_336 = arith.constant 5 : i32
      %dma_start3A_337 = arith.constant 0 : i32
      %dma_start3A_338 = arith.constant 0 : i32
      %dma_start3A_339 = tpu.memref_slice %arg9[%dma_start3A_336, %dma_start3A_337, %dma_start3A_338] : memref<8x128x16xf32, #tpu.memory_space<vmem>> -> memref<1x128x16xf32, #tpu.memory_space<vmem>>
      %dma_start3A_340 = tpu.memref_squeeze %dma_start3A_339 : memref<1x128x16xf32, #tpu.memory_space<vmem>> -> memref<128x16xf32, #tpu.memory_space<vmem>>
      %dma_start3A_341 = arith.constant 0 : i32
      %dma_start3A_342 = tpu.memref_slice %arg8[%add3A_324, %dma_start3A_341] : memref<80x128xi32, #tpu.memory_space<vmem>> -> memref<1x128xi32, #tpu.memory_space<vmem>>
      %dma_start3A_343 = tpu.memref_squeeze %dma_start3A_342 : memref<1x128xi32, #tpu.memory_space<vmem>> -> memref<128xi32, #tpu.memory_space<vmem>>
      %dma_start3A_344 = arith.constant 0 : i32
      %dma_start3A_345 = arith.constant 0 : i32
      %dma_start3A_346 = tpu.memref_slice %arg13[%dma_start3A_344, %dma_start3A_345] : memref<10112x16xf32, #tpu.memory_space<vmem_shared>> -> memref<10112x16xf32, #tpu.memory_space<vmem_shared>>
      tpu.enqueue_indirect_dma source(%dma_start3A_340 : memref<128x16xf32, #tpu.memory_space<vmem>>) target(%dma_start3A_346 : memref<10112x16xf32, #tpu.memory_space<vmem_shared>>) offsets(%dma_start3A_343 : memref<128xi32, #tpu.memory_space<vmem>>) semaphore(%arg28 : memref<!tpu.dma_semaphore, #tpu.memory_space<semaphore_mem>>) {add = true}
      %add3A_347 = arith.constant 4 : i32
      %add3A_348 = arith.addi %add3A_324, %add3A_347 : i32
      %lt3A_349 = arith.constant 80 : i32
      %lt3A_350 = arith.cmpi slt, %add3A_348, %lt3A_349 : i32
      %convert_element_type3A_351 = arith.extui %lt3A_350 : i1 to i32
      %cond3A_352 = arith.constant 0 : i32
      %cond3A_353 = arith.cmpi ne, %convert_element_type3A_351, %cond3A_352 : i32
      scf.if %cond3A_353 {
        %ge3A = arith.constant 8 : i32
        %ge3A_416 = arith.cmpi sge, %add3A_348, %ge3A : i32
        %convert_element_type3A_417 = arith.extui %ge3A_416 : i1 to i32
        %cond3A_418 = arith.constant 0 : i32
        %cond3A_419 = arith.cmpi ne, %convert_element_type3A_417, %cond3A_418 : i32
        scf.if %cond3A_419 {
          %sub3A = arith.constant 8 : i32
          %sub3A_431 = arith.subi %add3A_348, %sub3A : i32
          %dma_wait3A_432 = arith.constant 1 : i32
          %dma_wait3A_433 = arith.constant 0 : i32
          %dma_wait3A_434 = arith.constant 0 : i32
          %dma_wait3A_435 = tpu.memref_slice %arg9[%dma_wait3A_432, %dma_wait3A_433, %dma_wait3A_434] : memref<8x128x16xf32, #tpu.memory_space<vmem>> -> memref<1x128x16xf32, #tpu.memory_space<vmem>>
          %dma_wait3A_436 = tpu.memref_squeeze %dma_wait3A_435 : memref<1x128x16xf32, #tpu.memory_space<vmem>> -> memref<128x16xf32, #tpu.memory_space<vmem>>
          %dma_wait3A_437 = arith.constant 0 : i32
          %dma_wait3A_438 = tpu.memref_slice %arg8[%sub3A_431, %dma_wait3A_437] : memref<80x128xi32, #tpu.memory_space<vmem>> -> memref<1x128xi32, #tpu.memory_space<vmem>>
          %dma_wait3A_439 = tpu.memref_squeeze %dma_wait3A_438 : memref<1x128xi32, #tpu.memory_space<vmem>> -> memref<128xi32, #tpu.memory_space<vmem>>
          %dma_wait3A_440 = arith.constant 0 : i32
          %dma_wait3A_441 = arith.constant 0 : i32
          %dma_wait3A_442 = tpu.memref_slice %arg13[%dma_wait3A_440, %dma_wait3A_441] : memref<10112x16xf32, #tpu.memory_space<vmem_shared>> -> memref<10112x16xf32, #tpu.memory_space<vmem_shared>>
          tpu.wait_indirect_dma semaphore(%arg24 : memref<!tpu.dma_semaphore, #tpu.memory_space<semaphore_mem>>) src(%dma_wait3A_436 : memref<128x16xf32, #tpu.memory_space<vmem>>) dst(%dma_wait3A_442 : memref<10112x16xf32, #tpu.memory_space<vmem_shared>>)
        } else {
        }
        %dma_start3A_420 = arith.constant 1 : i32
        %dma_start3A_421 = arith.constant 0 : i32
        %dma_start3A_422 = arith.constant 0 : i32
        %dma_start3A_423 = tpu.memref_slice %arg9[%dma_start3A_420, %dma_start3A_421, %dma_start3A_422] : memref<8x128x16xf32, #tpu.memory_space<vmem>> -> memref<1x128x16xf32, #tpu.memory_space<vmem>>
        %dma_start3A_424 = tpu.memref_squeeze %dma_start3A_423 : memref<1x128x16xf32, #tpu.memory_space<vmem>> -> memref<128x16xf32, #tpu.memory_space<vmem>>
        %dma_start3A_425 = arith.constant 0 : i32
        %dma_start3A_426 = tpu.memref_slice %arg7[%add3A_348, %dma_start3A_425] : memref<80x128xi32, #tpu.memory_space<vmem>> -> memref<1x128xi32, #tpu.memory_space<vmem>>
        %dma_start3A_427 = tpu.memref_squeeze %dma_start3A_426 : memref<1x128xi32, #tpu.memory_space<vmem>> -> memref<128xi32, #tpu.memory_space<vmem>>
        %dma_start3A_428 = arith.constant 0 : i32
        %dma_start3A_429 = arith.constant 0 : i32
        %dma_start3A_430 = tpu.memref_slice %arg14[%dma_start3A_428, %dma_start3A_429] : memref<10112x16xf32, #tpu.memory_space<vmem_shared>> -> memref<10112x16xf32, #tpu.memory_space<vmem_shared>>
        tpu.enqueue_indirect_dma source(%dma_start3A_430 : memref<10112x16xf32, #tpu.memory_space<vmem_shared>>) target(%dma_start3A_424 : memref<128x16xf32, #tpu.memory_space<vmem>>) offsets(%dma_start3A_427 : memref<128xi32, #tpu.memory_space<vmem>>) semaphore(%arg16 : memref<!tpu.dma_semaphore, #tpu.memory_space<semaphore_mem>>)
      } else {
      }
      %add3A_354 = arith.constant 6 : i32
      %add3A_355 = arith.addi %mul3A_170, %add3A_354 : i32
      %dma_wait3A_356 = arith.constant 6 : i32
      %dma_wait3A_357 = arith.constant 0 : i32
      %dma_wait3A_358 = arith.constant 0 : i32
      %dma_wait3A_359 = tpu.memref_slice %arg9[%dma_wait3A_356, %dma_wait3A_357, %dma_wait3A_358] : memref<8x128x16xf32, #tpu.memory_space<vmem>> -> memref<1x128x16xf32, #tpu.memory_space<vmem>>
      %dma_wait3A_360 = tpu.memref_squeeze %dma_wait3A_359 : memref<1x128x16xf32, #tpu.memory_space<vmem>> -> memref<128x16xf32, #tpu.memory_space<vmem>>
      %dma_wait3A_361 = arith.constant 0 : i32
      %dma_wait3A_362 = tpu.memref_slice %arg7[%add3A_355, %dma_wait3A_361] : memref<80x128xi32, #tpu.memory_space<vmem>> -> memref<1x128xi32, #tpu.memory_space<vmem>>
      %dma_wait3A_363 = tpu.memref_squeeze %dma_wait3A_362 : memref<1x128xi32, #tpu.memory_space<vmem>> -> memref<128xi32, #tpu.memory_space<vmem>>
      %dma_wait3A_364 = arith.constant 0 : i32
      %dma_wait3A_365 = arith.constant 0 : i32
      %dma_wait3A_366 = tpu.memref_slice %arg14[%dma_wait3A_364, %dma_wait3A_365] : memref<10112x16xf32, #tpu.memory_space<vmem_shared>> -> memref<10112x16xf32, #tpu.memory_space<vmem_shared>>
      tpu.wait_indirect_dma semaphore(%arg21 : memref<!tpu.dma_semaphore, #tpu.memory_space<semaphore_mem>>) src(%dma_wait3A_366 : memref<10112x16xf32, #tpu.memory_space<vmem_shared>>) dst(%dma_wait3A_360 : memref<128x16xf32, #tpu.memory_space<vmem>>)
      %dma_start3A_367 = arith.constant 6 : i32
      %dma_start3A_368 = arith.constant 0 : i32
      %dma_start3A_369 = arith.constant 0 : i32
      %dma_start3A_370 = tpu.memref_slice %arg9[%dma_start3A_367, %dma_start3A_368, %dma_start3A_369] : memref<8x128x16xf32, #tpu.memory_space<vmem>> -> memref<1x128x16xf32, #tpu.memory_space<vmem>>
      %dma_start3A_371 = tpu.memref_squeeze %dma_start3A_370 : memref<1x128x16xf32, #tpu.memory_space<vmem>> -> memref<128x16xf32, #tpu.memory_space<vmem>>
      %dma_start3A_372 = arith.constant 0 : i32
      %dma_start3A_373 = tpu.memref_slice %arg8[%add3A_355, %dma_start3A_372] : memref<80x128xi32, #tpu.memory_space<vmem>> -> memref<1x128xi32, #tpu.memory_space<vmem>>
      %dma_start3A_374 = tpu.memref_squeeze %dma_start3A_373 : memref<1x128xi32, #tpu.memory_space<vmem>> -> memref<128xi32, #tpu.memory_space<vmem>>
      %dma_start3A_375 = arith.constant 0 : i32
      %dma_start3A_376 = arith.constant 0 : i32
      %dma_start3A_377 = tpu.memref_slice %arg13[%dma_start3A_375, %dma_start3A_376] : memref<10112x16xf32, #tpu.memory_space<vmem_shared>> -> memref<10112x16xf32, #tpu.memory_space<vmem_shared>>
      tpu.enqueue_indirect_dma source(%dma_start3A_371 : memref<128x16xf32, #tpu.memory_space<vmem>>) target(%dma_start3A_377 : memref<10112x16xf32, #tpu.memory_space<vmem_shared>>) offsets(%dma_start3A_374 : memref<128xi32, #tpu.memory_space<vmem>>) semaphore(%arg29 : memref<!tpu.dma_semaphore, #tpu.memory_space<semaphore_mem>>) {add = true}
      %add3A_378 = arith.constant 4 : i32
      %add3A_379 = arith.addi %add3A_355, %add3A_378 : i32
      %lt3A_380 = arith.constant 80 : i32
      %lt3A_381 = arith.cmpi slt, %add3A_379, %lt3A_380 : i32
      %convert_element_type3A_382 = arith.extui %lt3A_381 : i1 to i32
      %cond3A_383 = arith.constant 0 : i32
      %cond3A_384 = arith.cmpi ne, %convert_element_type3A_382, %cond3A_383 : i32
      scf.if %cond3A_384 {
        %ge3A = arith.constant 8 : i32
        %ge3A_416 = arith.cmpi sge, %add3A_379, %ge3A : i32
        %convert_element_type3A_417 = arith.extui %ge3A_416 : i1 to i32
        %cond3A_418 = arith.constant 0 : i32
        %cond3A_419 = arith.cmpi ne, %convert_element_type3A_417, %cond3A_418 : i32
        scf.if %cond3A_419 {
          %sub3A = arith.constant 8 : i32
          %sub3A_431 = arith.subi %add3A_379, %sub3A : i32
          %dma_wait3A_432 = arith.constant 2 : i32
          %dma_wait3A_433 = arith.constant 0 : i32
          %dma_wait3A_434 = arith.constant 0 : i32
          %dma_wait3A_435 = tpu.memref_slice %arg9[%dma_wait3A_432, %dma_wait3A_433, %dma_wait3A_434] : memref<8x128x16xf32, #tpu.memory_space<vmem>> -> memref<1x128x16xf32, #tpu.memory_space<vmem>>
          %dma_wait3A_436 = tpu.memref_squeeze %dma_wait3A_435 : memref<1x128x16xf32, #tpu.memory_space<vmem>> -> memref<128x16xf32, #tpu.memory_space<vmem>>
          %dma_wait3A_437 = arith.constant 0 : i32
          %dma_wait3A_438 = tpu.memref_slice %arg8[%sub3A_431, %dma_wait3A_437] : memref<80x128xi32, #tpu.memory_space<vmem>> -> memref<1x128xi32, #tpu.memory_space<vmem>>
          %dma_wait3A_439 = tpu.memref_squeeze %dma_wait3A_438 : memref<1x128xi32, #tpu.memory_space<vmem>> -> memref<128xi32, #tpu.memory_space<vmem>>
          %dma_wait3A_440 = arith.constant 0 : i32
          %dma_wait3A_441 = arith.constant 0 : i32
          %dma_wait3A_442 = tpu.memref_slice %arg13[%dma_wait3A_440, %dma_wait3A_441] : memref<10112x16xf32, #tpu.memory_space<vmem_shared>> -> memref<10112x16xf32, #tpu.memory_space<vmem_shared>>
          tpu.wait_indirect_dma semaphore(%arg25 : memref<!tpu.dma_semaphore, #tpu.memory_space<semaphore_mem>>) src(%dma_wait3A_436 : memref<128x16xf32, #tpu.memory_space<vmem>>) dst(%dma_wait3A_442 : memref<10112x16xf32, #tpu.memory_space<vmem_shared>>)
        } else {
        }
        %dma_start3A_420 = arith.constant 2 : i32
        %dma_start3A_421 = arith.constant 0 : i32
        %dma_start3A_422 = arith.constant 0 : i32
        %dma_start3A_423 = tpu.memref_slice %arg9[%dma_start3A_420, %dma_start3A_421, %dma_start3A_422] : memref<8x128x16xf32, #tpu.memory_space<vmem>> -> memref<1x128x16xf32, #tpu.memory_space<vmem>>
        %dma_start3A_424 = tpu.memref_squeeze %dma_start3A_423 : memref<1x128x16xf32, #tpu.memory_space<vmem>> -> memref<128x16xf32, #tpu.memory_space<vmem>>
        %dma_start3A_425 = arith.constant 0 : i32
        %dma_start3A_426 = tpu.memref_slice %arg7[%add3A_379, %dma_start3A_425] : memref<80x128xi32, #tpu.memory_space<vmem>> -> memref<1x128xi32, #tpu.memory_space<vmem>>
        %dma_start3A_427 = tpu.memref_squeeze %dma_start3A_426 : memref<1x128xi32, #tpu.memory_space<vmem>> -> memref<128xi32, #tpu.memory_space<vmem>>
        %dma_start3A_428 = arith.constant 0 : i32
        %dma_start3A_429 = arith.constant 0 : i32
        %dma_start3A_430 = tpu.memref_slice %arg14[%dma_start3A_428, %dma_start3A_429] : memref<10112x16xf32, #tpu.memory_space<vmem_shared>> -> memref<10112x16xf32, #tpu.memory_space<vmem_shared>>
        tpu.enqueue_indirect_dma source(%dma_start3A_430 : memref<10112x16xf32, #tpu.memory_space<vmem_shared>>) target(%dma_start3A_424 : memref<128x16xf32, #tpu.memory_space<vmem>>) offsets(%dma_start3A_427 : memref<128xi32, #tpu.memory_space<vmem>>) semaphore(%arg17 : memref<!tpu.dma_semaphore, #tpu.memory_space<semaphore_mem>>)
      } else {
      }
      %add3A_385 = arith.constant 7 : i32
      %add3A_386 = arith.addi %mul3A_170, %add3A_385 : i32
      %dma_wait3A_387 = arith.constant 7 : i32
      %dma_wait3A_388 = arith.constant 0 : i32
      %dma_wait3A_389 = arith.constant 0 : i32
      %dma_wait3A_390 = tpu.memref_slice %arg9[%dma_wait3A_387, %dma_wait3A_388, %dma_wait3A_389] : memref<8x128x16xf32, #tpu.memory_space<vmem>> -> memref<1x128x16xf32, #tpu.memory_space<vmem>>
      %dma_wait3A_391 = tpu.memref_squeeze %dma_wait3A_390 : memref<1x128x16xf32, #tpu.memory_space<vmem>> -> memref<128x16xf32, #tpu.memory_space<vmem>>
      %dma_wait3A_392 = arith.constant 0 : i32
      %dma_wait3A_393 = tpu.memref_slice %arg7[%add3A_386, %dma_wait3A_392] : memref<80x128xi32, #tpu.memory_space<vmem>> -> memref<1x128xi32, #tpu.memory_space<vmem>>
      %dma_wait3A_394 = tpu.memref_squeeze %dma_wait3A_393 : memref<1x128xi32, #tpu.memory_space<vmem>> -> memref<128xi32, #tpu.memory_space<vmem>>
      %dma_wait3A_395 = arith.constant 0 : i32
      %dma_wait3A_396 = arith.constant 0 : i32
      %dma_wait3A_397 = tpu.memref_slice %arg14[%dma_wait3A_395, %dma_wait3A_396] : memref<10112x16xf32, #tpu.memory_space<vmem_shared>> -> memref<10112x16xf32, #tpu.memory_space<vmem_shared>>
      tpu.wait_indirect_dma semaphore(%arg22 : memref<!tpu.dma_semaphore, #tpu.memory_space<semaphore_mem>>) src(%dma_wait3A_397 : memref<10112x16xf32, #tpu.memory_space<vmem_shared>>) dst(%dma_wait3A_391 : memref<128x16xf32, #tpu.memory_space<vmem>>)
      %dma_start3A_398 = arith.constant 7 : i32
      %dma_start3A_399 = arith.constant 0 : i32
      %dma_start3A_400 = arith.constant 0 : i32
      %dma_start3A_401 = tpu.memref_slice %arg9[%dma_start3A_398, %dma_start3A_399, %dma_start3A_400] : memref<8x128x16xf32, #tpu.memory_space<vmem>> -> memref<1x128x16xf32, #tpu.memory_space<vmem>>
      %dma_start3A_402 = tpu.memref_squeeze %dma_start3A_401 : memref<1x128x16xf32, #tpu.memory_space<vmem>> -> memref<128x16xf32, #tpu.memory_space<vmem>>
      %dma_start3A_403 = arith.constant 0 : i32
      %dma_start3A_404 = tpu.memref_slice %arg8[%add3A_386, %dma_start3A_403] : memref<80x128xi32, #tpu.memory_space<vmem>> -> memref<1x128xi32, #tpu.memory_space<vmem>>
      %dma_start3A_405 = tpu.memref_squeeze %dma_start3A_404 : memref<1x128xi32, #tpu.memory_space<vmem>> -> memref<128xi32, #tpu.memory_space<vmem>>
      %dma_start3A_406 = arith.constant 0 : i32
      %dma_start3A_407 = arith.constant 0 : i32
      %dma_start3A_408 = tpu.memref_slice %arg13[%dma_start3A_406, %dma_start3A_407] : memref<10112x16xf32, #tpu.memory_space<vmem_shared>> -> memref<10112x16xf32, #tpu.memory_space<vmem_shared>>
      tpu.enqueue_indirect_dma source(%dma_start3A_402 : memref<128x16xf32, #tpu.memory_space<vmem>>) target(%dma_start3A_408 : memref<10112x16xf32, #tpu.memory_space<vmem_shared>>) offsets(%dma_start3A_405 : memref<128xi32, #tpu.memory_space<vmem>>) semaphore(%arg30 : memref<!tpu.dma_semaphore, #tpu.memory_space<semaphore_mem>>) {add = true}
      %add3A_409 = arith.constant 4 : i32
      %add3A_410 = arith.addi %add3A_386, %add3A_409 : i32
      %lt3A_411 = arith.constant 80 : i32
      %lt3A_412 = arith.cmpi slt, %add3A_410, %lt3A_411 : i32
      %convert_element_type3A_413 = arith.extui %lt3A_412 : i1 to i32
      %cond3A_414 = arith.constant 0 : i32
      %cond3A_415 = arith.cmpi ne, %convert_element_type3A_413, %cond3A_414 : i32
      scf.if %cond3A_415 {
        %ge3A = arith.constant 8 : i32
        %ge3A_416 = arith.cmpi sge, %add3A_410, %ge3A : i32
        %convert_element_type3A_417 = arith.extui %ge3A_416 : i1 to i32
        %cond3A_418 = arith.constant 0 : i32
        %cond3A_419 = arith.cmpi ne, %convert_element_type3A_417, %cond3A_418 : i32
        scf.if %cond3A_419 {
          %sub3A = arith.constant 8 : i32
          %sub3A_431 = arith.subi %add3A_410, %sub3A : i32
          %dma_wait3A_432 = arith.constant 3 : i32
          %dma_wait3A_433 = arith.constant 0 : i32
          %dma_wait3A_434 = arith.constant 0 : i32
          %dma_wait3A_435 = tpu.memref_slice %arg9[%dma_wait3A_432, %dma_wait3A_433, %dma_wait3A_434] : memref<8x128x16xf32, #tpu.memory_space<vmem>> -> memref<1x128x16xf32, #tpu.memory_space<vmem>>
          %dma_wait3A_436 = tpu.memref_squeeze %dma_wait3A_435 : memref<1x128x16xf32, #tpu.memory_space<vmem>> -> memref<128x16xf32, #tpu.memory_space<vmem>>
          %dma_wait3A_437 = arith.constant 0 : i32
          %dma_wait3A_438 = tpu.memref_slice %arg8[%sub3A_431, %dma_wait3A_437] : memref<80x128xi32, #tpu.memory_space<vmem>> -> memref<1x128xi32, #tpu.memory_space<vmem>>
          %dma_wait3A_439 = tpu.memref_squeeze %dma_wait3A_438 : memref<1x128xi32, #tpu.memory_space<vmem>> -> memref<128xi32, #tpu.memory_space<vmem>>
          %dma_wait3A_440 = arith.constant 0 : i32
          %dma_wait3A_441 = arith.constant 0 : i32
          %dma_wait3A_442 = tpu.memref_slice %arg13[%dma_wait3A_440, %dma_wait3A_441] : memref<10112x16xf32, #tpu.memory_space<vmem_shared>> -> memref<10112x16xf32, #tpu.memory_space<vmem_shared>>
          tpu.wait_indirect_dma semaphore(%arg26 : memref<!tpu.dma_semaphore, #tpu.memory_space<semaphore_mem>>) src(%dma_wait3A_436 : memref<128x16xf32, #tpu.memory_space<vmem>>) dst(%dma_wait3A_442 : memref<10112x16xf32, #tpu.memory_space<vmem_shared>>)
        } else {
        }
        %dma_start3A_420 = arith.constant 3 : i32
        %dma_start3A_421 = arith.constant 0 : i32
        %dma_start3A_422 = arith.constant 0 : i32
        %dma_start3A_423 = tpu.memref_slice %arg9[%dma_start3A_420, %dma_start3A_421, %dma_start3A_422] : memref<8x128x16xf32, #tpu.memory_space<vmem>> -> memref<1x128x16xf32, #tpu.memory_space<vmem>>
        %dma_start3A_424 = tpu.memref_squeeze %dma_start3A_423 : memref<1x128x16xf32, #tpu.memory_space<vmem>> -> memref<128x16xf32, #tpu.memory_space<vmem>>
        %dma_start3A_425 = arith.constant 0 : i32
        %dma_start3A_426 = tpu.memref_slice %arg7[%add3A_410, %dma_start3A_425] : memref<80x128xi32, #tpu.memory_space<vmem>> -> memref<1x128xi32, #tpu.memory_space<vmem>>
        %dma_start3A_427 = tpu.memref_squeeze %dma_start3A_426 : memref<1x128xi32, #tpu.memory_space<vmem>> -> memref<128xi32, #tpu.memory_space<vmem>>
        %dma_start3A_428 = arith.constant 0 : i32
        %dma_start3A_429 = arith.constant 0 : i32
        %dma_start3A_430 = tpu.memref_slice %arg14[%dma_start3A_428, %dma_start3A_429] : memref<10112x16xf32, #tpu.memory_space<vmem_shared>> -> memref<10112x16xf32, #tpu.memory_space<vmem_shared>>
        tpu.enqueue_indirect_dma source(%dma_start3A_430 : memref<10112x16xf32, #tpu.memory_space<vmem_shared>>) target(%dma_start3A_424 : memref<128x16xf32, #tpu.memory_space<vmem>>) offsets(%dma_start3A_427 : memref<128xi32, #tpu.memory_space<vmem>>) semaphore(%arg18 : memref<!tpu.dma_semaphore, #tpu.memory_space<semaphore_mem>>)
      } else {
      }
    }
    %scan3A_67 = arith.constant 10 : i32
    %dma_wait3A = arith.constant 0 : i32
    %dma_wait3A_68 = arith.constant 72 : i32
    %dma_wait3A_69 = arith.constant 0 : i32
    %dma_wait3A_70 = arith.constant 0 : i32
    %dma_wait3A_71 = tpu.memref_slice %arg9[%dma_wait3A, %dma_wait3A_69, %dma_wait3A_70] : memref<8x128x16xf32, #tpu.memory_space<vmem>> -> memref<1x128x16xf32, #tpu.memory_space<vmem>>
    %dma_wait3A_72 = tpu.memref_squeeze %dma_wait3A_71 : memref<1x128x16xf32, #tpu.memory_space<vmem>> -> memref<128x16xf32, #tpu.memory_space<vmem>>
    %dma_wait3A_73 = arith.constant 0 : i32
    %dma_wait3A_74 = tpu.memref_slice %arg8[%dma_wait3A_68, %dma_wait3A_73] : memref<80x128xi32, #tpu.memory_space<vmem>> -> memref<1x128xi32, #tpu.memory_space<vmem>>
    %dma_wait3A_75 = tpu.memref_squeeze %dma_wait3A_74 : memref<1x128xi32, #tpu.memory_space<vmem>> -> memref<128xi32, #tpu.memory_space<vmem>>
    %dma_wait3A_76 = arith.constant 0 : i32
    %dma_wait3A_77 = arith.constant 0 : i32
    %dma_wait3A_78 = tpu.memref_slice %arg13[%dma_wait3A_76, %dma_wait3A_77] : memref<10112x16xf32, #tpu.memory_space<vmem_shared>> -> memref<10112x16xf32, #tpu.memory_space<vmem_shared>>
    tpu.wait_indirect_dma semaphore(%arg23 : memref<!tpu.dma_semaphore, #tpu.memory_space<semaphore_mem>>) src(%dma_wait3A_72 : memref<128x16xf32, #tpu.memory_space<vmem>>) dst(%dma_wait3A_78 : memref<10112x16xf32, #tpu.memory_space<vmem_shared>>)
    %dma_wait3A_79 = arith.constant 1 : i32
    %dma_wait3A_80 = arith.constant 73 : i32
    %dma_wait3A_81 = arith.constant 0 : i32
    %dma_wait3A_82 = arith.constant 0 : i32
    %dma_wait3A_83 = tpu.memref_slice %arg9[%dma_wait3A_79, %dma_wait3A_81, %dma_wait3A_82] : memref<8x128x16xf32, #tpu.memory_space<vmem>> -> memref<1x128x16xf32, #tpu.memory_space<vmem>>
    %dma_wait3A_84 = tpu.memref_squeeze %dma_wait3A_83 : memref<1x128x16xf32, #tpu.memory_space<vmem>> -> memref<128x16xf32, #tpu.memory_space<vmem>>
    %dma_wait3A_85 = arith.constant 0 : i32
    %dma_wait3A_86 = tpu.memref_slice %arg8[%dma_wait3A_80, %dma_wait3A_85] : memref<80x128xi32, #tpu.memory_space<vmem>> -> memref<1x128xi32, #tpu.memory_space<vmem>>
    %dma_wait3A_87 = tpu.memref_squeeze %dma_wait3A_86 : memref<1x128xi32, #tpu.memory_space<vmem>> -> memref<128xi32, #tpu.memory_space<vmem>>
    %dma_wait3A_88 = arith.constant 0 : i32
    %dma_wait3A_89 = arith.constant 0 : i32
    %dma_wait3A_90 = tpu.memref_slice %arg13[%dma_wait3A_88, %dma_wait3A_89] : memref<10112x16xf32, #tpu.memory_space<vmem_shared>> -> memref<10112x16xf32, #tpu.memory_space<vmem_shared>>
    tpu.wait_indirect_dma semaphore(%arg24 : memref<!tpu.dma_semaphore, #tpu.memory_space<semaphore_mem>>) src(%dma_wait3A_84 : memref<128x16xf32, #tpu.memory_space<vmem>>) dst(%dma_wait3A_90 : memref<10112x16xf32, #tpu.memory_space<vmem_shared>>)
    %dma_wait3A_91 = arith.constant 2 : i32
    %dma_wait3A_92 = arith.constant 74 : i32
    %dma_wait3A_93 = arith.constant 0 : i32
    %dma_wait3A_94 = arith.constant 0 : i32
    %dma_wait3A_95 = tpu.memref_slice %arg9[%dma_wait3A_91, %dma_wait3A_93, %dma_wait3A_94] : memref<8x128x16xf32, #tpu.memory_space<vmem>> -> memref<1x128x16xf32, #tpu.memory_space<vmem>>
    %dma_wait3A_96 = tpu.memref_squeeze %dma_wait3A_95 : memref<1x128x16xf32, #tpu.memory_space<vmem>> -> memref<128x16xf32, #tpu.memory_space<vmem>>
    %dma_wait3A_97 = arith.constant 0 : i32
    %dma_wait3A_98 = tpu.memref_slice %arg8[%dma_wait3A_92, %dma_wait3A_97] : memref<80x128xi32, #tpu.memory_space<vmem>> -> memref<1x128xi32, #tpu.memory_space<vmem>>
    %dma_wait3A_99 = tpu.memref_squeeze %dma_wait3A_98 : memref<1x128xi32, #tpu.memory_space<vmem>> -> memref<128xi32, #tpu.memory_space<vmem>>
    %dma_wait3A_100 = arith.constant 0 : i32
    %dma_wait3A_101 = arith.constant 0 : i32
    %dma_wait3A_102 = tpu.memref_slice %arg13[%dma_wait3A_100, %dma_wait3A_101] : memref<10112x16xf32, #tpu.memory_space<vmem_shared>> -> memref<10112x16xf32, #tpu.memory_space<vmem_shared>>
    tpu.wait_indirect_dma semaphore(%arg25 : memref<!tpu.dma_semaphore, #tpu.memory_space<semaphore_mem>>) src(%dma_wait3A_96 : memref<128x16xf32, #tpu.memory_space<vmem>>) dst(%dma_wait3A_102 : memref<10112x16xf32, #tpu.memory_space<vmem_shared>>)
    %dma_wait3A_103 = arith.constant 3 : i32
    %dma_wait3A_104 = arith.constant 75 : i32
    %dma_wait3A_105 = arith.constant 0 : i32
    %dma_wait3A_106 = arith.constant 0 : i32
    %dma_wait3A_107 = tpu.memref_slice %arg9[%dma_wait3A_103, %dma_wait3A_105, %dma_wait3A_106] : memref<8x128x16xf32, #tpu.memory_space<vmem>> -> memref<1x128x16xf32, #tpu.memory_space<vmem>>
    %dma_wait3A_108 = tpu.memref_squeeze %dma_wait3A_107 : memref<1x128x16xf32, #tpu.memory_space<vmem>> -> memref<128x16xf32, #tpu.memory_space<vmem>>
    %dma_wait3A_109 = arith.constant 0 : i32
    %dma_wait3A_110 = tpu.memref_slice %arg8[%dma_wait3A_104, %dma_wait3A_109] : memref<80x128xi32, #tpu.memory_space<vmem>> -> memref<1x128xi32, #tpu.memory_space<vmem>>
    %dma_wait3A_111 = tpu.memref_squeeze %dma_wait3A_110 : memref<1x128xi32, #tpu.memory_space<vmem>> -> memref<128xi32, #tpu.memory_space<vmem>>
    %dma_wait3A_112 = arith.constant 0 : i32
    %dma_wait3A_113 = arith.constant 0 : i32
    %dma_wait3A_114 = tpu.memref_slice %arg13[%dma_wait3A_112, %dma_wait3A_113] : memref<10112x16xf32, #tpu.memory_space<vmem_shared>> -> memref<10112x16xf32, #tpu.memory_space<vmem_shared>>
    tpu.wait_indirect_dma semaphore(%arg26 : memref<!tpu.dma_semaphore, #tpu.memory_space<semaphore_mem>>) src(%dma_wait3A_108 : memref<128x16xf32, #tpu.memory_space<vmem>>) dst(%dma_wait3A_114 : memref<10112x16xf32, #tpu.memory_space<vmem_shared>>)
    %dma_wait3A_115 = arith.constant 4 : i32
    %dma_wait3A_116 = arith.constant 76 : i32
    %dma_wait3A_117 = arith.constant 0 : i32
    %dma_wait3A_118 = arith.constant 0 : i32
    %dma_wait3A_119 = tpu.memref_slice %arg9[%dma_wait3A_115, %dma_wait3A_117, %dma_wait3A_118] : memref<8x128x16xf32, #tpu.memory_space<vmem>> -> memref<1x128x16xf32, #tpu.memory_space<vmem>>
    %dma_wait3A_120 = tpu.memref_squeeze %dma_wait3A_119 : memref<1x128x16xf32, #tpu.memory_space<vmem>> -> memref<128x16xf32, #tpu.memory_space<vmem>>
    %dma_wait3A_121 = arith.constant 0 : i32
    %dma_wait3A_122 = tpu.memref_slice %arg8[%dma_wait3A_116, %dma_wait3A_121] : memref<80x128xi32, #tpu.memory_space<vmem>> -> memref<1x128xi32, #tpu.memory_space<vmem>>
    %dma_wait3A_123 = tpu.memref_squeeze %dma_wait3A_122 : memref<1x128xi32, #tpu.memory_space<vmem>> -> memref<128xi32, #tpu.memory_space<vmem>>
    %dma_wait3A_124 = arith.constant 0 : i32
    %dma_wait3A_125 = arith.constant 0 : i32
    %dma_wait3A_126 = tpu.memref_slice %arg13[%dma_wait3A_124, %dma_wait3A_125] : memref<10112x16xf32, #tpu.memory_space<vmem_shared>> -> memref<10112x16xf32, #tpu.memory_space<vmem_shared>>
    tpu.wait_indirect_dma semaphore(%arg27 : memref<!tpu.dma_semaphore, #tpu.memory_space<semaphore_mem>>) src(%dma_wait3A_120 : memref<128x16xf32, #tpu.memory_space<vmem>>) dst(%dma_wait3A_126 : memref<10112x16xf32, #tpu.memory_space<vmem_shared>>)
    %dma_wait3A_127 = arith.constant 5 : i32
    %dma_wait3A_128 = arith.constant 77 : i32
    %dma_wait3A_129 = arith.constant 0 : i32
    %dma_wait3A_130 = arith.constant 0 : i32
    %dma_wait3A_131 = tpu.memref_slice %arg9[%dma_wait3A_127, %dma_wait3A_129, %dma_wait3A_130] : memref<8x128x16xf32, #tpu.memory_space<vmem>> -> memref<1x128x16xf32, #tpu.memory_space<vmem>>
    %dma_wait3A_132 = tpu.memref_squeeze %dma_wait3A_131 : memref<1x128x16xf32, #tpu.memory_space<vmem>> -> memref<128x16xf32, #tpu.memory_space<vmem>>
    %dma_wait3A_133 = arith.constant 0 : i32
    %dma_wait3A_134 = tpu.memref_slice %arg8[%dma_wait3A_128, %dma_wait3A_133] : memref<80x128xi32, #tpu.memory_space<vmem>> -> memref<1x128xi32, #tpu.memory_space<vmem>>
    %dma_wait3A_135 = tpu.memref_squeeze %dma_wait3A_134 : memref<1x128xi32, #tpu.memory_space<vmem>> -> memref<128xi32, #tpu.memory_space<vmem>>
    %dma_wait3A_136 = arith.constant 0 : i32
    %dma_wait3A_137 = arith.constant 0 : i32
    %dma_wait3A_138 = tpu.memref_slice %arg13[%dma_wait3A_136, %dma_wait3A_137] : memref<10112x16xf32, #tpu.memory_space<vmem_shared>> -> memref<10112x16xf32, #tpu.memory_space<vmem_shared>>
    tpu.wait_indirect_dma semaphore(%arg28 : memref<!tpu.dma_semaphore, #tpu.memory_space<semaphore_mem>>) src(%dma_wait3A_132 : memref<128x16xf32, #tpu.memory_space<vmem>>) dst(%dma_wait3A_138 : memref<10112x16xf32, #tpu.memory_space<vmem_shared>>)
    %dma_wait3A_139 = arith.constant 6 : i32
    %dma_wait3A_140 = arith.constant 78 : i32
    %dma_wait3A_141 = arith.constant 0 : i32
    %dma_wait3A_142 = arith.constant 0 : i32
    %dma_wait3A_143 = tpu.memref_slice %arg9[%dma_wait3A_139, %dma_wait3A_141, %dma_wait3A_142] : memref<8x128x16xf32, #tpu.memory_space<vmem>> -> memref<1x128x16xf32, #tpu.memory_space<vmem>>
    %dma_wait3A_144 = tpu.memref_squeeze %dma_wait3A_143 : memref<1x128x16xf32, #tpu.memory_space<vmem>> -> memref<128x16xf32, #tpu.memory_space<vmem>>
    %dma_wait3A_145 = arith.constant 0 : i32
    %dma_wait3A_146 = tpu.memref_slice %arg8[%dma_wait3A_140, %dma_wait3A_145] : memref<80x128xi32, #tpu.memory_space<vmem>> -> memref<1x128xi32, #tpu.memory_space<vmem>>
    %dma_wait3A_147 = tpu.memref_squeeze %dma_wait3A_146 : memref<1x128xi32, #tpu.memory_space<vmem>> -> memref<128xi32, #tpu.memory_space<vmem>>
    %dma_wait3A_148 = arith.constant 0 : i32
    %dma_wait3A_149 = arith.constant 0 : i32
    %dma_wait3A_150 = tpu.memref_slice %arg13[%dma_wait3A_148, %dma_wait3A_149] : memref<10112x16xf32, #tpu.memory_space<vmem_shared>> -> memref<10112x16xf32, #tpu.memory_space<vmem_shared>>
    tpu.wait_indirect_dma semaphore(%arg29 : memref<!tpu.dma_semaphore, #tpu.memory_space<semaphore_mem>>) src(%dma_wait3A_144 : memref<128x16xf32, #tpu.memory_space<vmem>>) dst(%dma_wait3A_150 : memref<10112x16xf32, #tpu.memory_space<vmem_shared>>)
    %dma_wait3A_151 = arith.constant 7 : i32
    %dma_wait3A_152 = arith.constant 79 : i32
    %dma_wait3A_153 = arith.constant 0 : i32
    %dma_wait3A_154 = arith.constant 0 : i32
    %dma_wait3A_155 = tpu.memref_slice %arg9[%dma_wait3A_151, %dma_wait3A_153, %dma_wait3A_154] : memref<8x128x16xf32, #tpu.memory_space<vmem>> -> memref<1x128x16xf32, #tpu.memory_space<vmem>>
    %dma_wait3A_156 = tpu.memref_squeeze %dma_wait3A_155 : memref<1x128x16xf32, #tpu.memory_space<vmem>> -> memref<128x16xf32, #tpu.memory_space<vmem>>
    %dma_wait3A_157 = arith.constant 0 : i32
    %dma_wait3A_158 = tpu.memref_slice %arg8[%dma_wait3A_152, %dma_wait3A_157] : memref<80x128xi32, #tpu.memory_space<vmem>> -> memref<1x128xi32, #tpu.memory_space<vmem>>
    %dma_wait3A_159 = tpu.memref_squeeze %dma_wait3A_158 : memref<1x128xi32, #tpu.memory_space<vmem>> -> memref<128xi32, #tpu.memory_space<vmem>>
    %dma_wait3A_160 = arith.constant 0 : i32
    %dma_wait3A_161 = arith.constant 0 : i32
    %dma_wait3A_162 = tpu.memref_slice %arg13[%dma_wait3A_160, %dma_wait3A_161] : memref<10112x16xf32, #tpu.memory_space<vmem_shared>> -> memref<10112x16xf32, #tpu.memory_space<vmem_shared>>
    tpu.wait_indirect_dma semaphore(%arg30 : memref<!tpu.dma_semaphore, #tpu.memory_space<semaphore_mem>>) src(%dma_wait3A_156 : memref<128x16xf32, #tpu.memory_space<vmem>>) dst(%dma_wait3A_162 : memref<10112x16xf32, #tpu.memory_space<vmem_shared>>)
    %barrier3A_163 = arith.constant 0 : index
    tpu.barrier barrier_id(%barrier3A_163)
    %mul3A_164 = arith.constant 632 : i32
    %mul3A_165 = arith.muli %arg1, %mul3A_164 : i32
    %mul3A_166 = arith.constant 632 : i32
    %mul3A_167 = arith.muli %arg1, %mul3A_166 : i32
    "tpu.region"() ({
      %run_scoped3A_168 = tpu.sem_alloc : memref<!tpu.dma_semaphore, #tpu.memory_space<semaphore_mem>>
      %dma_start3A_169 = arith.constant 0 : i32
      %dma_start3A_170 = tpu.memref_slice %arg6[%arg0, %mul3A_167, %dma_start3A_169] : memref<2x10112x16xf32, #tpu.memory_space<hbm>> -> memref<1x632x16xf32, #tpu.memory_space<hbm>>
      %dma_start3A_171 = tpu.memref_squeeze %dma_start3A_170 : memref<1x632x16xf32, #tpu.memory_space<hbm>> -> memref<632x16xf32, #tpu.memory_space<hbm>>
      %dma_start3A_172 = arith.constant 0 : i32
      %dma_start3A_173 = tpu.memref_slice %arg13[%mul3A_165, %dma_start3A_172] : memref<10112x16xf32, #tpu.memory_space<vmem_shared>> -> memref<632x16xf32, #tpu.memory_space<vmem_shared>>
      tpu.enqueue_dma source(%dma_start3A_173 : memref<632x16xf32, #tpu.memory_space<vmem_shared>>) target(%dma_start3A_171 : memref<632x16xf32, #tpu.memory_space<hbm>>) target_semaphore(%run_scoped3A_168 : memref<!tpu.dma_semaphore, #tpu.memory_space<semaphore_mem>>)
      %dma_wait3A_174 = arith.constant 0 : i32
      %dma_wait3A_175 = tpu.memref_slice %arg6[%arg0, %mul3A_167, %dma_wait3A_174] : memref<2x10112x16xf32, #tpu.memory_space<hbm>> -> memref<1x632x16xf32, #tpu.memory_space<hbm>>
      %dma_wait3A_176 = tpu.memref_squeeze %dma_wait3A_175 : memref<1x632x16xf32, #tpu.memory_space<hbm>> -> memref<632x16xf32, #tpu.memory_space<hbm>>
      %dma_wait3A_177 = arith.constant 0 : i32
      %dma_wait3A_178 = tpu.memref_slice %arg13[%mul3A_165, %dma_wait3A_177] : memref<10112x16xf32, #tpu.memory_space<vmem_shared>> -> memref<632x16xf32, #tpu.memory_space<vmem_shared>>
      tpu.wait_dma2 semaphore(%run_scoped3A_168 : memref<!tpu.dma_semaphore, #tpu.memory_space<semaphore_mem>>) src(%dma_wait3A_178 : memref<632x16xf32, #tpu.memory_space<vmem_shared>>) dst(%dma_wait3A_176 : memref<632x16xf32, #tpu.memory_space<hbm>>)
      tpu.yield
    }) : () -> ()
    return
  }
}

module attributes {stable_mosaic.version = 14 : i64} {
  func.func @_mm1_body(%arg0: memref<10000x128xf32, #tpu.memory_space<vmem>>, %arg1: memref<128x16xf32, #tpu.memory_space<vmem>>, %arg2: memref<10112x16xf32, #tpu.memory_space<vmem>>) attributes {dimension_semantics = [], scalar_prefetch = 0 : i64, scratch_operands = 0 : i64, tpu.core_type = #tpu.core_type<tc>} {
    %get3A = arith.constant 0 : index
    %get3A_0 = arith.constant 0 : index
    %get3A_1 = vector.load %arg0[%get3A, %get3A_0] : memref<10000x128xf32, #tpu.memory_space<vmem>>, vector<10000x128xf32>
    %get3A_2 = arith.constant 0 : index
    %get3A_3 = arith.constant 0 : index
    %get3A_4 = vector.load %arg1[%get3A_2, %get3A_3] : memref<128x16xf32, #tpu.memory_space<vmem>>, vector<128x16xf32>
    %dot_general3A = arith.constant dense<0.000000e+00> : vector<10000x16xf32>
    %dot_general3A_5 = tpu.matmul %get3A_1, %get3A_4, %dot_general3A {dimension_numbers = #tpu.dot_dimension_numbers<[1], [0], [0], [1], [0, 0, 1, 1], [], []>, transpose_lhs_hint = false} : vector<10000x128xf32>, vector<128x16xf32>, vector<10000x16xf32> -> vector<10000x16xf32>
    %swap3A = arith.constant 0 : index
    %swap3A_6 = arith.constant 0 : index
    %swap3A_7 = vector.load %arg2[%swap3A, %swap3A_6] : memref<10112x16xf32, #tpu.memory_space<vmem>>, vector<10000x16xf32>
    tpu.vector_store %arg2[%swap3A, %swap3A_6], %dot_general3A_5 {strides = array<i32>} : memref<10112x16xf32, #tpu.memory_space<vmem>>, vector<10000x16xf32>,
    return
  }
}

module attributes {stable_mosaic.version = 14 : i64} {
  func.func @_mid_body(%arg0: memref<2x1264x128xf32, #tpu.memory_space<vmem>>, %arg1: memref<1264x128xf32, #tpu.memory_space<vmem>>, %arg2: memref<1264x128xf32, #tpu.memory_space<vmem>>, %arg3: memref<1x128xf32, #tpu.memory_space<vmem>>, %arg4: memref<1264x128xf32, #tpu.memory_space<vmem>>) attributes {dimension_semantics = [], scalar_prefetch = 0 : i64, scratch_operands = 0 : i64, tpu.core_type = #tpu.core_type<tc>} {
    %get3A = arith.constant 0 : index
    %get3A_0 = arith.constant 0 : index
    %get3A_1 = vector.load %arg2[%get3A, %get3A_0] : memref<1264x128xf32, #tpu.memory_space<vmem>>, vector<1264x128xf32>
    %get3A_2 = arith.constant 0 : index
    %get3A_3 = arith.constant 0 : index
    %get3A_4 = arith.constant 0 : index
    %get3A_5 = vector.load %arg0[%get3A_2, %get3A_3, %get3A_4] : memref<2x1264x128xf32, #tpu.memory_space<vmem>>, vector<1x1264x128xf32>
    %get3A_6 = vector.shape_cast %get3A_5 : vector<1x1264x128xf32> to vector<1264x128xf32>
    %get3A_7 = arith.constant 1 : index
    %get3A_8 = arith.constant 0 : index
    %get3A_9 = arith.constant 0 : index
    %get3A_10 = vector.load %arg0[%get3A_7, %get3A_8, %get3A_9] : memref<2x1264x128xf32, #tpu.memory_space<vmem>>, vector<1x1264x128xf32>
    %get3A_11 = vector.shape_cast %get3A_10 : vector<1x1264x128xf32> to vector<1264x128xf32>
    %add3A = arith.addf %get3A_6, %get3A_11 : vector<1264x128xf32>
    %get3A_12 = arith.constant 0 : index
    %get3A_13 = arith.constant 0 : index
    %get3A_14 = vector.load %arg1[%get3A_12, %get3A_13] : memref<1264x128xf32, #tpu.memory_space<vmem>>, vector<1264x128xf32>
    %mul3A = arith.mulf %get3A_1, %get3A_14 : vector<1264x128xf32>
    %add3A_15 = arith.addf %add3A, %mul3A : vector<1264x128xf32>
    %mul3A_16 = arith.mulf %get3A_1, %add3A_15 : vector<1264x128xf32>
    %get3A_17 = arith.constant 0 : index
    %get3A_18 = arith.constant 0 : index
    %get3A_19 = vector.load %arg3[%get3A_17, %get3A_18] : memref<1x128xf32, #tpu.memory_space<vmem>>, vector<1x128xf32>
    %add3A_20 = vector.broadcast %get3A_19 : vector<1x128xf32> to vector<1264x128xf32>
    %add3A_21 = arith.addf %mul3A_16, %add3A_20 : vector<1264x128xf32>
    %max3A = arith.constant 0.000000e+00 : f32
    %max3A_22 = vector.broadcast %max3A : f32 to vector<1264x128xf32>
    %max3A_23 = arith.maximumf %add3A_21, %max3A_22 : vector<1264x128xf32>
    %swap3A = arith.constant 0 : index
    %swap3A_24 = arith.constant 0 : index
    %swap3A_25 = vector.load %arg4[%swap3A, %swap3A_24] : memref<1264x128xf32, #tpu.memory_space<vmem>>, vector<1264x128xf32>
    tpu.vector_store %arg4[%swap3A, %swap3A_24], %max3A_23 {strides = array<i32>} : memref<1264x128xf32, #tpu.memory_space<vmem>>, vector<1264x128xf32>,
    return
  }
}

module attributes {stable_mosaic.version = 14 : i64} {
  func.func @_final_body(%arg0: memref<2x1264x128xf32, #tpu.memory_space<vmem>>, %arg1: memref<1264x128xf32, #tpu.memory_space<vmem>>, %arg2: memref<1264x128xf32, #tpu.memory_space<vmem>>, %arg3: memref<128x320xf32, #tpu.memory_space<vmem>>, %arg4: memref<1x320xf32, #tpu.memory_space<vmem>>, %arg5: memref<1264x320xf32, #tpu.memory_space<vmem>>) attributes {dimension_semantics = [], scalar_prefetch = 0 : i64, scratch_operands = 0 : i64, tpu.core_type = #tpu.core_type<tc>} {
    %get3A = arith.constant 0 : index
    %get3A_0 = arith.constant 0 : index
    %get3A_1 = vector.load %arg2[%get3A, %get3A_0] : memref<1264x128xf32, #tpu.memory_space<vmem>>, vector<1264x128xf32>
    %get3A_2 = arith.constant 0 : index
    %get3A_3 = arith.constant 0 : index
    %get3A_4 = arith.constant 0 : index
    %get3A_5 = vector.load %arg0[%get3A_2, %get3A_3, %get3A_4] : memref<2x1264x128xf32, #tpu.memory_space<vmem>>, vector<1x1264x128xf32>
    %get3A_6 = vector.shape_cast %get3A_5 : vector<1x1264x128xf32> to vector<1264x128xf32>
    %get3A_7 = arith.constant 1 : index
    %get3A_8 = arith.constant 0 : index
    %get3A_9 = arith.constant 0 : index
    %get3A_10 = vector.load %arg0[%get3A_7, %get3A_8, %get3A_9] : memref<2x1264x128xf32, #tpu.memory_space<vmem>>, vector<1x1264x128xf32>
    %get3A_11 = vector.shape_cast %get3A_10 : vector<1x1264x128xf32> to vector<1264x128xf32>
    %add3A = arith.addf %get3A_6, %get3A_11 : vector<1264x128xf32>
    %get3A_12 = arith.constant 0 : index
    %get3A_13 = arith.constant 0 : index
    %get3A_14 = vector.load %arg1[%get3A_12, %get3A_13] : memref<1264x128xf32, #tpu.memory_space<vmem>>, vector<1264x128xf32>
    %mul3A = arith.mulf %get3A_1, %get3A_14 : vector<1264x128xf32>
    %add3A_15 = arith.addf %add3A, %mul3A : vector<1264x128xf32>
    %mul3A_16 = arith.mulf %get3A_1, %add3A_15 : vector<1264x128xf32>
    %get3A_17 = arith.constant 0 : index
    %get3A_18 = arith.constant 0 : index
    %get3A_19 = vector.load %arg3[%get3A_17, %get3A_18] : memref<128x320xf32, #tpu.memory_space<vmem>>, vector<128x320xf32>
    %dot_general3A = arith.constant dense<0.000000e+00> : vector<1264x320xf32>
    %dot_general3A_20 = tpu.matmul %mul3A_16, %get3A_19, %dot_general3A {dimension_numbers = #tpu.dot_dimension_numbers<[1], [0], [0], [1], [0, 0, 1, 1], [], []>, transpose_lhs_hint = false} : vector<1264x128xf32>, vector<128x320xf32>, vector<1264x320xf32> -> vector<1264x320xf32>
    %get3A_21 = arith.constant 0 : index
    %get3A_22 = arith.constant 0 : index
    %get3A_23 = vector.load %arg4[%get3A_21, %get3A_22] : memref<1x320xf32, #tpu.memory_space<vmem>>, vector<1x320xf32>
    %add3A_24 = vector.broadcast %get3A_23 : vector<1x320xf32> to vector<1264x320xf32>
    %add3A_25 = arith.addf %dot_general3A_20, %add3A_24 : vector<1264x320xf32>
    %swap3A = arith.constant 0 : index
    %swap3A_26 = arith.constant 0 : index
    %swap3A_27 = vector.load %arg5[%swap3A, %swap3A_26] : memref<1264x320xf32, #tpu.memory_space<vmem>>, vector<1264x320xf32>
    tpu.vector_store %arg5[%swap3A, %swap3A_26], %add3A_25 {strides = array<i32>} : memref<1264x320xf32, #tpu.memory_space<vmem>>, vector<1264x320xf32>,
    return
  }
}

</mosaic_0001>

<sc_bundles>
// kernel: kernel.11.cloned.1.call-start
scs
__scs_entry_jumppad:
0x0: {  	(pc) =	sbr.rel $0x88, $3  }
0x1: {  	(tag) =	ssettag $0x0;
	lr =	simm.s32 $0x1  }
0x2: {  	[smem:$0x3F9B] =	sst lr;
	_ =	strace $0xD0000000  }
0x3: {  	_ = 	snop  }
0x4: {  	_ = 	snop  }
0x5: {  	_ = 	snop  }
0x6: {  	_ = 	snop  }
0x7: {  	_ = 	snop  }
__scs_overlays_trampoline_lowered:
0x8: {  	[smem:$0x3FAA] =	sst s0  }
0x9: {  	[smem:$0x3FAB] =	sst s1  }
0xa: {  	[smem:$0x3FAC] =	sst s2  }
0xb: {  	[smem:$0x3FAD] =	sst s3  }
0xc: {  	[smem:$0x3FAE] =	sst s4  }
0xd: {  	[smem:$0x3FAF] =	sst s5  }
0xe: {  	[smem:$0x3FB0] =	sst s6  }
0xf: {  	[smem:$0x3FB1] =	sst s7  }
0x10: {  	[smem:$0x3FB2] =	sst s8  }
0x11: {  	[smem:$0x3FB3] =	sst s9;
	s0 =	simm.s32 @!p0 $0x0  }
0x12: {  	s1 =	sld [smem:$0x3F99];
	s0 =	simm.s32 @p0 $0x1  }
0x13: {  	[smem:$0x3FB4] =	sst s0;
	s0 =	simm.s32 @!p1 $0x0  }
0x14: {  	s2 =	sld [smem:$0x3F98];
	s0 =	simm.s32 @p1 $0x1  }
0x15: {  	[smem:$0x3FB5] =	sst s0;
	s0 =	simm.s32 @!p2 $0x0  }
0x16: {  	s3 =	sld [smem:$0x3FDB];
	s0 =	simm.s32 @p2 $0x1  }
0x17: {  	s4 =	simm.s32 $0x1BF5;
	[smem:$0x3FB7] =	sst s0  }
0x18: {  	s0 =	sld [smem:$0x3F9A];
	_ =	swait.ge [sflag:s4], $0x0  }
0x19: {  	s7 =	sld [smem:$0x3F9B]  }
0x1a: {  	s8 =	sadd.s32 $0xFFFFE003, lr  }
0x1b: {  	s9 =	sadd.s32 $0xFFFFFEF7, lr;
	s5 =	simm.s32 $0xFFFFFFFF;
	p2 =	slt.u32 s8, $0xFFFFF086  }
0x1c: {  	p1 =	slt.u32 s9, $0xF7A;
	s5 =	simm.s32 @!p2 $0x0  }
0x1d: {  	s5 =	simm.s32 @p1 $0x1;
	p0 =	seq.s32 s7, s2  }
0x1e: {  	s7 =	smul.u32 @!p0 $0xF7A, s2;
	p2 =	seq.s32 @!p0 s5, $0x0  }
0x1f: {  	s9 =	smul.u32 $0xF7A, s1;
	s8 =	simm.s32 @!p0 $0x1BF5;
	p2 =	por !p2, p0  }
0x20: {  	[sflag:s8] =	ssyncset.s32 @!p0 $0xFFFFF086;
	s6 =	sadd.s32 @!p0 s3, s7;
	s7 =	simm.s32 @!p0 $0x108  }
0x21: {  	s3 =	sadd.s32 s3, s9;
	s6 =	sadd.s32 @!p0 $0x88, s6;
	s7 =	simm.s32 @p2 $0x1082  }
0x22: {  	[simem:s7], [sflag:s8] =	dma.local @!p0 [hbm:s6], $0xF7A  }
0x23: {  	s9 =	sor.u32 $0xD0000000, s2;
	s6 =	simm.s32 $0x108;
	_ =	swait.ge @!p0 [sflag:s8], $0x0  }
0x24: {  	s3 =	sadd.s32 $0x88, s3;
	s6 =	simm.s32 @!p1 $0x1082;
	[sflag:s4] =	ssyncset.s32 $0xFFFFF086  }
0x25: {  	[simem:s6], [sflag:s4] =	dma.local [hbm:s3], $0xF7A  }
0x26: {  	[smem:$0x3F9B] =	sst s1;
	(tag) =	ssettag s2;
	_ =	strace s9  }
0x27: {  	s1 =	sld [smem:$0x3FAB]  }
0x28: {  	s2 =	sld [smem:$0x3FAC]  }
0x29: {  	s4 =	sld [smem:$0x3FAE]  }
0x2a: {  	p0 =	seq.s32 s5, $0x0;
	s5 =	sld [smem:$0x3FAF]  }
0x2b: {  	s6 =	sld [smem:$0x3FB0]  }
0x2c: {  	s7 =	sld [smem:$0x3FB1]  }
0x2d: {  	s3 =	simm.s32 $0x108;
	s8 =	sld [smem:$0x3FB2]  }
0x2e: {  	s3 =	simm.s32 @!p0 $0x1082;
	s9 =	sld [smem:$0x3FB3]  }
0x2f: {  	lr =	sadd.s32 s0, s3;
	s0 =	sld [smem:$0x3FAA]  }
0x30: {  	s3 =	sld [smem:$0x3FAD]  }
0x31: {  	[smem:$0x3FB6] =	sst s10  }
0x32: {  	s10 =	sld [smem:$0x3FB4];
	_ =	sdelay $0x3  }
0x33: {  	p0 =	seq.s32 s10, $0x1;
	s10 =	sld [smem:$0x3FB6];
	_ =	sdelay $0x3  }
0x34: {  	[smem:$0x3FB6] =	sst s10  }
0x35: {  	s10 =	sld [smem:$0x3FB5];
	_ =	sdelay $0x3  }
0x36: {  	p1 =	seq.s32 s10, $0x1;
	s10 =	sld [smem:$0x3FB6];
	_ =	sdelay $0x3  }
0x37: {  	[smem:$0x3FB6] =	sst s10  }
0x38: {  	s10 =	sld [smem:$0x3FB7]  }
0x39: {  	_ = 	snop;
	(pc) =	sbr.ind lr, $3  }
0x3a: {  	_ = 	snop  }
0x3b: {  	_ = 	snop  }
0x3c: {  	p2 =	seq.s32 s10, $0x1;
	s10 =	sld [smem:$0x3FB6]  }
0x3d: {  	_ =	shalt  }
0x3e: {  	_ =	shalt  }
0x3f: {  	_ =	shalt  }
0x40: {  	_ =	shalt  }
0x41: {  	_ =	shalt  }
0x42: {  	_ =	shalt  }
0x43: {  	_ =	shalt  }
0x44: {  	_ =	shalt  }
0x45: {  	_ =	shalt  }
0x46: {  	_ =	shalt  }
0x47: {  	_ =	shalt  }
0x48: {  	_ =	shalt  }
0x49: {  	_ =	shalt  }
0x4a: {  	_ =	shalt  }
0x4b: {  	_ =	shalt  }
0x4c: {  	_ =	shalt  }
0x4d: {  	_ =	shalt  }
0x4e: {  	_ =	shalt  }
0x4f: {  	_ =	shalt  }
0x50: {  	_ =	shalt  }
0x51: {  	_ =	shalt  }
0x52: {  	_ =	shalt  }
0x53: {  	_ =	shalt  }
0x54: {  	_ =	shalt  }
0x55: {  	_ =	shalt  }
0x56: {  	_ =	shalt  }
0x57: {  	_ =	shalt  }
0x58: {  	_ =	shalt  }
0x59: {  	_ =	shalt  }
0x5a: {  	_ =	shalt  }
0x5b: {  	_ =	shalt  }
0x5c: {  	_ =	shalt  }
0x5d: {  	_ =	shalt  }
0x5e: {  	_ =	shalt  }
0x5f: {  	_ =	shalt  }
0x60: {  	_ =	shalt  }
0x61: {  	_ =	shalt  }
0x62: {  	_ =	shalt  }
0x63: {  	_ =	shalt  }
0x64: {  	_ =	shalt  }
0x65: {  	_ =	shalt  }
0x66: {  	_ =	shalt  }
0x67: {  	_ =	shalt  }
0x68: {  	_ =	shalt  }
0x69: {  	_ =	shalt  }
0x6a: {  	_ =	shalt  }
0x6b: {  	_ =	shalt  }
0x6c: {  	_ =	shalt  }
0x6d: {  	_ =	shalt  }
0x6e: {  	_ =	shalt  }
0x6f: {  	_ =	shalt  }
0x70: {  	_ =	shalt  }
0x71: {  	_ =	shalt  }
0x72: {  	_ =	shalt  }
0x73: {  	_ =	shalt  }
0x74: {  	_ =	shalt  }
0x75: {  	_ =	shalt  }
0x76: {  	_ =	shalt  }
0x77: {  	_ =	shalt  }
0x78: {  	_ =	shalt  }
0x79: {  	_ =	shalt  }
0x7a: {  	_ =	shalt  }
0x7b: {  	_ =	shalt  }
0x7c: {  	_ =	shalt  }
0x7d: {  	_ =	shalt  }
0x7e: {  	_ =	shalt  }
0x7f: {  	_ =	shalt  }
0x80: {  	_ =	shalt  }
0x81: {  	_ =	shalt  }
0x82: {  	_ =	shalt  }
0x83: {  	_ =	shalt  }
0x84: {  	_ =	shalt  }
0x85: {  	_ =	shalt  }
0x86: {  	_ =	shalt  }
0x87: {  	_ =	shalt  }
.Lfunc_end0:
.L_simem_size_0:
called_computation.1_lowered:
.L_overlay_start_0:
0x88: {  	s2 =	sld [smem:$0x3FD9]  }
0x89: {  	s3 =	sld [smem:$0x3FFE];
	_ =	sdelay $0x1  }
0x8a: {  	s1 =	srdreg.scid  }
0x8b: {  	s0 =	sand.u32 $0x1, s1  }
0x8c: {  	s17 =	sshll.u32 s0, $0xA;
	s2 =	sadd.s32 s3, s2  }
0x8d: {  	s2 =	sadd.s32 s2, s17  }
0x8e: {  	[smem:$0x3FC2] =	sst s2  }
0x8f: {  	_ = 	snop  }
0x90: {  	s2 =	sld [smem:$0x3FD0];
	(tm) =	ssettm $0x1  }
0x91: {  	s18 =	sld [smem:$0x3FFB];
	_ =	sdelay $0x3  }
0x92: {  	_ =	strace s18  }
0x93: {  	s3 =	sld [smem:$0x3FFC];
	_ =	sdelay $0x3  }
0x94: {  	_ =	strace s3  }
0x95: {  	s3 =	sld [smem:$0x3FFD];
	_ =	sdelay $0x3  }
0x96: {  	_ =	strace s3  }
0x97: {  	_ =	strace $0x8FFFFFFF  }
0x98: {  	s19 =	sld [smem:$0x3FDB];
	_ =	sdelay $0x1  }
0x99: {  	s4 =	simm.s32 $_scs_section_size  }
0x9a: {  	s5 =	simm.s32 $_size__tile_overlayer_lowered;
	s6 =	simm.s32 $_tile_overlayer_lowered  }
0x9b: {  	s22 =	simm.s32 $0x1BFF;
	s21 =	sshll.u32 s6, $0x1;
	s3 =	sadd.s32 s4, s19  }
0x9c: {  	s7 =	simm.s32 $0x0;
	s20 =	sshll.u32 s5, $0x1;
	s5 =	sadd.s32 s21, s3  }
0x9d: {  	[timem:s7], [sflag:s22] =	dma.local [hbm:s5], s20  }
0x9e: {  	_ =	swait.ge [sflag:s22], s20  }
0x9f: {  	s4 =	ssub.s32 $0x0, s20;
	[sflag:s22] =	ssyncset.done $0x0  }
0xa0: {  	[sflag:s22] =	ssyncadd.s32 s4;
	_ =	sdelay $0x1  }
0xa1: {  	s23 =	simm.s32 $0x1B8B  }
0xa2: {  	_ =	swait.ge [sflag:s23], $0x1  }
0xa3: {  	[sflag:s23] =	ssyncset.done $0x0  }
0xa4: {  	s25 =	simm.s32 $0x1B8E;
	s24 =	sld [smem:$0x3FFE];
	[sflag:s23] =	ssyncadd.s32 $0xFFFFFFFF  }
0xa5: {  	s26 =	simm.s32 $execute0_lowered;
	[smem:$0x3FD2] =	sst s25  }
0xa6: {  	s5 =	sshll.u32 s26, $0x1;
	_ =	strace $0x80000049;
	[dreg:$0x1] =	wrdreg $0xFFFFFFFF  }
0xa7: {  	s28 =	simm.s32 $_size_execute0_lowered;
	s3 =	sadd.s32 s3, s5;
	[dreg:$0x0] =	wrdreg $0x0  }
0xa8: {  	s5 =	sshll.u32 s28, $0x1;
	[dreg:$0x2] =	wrdreg s3  }
0xa9: {  	[dreg:$0x3] =	wrdreg s5  }
0xaa: {  	[dreg:$0x4] =	wrdreg $0xC0  }
0xab: {  	_ =	task [dreg:s7], $0x5FFFF  }
0xac: {  	[dreg:$0x1] =	wrdreg $0xFFFFFFFF  }
0xad: {  	[dreg:$0x0] =	wrdreg $0x60  }
0xae: {  	[dreg:$0x2] =	wrdreg s24  }
0xaf: {  	[dreg:$0x3] =	wrdreg s2  }
0xb0: {  	[dreg:$0x4] =	wrdreg $0x106800  }
0xb1: {  	[dreg:$0x5] =	wrdreg $0x12E000  }
0xb2: {  	[dreg:$0x6] =	wrdreg $0x9  }
0xb3: {  	_ =	task.clear_ibuf [dreg:s7], $0x7FFFF;
	_ =	strace $0x90000049  }
0xb4: {  	s29 =	simm.s32 $0x9;
	_ =	strace $0x8000004B  }
0xb5: {  	_ =	swait.ge [sflag:s29], $0x1  }
0xb6: {  	[sflag:s29] =	ssyncadd.s32 $0xFFFFFFFF  }
0xb7: {  	_ =	strace $0x9000004B  }
0xb8: {  	_ =	sfence  }
0xb9: {  	s30 =	sld [smem:$0x0];
	_ =	sdelay $0x2  }
0xba: {  	s31 =	sshll.u32 s1, $0xD;
	s1 =	sshrl.u32 s1, $0x2  }
0xbb: {  	s3 =	sand.u32 $0x4000, s31;
	s1 =	sadd.s32 s1, s30  }
0xbc: {  	s0 =	sor.u32 s3, s0;
	s1 =	sshll.u32 s1, $0x11  }
0xbd: {  	s0 =	sor.u32 s1, s0  }
0xbe: {  	s0 =	sadd.s32 $0x8F2B, s0  }
0xbf: {  	[sflag:s0] =	ssyncadd.remote.s32 $0x1  }
0xc0: {  	_ =	sfence.sel $0xFFFF  }
0xc1: {  	[dreg:$0x0] =	wrdreg $0xFFFFFFFF;
	(pc) =	sbr.abs _section_cstart, $3  }
0xc2: {  	[dreg:$0x1] =	wrdreg $0xFFFFFFFF  }
0xc3: {  	_ =	task.clear_ibuf [dreg:s7], $0x2FFFF;
	_ =	strace $0x9FFFFFFF  }
0xc4: {  	(tm) =	ssettm $0x7FFFFFFF  }
0xc5: {  	_ =	shalt  }
tec
execute0_lowered:
.L_overlay_start_1:
0x0: {  	(tag) =	ssettag $0x1  }
0x1: {  	s0 =	rddreg [dreg:$0x0]  }
0x2: {  	s1 =	srdreg.scid;
	s4 =	rddreg [dreg:$0x1]  }
0x3: {  	s9 =	stileid.u32;
	s2 =	rddreg [dreg:$0x2];
	s7 =	simm.s32 $0x0  }
0x4: {  	s15 =	simm.s32 $0x11;
	s20 =	simm.s32 $0x80;
	s28 =	simm.s32 $0x1  }
0x5: {  	s29 =	simm.s32 $0x7000;
	s30 =	simm.s32 $0x2;
	s31 =	simm.s32 $0x7800  }
0x6: {  	s16 =	simm.s32 $0x4;
	s17 =	simm.s32 $0x8800;
	s18 =	simm.s32 $0x5  }
0x7: {  	s19 =	simm.s32 $0x7;
	s11 =	simm.s32 $0x10;
	s12 =	simm.s32 $0x0  }
0x8: {  	s1 =	sand.u32 $0x1, s1;
	s3 =	sshll.u32 s9, $0x1;
	s6 =	smul.u32 $0x4F0, s9  }
0x9: {  	[smem:$0x7FF] =	sst s7;
	s8 =	smul.u32 $0x2780, s9;
	s9 =	sshll.u32 s9, $0x6  }
0xa: {  	s5 =	sor.u32 s1, s3;
	s22 =	ssub.s32 $0x2, s1;
	s1 =	smul.u32 $0x27800, s1  }
0xb: {  	s3 =	rddreg [dreg:$0x3];
	_ =	strace $0x8000004A;
	s5 =	smul.u32 $0x2800, s5  }
0xc: {  	s21 =	sadd.s32 s6, s0;
	s23 =	sshrl.u32 s22, $0x1;
	s10 =	sadd.s32 s8, s2  }
0xd: {  	s6 =	sor.u32 $0x1C11, s9;
	s25 =	sadd.s32 s8, s3;
	s24 =	sadd.s32 $0x16C00, s21  }
0xe: {  	s7 =	sadd.s32 $0x1BC00, s21;
	s1 =	sadd.s32 s8, s1;
	[dreg:$0x8] =	wrdreg s25  }
0xf: {  	s14 =	sshrl.u32 s10, $0x3;
	s21 =	simm.s32 $0x5000;
	[dreg:$0x6] =	wrdreg s24  }
0x10: {  	s5 =	sshrl.u32 s5, $0x3;
	[dreg:$0x7] =	wrdreg s7;
	s1 =	sshrl.u32 s1, $0x3  }
0x11: {  	s24 =	simm.s32 $0x6000;
	s5 =	sadd.s32 s5, s0;
	s0 =	sadd.s32 $0x16600, s0  }
0x12: {  	s7 =	simm.s32 $0xC;
	s1 =	sadd.s32 s4, s1;
	[dreg:$0x5] =	wrdreg s0  }
.Ltmp0:
0x13: {  	s0 =	ssub.s32 s22, s23;
	s26 =	sadd.s32 $0x2600, s5;
	(pc) =	sbr.rel .LBB2_1-.Ltmp0, $4  }
0x14: {  	s5 =	sadd.s32 $0xC600, s5;
	[dreg:$0xb] =	wrdreg s1;
	s22 =	simm.s32 $0x5800  }
0x15: {  	s1 =	simm.s32 $0x3;
	s23 =	simm.s32 $0x8;
	[dreg:$0x9] =	wrdreg s26  }
0x16: {  	[dreg:$0xa] =	wrdreg s5;
	s0 =	smax.u32 s0, $0x1;
	s26 =	simm.s32 $0x6800  }
0x17: {  	s5 =	simm.s32 $0xB;
	[dreg:$0xc] =	wrdreg s0;
	s0 =	simm.s32 $0x8000  }
.LBB2_6:
0x18: {  	_ =	swait.ge [sflag:s23], $0x800  }
0x19: {  	[sflag:s23] =	ssyncset.done $0x0  }
0x1a: {  	s13 =	simm.s32 $0x9;
	[sflag:s23] =	ssyncadd.s32 $0xFFFFF800  }
0x1b: {  	[spmem:s2] =	stream.indirect.scatter.add.f32 [tilespmem:s17], [sflag:$0x10], $0x10, s4, s20, $0xb8;
	[tilespmem:$0x15580] =	vst v63  }
0x1c: {  	_ =	swait.ge [sflag:s13], $0x800  }
0x1d: {  	[sflag:s13] =	ssyncset.done $0x0  }
0x1e: {  	s25 =	simm.s32 $0xA;
	[sflag:s13] =	ssyncadd.s32 $0xFFFFF800  }
0x1f: {  	_ =	swait.ge [sflag:s25], $0x800  }
0x20: {  	[sflag:s25] =	ssyncset.done $0x0  }
0x21: {  	[sflag:s25] =	ssyncadd.s32 $0xFFFFF800  }
0x22: {  	_ =	swait.ge [sflag:s5], $0x800  }
0x23: {  	[sflag:s5] =	ssyncset.done $0x0  }
0x24: {  	[sflag:s5] =	ssyncadd.s32 $0xFFFFF800  }
0x25: {  	_ =	swait.ge [sflag:s7], $0x800  }
0x26: {  	[sflag:s7] =	ssyncset.done $0x0  }
0x27: {  	s8 =	simm.s32 $0xD;
	[sflag:s7] =	ssyncadd.s32 $0xFFFFF800  }
0x28: {  	_ =	swait.ge [sflag:s8], $0x800  }
0x29: {  	[sflag:s8] =	ssyncset.done $0x0  }
0x2a: {  	s9 =	simm.s32 $0xE;
	[sflag:s8] =	ssyncadd.s32 $0xFFFFF800  }
0x2b: {  	_ =	swait.ge [sflag:s9], $0x800  }
0x2c: {  	[sflag:s9] =	ssyncset.done $0x0  }
0x2d: {  	s10 =	simm.s32 $0xF;
	[sflag:s9] =	ssyncadd.s32 $0xFFFFF800  }
0x2e: {  	_ =	swait.ge [sflag:s10], $0x800  }
0x2f: {  	[sflag:s10] =	ssyncset.done $0x0  }
0x30: {  	[sflag:s10] =	ssyncadd.s32 $0xFFFFF800  }
0x31: {  	_ =	swait.ge [sflag:s11], $0x800  }
0x32: {  	[sflag:s11] =	ssyncset.done $0x0  }
0x33: {  	[sflag:s11] =	ssyncadd.s32 $0xFFFFF800  }
0x34: {  	[bflag:$0x0] =	sbarrier.arrive $0xFFFF  }
0x35: {  	s13 =	rddreg [dreg:$0xb]  }
0x36: {  	[hbm:s13], [sflag:s6] =	dma.local [spmem:s14], $0x4F0  }
0x37: {  	_ =	swait.ge [sflag:s15], $0x4F0  }
0x38: {  	s12 =	sadd.s32 $0x1, s12;
	s25 =	rddreg [dreg:$0xc]  }
0x39: {  	p0 =	sne.s32 s12, s25  }
.Ltmp1:
0x3a: {  	_ = 	snop;
	(pc) =	sbr.rel @!p0 .LBB2_7-.Ltmp1, $3  }
0x3b: {  	_ =	sdelay $0x1  }
0x3c: {  	[sflag:s15] =	ssyncset.done $0x0  }
0x3d: {  	[sflag:s15] =	ssyncadd.s32 $0xFFFFFB10  }
.LBB2_1:
0x3e: {  	s4 =	rddreg [dreg:$0x5]  }
0x3f: {  	[spmem:s14], [sflag:s6] =	dma.local [hbm:s4], $0x4F0  }
0x40: {  	_ =	swait.ge [sflag:s15], $0x4F0  }
0x41: {  	s10 =	simm.s32 $0x0;
	[sflag:s15] =	ssyncset.done $0x0  }
0x42: {  	s9 =	simm.s32 $0x9000;
	s8 =	rddreg [dreg:$0x6];
	[sflag:s15] =	ssyncadd.s32 $0xFFFFFB10  }
0x43: {  	[tilespmem:s9], [sflag:$0x11] =	stream.linear.gather [hbm4b:s8+s10], $0x2780, $0x38;
	[tilespmem:$0x15580] =	vst v63  }
0x44: {  	_ =	swait.ge [sflag:s15], $0x2780  }
0x45: {  	[sflag:s15] =	ssyncset.done $0x0  }
0x46: {  	s25 =	simm.s32 $0xB780;
	s13 =	rddreg [dreg:$0x7];
	[sflag:s15] =	ssyncadd.s32 $0xFFFFD880  }
0x47: {  	[tilespmem:s25], [sflag:$0x11] =	stream.linear.gather [hbm4b:s13+s10], $0x2780, $0x38;
	[tilespmem:$0x15580] =	vst v63  }
0x48: {  	_ =	swait.ge [sflag:s15], $0x2780  }
0x49: {  	[sflag:s15] =	ssyncset.done $0x0  }
0x4a: {  	s13 =	simm.s32 $0x0;
	[sflag:s15] =	ssyncadd.s32 $0xFFFFD880  }
0x4b: {  	v0 =	vld [tilespmem:s13+$0x9070]  }
0x4c: {  	v1 =	vld [tilespmem:s13+$0xB7F0]  }
0x4d: {  	v2 =	vld [tilespmem:s13+$0x9000]  }
0x4e: {  	v3 =	vld [tilespmem:s13+$0xB780]  }
0x4f: {  	v4 =	vld [tilespmem:s13+$0x9010]  }
0x50: {  	v5 =	vld [tilespmem:s13+$0xB790]  }
0x51: {  	v6 =	vld [tilespmem:s13+$0x9020]  }
0x52: {  	v7 =	vld [tilespmem:s13+$0x9030]  }
0x53: {  	v0 =	vmul.f32 v1, v0;
	v1 =	vld [tilespmem:s13+$0xB7A0]  }
0x54: {  	v8 =	vld [tilespmem:s13+$0xB7B0]  }
0x55: {  	v9 =	vld [tilespmem:s13+$0xB7C0];
	v2 =	vmul.f32 v3, v2  }
0x56: {  	[tilespmem:s13+$0xDF70] =	vst v0;
	v0 =	vmul.f32 v5, v4;
	v5 =	vld [tilespmem:s13+$0x9040]  }
0x57: {  	v3 =	vld [tilespmem:s13+$0xB7D0];
	[tilespmem:s13+$0xDF00] =	vst v2  }
0x58: {  	v2 =	vld [tilespmem:s13+$0x9050];
	[tilespmem:s13+$0xDF10] =	vst v0;
	v0 =	vmul.f32 v1, v6  }
0x59: {  	v4 =	vld [tilespmem:s13+$0xB7E0];
	v6 =	vmul.f32 v8, v7  }
0x5a: {  	s25 =	simm.s32 $0x80;
	[tilespmem:s13+$0xDF20] =	vst v0;
	v0 =	vld [tilespmem:s13+$0x9060]  }
0x5b: {  	s4 =	simm.s32 $0x400;
	v5 =	vmul.f32 v9, v5;
	v1 =	vld [tilespmem:s25+$0x9070];
	[tilespmem:s13+$0xDF30] =	vst v6  }
.LBB2_2:
0x5c: {  	p0 =	sne.s32 s4, $0x9C00;
	v6 =	vld [tilespmem:s25+$0xB7F0]  }
0x5d: {  	v7 =	vld [tilespmem:s25+$0x9000];
	[tilespmem:s13+$0xDF40] =	vst v5;
	v2 =	vmul.f32 v3, v2  }
0x5e: {  	v3 =	vld [tilespmem:s25+$0xB780]  }
0x5f: {  	v5 =	vld [tilespmem:s25+$0x9010];
	[tilespmem:s13+$0xDF50] =	vst v2;
	v0 =	vmul.f32 v4, v0  }
0x60: {  	v2 =	vld [tilespmem:s25+$0xB790]  }
0x61: {  	v4 =	vld [tilespmem:s25+$0x9020];
	v1 =	vmul.f32 v6, v1;
	[tilespmem:s13+$0xDF60] =	vst v0;
	s13 =	smov.u32 s25  }
0x62: {  	v0 =	vld [tilespmem:s13+$0xB7A0]  }
0x63: {  	v3 =	vmul.f32 v3, v7;
	v6 =	vld [tilespmem:s13+$0x9030];
	[tilespmem:s13+$0xDF70] =	vst v1  }
0x64: {  	v1 =	vld [tilespmem:s13+$0xB7B0]  }
0x65: {  	[tilespmem:s13+$0xDF00] =	vst v3;
	v2 =	vmul.f32 v2, v5;
	v5 =	vld [tilespmem:s13+$0x9040]  }
0x66: {  	v7 =	vld [tilespmem:s13+$0xB7C0]  }
.Ltmp2:
0x67: {  	[tilespmem:s13+$0xDF10] =	vst v2;
	v0 =	vmul.f32 v0, v4;
	v2 =	vld [tilespmem:s13+$0x9050];
	(pc) =	sbr.rel @p0 .LBB2_2-.Ltmp2, $4  }
0x68: {  	v3 =	vld [tilespmem:s13+$0xB7D0]  }
0x69: {  	[tilespmem:s13+$0xDF20] =	vst v0;
	v6 =	vmul.f32 v1, v6;
	v0 =	vld [tilespmem:s13+$0x9060]  }
0x6a: {  	s25 =	sshra.s32 s4, $0x2;
	v4 =	vld [tilespmem:s13+$0xB7E0]  }
0x6b: {  	s4 =	sadd.s32 $0x200, s4;
	v1 =	vld [tilespmem:s25+$0x9070];
	[tilespmem:s13+$0xDF30] =	vst v6;
	v5 =	vmul.f32 v7, v5  }
0x6c: {  	v6 =	vld [tilespmem:s25+$0xB7F0]  }
0x6d: {  	v7 =	vld [tilespmem:s25+$0x9000];
	[tilespmem:s13+$0xDF40] =	vst v5;
	v2 =	vmul.f32 v3, v2  }
0x6e: {  	v51 =	vld [tilespmem:s25+$0xB780]  }
0x6f: {  	v5 =	vld [tilespmem:s25+$0x9010];
	[tilespmem:s13+$0xDF50] =	vst v2;
	v0 =	vmul.f32 v4, v0  }
0x70: {  	v2 =	vld [tilespmem:s25+$0xB790]  }
0x71: {  	v52 =	vld [tilespmem:s25+$0x9020];
	[tilespmem:s13+$0xDF60] =	vst v0  }
0x72: {  	v54 =	vld [tilespmem:s25+$0xB7A0]  }
0x73: {  	v55 =	vld [tilespmem:s25+$0x9030]  }
0x74: {  	v56 =	vld [tilespmem:s25+$0xB7B0]  }
0x75: {  	v57 =	vld [tilespmem:s25+$0x9040]  }
0x76: {  	v58 =	vld [tilespmem:s25+$0xB7C0]  }
0x77: {  	v59 =	vld [tilespmem:s25+$0x9050]  }
0x78: {  	v53 =	vmul.f32 v6, v1;
	v60 =	vld [tilespmem:s25+$0xB7D0]  }
0x79: {  	v61 =	vld [tilespmem:s25+$0x9060];
	v3 =	vmul.f32 v51, v7  }
0x7a: {  	v62 =	vld [tilespmem:s25+$0xB7E0];
	[tilespmem:s25+$0xDF70] =	vst v53;
	v2 =	vmul.f32 v2, v5  }
0x7b: {  	[tilespmem:s25+$0xDF00] =	vst v3;
	v1 =	vmul.f32 v54, v52  }
0x7c: {  	[tilespmem:s25+$0xDF10] =	vst v2;
	v0 =	vmul.f32 v56, v55  }
0x7d: {  	v3 =	vmul.f32 v58, v57;
	[tilespmem:s25+$0xDF20] =	vst v1  }
0x7e: {  	v63 =	vmul.f32 v60, v59;
	[tilespmem:s25+$0xDF30] =	vst v0  }
0x7f: {  	[tilespmem:s25+$0xDF40] =	vst v3;
	v1 =	vmul.f32 v62, v61  }
0x80: {  	[tilespmem:s25+$0xDF50] =	vst v63  }
0x81: {  	s4 =	rddreg [dreg:$0x8];
	s8 =	simm.s32 $0xDF00;
	[tilespmem:s25+$0xDF60] =	vst v1  }
0x82: {  	[spmem:s4] =	stream.linear.scatter [tilespmem:s8], [sflag:$0x11], $0x2780, $0x38;
	[tilespmem:$0x15580] =	vst v63  }
0x83: {  	_ =	swait.ge [sflag:s15], $0x2780  }
0x84: {  	[sflag:s15] =	ssyncset.done $0x0  }
0x85: {  	s13 =	simm.s32 $0x0;
	s25 =	rddreg [dreg:$0x9];
	[sflag:s15] =	ssyncadd.s32 $0xFFFFD880  }
0x86: {  	[tilespmem:s13], [sflag:$0x11] =	stream.linear.gather [hbm4b:s25+s13], $0x2800, $0x38;
	[tilespmem:$0x15580] =	vst v63  }
0x87: {  	_ =	swait.ge [sflag:s15], $0x2800  }
0x88: {  	[sflag:s15] =	ssyncset.done $0x0  }
0x89: {  	s9 =	simm.s32 $0x2800;
	s8 =	rddreg [dreg:$0xa];
	[sflag:s15] =	ssyncadd.s32 $0xFFFFD800  }
0x8a: {  	[tilespmem:s9], [sflag:$0x11] =	stream.linear.gather [hbm4b:s8+s13], $0x2800, $0x38;
	[tilespmem:$0x15580] =	vst v63  }
0x8b: {  	_ =	swait.ge [sflag:s15], $0x2800  }
0x8c: {  	[sflag:s15] =	ssyncset.done $0x0  }
0x8d: {  	[sflag:s15] =	ssyncadd.s32 $0xFFFFD800  }
0x8e: {  	[bflag:$0x0] =	sbarrier.arrive $0xFFFF  }
0x8f: {  	[tilespmem:s21], [sflag:$0x1] =	stream.indirect.gather [spmem:s3], $0x10, s13, s20, $0xb8;
	[tilespmem:$0x15580] =	vst v63  }
0x90: {  	_ = 	snop  }
0x91: {  	[tilespmem:s22], [sflag:$0x2] =	stream.indirect.gather [spmem:s3], $0x10, s20, s20, $0xb8;
	[tilespmem:$0x15580] =	vst v63  }
0x92: {  	s10 =	simm.s32 $0x100  }
0x93: {  	[tilespmem:s24], [sflag:$0x3] =	stream.indirect.gather [spmem:s3], $0x10, s10, s20, $0xb8;
	[tilespmem:$0x15580] =	vst v63  }
0x94: {  	s25 =	simm.s32 $0x180  }
0x95: {  	[tilespmem:s26], [sflag:$0x4] =	stream.indirect.gather [spmem:s3], $0x10, s25, s20, $0xb8;
	[tilespmem:$0x15580] =	vst v63  }
.LBB2_4:
0x96: {  	_ =	swait.ge [sflag:s28], $0x800  }
0x97: {  	s25 =	sshra.s32 s13, $0x2;
	[sflag:s28] =	ssyncset.done $0x0  }
0x98: {  	p0 =	seq.s32 s13, $0x0;
	s4 =	sadd.s32 $0x2800, s25;
	[sflag:s28] =	ssyncadd.s32 $0xFFFFF800  }
0x99: {  	[spmem:s2] =	stream.indirect.scatter.add.f32 [tilespmem:s21], [sflag:$0x9], $0x10, s4, s20, $0xb8;
	[tilespmem:$0x15580] =	vst v63  }
0x9a: {  	s4 =	simm.s32 @!p0 $0xD  }
0x9b: {  	_ =	swait.ge @!p0 [sflag:s4], $0x800  }
0x9c: {  	[sflag:s4] =	ssyncset.done @!p0 $0x0  }
0x9d: {  	s8 =	sadd.s32 $0x200, s25;
	[sflag:s4] =	ssyncadd.s32 @!p0 $0xFFFFF800  }
0x9e: {  	[tilespmem:s29], [sflag:$0x5] =	stream.indirect.gather [spmem:s3], $0x10, s8, s20, $0xb8;
	[tilespmem:$0x15580] =	vst v63  }
0x9f: {  	_ =	swait.ge [sflag:s30], $0x800  }
0xa0: {  	[sflag:s30] =	ssyncset.done $0x0  }
0xa1: {  	s9 =	sadd.s32 $0x2880, s25;
	s4 =	simm.s32 @!p0 $0xE;
	[sflag:s30] =	ssyncadd.s32 $0xFFFFF800  }
0xa2: {  	[spmem:s2] =	stream.indirect.scatter.add.f32 [tilespmem:s22], [sflag:$0xA], $0x10, s9, s20, $0xb8;
	[tilespmem:$0x15580] =	vst v63  }
0xa3: {  	_ =	swait.ge @!p0 [sflag:s4], $0x800  }
0xa4: {  	[sflag:s4] =	ssyncset.done @!p0 $0x0  }
0xa5: {  	s10 =	sadd.s32 $0x280, s25;
	[sflag:s4] =	ssyncadd.s32 @!p0 $0xFFFFF800  }
0xa6: {  	[tilespmem:s31], [sflag:$0x6] =	stream.indirect.gather [spmem:s3], $0x10, s10, s20, $0xb8;
	[tilespmem:$0x15580] =	vst v63  }
0xa7: {  	_ =	swait.ge [sflag:s1], $0x800  }
0xa8: {  	[sflag:s1] =	ssyncset.done $0x0  }
0xa9: {  	s8 =	sadd.s32 $0x2900, s25;
	s4 =	simm.s32 @!p0 $0xF;
	[sflag:s1] =	ssyncadd.s32 $0xFFFFF800  }
0xaa: {  	[spmem:s2] =	stream.indirect.scatter.add.f32 [tilespmem:s24], [sflag:$0xB], $0x10, s8, s20, $0xb8;
	[tilespmem:$0x15580] =	vst v63  }
0xab: {  	_ =	swait.ge @!p0 [sflag:s4], $0x800  }
0xac: {  	[sflag:s4] =	ssyncset.done @!p0 $0x0  }
0xad: {  	s9 =	sadd.s32 $0x300, s25;
	[sflag:s4] =	ssyncadd.s32 @!p0 $0xFFFFF800  }
0xae: {  	[tilespmem:s0], [sflag:$0x7] =	stream.indirect.gather [spmem:s3], $0x10, s9, s20, $0xb8;
	[tilespmem:$0x15580] =	vst v63  }
0xaf: {  	_ =	swait.ge [sflag:s16], $0x800  }
0xb0: {  	[sflag:s16] =	ssyncset.done $0x0  }
0xb1: {  	s10 =	sadd.s32 $0x2980, s25;
	s4 =	simm.s32 @!p0 $0x10;
	[sflag:s16] =	ssyncadd.s32 $0xFFFFF800  }
0xb2: {  	[spmem:s2] =	stream.indirect.scatter.add.f32 [tilespmem:s26], [sflag:$0xC], $0x10, s10, s20, $0xb8;
	[tilespmem:$0x15580] =	vst v63  }
0xb3: {  	_ =	swait.ge @!p0 [sflag:s4], $0x800  }
0xb4: {  	[sflag:s4] =	ssyncset.done @!p0 $0x0  }
0xb5: {  	s8 =	sadd.s32 $0x380, s25;
	[sflag:s4] =	ssyncadd.s32 @!p0 $0xFFFFF800  }
0xb6: {  	[tilespmem:s17], [sflag:$0x8] =	stream.indirect.gather [spmem:s3], $0x10, s8, s20, $0xb8;
	[tilespmem:$0x15580] =	vst v63  }
0xb7: {  	_ =	swait.ge [sflag:s18], $0x800  }
0xb8: {  	p0 =	seq.s32 s13, $0x9000;
	[sflag:s18] =	ssyncset.done $0x0  }
0xb9: {  	s9 =	sadd.s32 $0x2A00, s25;
	s4 =	simm.s32 @p0 $0x6;
	[sflag:s18] =	ssyncadd.s32 $0xFFFFF800  }
0xba: {  	[spmem:s2] =	stream.indirect.scatter.add.f32 [tilespmem:s29], [sflag:$0xD], $0x10, s9, s20, $0xb8;
	[tilespmem:$0x15580] =	vst v63  }
0xbb: {  	_ =	swait.ge @p0 [sflag:s4], $0x800  }
0xbc: {  	[sflag:s4] =	ssyncset.done @p0 $0x0  }
0xbd: {  	[sflag:s4] =	ssyncadd.s32 @p0 $0xFFFFF800;
	s4 =	sshra.s32 @p0 s13, $0x2  }
0xbe: {  	s8 =	simm.s32 @p0 $0x80;
	s9 =	simm.s32 @p0 $0x7800;
	s4 =	sadd.s32 @p0 $0x2A80, s4  }
0xbf: {  	[spmem:s2] =	stream.indirect.scatter.add.f32 @p0 [tilespmem:s9], [sflag:$0xE], $0x10, s4, s8, $0xb8;
	[tilespmem:$0x15580] =	vst v63  }
0xc0: {  	s4 =	simm.s32 @!p0 $0x9  }
0xc1: {  	_ =	swait.ge @!p0 [sflag:s4], $0x800  }
0xc2: {  	[sflag:s4] =	ssyncset.done @!p0 $0x0  }
0xc3: {  	[sflag:s4] =	ssyncadd.s32 @!p0 $0xFFFFF800;
	s4 =	sshra.s32 @!p0 s13, $0x2  }
0xc4: {  	s10 =	simm.s32 @!p0 $0x5000;
	s9 =	simm.s32 @!p0 $0x80;
	s8 =	sadd.s32 @!p0 $0x400, s4  }
0xc5: {  	[tilespmem:s10], [sflag:$0x1] =	stream.indirect.gather @!p0 [spmem:s3], $0x10, s8, s9, $0xb8;
	[tilespmem:$0x15580] =	vst v63  }
0xc6: {  	s8 =	simm.s32 @!p0 $0x6  }
0xc7: {  	_ =	swait.ge @!p0 [sflag:s8], $0x800  }
0xc8: {  	[sflag:s8] =	ssyncset.done @!p0 $0x0  }
0xc9: {  	s10 =	simm.s32 @!p0 $0x7800;
	[sflag:s8] =	ssyncadd.s32 @!p0 $0xFFFFF800;
	s8 =	sadd.s32 @!p0 $0x2A80, s4  }
0xca: {  	[spmem:s2] =	stream.indirect.scatter.add.f32 @!p0 [tilespmem:s10], [sflag:$0xE], $0x10, s8, s9, $0xb8;
	[tilespmem:$0x15580] =	vst v63  }
0xcb: {  	s8 =	simm.s32 @!p0 $0xA  }
0xcc: {  	_ =	swait.ge @!p0 [sflag:s8], $0x800  }
0xcd: {  	[sflag:s8] =	ssyncset.done @!p0 $0x0  }
0xce: {  	s4 =	sadd.s32 @!p0 $0x480, s4;
	[sflag:s8] =	ssyncadd.s32 @!p0 $0xFFFFF800;
	s8 =	simm.s32 @!p0 $0x5800  }
0xcf: {  	[tilespmem:s8], [sflag:$0x2] =	stream.indirect.gather @!p0 [spmem:s3], $0x10, s4, s9, $0xb8;
	[tilespmem:$0x15580] =	vst v63  }
.Ltmp3:
0xd0: {  	_ = 	snop;
	(pc) =	sbr.rel @p0 .LBB2_6-.Ltmp3, $4  }
0xd1: {  	_ =	swait.ge [sflag:s19], $0x800  }
0xd2: {  	[sflag:s19] =	ssyncset.done $0x0  }
0xd3: {  	s10 =	sadd.s32 $0x2B00, s25;
	s4 =	sadd.s32 $0x2B80, s25;
	[sflag:s19] =	ssyncadd.s32 $0xFFFFF800  }
0xd4: {  	[spmem:s2] =	stream.indirect.scatter.add.f32 [tilespmem:s0], [sflag:$0xF], $0x10, s10, s20, $0xb8;
	[tilespmem:$0x15580] =	vst v63  }
0xd5: {  	_ =	swait.ge [sflag:s5], $0x800  }
0xd6: {  	[sflag:s5] =	ssyncset.done $0x0  }
0xd7: {  	s8 =	sadd.s32 $0x500, s25;
	[sflag:s5] =	ssyncadd.s32 $0xFFFFF800  }
0xd8: {  	[tilespmem:s24], [sflag:$0x3] =	stream.indirect.gather [spmem:s3], $0x10, s8, s20, $0xb8;
	[tilespmem:$0x15580] =	vst v63  }
0xd9: {  	_ =	swait.ge [sflag:s23], $0x800  }
0xda: {  	[sflag:s23] =	ssyncset.done $0x0  }
0xdb: {  	[sflag:s23] =	ssyncadd.s32 $0xFFFFF800  }
0xdc: {  	[spmem:s2] =	stream.indirect.scatter.add.f32 [tilespmem:s17], [sflag:$0x10], $0x10, s4, s20, $0xb8;
	[tilespmem:$0x15580] =	vst v63  }
.Ltmp4:
0xdd: {  	_ = 	snop;
	(pc) =	sbr.rel .LBB2_4-.Ltmp4, $4  }
0xde: {  	_ =	swait.ge [sflag:s7], $0x800  }
0xdf: {  	[sflag:s7] =	ssyncset.done $0x0  }
0xe0: {  	s25 =	sadd.s32 $0x580, s25;
	s13 =	sadd.s32 $0x1000, s13;
	[sflag:s7] =	ssyncadd.s32 $0xFFFFF800  }
0xe1: {  	[tilespmem:s26], [sflag:$0x4] =	stream.indirect.gather [spmem:s3], $0x10, s25, s20, $0xb8;
	[tilespmem:$0x15580] =	vst v63  }
.LBB2_7:
0xe2: {  	_ =	sfence.sel $0x180000  }
0xe3: {  	[bflag:$0x0] =	sbarrier.arrive $0xFFFF  }
0xe4: {  	_ =	strace $0x9000004A  }
0xe5: {  	s0 =	stileid.u32;
	[bflag:$0x2] =	sbarrier.arrive $0xFFFF  }
0xe6: {  	p0 =	sne.s32 s0, $0x0;
	s0 =	rddreg [dreg:$0x4]  }
0xe7: {  	s0 =	sadd.s32 @!p0 $0x100000, s0  }
0xe8: {  	[sflag:s0] =	ssyncadd.tile.s32 @!p0 $0x1;
	_ =	shalt  }
.Lfunc_end2:
_tile_overlayer_lowered:
.L_overlay_start_2:
0xe9: {  	(tag) =	ssettag $0x2  }
0xea: {  	s0 =	rddreg [dreg:$0x0];
	s2 =	stileid.u32  }
0xeb: {  	s1 =	rddreg [dreg:$0x1];
	p0 =	sne.s32 s2, $0x0  }
0xec: {  	s3 =	rddreg [dreg:$0x2];
	[bflag:$0x3] =	sbarrier.arrive $0xFFFF;
	s2 =	simm.s32 @!p0 $0x1C11  }
0xed: {  	[timem:s3], [sflag:s2] =	dma.local @!p0 [hbm:s0], s1  }
0xee: {  	s0 =	simm.s32 @!p0 $0x11  }
0xef: {  	_ =	swait.ge @!p0 [sflag:s0], s1  }
0xf0: {  	s1 =	ssub.s32 @!p0 $0x0, s1;
	[sflag:s0] =	ssyncset.done @!p0 $0x0  }
0xf1: {  	[sflag:s0] =	ssyncadd.s32 @!p0 s1  }
0xf2: {  	[bflag:$0x3] =	sbarrier.arrive $0xFFFF  }
0xf3: {  	_ =	shalt  }

// kernel: kernel.14.cloned.1.call-start
scs
__scs_entry_jumppad:
0x0: {  	(pc) =	sbr.rel $0x88, $3  }
0x1: {  	(tag) =	ssettag $0x0;
	lr =	simm.s32 $0x1  }
0x2: {  	[smem:$0x3F9B] =	sst lr;
	_ =	strace $0xD0000000  }
0x3: {  	_ = 	snop  }
0x4: {  	_ = 	snop  }
0x5: {  	_ = 	snop  }
0x6: {  	_ = 	snop  }
0x7: {  	_ = 	snop  }
__scs_overlays_trampoline_lowered:
0x8: {  	[smem:$0x3FAA] =	sst s0  }
0x9: {  	[smem:$0x3FAB] =	sst s1  }
0xa: {  	[smem:$0x3FAC] =	sst s2  }
0xb: {  	[smem:$0x3FAD] =	sst s3  }
0xc: {  	[smem:$0x3FAE] =	sst s4  }
0xd: {  	[smem:$0x3FAF] =	sst s5  }
0xe: {  	[smem:$0x3FB0] =	sst s6  }
0xf: {  	[smem:$0x3FB1] =	sst s7  }
0x10: {  	[smem:$0x3FB2] =	sst s8  }
0x11: {  	[smem:$0x3FB3] =	sst s9;
	s0 =	simm.s32 @!p0 $0x0  }
0x12: {  	s1 =	sld [smem:$0x3F99];
	s0 =	simm.s32 @p0 $0x1  }
0x13: {  	[smem:$0x3FB4] =	sst s0;
	s0 =	simm.s32 @!p1 $0x0  }
0x14: {  	s2 =	sld [smem:$0x3F98];
	s0 =	simm.s32 @p1 $0x1  }
0x15: {  	[smem:$0x3FB5] =	sst s0;
	s0 =	simm.s32 @!p2 $0x0  }
0x16: {  	s3 =	sld [smem:$0x3FDB];
	s0 =	simm.s32 @p2 $0x1  }
0x17: {  	s4 =	simm.s32 $0x1BF5;
	[smem:$0x3FB7] =	sst s0  }
0x18: {  	s0 =	sld [smem:$0x3F9A];
	_ =	swait.ge [sflag:s4], $0x0  }
0x19: {  	s7 =	sld [smem:$0x3F9B]  }
0x1a: {  	s8 =	sadd.s32 $0xFFFFE003, lr  }
0x1b: {  	s9 =	sadd.s32 $0xFFFFFEF7, lr;
	s5 =	simm.s32 $0xFFFFFFFF;
	p2 =	slt.u32 s8, $0xFFFFF086  }
0x1c: {  	p1 =	slt.u32 s9, $0xF7A;
	s5 =	simm.s32 @!p2 $0x0  }
0x1d: {  	s5 =	simm.s32 @p1 $0x1;
	p0 =	seq.s32 s7, s2  }
0x1e: {  	s7 =	smul.u32 @!p0 $0xF7A, s2;
	p2 =	seq.s32 @!p0 s5, $0x0  }
0x1f: {  	s9 =	smul.u32 $0xF7A, s1;
	s8 =	simm.s32 @!p0 $0x1BF5;
	p2 =	por !p2, p0  }
0x20: {  	[sflag:s8] =	ssyncset.s32 @!p0 $0xFFFFF086;
	s6 =	sadd.s32 @!p0 s3, s7;
	s7 =	simm.s32 @!p0 $0x108  }
0x21: {  	s3 =	sadd.s32 s3, s9;
	s6 =	sadd.s32 @!p0 $0x88, s6;
	s7 =	simm.s32 @p2 $0x1082  }
0x22: {  	[simem:s7], [sflag:s8] =	dma.local @!p0 [hbm:s6], $0xF7A  }
0x23: {  	s9 =	sor.u32 $0xD0000000, s2;
	s6 =	simm.s32 $0x108;
	_ =	swait.ge @!p0 [sflag:s8], $0x0  }
0x24: {  	s3 =	sadd.s32 $0x88, s3;
	s6 =	simm.s32 @!p1 $0x1082;
	[sflag:s4] =	ssyncset.s32 $0xFFFFF086  }
0x25: {  	[simem:s6], [sflag:s4] =	dma.local [hbm:s3], $0xF7A  }
0x26: {  	[smem:$0x3F9B] =	sst s1;
	(tag) =	ssettag s2;
	_ =	strace s9  }
0x27: {  	s1 =	sld [smem:$0x3FAB]  }
0x28: {  	s2 =	sld [smem:$0x3FAC]  }
0x29: {  	s4 =	sld [smem:$0x3FAE]  }
0x2a: {  	p0 =	seq.s32 s5, $0x0;
	s5 =	sld [smem:$0x3FAF]  }
0x2b: {  	s6 =	sld [smem:$0x3FB0]  }
0x2c: {  	s7 =	sld [smem:$0x3FB1]  }
0x2d: {  	s3 =	simm.s32 $0x108;
	s8 =	sld [smem:$0x3FB2]  }
0x2e: {  	s3 =	simm.s32 @!p0 $0x1082;
	s9 =	sld [smem:$0x3FB3]  }
0x2f: {  	lr =	sadd.s32 s0, s3;
	s0 =	sld [smem:$0x3FAA]  }
0x30: {  	s3 =	sld [smem:$0x3FAD]  }
0x31: {  	[smem:$0x3FB6] =	sst s10  }
0x32: {  	s10 =	sld [smem:$0x3FB4];
	_ =	sdelay $0x3  }
0x33: {  	p0 =	seq.s32 s10, $0x1;
	s10 =	sld [smem:$0x3FB6];
	_ =	sdelay $0x3  }
0x34: {  	[smem:$0x3FB6] =	sst s10  }
0x35: {  	s10 =	sld [smem:$0x3FB5];
	_ =	sdelay $0x3  }
0x36: {  	p1 =	seq.s32 s10, $0x1;
	s10 =	sld [smem:$0x3FB6];
	_ =	sdelay $0x3  }
0x37: {  	[smem:$0x3FB6] =	sst s10  }
0x38: {  	s10 =	sld [smem:$0x3FB7]  }
0x39: {  	_ = 	snop;
	(pc) =	sbr.ind lr, $3  }
0x3a: {  	_ = 	snop  }
0x3b: {  	_ = 	snop  }
0x3c: {  	p2 =	seq.s32 s10, $0x1;
	s10 =	sld [smem:$0x3FB6]  }
0x3d: {  	_ =	shalt  }
0x3e: {  	_ =	shalt  }
0x3f: {  	_ =	shalt  }
0x40: {  	_ =	shalt  }
0x41: {  	_ =	shalt  }
0x42: {  	_ =	shalt  }
0x43: {  	_ =	shalt  }
0x44: {  	_ =	shalt  }
0x45: {  	_ =	shalt  }
0x46: {  	_ =	shalt  }
0x47: {  	_ =	shalt  }
0x48: {  	_ =	shalt  }
0x49: {  	_ =	shalt  }
0x4a: {  	_ =	shalt  }
0x4b: {  	_ =	shalt  }
0x4c: {  	_ =	shalt  }
0x4d: {  	_ =	shalt  }
0x4e: {  	_ =	shalt  }
0x4f: {  	_ =	shalt  }
0x50: {  	_ =	shalt  }
0x51: {  	_ =	shalt  }
0x52: {  	_ =	shalt  }
0x53: {  	_ =	shalt  }
0x54: {  	_ =	shalt  }
0x55: {  	_ =	shalt  }
0x56: {  	_ =	shalt  }
0x57: {  	_ =	shalt  }
0x58: {  	_ =	shalt  }
0x59: {  	_ =	shalt  }
0x5a: {  	_ =	shalt  }
0x5b: {  	_ =	shalt  }
0x5c: {  	_ =	shalt  }
0x5d: {  	_ =	shalt  }
0x5e: {  	_ =	shalt  }
0x5f: {  	_ =	shalt  }
0x60: {  	_ =	shalt  }
0x61: {  	_ =	shalt  }
0x62: {  	_ =	shalt  }
0x63: {  	_ =	shalt  }
0x64: {  	_ =	shalt  }
0x65: {  	_ =	shalt  }
0x66: {  	_ =	shalt  }
0x67: {  	_ =	shalt  }
0x68: {  	_ =	shalt  }
0x69: {  	_ =	shalt  }
0x6a: {  	_ =	shalt  }
0x6b: {  	_ =	shalt  }
0x6c: {  	_ =	shalt  }
0x6d: {  	_ =	shalt  }
0x6e: {  	_ =	shalt  }
0x6f: {  	_ =	shalt  }
0x70: {  	_ =	shalt  }
0x71: {  	_ =	shalt  }
0x72: {  	_ =	shalt  }
0x73: {  	_ =	shalt  }
0x74: {  	_ =	shalt  }
0x75: {  	_ =	shalt  }
0x76: {  	_ =	shalt  }
0x77: {  	_ =	shalt  }
0x78: {  	_ =	shalt  }
0x79: {  	_ =	shalt  }
0x7a: {  	_ =	shalt  }
0x7b: {  	_ =	shalt  }
0x7c: {  	_ =	shalt  }
0x7d: {  	_ =	shalt  }
0x7e: {  	_ =	shalt  }
0x7f: {  	_ =	shalt  }
0x80: {  	_ =	shalt  }
0x81: {  	_ =	shalt  }
0x82: {  	_ =	shalt  }
0x83: {  	_ =	shalt  }
0x84: {  	_ =	shalt  }
0x85: {  	_ =	shalt  }
0x86: {  	_ =	shalt  }
0x87: {  	_ =	shalt  }
.Lfunc_end0:
.L_simem_size_0:
called_computation.2_lowered:
.L_overlay_start_0:
0x88: {  	s2 =	sld [smem:$0x3FD9]  }
0x89: {  	s3 =	sld [smem:$0x3FFE];
	_ =	sdelay $0x1  }
0x8a: {  	s1 =	srdreg.scid  }
0x8b: {  	s0 =	sand.u32 $0x1, s1  }
0x8c: {  	s17 =	sshll.u32 s0, $0xA;
	s2 =	sadd.s32 s3, s2  }
0x8d: {  	s2 =	sadd.s32 s2, s17  }
0x8e: {  	[smem:$0x3FC2] =	sst s2  }
0x8f: {  	_ = 	snop  }
0x90: {  	s2 =	sld [smem:$0x3FD0];
	(tm) =	ssettm $0x1  }
0x91: {  	s18 =	sld [smem:$0x3FFB];
	_ =	sdelay $0x3  }
0x92: {  	_ =	strace s18  }
0x93: {  	s3 =	sld [smem:$0x3FFC];
	_ =	sdelay $0x3  }
0x94: {  	_ =	strace s3  }
0x95: {  	s3 =	sld [smem:$0x3FFD];
	_ =	sdelay $0x3  }
0x96: {  	_ =	strace s3  }
0x97: {  	_ =	strace $0x8FFFFFFF  }
0x98: {  	s19 =	sld [smem:$0x3FDB];
	_ =	sdelay $0x1  }
0x99: {  	s4 =	simm.s32 $_scs_section_size  }
0x9a: {  	s5 =	simm.s32 $_size__tile_overlayer_lowered;
	s6 =	simm.s32 $_tile_overlayer_lowered  }
0x9b: {  	s22 =	simm.s32 $0x1BFF;
	s21 =	sshll.u32 s6, $0x1;
	s3 =	sadd.s32 s4, s19  }
0x9c: {  	s7 =	simm.s32 $0x0;
	s20 =	sshll.u32 s5, $0x1;
	s5 =	sadd.s32 s21, s3  }
0x9d: {  	[timem:s7], [sflag:s22] =	dma.local [hbm:s5], s20  }
0x9e: {  	_ =	swait.ge [sflag:s22], s20  }
0x9f: {  	s4 =	ssub.s32 $0x0, s20;
	[sflag:s22] =	ssyncset.done $0x0  }
0xa0: {  	[sflag:s22] =	ssyncadd.s32 s4;
	_ =	sdelay $0x1  }
0xa1: {  	s23 =	simm.s32 $0x1B8B  }
0xa2: {  	_ =	swait.ge [sflag:s23], $0x1  }
0xa3: {  	[sflag:s23] =	ssyncset.done $0x0  }
0xa4: {  	s25 =	simm.s32 $0x1B8E;
	s24 =	sld [smem:$0x3FFE];
	[sflag:s23] =	ssyncadd.s32 $0xFFFFFFFF  }
0xa5: {  	s26 =	simm.s32 $execute0_lowered;
	[smem:$0x3FD2] =	sst s25  }
0xa6: {  	s5 =	sshll.u32 s26, $0x1;
	_ =	strace $0x8000004C;
	[dreg:$0x1] =	wrdreg $0xFFFFFFFF  }
0xa7: {  	s28 =	simm.s32 $_size_execute0_lowered;
	s3 =	sadd.s32 s3, s5;
	[dreg:$0x0] =	wrdreg $0x0  }
0xa8: {  	s5 =	sshll.u32 s28, $0x1;
	[dreg:$0x2] =	wrdreg s3  }
0xa9: {  	[dreg:$0x3] =	wrdreg s5  }
0xaa: {  	[dreg:$0x4] =	wrdreg $0xC0  }
0xab: {  	_ =	task [dreg:s7], $0x5FFFF  }
0xac: {  	[dreg:$0x1] =	wrdreg $0xFFFFFFFF  }
0xad: {  	[dreg:$0x0] =	wrdreg $0x60  }
0xae: {  	[dreg:$0x2] =	wrdreg s24  }
0xaf: {  	[dreg:$0x3] =	wrdreg s2  }
0xb0: {  	[dreg:$0x4] =	wrdreg $0x106800  }
0xb1: {  	[dreg:$0x5] =	wrdreg $0x12E000  }
0xb2: {  	[dreg:$0x6] =	wrdreg $0x9  }
0xb3: {  	_ =	task.clear_ibuf [dreg:s7], $0x7FFFF;
	_ =	strace $0x9000004C  }
0xb4: {  	s29 =	simm.s32 $0x9;
	_ =	strace $0x8000004E  }
0xb5: {  	_ =	swait.ge [sflag:s29], $0x1  }
0xb6: {  	[sflag:s29] =	ssyncadd.s32 $0xFFFFFFFF  }
0xb7: {  	_ =	strace $0x9000004E  }
0xb8: {  	_ =	sfence  }
0xb9: {  	s30 =	sld [smem:$0x0];
	_ =	sdelay $0x2  }
0xba: {  	s31 =	sshll.u32 s1, $0xD;
	s1 =	sshrl.u32 s1, $0x2  }
0xbb: {  	s3 =	sand.u32 $0x4000, s31;
	s1 =	sadd.s32 s1, s30  }
0xbc: {  	s0 =	sor.u32 s3, s0;
	s1 =	sshll.u32 s1, $0x11  }
0xbd: {  	s0 =	sor.u32 s1, s0  }
0xbe: {  	s0 =	sadd.s32 $0x8F2B, s0  }
0xbf: {  	[sflag:s0] =	ssyncadd.remote.s32 $0x1  }
0xc0: {  	_ =	sfence.sel $0xFFFF  }
0xc1: {  	[dreg:$0x0] =	wrdreg $0xFFFFFFFF;
	(pc) =	sbr.abs _section_cstart, $3  }
0xc2: {  	[dreg:$0x1] =	wrdreg $0xFFFFFFFF  }
0xc3: {  	_ =	task.clear_ibuf [dreg:s7], $0x2FFFF;
	_ =	strace $0x9FFFFFFF  }
0xc4: {  	(tm) =	ssettm $0x7FFFFFFF  }
0xc5: {  	_ =	shalt  }
tec
execute0_lowered:
.L_overlay_start_1:
0x0: {  	(tag) =	ssettag $0x1  }
0x1: {  	s0 =	rddreg [dreg:$0x0]  }
0x2: {  	s1 =	srdreg.scid;
	s4 =	rddreg [dreg:$0x1]  }
0x3: {  	s9 =	stileid.u32;
	s2 =	rddreg [dreg:$0x2];
	s7 =	simm.s32 $0x0  }
0x4: {  	s15 =	simm.s32 $0x11;
	s20 =	simm.s32 $0x80;
	s28 =	simm.s32 $0x1  }
0x5: {  	s29 =	simm.s32 $0x7000;
	s30 =	simm.s32 $0x2;
	s31 =	simm.s32 $0x7800  }
0x6: {  	s16 =	simm.s32 $0x4;
	s17 =	simm.s32 $0x8800;
	s18 =	simm.s32 $0x5  }
0x7: {  	s19 =	simm.s32 $0x7;
	s11 =	simm.s32 $0x10;
	s12 =	simm.s32 $0x0  }
0x8: {  	s1 =	sand.u32 $0x1, s1;
	s3 =	sshll.u32 s9, $0x1;
	s6 =	smul.u32 $0x4F0, s9  }
0x9: {  	[smem:$0x7FF] =	sst s7;
	s8 =	smul.u32 $0x2780, s9;
	s9 =	sshll.u32 s9, $0x6  }
0xa: {  	s5 =	sor.u32 s1, s3;
	s22 =	ssub.s32 $0x2, s1;
	s1 =	smul.u32 $0x27800, s1  }
0xb: {  	s3 =	rddreg [dreg:$0x3];
	_ =	strace $0x8000004D;
	s5 =	smul.u32 $0x2800, s5  }
0xc: {  	s21 =	sadd.s32 s6, s0;
	s23 =	sshrl.u32 s22, $0x1;
	s10 =	sadd.s32 s8, s2  }
0xd: {  	s6 =	sor.u32 $0x1C11, s9;
	s25 =	sadd.s32 s8, s3;
	s24 =	sadd.s32 $0x16C00, s21  }
0xe: {  	s7 =	sadd.s32 $0x1BC00, s21;
	s1 =	sadd.s32 s8, s1;
	[dreg:$0x8] =	wrdreg s25  }
0xf: {  	s14 =	sshrl.u32 s10, $0x3;
	s21 =	simm.s32 $0x5000;
	[dreg:$0x6] =	wrdreg s24  }
0x10: {  	s5 =	sshrl.u32 s5, $0x3;
	[dreg:$0x7] =	wrdreg s7;
	s1 =	sshrl.u32 s1, $0x3  }
0x11: {  	s24 =	simm.s32 $0x6000;
	s5 =	sadd.s32 s5, s0;
	s0 =	sadd.s32 $0x16600, s0  }
0x12: {  	s7 =	simm.s32 $0xC;
	s1 =	sadd.s32 s4, s1;
	[dreg:$0x5] =	wrdreg s0  }
.Ltmp0:
0x13: {  	s0 =	ssub.s32 s22, s23;
	s26 =	sadd.s32 $0x2600, s5;
	(pc) =	sbr.rel .LBB2_1-.Ltmp0, $4  }
0x14: {  	s5 =	sadd.s32 $0xC600, s5;
	[dreg:$0xb] =	wrdreg s1;
	s22 =	simm.s32 $0x5800  }
0x15: {  	s1 =	simm.s32 $0x3;
	s23 =	simm.s32 $0x8;
	[dreg:$0x9] =	wrdreg s26  }
0x16: {  	[dreg:$0xa] =	wrdreg s5;
	s0 =	smax.u32 s0, $0x1;
	s26 =	simm.s32 $0x6800  }
0x17: {  	s5 =	simm.s32 $0xB;
	[dreg:$0xc] =	wrdreg s0;
	s0 =	simm.s32 $0x8000  }
.LBB2_6:
0x18: {  	_ =	swait.ge [sflag:s23], $0x800  }
0x19: {  	[sflag:s23] =	ssyncset.done $0x0  }
0x1a: {  	s13 =	simm.s32 $0x9;
	[sflag:s23] =	ssyncadd.s32 $0xFFFFF800  }
0x1b: {  	[spmem:s2] =	stream.indirect.scatter.add.f32 [tilespmem:s17], [sflag:$0x10], $0x10, s4, s20, $0xb8;
	[tilespmem:$0x15580] =	vst v63  }
0x1c: {  	_ =	swait.ge [sflag:s13], $0x800  }
0x1d: {  	[sflag:s13] =	ssyncset.done $0x0  }
0x1e: {  	s25 =	simm.s32 $0xA;
	[sflag:s13] =	ssyncadd.s32 $0xFFFFF800  }
0x1f: {  	_ =	swait.ge [sflag:s25], $0x800  }
0x20: {  	[sflag:s25] =	ssyncset.done $0x0  }
0x21: {  	[sflag:s25] =	ssyncadd.s32 $0xFFFFF800  }
0x22: {  	_ =	swait.ge [sflag:s5], $0x800  }
0x23: {  	[sflag:s5] =	ssyncset.done $0x0  }
0x24: {  	[sflag:s5] =	ssyncadd.s32 $0xFFFFF800  }
0x25: {  	_ =	swait.ge [sflag:s7], $0x800  }
0x26: {  	[sflag:s7] =	ssyncset.done $0x0  }
0x27: {  	s8 =	simm.s32 $0xD;
	[sflag:s7] =	ssyncadd.s32 $0xFFFFF800  }
0x28: {  	_ =	swait.ge [sflag:s8], $0x800  }
0x29: {  	[sflag:s8] =	ssyncset.done $0x0  }
0x2a: {  	s9 =	simm.s32 $0xE;
	[sflag:s8] =	ssyncadd.s32 $0xFFFFF800  }
0x2b: {  	_ =	swait.ge [sflag:s9], $0x800  }
0x2c: {  	[sflag:s9] =	ssyncset.done $0x0  }
0x2d: {  	s10 =	simm.s32 $0xF;
	[sflag:s9] =	ssyncadd.s32 $0xFFFFF800  }
0x2e: {  	_ =	swait.ge [sflag:s10], $0x800  }
0x2f: {  	[sflag:s10] =	ssyncset.done $0x0  }
0x30: {  	[sflag:s10] =	ssyncadd.s32 $0xFFFFF800  }
0x31: {  	_ =	swait.ge [sflag:s11], $0x800  }
0x32: {  	[sflag:s11] =	ssyncset.done $0x0  }
0x33: {  	[sflag:s11] =	ssyncadd.s32 $0xFFFFF800  }
0x34: {  	[bflag:$0x0] =	sbarrier.arrive $0xFFFF  }
0x35: {  	s13 =	rddreg [dreg:$0xb]  }
0x36: {  	[hbm:s13], [sflag:s6] =	dma.local [spmem:s14], $0x4F0  }
0x37: {  	_ =	swait.ge [sflag:s15], $0x4F0  }
0x38: {  	s12 =	sadd.s32 $0x1, s12;
	s25 =	rddreg [dreg:$0xc]  }
0x39: {  	p0 =	sne.s32 s12, s25  }
.Ltmp1:
0x3a: {  	_ = 	snop;
	(pc) =	sbr.rel @!p0 .LBB2_7-.Ltmp1, $3  }
0x3b: {  	_ =	sdelay $0x1  }
0x3c: {  	[sflag:s15] =	ssyncset.done $0x0  }
0x3d: {  	[sflag:s15] =	ssyncadd.s32 $0xFFFFFB10  }
.LBB2_1:
0x3e: {  	s4 =	rddreg [dreg:$0x5]  }
0x3f: {  	[spmem:s14], [sflag:s6] =	dma.local [hbm:s4], $0x4F0  }
0x40: {  	_ =	swait.ge [sflag:s15], $0x4F0  }
0x41: {  	s10 =	simm.s32 $0x0;
	[sflag:s15] =	ssyncset.done $0x0  }
0x42: {  	s9 =	simm.s32 $0x9000;
	s8 =	rddreg [dreg:$0x6];
	[sflag:s15] =	ssyncadd.s32 $0xFFFFFB10  }
0x43: {  	[tilespmem:s9], [sflag:$0x11] =	stream.linear.gather [hbm4b:s8+s10], $0x2780, $0x38;
	[tilespmem:$0x15580] =	vst v63  }
0x44: {  	_ =	swait.ge [sflag:s15], $0x2780  }
0x45: {  	[sflag:s15] =	ssyncset.done $0x0  }
0x46: {  	s25 =	simm.s32 $0xB780;
	s13 =	rddreg [dreg:$0x7];
	[sflag:s15] =	ssyncadd.s32 $0xFFFFD880  }
0x47: {  	[tilespmem:s25], [sflag:$0x11] =	stream.linear.gather [hbm4b:s13+s10], $0x2780, $0x38;
	[tilespmem:$0x15580] =	vst v63  }
0x48: {  	_ =	swait.ge [sflag:s15], $0x2780  }
0x49: {  	[sflag:s15] =	ssyncset.done $0x0  }
0x4a: {  	s13 =	simm.s32 $0x0;
	[sflag:s15] =	ssyncadd.s32 $0xFFFFD880  }
0x4b: {  	v0 =	vld [tilespmem:s13+$0x9070]  }
0x4c: {  	v1 =	vld [tilespmem:s13+$0xB7F0]  }
0x4d: {  	v2 =	vld [tilespmem:s13+$0x9000]  }
0x4e: {  	v3 =	vld [tilespmem:s13+$0xB780]  }
0x4f: {  	v4 =	vld [tilespmem:s13+$0x9010]  }
0x50: {  	v5 =	vld [tilespmem:s13+$0xB790]  }
0x51: {  	v6 =	vld [tilespmem:s13+$0x9020]  }
0x52: {  	v7 =	vld [tilespmem:s13+$0x9030]  }
0x53: {  	v0 =	vmul.f32 v1, v0;
	v1 =	vld [tilespmem:s13+$0xB7A0]  }
0x54: {  	v8 =	vld [tilespmem:s13+$0xB7B0]  }
0x55: {  	v9 =	vld [tilespmem:s13+$0xB7C0];
	v2 =	vmul.f32 v3, v2  }
0x56: {  	[tilespmem:s13+$0xDF70] =	vst v0;
	v0 =	vmul.f32 v5, v4;
	v5 =	vld [tilespmem:s13+$0x9040]  }
0x57: {  	v3 =	vld [tilespmem:s13+$0xB7D0];
	[tilespmem:s13+$0xDF00] =	vst v2  }
0x58: {  	v2 =	vld [tilespmem:s13+$0x9050];
	[tilespmem:s13+$0xDF10] =	vst v0;
	v0 =	vmul.f32 v1, v6  }
0x59: {  	v4 =	vld [tilespmem:s13+$0xB7E0];
	v6 =	vmul.f32 v8, v7  }
0x5a: {  	s25 =	simm.s32 $0x80;
	[tilespmem:s13+$0xDF20] =	vst v0;
	v0 =	vld [tilespmem:s13+$0x9060]  }
0x5b: {  	s4 =	simm.s32 $0x400;
	v5 =	vmul.f32 v9, v5;
	v1 =	vld [tilespmem:s25+$0x9070];
	[tilespmem:s13+$0xDF30] =	vst v6  }
.LBB2_2:
0x5c: {  	p0 =	sne.s32 s4, $0x9C00;
	v6 =	vld [tilespmem:s25+$0xB7F0]  }
0x5d: {  	v7 =	vld [tilespmem:s25+$0x9000];
	[tilespmem:s13+$0xDF40] =	vst v5;
	v2 =	vmul.f32 v3, v2  }
0x5e: {  	v3 =	vld [tilespmem:s25+$0xB780]  }
0x5f: {  	v5 =	vld [tilespmem:s25+$0x9010];
	[tilespmem:s13+$0xDF50] =	vst v2;
	v0 =	vmul.f32 v4, v0  }
0x60: {  	v2 =	vld [tilespmem:s25+$0xB790]  }
0x61: {  	v4 =	vld [tilespmem:s25+$0x9020];
	v1 =	vmul.f32 v6, v1;
	[tilespmem:s13+$0xDF60] =	vst v0;
	s13 =	smov.u32 s25  }
0x62: {  	v0 =	vld [tilespmem:s13+$0xB7A0]  }
0x63: {  	v3 =	vmul.f32 v3, v7;
	v6 =	vld [tilespmem:s13+$0x9030];
	[tilespmem:s13+$0xDF70] =	vst v1  }
0x64: {  	v1 =	vld [tilespmem:s13+$0xB7B0]  }
0x65: {  	[tilespmem:s13+$0xDF00] =	vst v3;
	v2 =	vmul.f32 v2, v5;
	v5 =	vld [tilespmem:s13+$0x9040]  }
0x66: {  	v7 =	vld [tilespmem:s13+$0xB7C0]  }
.Ltmp2:
0x67: {  	[tilespmem:s13+$0xDF10] =	vst v2;
	v0 =	vmul.f32 v0, v4;
	v2 =	vld [tilespmem:s13+$0x9050];
	(pc) =	sbr.rel @p0 .LBB2_2-.Ltmp2, $4  }
0x68: {  	v3 =	vld [tilespmem:s13+$0xB7D0]  }
0x69: {  	[tilespmem:s13+$0xDF20] =	vst v0;
	v6 =	vmul.f32 v1, v6;
	v0 =	vld [tilespmem:s13+$0x9060]  }
0x6a: {  	s25 =	sshra.s32 s4, $0x2;
	v4 =	vld [tilespmem:s13+$0xB7E0]  }
0x6b: {  	s4 =	sadd.s32 $0x200, s4;
	v1 =	vld [tilespmem:s25+$0x9070];
	[tilespmem:s13+$0xDF30] =	vst v6;
	v5 =	vmul.f32 v7, v5  }
0x6c: {  	v6 =	vld [tilespmem:s25+$0xB7F0]  }
0x6d: {  	v7 =	vld [tilespmem:s25+$0x9000];
	[tilespmem:s13+$0xDF40] =	vst v5;
	v2 =	vmul.f32 v3, v2  }
0x6e: {  	v51 =	vld [tilespmem:s25+$0xB780]  }
0x6f: {  	v5 =	vld [tilespmem:s25+$0x9010];
	[tilespmem:s13+$0xDF50] =	vst v2;
	v0 =	vmul.f32 v4, v0  }
0x70: {  	v2 =	vld [tilespmem:s25+$0xB790]  }
0x71: {  	v52 =	vld [tilespmem:s25+$0x9020];
	[tilespmem:s13+$0xDF60] =	vst v0  }
0x72: {  	v54 =	vld [tilespmem:s25+$0xB7A0]  }
0x73: {  	v55 =	vld [tilespmem:s25+$0x9030]  }
0x74: {  	v56 =	vld [tilespmem:s25+$0xB7B0]  }
0x75: {  	v57 =	vld [tilespmem:s25+$0x9040]  }
0x76: {  	v58 =	vld [tilespmem:s25+$0xB7C0]  }
0x77: {  	v59 =	vld [tilespmem:s25+$0x9050]  }
0x78: {  	v53 =	vmul.f32 v6, v1;
	v60 =	vld [tilespmem:s25+$0xB7D0]  }
0x79: {  	v61 =	vld [tilespmem:s25+$0x9060];
	v3 =	vmul.f32 v51, v7  }
0x7a: {  	v62 =	vld [tilespmem:s25+$0xB7E0];
	[tilespmem:s25+$0xDF70] =	vst v53;
	v2 =	vmul.f32 v2, v5  }
0x7b: {  	[tilespmem:s25+$0xDF00] =	vst v3;
	v1 =	vmul.f32 v54, v52  }
0x7c: {  	[tilespmem:s25+$0xDF10] =	vst v2;
	v0 =	vmul.f32 v56, v55  }
0x7d: {  	v3 =	vmul.f32 v58, v57;
	[tilespmem:s25+$0xDF20] =	vst v1  }
0x7e: {  	v63 =	vmul.f32 v60, v59;
	[tilespmem:s25+$0xDF30] =	vst v0  }
0x7f: {  	[tilespmem:s25+$0xDF40] =	vst v3;
	v1 =	vmul.f32 v62, v61  }
0x80: {  	[tilespmem:s25+$0xDF50] =	vst v63  }
0x81: {  	s4 =	rddreg [dreg:$0x8];
	s8 =	simm.s32 $0xDF00;
	[tilespmem:s25+$0xDF60] =	vst v1  }
0x82: {  	[spmem:s4] =	stream.linear.scatter [tilespmem:s8], [sflag:$0x11], $0x2780, $0x38;
	[tilespmem:$0x15580] =	vst v63  }
0x83: {  	_ =	swait.ge [sflag:s15], $0x2780  }
0x84: {  	[sflag:s15] =	ssyncset.done $0x0  }
0x85: {  	s13 =	simm.s32 $0x0;
	s25 =	rddreg [dreg:$0x9];
	[sflag:s15] =	ssyncadd.s32 $0xFFFFD880  }
0x86: {  	[tilespmem:s13], [sflag:$0x11] =	stream.linear.gather [hbm4b:s25+s13], $0x2800, $0x38;
	[tilespmem:$0x15580] =	vst v63  }
0x87: {  	_ =	swait.ge [sflag:s15], $0x2800  }
0x88: {  	[sflag:s15] =	ssyncset.done $0x0  }
0x89: {  	s9 =	simm.s32 $0x2800;
	s8 =	rddreg [dreg:$0xa];
	[sflag:s15] =	ssyncadd.s32 $0xFFFFD800  }
0x8a: {  	[tilespmem:s9], [sflag:$0x11] =	stream.linear.gather [hbm4b:s8+s13], $0x2800, $0x38;
	[tilespmem:$0x15580] =	vst v63  }
0x8b: {  	_ =	swait.ge [sflag:s15], $0x2800  }
0x8c: {  	[sflag:s15] =	ssyncset.done $0x0  }
0x8d: {  	[sflag:s15] =	ssyncadd.s32 $0xFFFFD800  }
0x8e: {  	[bflag:$0x0] =	sbarrier.arrive $0xFFFF  }
0x8f: {  	[tilespmem:s21], [sflag:$0x1] =	stream.indirect.gather [spmem:s3], $0x10, s13, s20, $0xb8;
	[tilespmem:$0x15580] =	vst v63  }
0x90: {  	_ = 	snop  }
0x91: {  	[tilespmem:s22], [sflag:$0x2] =	stream.indirect.gather [spmem:s3], $0x10, s20, s20, $0xb8;
	[tilespmem:$0x15580] =	vst v63  }
0x92: {  	s10 =	simm.s32 $0x100  }
0x93: {  	[tilespmem:s24], [sflag:$0x3] =	stream.indirect.gather [spmem:s3], $0x10, s10, s20, $0xb8;
	[tilespmem:$0x15580] =	vst v63  }
0x94: {  	s25 =	simm.s32 $0x180  }
0x95: {  	[tilespmem:s26], [sflag:$0x4] =	stream.indirect.gather [spmem:s3], $0x10, s25, s20, $0xb8;
	[tilespmem:$0x15580] =	vst v63  }
.LBB2_4:
0x96: {  	_ =	swait.ge [sflag:s28], $0x800  }
0x97: {  	s25 =	sshra.s32 s13, $0x2;
	[sflag:s28] =	ssyncset.done $0x0  }
0x98: {  	p0 =	seq.s32 s13, $0x0;
	s4 =	sadd.s32 $0x2800, s25;
	[sflag:s28] =	ssyncadd.s32 $0xFFFFF800  }
0x99: {  	[spmem:s2] =	stream.indirect.scatter.add.f32 [tilespmem:s21], [sflag:$0x9], $0x10, s4, s20, $0xb8;
	[tilespmem:$0x15580] =	vst v63  }
0x9a: {  	s4 =	simm.s32 @!p0 $0xD  }
0x9b: {  	_ =	swait.ge @!p0 [sflag:s4], $0x800  }
0x9c: {  	[sflag:s4] =	ssyncset.done @!p0 $0x0  }
0x9d: {  	s8 =	sadd.s32 $0x200, s25;
	[sflag:s4] =	ssyncadd.s32 @!p0 $0xFFFFF800  }
0x9e: {  	[tilespmem:s29], [sflag:$0x5] =	stream.indirect.gather [spmem:s3], $0x10, s8, s20, $0xb8;
	[tilespmem:$0x15580] =	vst v63  }
0x9f: {  	_ =	swait.ge [sflag:s30], $0x800  }
0xa0: {  	[sflag:s30] =	ssyncset.done $0x0  }
0xa1: {  	s9 =	sadd.s32 $0x2880, s25;
	s4 =	simm.s32 @!p0 $0xE;
	[sflag:s30] =	ssyncadd.s32 $0xFFFFF800  }
0xa2: {  	[spmem:s2] =	stream.indirect.scatter.add.f32 [tilespmem:s22], [sflag:$0xA], $0x10, s9, s20, $0xb8;
	[tilespmem:$0x15580] =	vst v63  }
0xa3: {  	_ =	swait.ge @!p0 [sflag:s4], $0x800  }
0xa4: {  	[sflag:s4] =	ssyncset.done @!p0 $0x0  }
0xa5: {  	s10 =	sadd.s32 $0x280, s25;
	[sflag:s4] =	ssyncadd.s32 @!p0 $0xFFFFF800  }
0xa6: {  	[tilespmem:s31], [sflag:$0x6] =	stream.indirect.gather [spmem:s3], $0x10, s10, s20, $0xb8;
	[tilespmem:$0x15580] =	vst v63  }
0xa7: {  	_ =	swait.ge [sflag:s1], $0x800  }
0xa8: {  	[sflag:s1] =	ssyncset.done $0x0  }
0xa9: {  	s8 =	sadd.s32 $0x2900, s25;
	s4 =	simm.s32 @!p0 $0xF;
	[sflag:s1] =	ssyncadd.s32 $0xFFFFF800  }
0xaa: {  	[spmem:s2] =	stream.indirect.scatter.add.f32 [tilespmem:s24], [sflag:$0xB], $0x10, s8, s20, $0xb8;
	[tilespmem:$0x15580] =	vst v63  }
0xab: {  	_ =	swait.ge @!p0 [sflag:s4], $0x800  }
0xac: {  	[sflag:s4] =	ssyncset.done @!p0 $0x0  }
0xad: {  	s9 =	sadd.s32 $0x300, s25;
	[sflag:s4] =	ssyncadd.s32 @!p0 $0xFFFFF800  }
0xae: {  	[tilespmem:s0], [sflag:$0x7] =	stream.indirect.gather [spmem:s3], $0x10, s9, s20, $0xb8;
	[tilespmem:$0x15580] =	vst v63  }
0xaf: {  	_ =	swait.ge [sflag:s16], $0x800  }
0xb0: {  	[sflag:s16] =	ssyncset.done $0x0  }
0xb1: {  	s10 =	sadd.s32 $0x2980, s25;
	s4 =	simm.s32 @!p0 $0x10;
	[sflag:s16] =	ssyncadd.s32 $0xFFFFF800  }
0xb2: {  	[spmem:s2] =	stream.indirect.scatter.add.f32 [tilespmem:s26], [sflag:$0xC], $0x10, s10, s20, $0xb8;
	[tilespmem:$0x15580] =	vst v63  }
0xb3: {  	_ =	swait.ge @!p0 [sflag:s4], $0x800  }
0xb4: {  	[sflag:s4] =	ssyncset.done @!p0 $0x0  }
0xb5: {  	s8 =	sadd.s32 $0x380, s25;
	[sflag:s4] =	ssyncadd.s32 @!p0 $0xFFFFF800  }
0xb6: {  	[tilespmem:s17], [sflag:$0x8] =	stream.indirect.gather [spmem:s3], $0x10, s8, s20, $0xb8;
	[tilespmem:$0x15580] =	vst v63  }
0xb7: {  	_ =	swait.ge [sflag:s18], $0x800  }
0xb8: {  	p0 =	seq.s32 s13, $0x9000;
	[sflag:s18] =	ssyncset.done $0x0  }
0xb9: {  	s9 =	sadd.s32 $0x2A00, s25;
	s4 =	simm.s32 @p0 $0x6;
	[sflag:s18] =	ssyncadd.s32 $0xFFFFF800  }
0xba: {  	[spmem:s2] =	stream.indirect.scatter.add.f32 [tilespmem:s29], [sflag:$0xD], $0x10, s9, s20, $0xb8;
	[tilespmem:$0x15580] =	vst v63  }
0xbb: {  	_ =	swait.ge @p0 [sflag:s4], $0x800  }
0xbc: {  	[sflag:s4] =	ssyncset.done @p0 $0x0  }
0xbd: {  	[sflag:s4] =	ssyncadd.s32 @p0 $0xFFFFF800;
	s4 =	sshra.s32 @p0 s13, $0x2  }
0xbe: {  	s8 =	simm.s32 @p0 $0x80;
	s9 =	simm.s32 @p0 $0x7800;
	s4 =	sadd.s32 @p0 $0x2A80, s4  }
0xbf: {  	[spmem:s2] =	stream.indirect.scatter.add.f32 @p0 [tilespmem:s9], [sflag:$0xE], $0x10, s4, s8, $0xb8;
	[tilespmem:$0x15580] =	vst v63  }
0xc0: {  	s4 =	simm.s32 @!p0 $0x9  }
0xc1: {  	_ =	swait.ge @!p0 [sflag:s4], $0x800  }
0xc2: {  	[sflag:s4] =	ssyncset.done @!p0 $0x0  }
0xc3: {  	[sflag:s4] =	ssyncadd.s32 @!p0 $0xFFFFF800;
	s4 =	sshra.s32 @!p0 s13, $0x2  }
0xc4: {  	s10 =	simm.s32 @!p0 $0x5000;
	s9 =	simm.s32 @!p0 $0x80;
	s8 =	sadd.s32 @!p0 $0x400, s4  }
0xc5: {  	[tilespmem:s10], [sflag:$0x1] =	stream.indirect.gather @!p0 [spmem:s3], $0x10, s8, s9, $0xb8;
	[tilespmem:$0x15580] =	vst v63  }
0xc6: {  	s8 =	simm.s32 @!p0 $0x6  }
0xc7: {  	_ =	swait.ge @!p0 [sflag:s8], $0x800  }
0xc8: {  	[sflag:s8] =	ssyncset.done @!p0 $0x0  }
0xc9: {  	s10 =	simm.s32 @!p0 $0x7800;
	[sflag:s8] =	ssyncadd.s32 @!p0 $0xFFFFF800;
	s8 =	sadd.s32 @!p0 $0x2A80, s4  }
0xca: {  	[spmem:s2] =	stream.indirect.scatter.add.f32 @!p0 [tilespmem:s10], [sflag:$0xE], $0x10, s8, s9, $0xb8;
	[tilespmem:$0x15580] =	vst v63  }
0xcb: {  	s8 =	simm.s32 @!p0 $0xA  }
0xcc: {  	_ =	swait.ge @!p0 [sflag:s8], $0x800  }
0xcd: {  	[sflag:s8] =	ssyncset.done @!p0 $0x0  }
0xce: {  	s4 =	sadd.s32 @!p0 $0x480, s4;
	[sflag:s8] =	ssyncadd.s32 @!p0 $0xFFFFF800;
	s8 =	simm.s32 @!p0 $0x5800  }
0xcf: {  	[tilespmem:s8], [sflag:$0x2] =	stream.indirect.gather @!p0 [spmem:s3], $0x10, s4, s9, $0xb8;
	[tilespmem:$0x15580] =	vst v63  }
.Ltmp3:
0xd0: {  	_ = 	snop;
	(pc) =	sbr.rel @p0 .LBB2_6-.Ltmp3, $4  }
0xd1: {  	_ =	swait.ge [sflag:s19], $0x800  }
0xd2: {  	[sflag:s19] =	ssyncset.done $0x0  }
0xd3: {  	s10 =	sadd.s32 $0x2B00, s25;
	s4 =	sadd.s32 $0x2B80, s25;
	[sflag:s19] =	ssyncadd.s32 $0xFFFFF800  }
0xd4: {  	[spmem:s2] =	stream.indirect.scatter.add.f32 [tilespmem:s0], [sflag:$0xF], $0x10, s10, s20, $0xb8;
	[tilespmem:$0x15580] =	vst v63  }
0xd5: {  	_ =	swait.ge [sflag:s5], $0x800  }
0xd6: {  	[sflag:s5] =	ssyncset.done $0x0  }
0xd7: {  	s8 =	sadd.s32 $0x500, s25;
	[sflag:s5] =	ssyncadd.s32 $0xFFFFF800  }
0xd8: {  	[tilespmem:s24], [sflag:$0x3] =	stream.indirect.gather [spmem:s3], $0x10, s8, s20, $0xb8;
	[tilespmem:$0x15580] =	vst v63  }
0xd9: {  	_ =	swait.ge [sflag:s23], $0x800  }
0xda: {  	[sflag:s23] =	ssyncset.done $0x0  }
0xdb: {  	[sflag:s23] =	ssyncadd.s32 $0xFFFFF800  }
0xdc: {  	[spmem:s2] =	stream.indirect.scatter.add.f32 [tilespmem:s17], [sflag:$0x10], $0x10, s4, s20, $0xb8;
	[tilespmem:$0x15580] =	vst v63  }
.Ltmp4:
0xdd: {  	_ = 	snop;
	(pc) =	sbr.rel .LBB2_4-.Ltmp4, $4  }
0xde: {  	_ =	swait.ge [sflag:s7], $0x800  }
0xdf: {  	[sflag:s7] =	ssyncset.done $0x0  }
0xe0: {  	s25 =	sadd.s32 $0x580, s25;
	s13 =	sadd.s32 $0x1000, s13;
	[sflag:s7] =	ssyncadd.s32 $0xFFFFF800  }
0xe1: {  	[tilespmem:s26], [sflag:$0x4] =	stream.indirect.gather [spmem:s3], $0x10, s25, s20, $0xb8;
	[tilespmem:$0x15580] =	vst v63  }
.LBB2_7:
0xe2: {  	_ =	sfence.sel $0x180000  }
0xe3: {  	[bflag:$0x0] =	sbarrier.arrive $0xFFFF  }
0xe4: {  	_ =	strace $0x9000004D  }
0xe5: {  	s0 =	stileid.u32;
	[bflag:$0x2] =	sbarrier.arrive $0xFFFF  }
0xe6: {  	p0 =	sne.s32 s0, $0x0;
	s0 =	rddreg [dreg:$0x4]  }
0xe7: {  	s0 =	sadd.s32 @!p0 $0x100000, s0  }
0xe8: {  	[sflag:s0] =	ssyncadd.tile.s32 @!p0 $0x1;
	_ =	shalt  }
.Lfunc_end2:
_tile_overlayer_lowered:
.L_overlay_start_2:
0xe9: {  	(tag) =	ssettag $0x2  }
0xea: {  	s0 =	rddreg [dreg:$0x0];
	s2 =	stileid.u32  }
0xeb: {  	s1 =	rddreg [dreg:$0x1];
	p0 =	sne.s32 s2, $0x0  }
0xec: {  	s3 =	rddreg [dreg:$0x2];
	[bflag:$0x3] =	sbarrier.arrive $0xFFFF;
	s2 =	simm.s32 @!p0 $0x1C11  }
0xed: {  	[timem:s3], [sflag:s2] =	dma.local @!p0 [hbm:s0], s1  }
0xee: {  	s0 =	simm.s32 @!p0 $0x11  }
0xef: {  	_ =	swait.ge @!p0 [sflag:s0], s1  }
0xf0: {  	s1 =	ssub.s32 @!p0 $0x0, s1;
	[sflag:s0] =	ssyncset.done @!p0 $0x0  }
0xf1: {  	[sflag:s0] =	ssyncadd.s32 @!p0 s1  }
0xf2: {  	[bflag:$0x3] =	sbarrier.arrive $0xFFFF  }
0xf3: {  	_ =	shalt  }

// kernel: kernel.8.cloned.1.call-start
scs
__scs_entry_jumppad:
0x0: {  	(pc) =	sbr.rel $0x88, $3  }
0x1: {  	(tag) =	ssettag $0x0;
	lr =	simm.s32 $0x1  }
0x2: {  	[smem:$0x3F9B] =	sst lr;
	_ =	strace $0xD0000000  }
0x3: {  	_ = 	snop  }
0x4: {  	_ = 	snop  }
0x5: {  	_ = 	snop  }
0x6: {  	_ = 	snop  }
0x7: {  	_ = 	snop  }
__scs_overlays_trampoline_lowered:
0x8: {  	[smem:$0x3FAA] =	sst s0  }
0x9: {  	[smem:$0x3FAB] =	sst s1  }
0xa: {  	[smem:$0x3FAC] =	sst s2  }
0xb: {  	[smem:$0x3FAD] =	sst s3  }
0xc: {  	[smem:$0x3FAE] =	sst s4  }
0xd: {  	[smem:$0x3FAF] =	sst s5  }
0xe: {  	[smem:$0x3FB0] =	sst s6  }
0xf: {  	[smem:$0x3FB1] =	sst s7  }
0x10: {  	[smem:$0x3FB2] =	sst s8  }
0x11: {  	[smem:$0x3FB3] =	sst s9;
	s0 =	simm.s32 @!p0 $0x0  }
0x12: {  	s1 =	sld [smem:$0x3F99];
	s0 =	simm.s32 @p0 $0x1  }
0x13: {  	[smem:$0x3FB4] =	sst s0;
	s0 =	simm.s32 @!p1 $0x0  }
0x14: {  	s2 =	sld [smem:$0x3F98];
	s0 =	simm.s32 @p1 $0x1  }
0x15: {  	[smem:$0x3FB5] =	sst s0;
	s0 =	simm.s32 @!p2 $0x0  }
0x16: {  	s3 =	sld [smem:$0x3FDB];
	s0 =	simm.s32 @p2 $0x1  }
0x17: {  	s4 =	simm.s32 $0x1BF5;
	[smem:$0x3FB7] =	sst s0  }
0x18: {  	s0 =	sld [smem:$0x3F9A];
	_ =	swait.ge [sflag:s4], $0x0  }
0x19: {  	s7 =	sld [smem:$0x3F9B]  }
0x1a: {  	s8 =	sadd.s32 $0xFFFFE003, lr  }
0x1b: {  	s9 =	sadd.s32 $0xFFFFFEF7, lr;
	s5 =	simm.s32 $0xFFFFFFFF;
	p2 =	slt.u32 s8, $0xFFFFF086  }
0x1c: {  	p1 =	slt.u32 s9, $0xF7A;
	s5 =	simm.s32 @!p2 $0x0  }
0x1d: {  	s5 =	simm.s32 @p1 $0x1;
	p0 =	seq.s32 s7, s2  }
0x1e: {  	s7 =	smul.u32 @!p0 $0xF7A, s2;
	p2 =	seq.s32 @!p0 s5, $0x0  }
0x1f: {  	s9 =	smul.u32 $0xF7A, s1;
	s8 =	simm.s32 @!p0 $0x1BF5;
	p2 =	por !p2, p0  }
0x20: {  	[sflag:s8] =	ssyncset.s32 @!p0 $0xFFFFF086;
	s6 =	sadd.s32 @!p0 s3, s7;
	s7 =	simm.s32 @!p0 $0x108  }
0x21: {  	s3 =	sadd.s32 s3, s9;
	s6 =	sadd.s32 @!p0 $0x88, s6;
	s7 =	simm.s32 @p2 $0x1082  }
0x22: {  	[simem:s7], [sflag:s8] =	dma.local @!p0 [hbm:s6], $0xF7A  }
0x23: {  	s9 =	sor.u32 $0xD0000000, s2;
	s6 =	simm.s32 $0x108;
	_ =	swait.ge @!p0 [sflag:s8], $0x0  }
0x24: {  	s3 =	sadd.s32 $0x88, s3;
	s6 =	simm.s32 @!p1 $0x1082;
	[sflag:s4] =	ssyncset.s32 $0xFFFFF086  }
0x25: {  	[simem:s6], [sflag:s4] =	dma.local [hbm:s3], $0xF7A  }
0x26: {  	[smem:$0x3F9B] =	sst s1;
	(tag) =	ssettag s2;
	_ =	strace s9  }
0x27: {  	s1 =	sld [smem:$0x3FAB]  }
0x28: {  	s2 =	sld [smem:$0x3FAC]  }
0x29: {  	s4 =	sld [smem:$0x3FAE]  }
0x2a: {  	p0 =	seq.s32 s5, $0x0;
	s5 =	sld [smem:$0x3FAF]  }
0x2b: {  	s6 =	sld [smem:$0x3FB0]  }
0x2c: {  	s7 =	sld [smem:$0x3FB1]  }
0x2d: {  	s3 =	simm.s32 $0x108;
	s8 =	sld [smem:$0x3FB2]  }
0x2e: {  	s3 =	simm.s32 @!p0 $0x1082;
	s9 =	sld [smem:$0x3FB3]  }
0x2f: {  	lr =	sadd.s32 s0, s3;
	s0 =	sld [smem:$0x3FAA]  }
0x30: {  	s3 =	sld [smem:$0x3FAD]  }
0x31: {  	[smem:$0x3FB6] =	sst s10  }
0x32: {  	s10 =	sld [smem:$0x3FB4];
	_ =	sdelay $0x3  }
0x33: {  	p0 =	seq.s32 s10, $0x1;
	s10 =	sld [smem:$0x3FB6];
	_ =	sdelay $0x3  }
0x34: {  	[smem:$0x3FB6] =	sst s10  }
0x35: {  	s10 =	sld [smem:$0x3FB5];
	_ =	sdelay $0x3  }
0x36: {  	p1 =	seq.s32 s10, $0x1;
	s10 =	sld [smem:$0x3FB6];
	_ =	sdelay $0x3  }
0x37: {  	[smem:$0x3FB6] =	sst s10  }
0x38: {  	s10 =	sld [smem:$0x3FB7]  }
0x39: {  	_ = 	snop;
	(pc) =	sbr.ind lr, $3  }
0x3a: {  	_ = 	snop  }
0x3b: {  	_ = 	snop  }
0x3c: {  	p2 =	seq.s32 s10, $0x1;
	s10 =	sld [smem:$0x3FB6]  }
0x3d: {  	_ =	shalt  }
0x3e: {  	_ =	shalt  }
0x3f: {  	_ =	shalt  }
0x40: {  	_ =	shalt  }
0x41: {  	_ =	shalt  }
0x42: {  	_ =	shalt  }
0x43: {  	_ =	shalt  }
0x44: {  	_ =	shalt  }
0x45: {  	_ =	shalt  }
0x46: {  	_ =	shalt  }
0x47: {  	_ =	shalt  }
0x48: {  	_ =	shalt  }
0x49: {  	_ =	shalt  }
0x4a: {  	_ =	shalt  }
0x4b: {  	_ =	shalt  }
0x4c: {  	_ =	shalt  }
0x4d: {  	_ =	shalt  }
0x4e: {  	_ =	shalt  }
0x4f: {  	_ =	shalt  }
0x50: {  	_ =	shalt  }
0x51: {  	_ =	shalt  }
0x52: {  	_ =	shalt  }
0x53: {  	_ =	shalt  }
0x54: {  	_ =	shalt  }
0x55: {  	_ =	shalt  }
0x56: {  	_ =	shalt  }
0x57: {  	_ =	shalt  }
0x58: {  	_ =	shalt  }
0x59: {  	_ =	shalt  }
0x5a: {  	_ =	shalt  }
0x5b: {  	_ =	shalt  }
0x5c: {  	_ =	shalt  }
0x5d: {  	_ =	shalt  }
0x5e: {  	_ =	shalt  }
0x5f: {  	_ =	shalt  }
0x60: {  	_ =	shalt  }
0x61: {  	_ =	shalt  }
0x62: {  	_ =	shalt  }
0x63: {  	_ =	shalt  }
0x64: {  	_ =	shalt  }
0x65: {  	_ =	shalt  }
0x66: {  	_ =	shalt  }
0x67: {  	_ =	shalt  }
0x68: {  	_ =	shalt  }
0x69: {  	_ =	shalt  }
0x6a: {  	_ =	shalt  }
0x6b: {  	_ =	shalt  }
0x6c: {  	_ =	shalt  }
0x6d: {  	_ =	shalt  }
0x6e: {  	_ =	shalt  }
0x6f: {  	_ =	shalt  }
0x70: {  	_ =	shalt  }
0x71: {  	_ =	shalt  }
0x72: {  	_ =	shalt  }
0x73: {  	_ =	shalt  }
0x74: {  	_ =	shalt  }
0x75: {  	_ =	shalt  }
0x76: {  	_ =	shalt  }
0x77: {  	_ =	shalt  }
0x78: {  	_ =	shalt  }
0x79: {  	_ =	shalt  }
0x7a: {  	_ =	shalt  }
0x7b: {  	_ =	shalt  }
0x7c: {  	_ =	shalt  }
0x7d: {  	_ =	shalt  }
0x7e: {  	_ =	shalt  }
0x7f: {  	_ =	shalt  }
0x80: {  	_ =	shalt  }
0x81: {  	_ =	shalt  }
0x82: {  	_ =	shalt  }
0x83: {  	_ =	shalt  }
0x84: {  	_ =	shalt  }
0x85: {  	_ =	shalt  }
0x86: {  	_ =	shalt  }
0x87: {  	_ =	shalt  }
.Lfunc_end0:
.L_simem_size_0:
called_computation_lowered:
.L_overlay_start_0:
0x88: {  	s2 =	sld [smem:$0x3FD9]  }
0x89: {  	s3 =	sld [smem:$0x3FFE];
	_ =	sdelay $0x1  }
0x8a: {  	s1 =	srdreg.scid  }
0x8b: {  	s0 =	sand.u32 $0x1, s1  }
0x8c: {  	s17 =	sshll.u32 s0, $0xA;
	s2 =	sadd.s32 s3, s2  }
0x8d: {  	s2 =	sadd.s32 s2, s17  }
0x8e: {  	[smem:$0x3FC2] =	sst s2  }
0x8f: {  	_ = 	snop  }
0x90: {  	s2 =	sld [smem:$0x3FD0];
	(tm) =	ssettm $0x1  }
0x91: {  	s18 =	sld [smem:$0x3FFB];
	_ =	sdelay $0x3  }
0x92: {  	_ =	strace s18  }
0x93: {  	s3 =	sld [smem:$0x3FFC];
	_ =	sdelay $0x3  }
0x94: {  	_ =	strace s3  }
0x95: {  	s3 =	sld [smem:$0x3FFD];
	_ =	sdelay $0x3  }
0x96: {  	_ =	strace s3  }
0x97: {  	_ =	strace $0x8FFFFFFF  }
0x98: {  	s19 =	sld [smem:$0x3FDB];
	_ =	sdelay $0x1  }
0x99: {  	s4 =	simm.s32 $_scs_section_size  }
0x9a: {  	s5 =	simm.s32 $_size__tile_overlayer_lowered;
	s6 =	simm.s32 $_tile_overlayer_lowered  }
0x9b: {  	s22 =	simm.s32 $0x1BFF;
	s21 =	sshll.u32 s6, $0x1;
	s3 =	sadd.s32 s4, s19  }
0x9c: {  	s7 =	simm.s32 $0x0;
	s20 =	sshll.u32 s5, $0x1;
	s5 =	sadd.s32 s21, s3  }
0x9d: {  	[timem:s7], [sflag:s22] =	dma.local [hbm:s5], s20  }
0x9e: {  	_ =	swait.ge [sflag:s22], s20  }
0x9f: {  	s4 =	ssub.s32 $0x0, s20;
	[sflag:s22] =	ssyncset.done $0x0  }
0xa0: {  	[sflag:s22] =	ssyncadd.s32 s4;
	_ =	sdelay $0x1  }
0xa1: {  	s23 =	simm.s32 $0x1B8B  }
0xa2: {  	_ =	swait.ge [sflag:s23], $0x1  }
0xa3: {  	[sflag:s23] =	ssyncset.done $0x0  }
0xa4: {  	s25 =	simm.s32 $0x1B8E;
	s24 =	sld [smem:$0x3FFE];
	[sflag:s23] =	ssyncadd.s32 $0xFFFFFFFF  }
0xa5: {  	s26 =	simm.s32 $execute0_lowered;
	[smem:$0x3FD2] =	sst s25  }
0xa6: {  	s5 =	sshll.u32 s26, $0x1;
	_ =	strace $0x80000046;
	[dreg:$0x1] =	wrdreg $0xFFFFFFFF  }
0xa7: {  	s28 =	simm.s32 $_size_execute0_lowered;
	s3 =	sadd.s32 s3, s5;
	[dreg:$0x0] =	wrdreg $0x0  }
0xa8: {  	s5 =	sshll.u32 s28, $0x1;
	[dreg:$0x2] =	wrdreg s3  }
0xa9: {  	[dreg:$0x3] =	wrdreg s5  }
0xaa: {  	[dreg:$0x4] =	wrdreg $0xC0  }
0xab: {  	_ =	task [dreg:s7], $0x5FFFF  }
0xac: {  	[dreg:$0x1] =	wrdreg $0xFFFFFFFF  }
0xad: {  	[dreg:$0x0] =	wrdreg $0x60  }
0xae: {  	[dreg:$0x2] =	wrdreg s24  }
0xaf: {  	[dreg:$0x3] =	wrdreg s2  }
0xb0: {  	[dreg:$0x4] =	wrdreg $0x58000  }
0xb1: {  	[dreg:$0x5] =	wrdreg $0x9  }
0xb2: {  	_ =	task.clear_ibuf [dreg:s7], $0x6FFFF;
	_ =	strace $0x90000046  }
0xb3: {  	s29 =	simm.s32 $0x9;
	_ =	strace $0x80000048  }
0xb4: {  	_ =	swait.ge [sflag:s29], $0x1  }
0xb5: {  	[sflag:s29] =	ssyncadd.s32 $0xFFFFFFFF  }
0xb6: {  	_ =	strace $0x90000048  }
0xb7: {  	_ =	sfence  }
0xb8: {  	s30 =	sld [smem:$0x0];
	_ =	sdelay $0x2  }
0xb9: {  	s31 =	sshll.u32 s1, $0xD;
	s1 =	sshrl.u32 s1, $0x2  }
0xba: {  	s3 =	sand.u32 $0x4000, s31;
	s1 =	sadd.s32 s1, s30  }
0xbb: {  	s0 =	sor.u32 s3, s0;
	s1 =	sshll.u32 s1, $0x11  }
0xbc: {  	s0 =	sor.u32 s1, s0  }
0xbd: {  	s0 =	sadd.s32 $0x8F2B, s0  }
0xbe: {  	[sflag:s0] =	ssyncadd.remote.s32 $0x1  }
0xbf: {  	_ =	sfence.sel $0xFFFF  }
0xc0: {  	[dreg:$0x0] =	wrdreg $0xFFFFFFFF;
	(pc) =	sbr.abs _section_cstart, $3  }
0xc1: {  	[dreg:$0x1] =	wrdreg $0xFFFFFFFF  }
0xc2: {  	_ =	task.clear_ibuf [dreg:s7], $0x2FFFF;
	_ =	strace $0x9FFFFFFF  }
0xc3: {  	(tm) =	ssettm $0x7FFFFFFF  }
tec
execute0_lowered:
.L_overlay_start_1:
0x0: {  	(tag) =	ssettag $0x1  }
0x1: {  	s3 =	rddreg [dreg:$0x0]  }
0x2: {  	s8 =	rddreg [dreg:$0x1]  }
0x3: {  	s7 =	rddreg [dreg:$0x2]  }
0x4: {  	s0 =	rddreg [dreg:$0x3]  }
0x5: {  	s1 =	stileid.u32;
	s2 =	simm.s32 $0x0;
	s5 =	srdreg.scid  }
0x6: {  	s14 =	simm.s32 $0x8800;
	s15 =	simm.s32 $0xA000;
	s16 =	simm.s32 $0x0  }
0x7: {  	s4 =	smul.u32 $0x5000, s1;
	[smem:$0x7FF] =	sst s2;
	s5 =	sand.u32 $0x1, s5  }
0x8: {  	s9 =	smul.u32 $0xC000, s1;
	_ =	strace $0x80000047;
	s6 =	sshll.u32 s5, $0x4  }
0x9: {  	s5 =	ssub.s32 $0x2, s5;
	s4 =	sshrl.u32 s4, $0x3;
	s6 =	sor.u32 s1, s6  }
0xa: {  	s31 =	sshrl.u32 s5, $0x1;
	s9 =	sshrl.u32 s9, $0x2;
	s10 =	sadd.s32 s4, s3  }
0xb: {  	s11 =	smul.u32 $0x600, s6;
	s3 =	sadd.s32 $0x16600, s3;
	s12 =	ssub.s32 s5, s31  }
0xc: {  	s13 =	smul.u32 $0x300, s6;
	s6 =	sadd.s32 s9, s7;
	s4 =	sadd.s32 $0xC600, s10  }
0xd: {  	s5 =	sadd.s32 $0xCB00, s10;
	s9 =	smax.u32 s12, $0x1;
	s10 =	simm.s32 $0x2800  }
0xe: {  	s12 =	simm.s32 $0x180;
	s11 =	sshrl.u32 s11, $0x2;
	s8 =	sadd.s32 s8, s13  }
0xf: {  	v0 =	vimm.f32 $1.000000000e+00;
	s13 =	simm.s32 $0x3000;
	s7 =	sadd.s32 s11, s7;
	s11 =	simm.s32 $0x1  }
.LBB2_1:
0x10: {  	[tilespmem:s10], [sflag:$0x1] =	stream.linear.gather [hbm4b:s3+s2], $0x3000, $0x38;
	[tilespmem:$0xB800] =	vst v63  }
0x11: {  	_ =	swait.ge [sflag:s11], $0x3000  }
0x12: {  	[sflag:s11] =	ssyncset.done $0x0  }
0x13: {  	[sflag:s11] =	ssyncadd.s32 $0xFFFFD000  }
0x14: {  	[tilespmem:s2], [sflag:$0x1] =	stream.linear.gather [hbm4b:s4+s2], $0x2800, $0x38;
	[tilespmem:$0xB800] =	vst v63  }
0x15: {  	_ =	swait.ge [sflag:s11], $0x2800  }
0x16: {  	[sflag:s11] =	ssyncset.done $0x0  }
0x17: {  	s17 =	simm.s32 $0x0;
	[sflag:s11] =	ssyncadd.s32 $0xFFFFD800  }
.LBB2_2:
0x18: {  	s18 =	sshra.s32 s17, $0x2  }
0x19: {  	v1 =	vld [tilespmem:s18+$0x0];
	_ =	sdelay $0x7  }
0x1a: {  	[tilespmem:v1+s10+$0x0] =	vst.idx.add.f32.msk $0xffff, v0  }
0x1b: {  	v1 =	vld [tilespmem:s18+$0x10];
	_ =	sdelay $0x7  }
0x1c: {  	[tilespmem:v1+s10+$0x0] =	vst.idx.add.f32.msk $0xffff, v0  }
0x1d: {  	v1 =	vld [tilespmem:s18+$0x20];
	_ =	sdelay $0x7  }
0x1e: {  	[tilespmem:v1+s10+$0x0] =	vst.idx.add.f32.msk $0xffff, v0  }
0x1f: {  	v1 =	vld [tilespmem:s18+$0x30];
	_ =	sdelay $0x7  }
0x20: {  	[tilespmem:v1+s10+$0x0] =	vst.idx.add.f32.msk $0xffff, v0  }
0x21: {  	v1 =	vld [tilespmem:s18+$0x40];
	_ =	sdelay $0x7  }
0x22: {  	[tilespmem:v1+s10+$0x0] =	vst.idx.add.f32.msk $0xffff, v0  }
0x23: {  	v1 =	vld [tilespmem:s18+$0x50];
	_ =	sdelay $0x7  }
0x24: {  	[tilespmem:v1+s10+$0x0] =	vst.idx.add.f32.msk $0xffff, v0  }
0x25: {  	v1 =	vld [tilespmem:s18+$0x60];
	_ =	sdelay $0x7  }
0x26: {  	[tilespmem:v1+s10+$0x0] =	vst.idx.add.f32.msk $0xffff, v0  }
0x27: {  	v1 =	vld [tilespmem:s18+$0x70];
	_ =	sdelay $0x2  }
0x28: {  	p0 =	sne.s32 s17, $0x9E00  }
.Ltmp0:
0x29: {  	_ = 	snop;
	(pc) =	sbr.rel @p0 .LBB2_2-.Ltmp0, $2  }
0x2a: {  	_ =	sdelay $0x2  }
0x2b: {  	s17 =	sadd.s32 $0x200, s17;
	[tilespmem:v1+s10+$0x0] =	vst.idx.add.f32.msk $0xffff, v0  }
0x2c: {  	s17 =	simm.s32 $0x0  }
0x2d: {  	[tilespmem:s17], [sflag:$0x1] =	stream.linear.gather [hbm4b:s5+s17], $0x2800, $0x38;
	[tilespmem:$0xB800] =	vst v63  }
0x2e: {  	_ =	swait.ge [sflag:s11], $0x2800  }
0x2f: {  	[sflag:s11] =	ssyncset.done $0x0  }
0x30: {  	[sflag:s11] =	ssyncadd.s32 $0xFFFFD800  }
.LBB2_4:
0x31: {  	s18 =	sshra.s32 s17, $0x2  }
0x32: {  	v1 =	vld [tilespmem:s18+$0x0];
	_ =	sdelay $0x7  }
0x33: {  	[tilespmem:v1+s10+$0x0] =	vst.idx.add.f32.msk $0xffff, v0  }
0x34: {  	v1 =	vld [tilespmem:s18+$0x10];
	_ =	sdelay $0x7  }
0x35: {  	[tilespmem:v1+s10+$0x0] =	vst.idx.add.f32.msk $0xffff, v0  }
0x36: {  	v1 =	vld [tilespmem:s18+$0x20];
	_ =	sdelay $0x7  }
0x37: {  	[tilespmem:v1+s10+$0x0] =	vst.idx.add.f32.msk $0xffff, v0  }
0x38: {  	v1 =	vld [tilespmem:s18+$0x30];
	_ =	sdelay $0x7  }
0x39: {  	[tilespmem:v1+s10+$0x0] =	vst.idx.add.f32.msk $0xffff, v0  }
0x3a: {  	v1 =	vld [tilespmem:s18+$0x40];
	_ =	sdelay $0x7  }
0x3b: {  	[tilespmem:v1+s10+$0x0] =	vst.idx.add.f32.msk $0xffff, v0  }
0x3c: {  	v1 =	vld [tilespmem:s18+$0x50];
	_ =	sdelay $0x7  }
0x3d: {  	[tilespmem:v1+s10+$0x0] =	vst.idx.add.f32.msk $0xffff, v0  }
0x3e: {  	v1 =	vld [tilespmem:s18+$0x60];
	_ =	sdelay $0x7  }
0x3f: {  	[tilespmem:v1+s10+$0x0] =	vst.idx.add.f32.msk $0xffff, v0  }
0x40: {  	v1 =	vld [tilespmem:s18+$0x70];
	_ =	sdelay $0x2  }
0x41: {  	p0 =	sne.s32 s17, $0x9E00  }
.Ltmp1:
0x42: {  	_ = 	snop;
	(pc) =	sbr.rel @p0 .LBB2_4-.Ltmp1, $2  }
0x43: {  	_ =	sdelay $0x2  }
0x44: {  	s17 =	sadd.s32 $0x200, s17;
	[tilespmem:v1+s10+$0x0] =	vst.idx.add.f32.msk $0xffff, v0  }
0x45: {  	[spmem:s6] =	stream.linear.scatter [tilespmem:s10], [sflag:$0x1], $0x3000, $0x38;
	[tilespmem:$0xB800] =	vst v63  }
0x46: {  	_ =	swait.ge [sflag:s11], $0x3000  }
0x47: {  	[sflag:s11] =	ssyncset.done $0x0  }
0x48: {  	[sflag:s11] =	ssyncadd.s32 $0xFFFFD000  }
0x49: {  	[bflag:$0x0] =	sbarrier.arrive $0xFFFF  }
0x4a: {  	[tilespmem:s14], [sflag:$0x1] =	stream.strided.gather [spmem:s7], $0x1800, s13, s12, $0x38;
	[tilespmem:$0xB800] =	vst v63  }
0x4b: {  	_ =	swait.ge [sflag:s11], $0x1800  }
0x4c: {  	[sflag:s11] =	ssyncset.done $0x0  }
0x4d: {  	s17 =	simm.s32 $0xA80;
	[sflag:s11] =	ssyncadd.s32 $0xFFFFE800  }
0x4e: {  	v1 =	vld [tilespmem:s17+$0x7F00]  }
0x4f: {  	v2 =	vld [tilespmem:s17+$0x7D80];
	_ =	sdelay $0x1  }
0x50: {  	v3 =	vld [tilespmem:s17+$0x8080];
	_ =	sdelay $0x1  }
0x51: {  	v4 =	vld [tilespmem:s17+$0x8200]  }
0x52: {  	v1 =	vadd.f32 v1, v2  }
0x53: {  	v2 =	vld [tilespmem:s17+$0x8380]  }
0x54: {  	v1 =	vadd.f32 v3, v1  }
0x55: {  	v3 =	vld [tilespmem:s17+$0x8500]  }
0x56: {  	v1 =	vadd.f32 v4, v1  }
0x57: {  	v55 =	vld [tilespmem:s17+$0x8680]  }
0x58: {  	v1 =	vadd.f32 v2, v1  }
0x59: {  	v2 =	vld [tilespmem:s17+$0x8800]  }
0x5a: {  	v1 =	vadd.f32 v3, v1  }
0x5b: {  	v3 =	vld [tilespmem:s17+$0x8980]  }
0x5c: {  	v1 =	vadd.f32 v55, v1  }
0x5d: {  	v56 =	vld [tilespmem:s17+$0x8B00]  }
0x5e: {  	v1 =	vadd.f32 v2, v1  }
0x5f: {  	v2 =	vld [tilespmem:s17+$0x8C80]  }
0x60: {  	v1 =	vadd.f32 v3, v1  }
0x61: {  	v3 =	vld [tilespmem:s17+$0x8E00]  }
0x62: {  	v1 =	vadd.f32 v56, v1  }
0x63: {  	v57 =	vld [tilespmem:s17+$0x8F80]  }
0x64: {  	v1 =	vadd.f32 v2, v1  }
0x65: {  	v2 =	vld [tilespmem:s17+$0x9100]  }
0x66: {  	v1 =	vadd.f32 v3, v1  }
0x67: {  	v3 =	vld [tilespmem:s17+$0x9280]  }
0x68: {  	v1 =	vadd.f32 v57, v1  }
0x69: {  	v58 =	vld [tilespmem:s17+$0x9400]  }
0x6a: {  	v1 =	vadd.f32 v2, v1;
	_ =	sdelay $0x1  }
0x6b: {  	v1 =	vadd.f32 v3, v1;
	_ =	sdelay $0x1  }
0x6c: {  	v1 =	vadd.f32 v58, v1;
	_ =	sdelay $0x1  }
0x6d: {  	v1 =	vadd.f32 $1.000000000e+00, v1;
	_ =	sdelay $0x1  }
0x6e: {  	v2 =	vshrl.u32 v1, $0x1;
	v1 =	vmul.f32 $5.000000000e-01, v1  }
0x6f: {  	v2 =	vsub.s32 $0x5F3759DF, v2  }
0x70: {  	v3 =	vmul.f32 v2, v1;
	_ =	sdelay $0x1  }
0x71: {  	v3 =	vmul.f32 v2, v3;
	_ =	sdelay $0x1  }
0x72: {  	v3 =	vsub.f32 $1.500000000e+00, v3;
	_ =	sdelay $0x1  }
0x73: {  	v2 =	vmul.f32 v2, v3;
	_ =	sdelay $0x1  }
0x74: {  	v3 =	vmul.f32 v2, v1;
	_ =	sdelay $0x1  }
0x75: {  	v3 =	vmul.f32 v3, v2;
	_ =	sdelay $0x1  }
0x76: {  	v3 =	vsub.f32 $1.500000000e+00, v3;
	_ =	sdelay $0x1  }
0x77: {  	v2 =	vmul.f32 v3, v2;
	_ =	sdelay $0x1  }
0x78: {  	v1 =	vmul.f32 v2, v1;
	_ =	sdelay $0x1  }
0x79: {  	v1 =	vmul.f32 v1, v2;
	_ =	sdelay $0x1  }
0x7a: {  	v1 =	vsub.f32 $1.500000000e+00, v1;
	_ =	sdelay $0x1  }
0x7b: {  	v1 =	vmul.f32 v1, v2;
	_ =	sdelay $0x1  }
0x7c: {  	v2 =	vbroadcast v1, $0xF  }
0x7d: {  	s17 =	simm.s32 $0xA080;
	v3 =	vbroadcast v1, $0xE  }
0x7e: {  	v59 =	vbroadcast v1, $0xD;
	[tilespmem:s17+$0x70] =	vst v2  }
0x7f: {  	v60 =	vbroadcast v1, $0xA;
	[tilespmem:s17+$0x60] =	vst v3  }
0x80: {  	v61 =	vbroadcast v1, $0x7;
	[tilespmem:s17+$0x50] =	vst v59  }
0x81: {  	v62 =	vbroadcast v1, $0x4;
	[tilespmem:s17+$0x20] =	vst v60  }
0x82: {  	v63 =	vbroadcast v1, $0x1;
	[tilespmem:s17+$0xFFFFFFF0] =	vst v61  }
0x83: {  	v2 =	vbroadcast v1, $0xC;
	[tilespmem:s17+$0xFFFFFFC0] =	vst v62  }
0x84: {  	v3 =	vbroadcast v1, $0xB;
	[tilespmem:s17+$0xFFFFFF90] =	vst v63  }
0x85: {  	[tilespmem:s17+$0x40] =	vst v2;
	v2 =	vbroadcast v1, $0x9  }
0x86: {  	[tilespmem:s17+$0x30] =	vst v3;
	v3 =	vbroadcast v1, $0x8  }
0x87: {  	[tilespmem:s17+$0x10] =	vst v2;
	v2 =	vbroadcast v1, $0x6  }
0x88: {  	[tilespmem:s17+$0x0] =	vst v3;
	v3 =	vbroadcast v1, $0x5  }
0x89: {  	[tilespmem:s17+$0xFFFFFFE0] =	vst v2;
	v2 =	vbroadcast v1, $0x3  }
0x8a: {  	[tilespmem:s17+$0xFFFFFFD0] =	vst v3;
	v3 =	vbroadcast v1, $0x2  }
0x8b: {  	v1 =	vbroadcast v1, $0x0;
	[tilespmem:s17+$0xFFFFFFB0] =	vst v2  }
0x8c: {  	[tilespmem:s17+$0xFFFFFFA0] =	vst v3  }
0x8d: {  	s19 =	simm.s32 $0xA90;
	[tilespmem:s17+$0xFFFFFF80] =	vst v1  }
0x8e: {  	s18 =	simm.s32 $0x2A80;
	v1 =	vld [tilespmem:s19+$0x7F00]  }
.LBB2_6:
0x8f: {  	p0 =	sne.s32 s18, $0x2FC0;
	v2 =	vld [tilespmem:s19+$0x7D80]  }
0x90: {  	v3 =	vld [tilespmem:s19+$0x8080]  }
0x91: {  	v4 =	vld [tilespmem:s19+$0x8200]  }
0x92: {  	v5 =	vld [tilespmem:s19+$0x8380]  }
0x93: {  	v6 =	vld [tilespmem:s19+$0x8500]  }
0x94: {  	v1 =	vadd.f32 v1, v2;
	v2 =	vld [tilespmem:s19+$0x8680]  }
0x95: {  	v7 =	vld [tilespmem:s19+$0x8800]  }
0x96: {  	v1 =	vadd.f32 v3, v1;
	v3 =	vld [tilespmem:s19+$0x8980]  }
0x97: {  	v8 =	vld [tilespmem:s19+$0x8B00]  }
0x98: {  	v1 =	vadd.f32 v4, v1;
	v4 =	vld [tilespmem:s19+$0x8C80]  }
0x99: {  	v9 =	vld [tilespmem:s19+$0x8E00]  }
0x9a: {  	v1 =	vadd.f32 v5, v1;
	v5 =	vld [tilespmem:s19+$0x8F80]  }
0x9b: {  	v10 =	vld [tilespmem:s19+$0x9100]  }
0x9c: {  	v1 =	vadd.f32 v6, v1;
	v6 =	vld [tilespmem:s19+$0x9280]  }
0x9d: {  	v11 =	vld [tilespmem:s19+$0x9400]  }
0x9e: {  	v1 =	vadd.f32 v2, v1;
	_ =	sdelay $0x1  }
0x9f: {  	v1 =	vadd.f32 v7, v1;
	_ =	sdelay $0x1  }
0xa0: {  	v1 =	vadd.f32 v3, v1;
	_ =	sdelay $0x1  }
0xa1: {  	v1 =	vadd.f32 v8, v1;
	_ =	sdelay $0x1  }
0xa2: {  	v1 =	vadd.f32 v4, v1;
	_ =	sdelay $0x1  }
0xa3: {  	v1 =	vadd.f32 v9, v1;
	_ =	sdelay $0x1  }
0xa4: {  	v1 =	vadd.f32 v5, v1;
	_ =	sdelay $0x1  }
0xa5: {  	v1 =	vadd.f32 v10, v1;
	_ =	sdelay $0x1  }
0xa6: {  	v1 =	vadd.f32 v6, v1;
	_ =	sdelay $0x1  }
0xa7: {  	v1 =	vadd.f32 v11, v1;
	_ =	sdelay $0x1  }
0xa8: {  	v1 =	vadd.f32 $1.000000000e+00, v1;
	_ =	sdelay $0x1  }
0xa9: {  	v2 =	vshrl.u32 v1, $0x1;
	v1 =	vmul.f32 $5.000000000e-01, v1  }
0xaa: {  	v2 =	vsub.s32 $0x5F3759DF, v2  }
0xab: {  	v3 =	vmul.f32 v2, v1;
	_ =	sdelay $0x1  }
0xac: {  	v3 =	vmul.f32 v2, v3;
	_ =	sdelay $0x1  }
0xad: {  	v3 =	vsub.f32 $1.500000000e+00, v3;
	_ =	sdelay $0x1  }
0xae: {  	v2 =	vmul.f32 v2, v3;
	_ =	sdelay $0x1  }
0xaf: {  	v3 =	vmul.f32 v2, v1;
	_ =	sdelay $0x1  }
0xb0: {  	v3 =	vmul.f32 v3, v2;
	_ =	sdelay $0x1  }
0xb1: {  	v3 =	vsub.f32 $1.500000000e+00, v3;
	_ =	sdelay $0x1  }
0xb2: {  	v2 =	vmul.f32 v3, v2;
	_ =	sdelay $0x1  }
0xb3: {  	v1 =	vmul.f32 v2, v1;
	_ =	sdelay $0x1  }
0xb4: {  	v1 =	vmul.f32 v1, v2;
	_ =	sdelay $0x1  }
0xb5: {  	v1 =	vsub.f32 $1.500000000e+00, v1;
	_ =	sdelay $0x1  }
0xb6: {  	v1 =	vmul.f32 v1, v2;
	_ =	sdelay $0x1  }
0xb7: {  	v2 =	vbroadcast v1, $0xE;
	v3 =	vbroadcast v1, $0xF  }
0xb8: {  	s17 =	sadd.s32 $0x100, s17;
	v4 =	vbroadcast v1, $0xC;
	v5 =	vbroadcast v1, $0xD  }
0xb9: {  	v6 =	vbroadcast v1, $0xA;
	v7 =	vbroadcast v1, $0xB;
	[tilespmem:s17+$0x70] =	vst v3  }
0xba: {  	v8 =	vbroadcast v1, $0x9;
	v3 =	vbroadcast v1, $0x8;
	[tilespmem:s17+$0x60] =	vst v2  }
0xbb: {  	v9 =	vbroadcast v1, $0x7;
	v2 =	vbroadcast v1, $0x6;
	[tilespmem:s17+$0x50] =	vst v5  }
0xbc: {  	v10 =	vbroadcast v1, $0x5;
	v5 =	vbroadcast v1, $0x4;
	[tilespmem:s17+$0x40] =	vst v4  }
0xbd: {  	v11 =	vbroadcast v1, $0x3;
	v4 =	vbroadcast v1, $0x2;
	[tilespmem:s17+$0x30] =	vst v7  }
0xbe: {  	v7 =	vbroadcast v1, $0x0;
	v1 =	vbroadcast v1, $0x1;
	[tilespmem:s17+$0x20] =	vst v6  }
0xbf: {  	[tilespmem:s17+$0x10] =	vst v8  }
0xc0: {  	[tilespmem:s17+$0x0] =	vst v3  }
0xc1: {  	[tilespmem:s17+$0xFFFFFFF0] =	vst v9  }
0xc2: {  	[tilespmem:s17+$0xFFFFFFE0] =	vst v2  }
0xc3: {  	[tilespmem:s17+$0xFFFFFFD0] =	vst v10  }
0xc4: {  	[tilespmem:s17+$0xFFFFFFC0] =	vst v5  }
.Ltmp2:
0xc5: {  	[tilespmem:s17+$0xFFFFFFB0] =	vst v11;
	(pc) =	sbr.rel @p0 .LBB2_6-.Ltmp2, $4  }
0xc6: {  	[tilespmem:s17+$0xFFFFFFA0] =	vst v4  }
0xc7: {  	[tilespmem:s17+$0xFFFFFF90] =	vst v1  }
0xc8: {  	s19 =	sshra.s32 s18, $0x2;
	[tilespmem:s17+$0xFFFFFF80] =	vst v7  }
0xc9: {  	s18 =	sadd.s32 $0x40, s18;
	v1 =	vld [tilespmem:s19+$0x7F00]  }
0xca: {  	v2 =	vld [tilespmem:s19+$0x7D80];
	_ =	sdelay $0x1  }
0xcb: {  	v3 =	vld [tilespmem:s19+$0x8080];
	_ =	sdelay $0x1  }
0xcc: {  	v4 =	vld [tilespmem:s19+$0x8200]  }
0xcd: {  	v1 =	vadd.f32 v1, v2  }
0xce: {  	v2 =	vld [tilespmem:s19+$0x8380]  }
0xcf: {  	v1 =	vadd.f32 v3, v1  }
0xd0: {  	v3 =	vld [tilespmem:s19+$0x8500]  }
0xd1: {  	v1 =	vadd.f32 v4, v1  }
0xd2: {  	v55 =	vld [tilespmem:s19+$0x8680]  }
0xd3: {  	v1 =	vadd.f32 v2, v1  }
0xd4: {  	v2 =	vld [tilespmem:s19+$0x8800]  }
0xd5: {  	v1 =	vadd.f32 v3, v1  }
0xd6: {  	v3 =	vld [tilespmem:s19+$0x8980]  }
0xd7: {  	v1 =	vadd.f32 v55, v1  }
0xd8: {  	v56 =	vld [tilespmem:s19+$0x8B00]  }
0xd9: {  	v1 =	vadd.f32 v2, v1  }
0xda: {  	v2 =	vld [tilespmem:s19+$0x8C80]  }
0xdb: {  	v1 =	vadd.f32 v3, v1  }
0xdc: {  	v3 =	vld [tilespmem:s19+$0x8E00]  }
0xdd: {  	v1 =	vadd.f32 v56, v1  }
0xde: {  	v57 =	vld [tilespmem:s19+$0x8F80]  }
0xdf: {  	v1 =	vadd.f32 v2, v1  }
0xe0: {  	v2 =	vld [tilespmem:s19+$0x9100]  }
0xe1: {  	v1 =	vadd.f32 v3, v1  }
0xe2: {  	v3 =	vld [tilespmem:s19+$0x9280]  }
0xe3: {  	v1 =	vadd.f32 v57, v1  }
0xe4: {  	v58 =	vld [tilespmem:s19+$0x9400]  }
0xe5: {  	v1 =	vadd.f32 v2, v1;
	_ =	sdelay $0x1  }
0xe6: {  	v1 =	vadd.f32 v3, v1;
	_ =	sdelay $0x1  }
0xe7: {  	v1 =	vadd.f32 v58, v1;
	_ =	sdelay $0x1  }
0xe8: {  	v1 =	vadd.f32 $1.000000000e+00, v1;
	_ =	sdelay $0x1  }
0xe9: {  	v2 =	vshrl.u32 v1, $0x1;
	v1 =	vmul.f32 $5.000000000e-01, v1  }
0xea: {  	v2 =	vsub.s32 $0x5F3759DF, v2  }
0xeb: {  	v3 =	vmul.f32 v2, v1;
	_ =	sdelay $0x1  }
0xec: {  	v3 =	vmul.f32 v2, v3;
	_ =	sdelay $0x1  }
0xed: {  	v3 =	vsub.f32 $1.500000000e+00, v3;
	_ =	sdelay $0x1  }
0xee: {  	v2 =	vmul.f32 v2, v3;
	_ =	sdelay $0x1  }
0xef: {  	v3 =	vmul.f32 v2, v1;
	_ =	sdelay $0x1  }
0xf0: {  	v3 =	vmul.f32 v3, v2;
	_ =	sdelay $0x1  }
0xf1: {  	v3 =	vsub.f32 $1.500000000e+00, v3;
	_ =	sdelay $0x1  }
0xf2: {  	v2 =	vmul.f32 v3, v2;
	_ =	sdelay $0x1  }
0xf3: {  	v1 =	vmul.f32 v2, v1;
	_ =	sdelay $0x1  }
0xf4: {  	v1 =	vmul.f32 v1, v2;
	_ =	sdelay $0x1  }
0xf5: {  	v1 =	vsub.f32 $1.500000000e+00, v1;
	_ =	sdelay $0x1  }
0xf6: {  	v1 =	vmul.f32 v1, v2;
	_ =	sdelay $0x1  }
0xf7: {  	v2 =	vbroadcast v1, $0xF  }
0xf8: {  	s17 =	sadd.s32 $0x100, s17;
	v3 =	vbroadcast v1, $0xE  }
0xf9: {  	v59 =	vbroadcast v1, $0xD;
	[tilespmem:s17+$0x70] =	vst v2  }
0xfa: {  	v60 =	vbroadcast v1, $0xA;
	[tilespmem:s17+$0x60] =	vst v3  }
0xfb: {  	v61 =	vbroadcast v1, $0x7;
	[tilespmem:s17+$0x50] =	vst v59  }
0xfc: {  	v62 =	vbroadcast v1, $0x4;
	[tilespmem:s17+$0x20] =	vst v60  }
0xfd: {  	v63 =	vbroadcast v1, $0x1;
	[tilespmem:s17+$0xFFFFFFF0] =	vst v61  }
0xfe: {  	v2 =	vbroadcast v1, $0xC;
	[tilespmem:s17+$0xFFFFFFC0] =	vst v62  }
0xff: {  	v3 =	vbroadcast v1, $0xB;
	[tilespmem:s17+$0xFFFFFF90] =	vst v63  }
0x100: {  	[tilespmem:s17+$0x40] =	vst v2;
	v2 =	vbroadcast v1, $0x9  }
0x101: {  	[tilespmem:s17+$0x30] =	vst v3;
	v3 =	vbroadcast v1, $0x8  }
0x102: {  	[tilespmem:s17+$0x10] =	vst v2;
	v2 =	vbroadcast v1, $0x6  }
0x103: {  	[tilespmem:s17+$0x0] =	vst v3;
	v3 =	vbroadcast v1, $0x5  }
0x104: {  	[tilespmem:s17+$0xFFFFFFE0] =	vst v2;
	v2 =	vbroadcast v1, $0x3  }
0x105: {  	[tilespmem:s17+$0xFFFFFFD0] =	vst v3;
	v3 =	vbroadcast v1, $0x2  }
0x106: {  	s16 =	sadd.s32 $0x1, s16;
	v1 =	vbroadcast v1, $0x0;
	[tilespmem:s17+$0xFFFFFFB0] =	vst v2  }
0x107: {  	p0 =	sne.s32 s16, s9;
	[tilespmem:s17+$0xFFFFFFA0] =	vst v3  }
.Ltmp3:
0x108: {  	[tilespmem:s17+$0xFFFFFF80] =	vst v1;
	(pc) =	sbr.rel @p0 .LBB2_1-.Ltmp3, $4  }
0x109: {  	[hbm4b:s8+s2] =	stream.linear.scatter [tilespmem:s15], [sflag:$0x1], $0x1800, $0x38;
	[tilespmem:$0xB800] =	vst v63  }
0x10a: {  	_ =	swait.ge [sflag:s11], $0x1800  }
0x10b: {  	[sflag:s11] =	ssyncset.done $0x0  }
0x10c: {  	[sflag:s11] =	ssyncadd.s32 $0xFFFFE800  }
0x10d: {  	_ =	sfence.sel $0x180000  }
0x10e: {  	[bflag:$0x0] =	sbarrier.arrive $0xFFFF  }
0x10f: {  	p0 =	sne.s32 s1, $0x0;
	_ =	strace $0x90000047  }
0x110: {  	s0 =	sadd.s32 @!p0 $0x100000, s0;
	[bflag:$0x2] =	sbarrier.arrive $0xFFFF  }
0x111: {  	[sflag:s0] =	ssyncadd.tile.s32 @!p0 $0x1;
	_ =	shalt  }
.Lfunc_end2:
_tile_overlayer_lowered:
.L_overlay_start_2:
0x112: {  	(tag) =	ssettag $0x2  }
0x113: {  	s0 =	rddreg [dreg:$0x0];
	s2 =	stileid.u32  }
0x114: {  	s1 =	rddreg [dreg:$0x1];
	p0 =	sne.s32 s2, $0x0  }
0x115: {  	s3 =	rddreg [dreg:$0x2];
	[bflag:$0x3] =	sbarrier.arrive $0xFFFF;
	s2 =	simm.s32 @!p0 $0x1C01  }
0x116: {  	[timem:s3], [sflag:s2] =	dma.local @!p0 [hbm:s0], s1  }
0x117: {  	s0 =	simm.s32 @!p0 $0x1  }
0x118: {  	_ =	swait.ge @!p0 [sflag:s0], s1  }
0x119: {  	s1 =	ssub.s32 @!p0 $0x0, s1;
	[sflag:s0] =	ssyncset.done @!p0 $0x0  }
0x11a: {  	[sflag:s0] =	ssyncadd.s32 @!p0 s1  }
0x11b: {  	[bflag:$0x3] =	sbarrier.arrive $0xFFFF  }
0x11c: {  	_ =	shalt  }

</sc_bundles>
